<compile_context>
chip_gen: v7x
topology: tpu7x:2x2x1
jax: 0.10.2.dev20260603
libtpu: 0.0.44.dev20260713+nightly
codegen_flags: <defaults>
</compile_context>

<pallas_src>
import functools

import jax
import jax.numpy as jnp
from jax import lax
from jax.experimental import pallas as pl
from jax.experimental.pallas import tpu as pltpu, tpu_sc as plsc

N = 10000
E = 160000
D = 256
NE = 8
VOCAB = 129
NLAYER = 4
EPS = 1e-5

NC, NS = 2, 16
ET = E // NS
KC = 80
NCHUNK = ET // KC
RT = N // NS
NPAD = 10240

_f32 = jnp.float32


@functools.cache
def _sc_mesh():
    return plsc.VectorSubcoreMesh(core_axis_name="c", subcore_axis_name="s",
                                  num_cores=NC, num_subcores=NS)


_NSEM = 6


def _deg_body(src2_hbm, dst2_hbm, outs_hbm, outd_hbm, ones_rows, iall, zrow, acc, ssem):
    c = lax.axis_index("c")
    s = lax.axis_index("s")
    zeros16 = jnp.zeros((16,), _f32)
    e0 = jnp.where(lax.iota(jnp.int32, 16) == 0, 1.0, 0.0).astype(_f32)

    def fill(i, _):
        ones_rows[i] = e0
        return _
    lax.fori_loop(0, KC, fill, 0)

    def zfill(i, _):
        zrow[i] = zeros16
        return _
    lax.fori_loop(0, 40, zfill, 0)

    def zacc(i, _):
        pltpu.sync_copy(zrow, acc.at[pl.ds(s * 640 + i * 40, 40)])
        return _
    lax.fori_loop(0, 16, zacc, 0)

    @pl.when(c == 0)
    def _():
        pltpu.sync_copy(src2_hbm.at[s], iall)

    @pl.when(c == 1)
    def _():
        pltpu.sync_copy(dst2_hbm.at[s], iall)

    plsc.subcore_barrier()

    def step(j, _):
        pltpu.sync_copy(ones_rows, acc.at[iall.at[j]], add=True)
        return _
    lax.fori_loop(0, NCHUNK, step, 0)

    plsc.subcore_barrier()

    @pl.when(c == 0)
    def _():
        pltpu.sync_copy(acc.at[pl.ds(s * 640, 640)],
                        outs_hbm.at[pl.ds(s * 640, 640)])

    @pl.when(c == 1)
    def _():
        pltpu.sync_copy(acc.at[pl.ds(s * 640, 640)],
                        outd_hbm.at[pl.ds(s * 640, 640)])


@functools.cache
def _deg_call():
    return pl.kernel(
        _deg_body,
        out_type=[jax.ShapeDtypeStruct((NPAD, 16), _f32),
                  jax.ShapeDtypeStruct((NPAD, 16), _f32)],
        mesh=_sc_mesh(),
        scratch_types=[
            pltpu.VMEM((KC, 16), _f32),
            pltpu.VMEM((NCHUNK, KC), jnp.int32),
            pltpu.VMEM((40, 16), _f32),
            pltpu.VMEM_SHARED((NPAD, 16), _f32),
            pltpu.SemaphoreType.DMA,
        ],
    )


_DELTA = 1
_NRING = 2


def _seg_body(hn0_hbm, hn1_hbm, pidx_hbm, out0_hbm, out1_hbm,
              pall, ibufA, dbufA, ibufB, dbufB, rows, acc, gsem, gsem2, ssem):
    c = lax.axis_index("c")
    s = lax.axis_index("s")
    zeros16 = jnp.zeros((16,), _f32)

    def zfill(i, _):
        rows[0, i // 8, pl.ds((i % 8) * 16, 16)] = zeros16
        return _
    lax.fori_loop(0, KC * 8, zfill, 0)

    def zacc(i, _):
        pltpu.sync_copy(rows.at[0], acc.at[pl.ds(s * RT + i * KC, KC)])
        return _
    lax.fori_loop(0, RT // KC, zacc, 0)
    pltpu.sync_copy(rows.at[0, pl.ds(0, RT % KC)],
                    acc.at[pl.ds(s * RT + (RT // KC) * KC, RT % KC)])

    pltpu.sync_copy(pidx_hbm.at[s], pall)
    plsc.subcore_barrier()

    def unpack(j, ibuf, dbuf):
        def u(t, _):
            v = pall[j, pl.ds(t * 16, 16)]
            ibuf[pl.ds(t * 16, 16)] = lax.shift_right_logical(v, 14)
            dbuf[pl.ds(t * 16, 16)] = jnp.bitwise_and(v, 16383)
            return _
        lax.fori_loop(0, KC // 16, u, 0)

    def pipeline(hn_hbm):
        def chunk(j, _):
            unpack(j, ibufA, dbufA)
            pltpu.async_copy(hn_hbm.at[ibufA], rows.at[0], gsem).wait()
            pltpu.sync_copy(rows.at[0], acc.at[dbufA], add=True)
            return _
        lax.fori_loop(0, NCHUNK, chunk, 0)

    @pl.when(c == 0)
    def _p0():
        pipeline(hn0_hbm)

    @pl.when(c == 1)
    def _p1():
        pipeline(hn1_hbm)

    plsc.subcore_barrier()
    nlast = N - (NS - 1) * 624

    @pl.when(jnp.logical_and(c == 0, s < NS - 1))
    def _():
        pltpu.sync_copy(acc.at[pl.ds(s * 624, 624)],
                        out0_hbm.at[pl.ds(s * 624, 624)])

    @pl.when(jnp.logical_and(c == 0, s == NS - 1))
    def _():
        pltpu.sync_copy(acc.at[pl.ds((NS - 1) * 624, nlast)],
                        out0_hbm.at[pl.ds((NS - 1) * 624, nlast)])

    @pl.when(jnp.logical_and(c == 1, s < NS - 1))
    def _():
        pltpu.sync_copy(acc.at[pl.ds(s * 624, 624)],
                        out1_hbm.at[pl.ds(s * 624, 624)])

    @pl.when(jnp.logical_and(c == 1, s == NS - 1))
    def _():
        pltpu.sync_copy(acc.at[pl.ds((NS - 1) * 624, nlast)],
                        out1_hbm.at[pl.ds((NS - 1) * 624, nlast)])


@functools.cache
def _seg_call():
    return pl.kernel(
        _seg_body,
        out_type=[jax.ShapeDtypeStruct((N, 128), _f32),
                  jax.ShapeDtypeStruct((N, 128), _f32)],
        mesh=_sc_mesh(),
        scratch_types=[
            pltpu.VMEM((NCHUNK, KC), jnp.int32),
            pltpu.VMEM((KC,), jnp.int32),
            pltpu.VMEM((KC,), jnp.int32),
            pltpu.VMEM((KC,), jnp.int32),
            pltpu.VMEM((KC,), jnp.int32),
            pltpu.VMEM((2, KC, 128), _f32),
            pltpu.VMEM_SHARED((N, 128), _f32),
            pltpu.SemaphoreType.DMA,
            pltpu.SemaphoreType.DMA,
            pltpu.SemaphoreType.DMA,
        ],
    )


BR = 1000
GRID = N // BR


def _gates_from(h, wg):
    logits = jnp.dot(h, wg, preferred_element_type=_f32)
    m1 = jnp.max(logits, axis=-1, keepdims=True)
    idx = lax.broadcasted_iota(jnp.int32, logits.shape, 1)
    ismax = logits >= m1
    first = jnp.min(jnp.where(ismax, idx, NE), axis=-1, keepdims=True)
    masked = jnp.where(idx == first, jnp.float32(-3e38), logits)
    m2 = jnp.max(masked, axis=-1, keepdims=True)
    top = logits >= m2
    eg = jnp.exp(logits - m1)
    denom = 1.0 + jnp.exp(m2 - m1)
    return jnp.where(top, eg / denom, jnp.float32(0.0))


def _pre0_body(x_ref, od_ref, id_ref, emb_ref, wg_ref,
               h_ref, g_ref, hn_ref, sn_ref, dn_ref):
    xb = x_ref[...]
    oh = (xb == lax.broadcasted_iota(jnp.int32, (BR, VOCAB), 1)).astype(_f32)
    h = jnp.dot(oh, emb_ref[...], preferred_element_type=_f32)
    sn = lax.rsqrt(jnp.maximum(od_ref[...], 1.0))
    dn = lax.rsqrt(jnp.maximum(id_ref[...], 1.0))
    h_ref[...] = h
    sn_ref[...] = sn
    dn_ref[...] = dn
    hn_ref[...] = h * sn
    g_ref[...] = _gates_from(h, wg_ref[...])


_pre0_call = pl.pallas_call(
    _pre0_body,
    grid=(GRID,),
    in_specs=[
        pl.BlockSpec((BR, 1), lambda i: (i, 0)),
        pl.BlockSpec((BR, 1), lambda i: (i, 0)),
        pl.BlockSpec((BR, 1), lambda i: (i, 0)),
        pl.BlockSpec((VOCAB, D), lambda i: (0, 0)),
        pl.BlockSpec((D, NE), lambda i: (0, 0)),
    ],
    out_specs=[
        pl.BlockSpec((BR, D), lambda i: (i, 0)),
        pl.BlockSpec((BR, NE), lambda i: (i, 0)),
        pl.BlockSpec((BR, D), lambda i: (i, 0)),
        pl.BlockSpec((BR, 1), lambda i: (i, 0)),
        pl.BlockSpec((BR, 1), lambda i: (i, 0)),
    ],
    out_shape=[
        jax.ShapeDtypeStruct((N, D), _f32),
        jax.ShapeDtypeStruct((N, NE), _f32),
        jax.ShapeDtypeStruct((N, D), _f32),
        jax.ShapeDtypeStruct((N, 1), _f32),
        jax.ShapeDtypeStruct((N, 1), _f32),
    ],
)


GRG = 2
BRG = N // GRG


def _gram_prep_body(a0_ref, a1_ref, dn_ref, w_ref, ga_ref,
                    s_ref, wp_ref, c_ref):
    i = pl.program_id(0)
    dn = dn_ref[...]
    ad0 = a0_ref[...] * dn
    ad1 = a1_ref[...] * dn

    @pl.when(i == 0)
    def _():
        c_ref[...] = jnp.zeros_like(c_ref)
        s_ref[...] = jnp.zeros_like(s_ref)

    dim = (((0,), (0,)), ((), ()))
    c_ref[0:128, 0:128] += lax.dot_general(ad0, ad0, dim,
                                           preferred_element_type=_f32)
    c_ref[0:128, 128:256] += lax.dot_general(ad0, ad1, dim,
                                             preferred_element_type=_f32)
    c_ref[128:256, 0:128] += lax.dot_general(ad1, ad0, dim,
                                             preferred_element_type=_f32)
    c_ref[128:256, 128:256] += lax.dot_general(ad1, ad1, dim,
                                               preferred_element_type=_f32)
    s_ref[:, 0:128] += jnp.sum(ad0, axis=0, keepdims=True)
    s_ref[:, 128:256] += jnp.sum(ad1, axis=0, keepdims=True)

    @pl.when(i == GRG - 1)
    def _():
        sbar = s_ref[...] * (1.0 / N)
        outer = lax.dot_general(sbar, sbar, dim, preferred_element_type=_f32)
        cc = c_ref[...] * (1.0 / N) - outer
        for e in range(NE):
            w = w_ref[e]
            cw = jnp.dot(cc, w, preferred_element_type=_f32)
            var = jnp.sum(cw * w, axis=0, keepdims=True)
            a = ga_ref[e] * lax.rsqrt(var + EPS)
            wp_ref[:, e * D:(e + 1) * D] = w * a


_gram_prep_call = pl.pallas_call(
    _gram_prep_body,
    grid=(GRG,),
    in_specs=[
        pl.BlockSpec((BRG, 128), lambda i: (i, 0)),
        pl.BlockSpec((BRG, 128), lambda i: (i, 0)),
        pl.BlockSpec((BRG, 1), lambda i: (i, 0)),
        pl.BlockSpec((NE, D, D), lambda i: (0, 0, 0)),
        pl.BlockSpec((NE, 1, D), lambda i: (0, 0, 0)),
    ],
    out_specs=[
        pl.BlockSpec((1, D), lambda i: (0, 0)),
        pl.BlockSpec((D, NE * D), lambda i: (0, 0)),
    ],
    out_shape=[
        jax.ShapeDtypeStruct((1, D), _f32),
        jax.ShapeDtypeStruct((D, NE * D), _f32),
    ],
    scratch_shapes=[pltpu.VMEM((D, D), _f32)],
)


def _combine_body(with_next, a0_ref, a1_ref, dn_ref, s_ref, wp_ref, g_ref,
                  beta_ref, wgn_ref, sn_ref, h_ref, gn_ref, hn_ref):
    sbar = s_ref[...] * (1.0 / N)
    dn = dn_ref[...]
    adc0 = a0_ref[...] * dn - sbar[:, 0:128]
    adc1 = a1_ref[...] * dn - sbar[:, 128:256]
    y_all = (jnp.dot(adc0, wp_ref[0:128, :], preferred_element_type=_f32)
             + jnp.dot(adc1, wp_ref[128:256, :], preferred_element_type=_f32))
    g = g_ref[...]
    y = jnp.dot(g, beta_ref[...], preferred_element_type=_f32)
    for e in range(NE):
        y = y + g[:, e:e + 1] * y_all[:, e * D:(e + 1) * D]
    h = y + jnp.maximum(y, 0.0)
    h_ref[...] = h
    if with_next:
        gn_ref[...] = _gates_from(h, wgn_ref[...])
        hn_ref[...] = h * sn_ref[...]


_combine_next_call = pl.pallas_call(
    functools.partial(_combine_body, True),
    grid=(GRID,),
    in_specs=[
        pl.BlockSpec((BR, 128), lambda i: (i, 0)),
        pl.BlockSpec((BR, 128), lambda i: (i, 0)),
        pl.BlockSpec((BR, 1), lambda i: (i, 0)),
        pl.BlockSpec((1, D), lambda i: (0, 0)),
        pl.BlockSpec((D, NE * D), lambda i: (0, 0)),
        pl.BlockSpec((BR, NE), lambda i: (i, 0)),
        pl.BlockSpec((NE, D), lambda i: (0, 0)),
        pl.BlockSpec((D, NE), lambda i: (0, 0)),
        pl.BlockSpec((BR, 1), lambda i: (i, 0)),
    ],
    out_specs=[
        pl.BlockSpec((BR, D), lambda i: (i, 0)),
        pl.BlockSpec((BR, NE), lambda i: (i, 0)),
        pl.BlockSpec((BR, D), lambda i: (i, 0)),
    ],
    out_shape=[
        jax.ShapeDtypeStruct((N, D), _f32),
        jax.ShapeDtypeStruct((N, NE), _f32),
        jax.ShapeDtypeStruct((N, D), _f32),
    ],
)


def _combine_last_body(a0_ref, a1_ref, dn_ref, s_ref, wp_ref, g_ref,
                       beta_ref, h_ref):
    _combine_body(False, a0_ref, a1_ref, dn_ref, s_ref, wp_ref, g_ref,
                  beta_ref, None, None, h_ref, None, None)


_combine_last_call = pl.pallas_call(
    _combine_last_body,
    grid=(GRID,),
    in_specs=[
        pl.BlockSpec((BR, 128), lambda i: (i, 0)),
        pl.BlockSpec((BR, 128), lambda i: (i, 0)),
        pl.BlockSpec((BR, 1), lambda i: (i, 0)),
        pl.BlockSpec((1, D), lambda i: (0, 0)),
        pl.BlockSpec((D, NE * D), lambda i: (0, 0)),
        pl.BlockSpec((BR, NE), lambda i: (i, 0)),
        pl.BlockSpec((NE, D), lambda i: (0, 0)),
    ],
    out_specs=pl.BlockSpec((BR, D), lambda i: (i, 0)),
    out_shape=jax.ShapeDtypeStruct((N, D), _f32),
)


def kernel(x, edge_index, emb, w_gate, W, b, gamma, beta):
    del b
    src2 = edge_index[0].astype(jnp.int32).reshape(NS, NCHUNK, KC)
    dst2 = edge_index[1].astype(jnp.int32).reshape(NS, NCHUNK, KC)
    pidx = src2 * 16384 + dst2

    degs, degd = _deg_call()(src2, dst2)
    out_deg = degs[:N, 0].reshape(N, 1)
    in_deg = degd[:N, 0].reshape(N, 1)

    x2 = x.astype(jnp.int32).reshape(N, 1)
    h, gates, hn, sn, dn = _pre0_call(x2, out_deg, in_deg, emb, w_gate[0])

    for l in range(NLAYER):
        a0, a1 = _seg_call()(hn[:, :128], hn[:, 128:], pidx)
        ssum, wp = _gram_prep_call(a0, a1, dn, W[l], gamma[l].reshape(NE, 1, D))
        if l < NLAYER - 1:
            h, gates, hn = _combine_next_call(a0, a1, dn, ssum, wp, gates,
                                              beta[l], w_gate[l + 1], sn)
        else:
            h = _combine_last_call(a0, a1, dn, ssum, wp, gates, beta[l])
    return h

# --- scband reference (transcript-rebuilt; emitter-appended) ---
"""Pipeline reference for scband-gnn-sp-mo-e-node-47751446397458 (READ-ONLY COPY).

The authoritative reference and input builder live on the scoring server;
editing this copy changes nothing except your own understanding.
"""

import jax, jax.numpy as jnp
import numpy as np

N_NODES = 10000
N_EDGES = 160000
EMB_DIM = 256
VOCAB = 129
NUM_LAYER = 4
NUM_EXPERTS = 8
TOP_K = 2
COEF = 0.01


def setup_inputs(seed: int = 0):
    key = jax.random.key(seed)
    ks = jax.random.split(key, 8)
    x = jax.random.randint(ks[0], (N_NODES,), 0, 128)
    edge_index = jax.random.randint(ks[1], (2, N_EDGES), 0, N_NODES)
    emb = jax.random.normal(ks[2], (VOCAB, EMB_DIM), dtype=jnp.float32) * 0.05
    w_gate = jax.random.normal(ks[3], (NUM_LAYER, EMB_DIM, NUM_EXPERTS), dtype=jnp.float32) * 0.05
    W = jax.random.normal(ks[4], (NUM_LAYER, NUM_EXPERTS, EMB_DIM, EMB_DIM), dtype=jnp.float32) * (1.0 / np.sqrt(EMB_DIM))
    b = jnp.zeros((NUM_LAYER, NUM_EXPERTS, EMB_DIM), dtype=jnp.float32)
    gamma = jnp.ones((NUM_LAYER, NUM_EXPERTS, EMB_DIM), dtype=jnp.float32)
    beta = jnp.zeros((NUM_LAYER, NUM_EXPERTS, EMB_DIM), dtype=jnp.float32)
    return {"x": x, "edge_index": edge_index, "emb": emb, "w_gate": w_gate, "W": W, "b": b, "gamma": gamma, "beta": beta}


def _gcn_conv(h, src, dst, src_norm, dst_norm, W_e, b_e):
    h = h @ W_e
    msg = h[src] * src_norm[src][:, None]
    agg = jax.ops.segment_sum(msg, dst, num_segments=N_NODES)
    return agg * dst_norm[:, None] + b_e


def _batch_norm(x, gamma_e, beta_e, eps=1e-5):
    mu = jnp.mean(x, axis=0)
    var = jnp.var(x, axis=0)
    return (x - mu) / jnp.sqrt(var + eps) * gamma_e + beta_e


def _cv_squared(v):
    eps = 1e-10
    return jnp.var(v) / (jnp.mean(v) ** 2 + eps)


def _moe_layer(h, src, dst, src_norm, dst_norm, w_gate_l, W_l, b_l, gamma_l, beta_l):
    logits = h @ w_gate_l
    top_vals, top_idx = jax.lax.top_k(logits, TOP_K)
    top_gates = jax.nn.softmax(top_vals, axis=-1)
    gates = jnp.sum(jax.nn.one_hot(top_idx, NUM_EXPERTS, dtype=h.dtype) * top_gates[..., None], axis=1)
    importance = jnp.sum(gates, axis=0)
    load = jnp.sum((gates > 0).astype(h.dtype), axis=0)
    lb_loss = COEF * (_cv_squared(importance) + _cv_squared(load))
    y = jnp.zeros_like(h)
    for e in range(NUM_EXPERTS):
        out_e = _gcn_conv(h, src, dst, src_norm, dst_norm, W_l[e], b_l[e])
        out_e = _batch_norm(out_e, gamma_l[e], beta_l[e])
        y = y + gates[:, e:e + 1] * out_e
    return y, lb_loss


def reference(x, edge_index, emb, w_gate, W, b, gamma, beta):
    src = edge_index[0]
    dst = edge_index[1]
    ones = jnp.ones((N_EDGES,), dtype=jnp.float32)
    out_deg = jax.ops.segment_sum(ones, src, num_segments=N_NODES)
    in_deg = jax.ops.segment_sum(ones, dst, num_segments=N_NODES)
    src_norm = 1.0 / jnp.sqrt(jnp.maximum(out_deg, 1.0))
    dst_norm = 1.0 / jnp.sqrt(jnp.maximum(in_deg, 1.0))
    h = emb[x]
    total_lb = 0.0
    for layer in range(NUM_LAYER):
        y, lb = _moe_layer(h, src, dst, src_norm, dst_norm, w_gate[layer], W[layer], b[layer], gamma[layer], beta[layer])
        total_lb = total_lb + lb
        h = y + jax.nn.relu(y)
    total_lb = total_lb / NUM_LAYER
    return h

if __name__ == "__main__":
    import jax
    _d = setup_inputs()
    print(jax.jit(kernel)(*tuple(_d.values())))

</pallas_src>

<mosaic_0001>
#map = affine_map<(d0, d1) -> (0, 0, 0)>
#map1 = affine_map<(d0, d1) -> (0, 0)>
module attributes {stable_mosaic.version = 14 : i64} {
  func.func @_deg_body(%arg0: i32, %arg1: i32, %arg2: memref<16x125x80xi32, #tpu.memory_space<hbm>>, %arg3: memref<16x125x80xi32, #tpu.memory_space<hbm>>, %arg4: memref<10240x16xf32, #tpu.memory_space<hbm>>, %arg5: memref<10240x16xf32, #tpu.memory_space<hbm>>, %arg6: memref<80x16xf32, #tpu.memory_space<vmem>>, %arg7: memref<125x80xi32, #tpu.memory_space<vmem>>, %arg8: memref<40x16xf32, #tpu.memory_space<vmem>>, %arg9: memref<10240x16xf32, #tpu.memory_space<vmem_shared>>, %arg10: memref<!tpu.dma_semaphore, #tpu.memory_space<semaphore_mem>>) attributes {dimension_semantics = [#tpu.dimension_semantics<core_parallel>, #tpu.dimension_semantics<subcore_parallel>], iteration_bounds = array<i64: 2, 16>, scalar_prefetch = 0 : i64, scratch_operands = 5 : i64, tpu.core_type = #tpu.core_type<sc_vector_subcore>, window_params = [{transform_indices = #map}, {transform_indices = #map}, {transform_indices = #map1}, {transform_indices = #map1}]} {
    %broadcast_in_dim3A = arith.constant 0.000000e+00 : f32
    %broadcast_in_dim3A_0 = vector.broadcast %broadcast_in_dim3A : f32 to vector<16xf32>
    %iota3A = tpu.iota {dimensions = array<i32: 0>} : vector<16xi32>
    %eq3A = arith.constant 0 : i32
    %eq3A_1 = vector.broadcast %eq3A : i32 to vector<16xi32>
    %eq3A_2 = arith.cmpi eq, %iota3A, %eq3A_1 : vector<16xi32>
    %jit3A = arith.constant 1.000000e+00 : f32
    %jit3A_3 = arith.constant 0.000000e+00 : f32
    %broadcast_in_dim3A_4 = vector.broadcast %jit3A : f32 to vector<16xf32>
    %broadcast_in_dim3A_5 = vector.broadcast %jit3A_3 : f32 to vector<16xf32>
    %select_n3A = arith.select %eq3A_2, %broadcast_in_dim3A_4, %broadcast_in_dim3A_5 : vector<16xi1>, vector<16xf32>
    %scan3A = arith.constant 0 : i32
    %scan3A_6 = arith.constant 0 : i32
    %scan3A_7 = arith.constant 80 : i32
    %scan3A_8 = arith.addi %scan3A_6, %scan3A_7 : i32
    %scan3A_9 = arith.constant 1 : i32
    scf.for %scan3A_48 = %scan3A_6 to %scan3A_8 step %scan3A_9  : i32 {
      %swap3A = arith.index_cast %scan3A_48 : i32 to index
      %swap3A_49 = arith.constant 0 : index
      %swap3A_50 = tpu.vector_load %arg6[%swap3A, %swap3A_49] {strides = array<i32>} : memref<80x16xf32, #tpu.memory_space<vmem>>, vector<1x16xf32>,
      %swap3A_51 = vector.shape_cast %swap3A_50 : vector<1x16xf32> to vector<16xf32>
      %swap3A_52 = vector.shape_cast %select_n3A : vector<16xf32> to vector<1x16xf32>
      tpu.vector_store %arg6[%swap3A, %swap3A_49], %swap3A_52 {strides = array<i32>} : memref<80x16xf32, #tpu.memory_space<vmem>>, vector<1x16xf32>,
    }
    %scan3A_10 = arith.constant 80 : i32
    %scan3A_11 = arith.constant 0 : i32
    %scan3A_12 = arith.constant 0 : i32
    %scan3A_13 = arith.constant 40 : i32
    %scan3A_14 = arith.addi %scan3A_12, %scan3A_13 : i32
    %scan3A_15 = arith.constant 1 : i32
    scf.for %scan3A_48 = %scan3A_12 to %scan3A_14 step %scan3A_15  : i32 {
      %swap3A = arith.index_cast %scan3A_48 : i32 to index
      %swap3A_49 = arith.constant 0 : index
      %swap3A_50 = tpu.vector_load %arg8[%swap3A, %swap3A_49] {strides = array<i32>} : memref<40x16xf32, #tpu.memory_space<vmem>>, vector<1x16xf32>,
      %swap3A_51 = vector.shape_cast %swap3A_50 : vector<1x16xf32> to vector<16xf32>
      %swap3A_52 = vector.shape_cast %broadcast_in_dim3A_0 : vector<16xf32> to vector<1x16xf32>
      tpu.vector_store %arg8[%swap3A, %swap3A_49], %swap3A_52 {strides = array<i32>} : memref<40x16xf32, #tpu.memory_space<vmem>>, vector<1x16xf32>,
    }
    %scan3A_16 = arith.constant 40 : i32
    %scan3A_17 = arith.constant 0 : i32
    %scan3A_18 = arith.constant 0 : i32
    %scan3A_19 = arith.constant 16 : i32
    %scan3A_20 = arith.addi %scan3A_18, %scan3A_19 : i32
    %scan3A_21 = arith.constant 1 : i32
    scf.for %scan3A_48 = %scan3A_18 to %scan3A_20 step %scan3A_21  : i32 {
      %mul3A = arith.constant 640 : i32
      %mul3A_49 = arith.muli %arg1, %mul3A : i32
      %mul3A_50 = arith.constant 40 : i32
      %mul3A_51 = arith.muli %scan3A_48, %mul3A_50 : i32
      %add3A = arith.addi %mul3A_49, %mul3A_51 : i32
      "tpu.region"() ({
        %run_scoped3A = tpu.sem_alloc : memref<!tpu.dma_semaphore, #tpu.memory_space<semaphore_mem>>
        %dma_start3A = arith.constant 0 : i32
        %dma_start3A_52 = tpu.memref_slice %arg9[%add3A, %dma_start3A] : memref<10240x16xf32, #tpu.memory_space<vmem_shared>> -> memref<40x16xf32, #tpu.memory_space<vmem_shared>>
        %dma_start3A_53 = arith.constant 0 : i32
        %dma_start3A_54 = tpu.memref_slice %arg9[%add3A, %dma_start3A_53] : memref<10240x16xf32, #tpu.memory_space<vmem_shared>> -> memref<40x16xf32, #tpu.memory_space<vmem_shared>>
        tpu.enqueue_dma source(%arg8 : memref<40x16xf32, #tpu.memory_space<vmem>>) target(%dma_start3A_54 : memref<40x16xf32, #tpu.memory_space<vmem_shared>>) target_semaphore(%run_scoped3A : memref<!tpu.dma_semaphore, #tpu.memory_space<semaphore_mem>>)
        %dma_wait3A = arith.constant 0 : i32
        %dma_wait3A_55 = tpu.memref_slice %arg9[%add3A, %dma_wait3A] : memref<10240x16xf32, #tpu.memory_space<vmem_shared>> -> memref<40x16xf32, #tpu.memory_space<vmem_shared>>
        %dma_wait3A_56 = arith.constant 0 : i32
        %dma_wait3A_57 = tpu.memref_slice %arg9[%add3A, %dma_wait3A_56] : memref<10240x16xf32, #tpu.memory_space<vmem_shared>> -> memref<40x16xf32, #tpu.memory_space<vmem_shared>>
        tpu.wait_dma2 semaphore(%run_scoped3A : memref<!tpu.dma_semaphore, #tpu.memory_space<semaphore_mem>>) src(%arg8 : memref<40x16xf32, #tpu.memory_space<vmem>>) dst(%dma_wait3A_57 : memref<40x16xf32, #tpu.memory_space<vmem_shared>>)
        tpu.yield
      }) : () -> ()
    }
    %scan3A_22 = arith.constant 16 : i32
    %eq3A_23 = arith.constant 0 : i32
    %eq3A_24 = arith.cmpi eq, %arg0, %eq3A_23 : i32
    %convert_element_type3A = arith.extui %eq3A_24 : i1 to i32
    %cond3A = arith.constant 0 : i32
    %cond3A_25 = arith.cmpi ne, %convert_element_type3A, %cond3A : i32
    scf.if %cond3A_25 {
      "tpu.region"() ({
        %run_scoped3A = tpu.sem_alloc : memref<!tpu.dma_semaphore, #tpu.memory_space<semaphore_mem>>
        %dma_start3A = arith.constant 0 : i32
        %dma_start3A_48 = arith.constant 0 : i32
        %dma_start3A_49 = tpu.memref_slice %arg2[%arg1, %dma_start3A, %dma_start3A_48] : memref<16x125x80xi32, #tpu.memory_space<hbm>> -> memref<1x125x80xi32, #tpu.memory_space<hbm>>
        %dma_start3A_50 = tpu.memref_squeeze %dma_start3A_49 : memref<1x125x80xi32, #tpu.memory_space<hbm>> -> memref<125x80xi32, #tpu.memory_space<hbm>>
        %dma_start3A_51 = arith.constant 0 : i32
        %dma_start3A_52 = arith.constant 0 : i32
        %dma_start3A_53 = tpu.memref_slice %arg2[%arg1, %dma_start3A_51, %dma_start3A_52] : memref<16x125x80xi32, #tpu.memory_space<hbm>> -> memref<1x125x80xi32, #tpu.memory_space<hbm>>
        %dma_start3A_54 = tpu.memref_squeeze %dma_start3A_53 : memref<1x125x80xi32, #tpu.memory_space<hbm>> -> memref<125x80xi32, #tpu.memory_space<hbm>>
        tpu.enqueue_dma source(%dma_start3A_54 : memref<125x80xi32, #tpu.memory_space<hbm>>) target(%arg7 : memref<125x80xi32, #tpu.memory_space<vmem>>) target_semaphore(%run_scoped3A : memref<!tpu.dma_semaphore, #tpu.memory_space<semaphore_mem>>)
        %dma_wait3A = arith.constant 0 : i32
        %dma_wait3A_55 = arith.constant 0 : i32
        %dma_wait3A_56 = tpu.memref_slice %arg2[%arg1, %dma_wait3A, %dma_wait3A_55] : memref<16x125x80xi32, #tpu.memory_space<hbm>> -> memref<1x125x80xi32, #tpu.memory_space<hbm>>
        %dma_wait3A_57 = tpu.memref_squeeze %dma_wait3A_56 : memref<1x125x80xi32, #tpu.memory_space<hbm>> -> memref<125x80xi32, #tpu.memory_space<hbm>>
        %dma_wait3A_58 = arith.constant 0 : i32
        %dma_wait3A_59 = arith.constant 0 : i32
        %dma_wait3A_60 = tpu.memref_slice %arg2[%arg1, %dma_wait3A_58, %dma_wait3A_59] : memref<16x125x80xi32, #tpu.memory_space<hbm>> -> memref<1x125x80xi32, #tpu.memory_space<hbm>>
        %dma_wait3A_61 = tpu.memref_squeeze %dma_wait3A_60 : memref<1x125x80xi32, #tpu.memory_space<hbm>> -> memref<125x80xi32, #tpu.memory_space<hbm>>
        tpu.wait_dma2 semaphore(%run_scoped3A : memref<!tpu.dma_semaphore, #tpu.memory_space<semaphore_mem>>) src(%dma_wait3A_61 : memref<125x80xi32, #tpu.memory_space<hbm>>) dst(%arg7 : memref<125x80xi32, #tpu.memory_space<vmem>>)
        tpu.yield
      }) : () -> ()
    } else {
    }
    %eq3A_26 = arith.constant 1 : i32
    %eq3A_27 = arith.cmpi eq, %arg0, %eq3A_26 : i32
    %convert_element_type3A_28 = arith.extui %eq3A_27 : i1 to i32
    %cond3A_29 = arith.constant 0 : i32
    %cond3A_30 = arith.cmpi ne, %convert_element_type3A_28, %cond3A_29 : i32
    scf.if %cond3A_30 {
      "tpu.region"() ({
        %run_scoped3A = tpu.sem_alloc : memref<!tpu.dma_semaphore, #tpu.memory_space<semaphore_mem>>
        %dma_start3A = arith.constant 0 : i32
        %dma_start3A_48 = arith.constant 0 : i32
        %dma_start3A_49 = tpu.memref_slice %arg3[%arg1, %dma_start3A, %dma_start3A_48] : memref<16x125x80xi32, #tpu.memory_space<hbm>> -> memref<1x125x80xi32, #tpu.memory_space<hbm>>
        %dma_start3A_50 = tpu.memref_squeeze %dma_start3A_49 : memref<1x125x80xi32, #tpu.memory_space<hbm>> -> memref<125x80xi32, #tpu.memory_space<hbm>>
        %dma_start3A_51 = arith.constant 0 : i32
        %dma_start3A_52 = arith.constant 0 : i32
        %dma_start3A_53 = tpu.memref_slice %arg3[%arg1, %dma_start3A_51, %dma_start3A_52] : memref<16x125x80xi32, #tpu.memory_space<hbm>> -> memref<1x125x80xi32, #tpu.memory_space<hbm>>
        %dma_start3A_54 = tpu.memref_squeeze %dma_start3A_53 : memref<1x125x80xi32, #tpu.memory_space<hbm>> -> memref<125x80xi32, #tpu.memory_space<hbm>>
        tpu.enqueue_dma source(%dma_start3A_54 : memref<125x80xi32, #tpu.memory_space<hbm>>) target(%arg7 : memref<125x80xi32, #tpu.memory_space<vmem>>) target_semaphore(%run_scoped3A : memref<!tpu.dma_semaphore, #tpu.memory_space<semaphore_mem>>)
        %dma_wait3A = arith.constant 0 : i32
        %dma_wait3A_55 = arith.constant 0 : i32
        %dma_wait3A_56 = tpu.memref_slice %arg3[%arg1, %dma_wait3A, %dma_wait3A_55] : memref<16x125x80xi32, #tpu.memory_space<hbm>> -> memref<1x125x80xi32, #tpu.memory_space<hbm>>
        %dma_wait3A_57 = tpu.memref_squeeze %dma_wait3A_56 : memref<1x125x80xi32, #tpu.memory_space<hbm>> -> memref<125x80xi32, #tpu.memory_space<hbm>>
        %dma_wait3A_58 = arith.constant 0 : i32
        %dma_wait3A_59 = arith.constant 0 : i32
        %dma_wait3A_60 = tpu.memref_slice %arg3[%arg1, %dma_wait3A_58, %dma_wait3A_59] : memref<16x125x80xi32, #tpu.memory_space<hbm>> -> memref<1x125x80xi32, #tpu.memory_space<hbm>>
        %dma_wait3A_61 = tpu.memref_squeeze %dma_wait3A_60 : memref<1x125x80xi32, #tpu.memory_space<hbm>> -> memref<125x80xi32, #tpu.memory_space<hbm>>
        tpu.wait_dma2 semaphore(%run_scoped3A : memref<!tpu.dma_semaphore, #tpu.memory_space<semaphore_mem>>) src(%dma_wait3A_61 : memref<125x80xi32, #tpu.memory_space<hbm>>) dst(%arg7 : memref<125x80xi32, #tpu.memory_space<vmem>>)
        tpu.yield
      }) : () -> ()
    } else {
    }
    %barrier3A = arith.constant 0 : index
    tpu.barrier barrier_id(%barrier3A)
    %scan3A_31 = arith.constant 0 : i32
    %scan3A_32 = arith.constant 0 : i32
    %scan3A_33 = arith.constant 125 : i32
    %scan3A_34 = arith.addi %scan3A_32, %scan3A_33 : i32
    %scan3A_35 = arith.constant 1 : i32
    scf.for %scan3A_48 = %scan3A_32 to %scan3A_34 step %scan3A_35  : i32 {
      "tpu.region"() ({
        %run_scoped3A = tpu.sem_alloc : memref<!tpu.dma_semaphore, #tpu.memory_space<semaphore_mem>>
        %dma_start3A = arith.constant 0 : i32
        %dma_start3A_49 = tpu.memref_slice %arg7[%scan3A_48, %dma_start3A] : memref<125x80xi32, #tpu.memory_space<vmem>> -> memref<1x80xi32, #tpu.memory_space<vmem>>
        %dma_start3A_50 = tpu.memref_squeeze %dma_start3A_49 : memref<1x80xi32, #tpu.memory_space<vmem>> -> memref<80xi32, #tpu.memory_space<vmem>>
        %dma_start3A_51 = arith.constant 0 : i32
        %dma_start3A_52 = arith.constant 0 : i32
        %dma_start3A_53 = tpu.memref_slice %arg9[%dma_start3A_51, %dma_start3A_52] : memref<10240x16xf32, #tpu.memory_space<vmem_shared>> -> memref<10240x16xf32, #tpu.memory_space<vmem_shared>>
        tpu.enqueue_indirect_dma source(%arg6 : memref<80x16xf32, #tpu.memory_space<vmem>>) target(%dma_start3A_53 : memref<10240x16xf32, #tpu.memory_space<vmem_shared>>) offsets(%dma_start3A_50 : memref<80xi32, #tpu.memory_space<vmem>>) semaphore(%run_scoped3A : memref<!tpu.dma_semaphore, #tpu.memory_space<semaphore_mem>>) {add = true}
        %dma_wait3A = arith.constant 0 : i32
        %dma_wait3A_54 = tpu.memref_slice %arg7[%scan3A_48, %dma_wait3A] : memref<125x80xi32, #tpu.memory_space<vmem>> -> memref<1x80xi32, #tpu.memory_space<vmem>>
        %dma_wait3A_55 = tpu.memref_squeeze %dma_wait3A_54 : memref<1x80xi32, #tpu.memory_space<vmem>> -> memref<80xi32, #tpu.memory_space<vmem>>
        %dma_wait3A_56 = arith.constant 0 : i32
        %dma_wait3A_57 = arith.constant 0 : i32
        %dma_wait3A_58 = tpu.memref_slice %arg9[%dma_wait3A_56, %dma_wait3A_57] : memref<10240x16xf32, #tpu.memory_space<vmem_shared>> -> memref<10240x16xf32, #tpu.memory_space<vmem_shared>>
        tpu.wait_indirect_dma semaphore(%run_scoped3A : memref<!tpu.dma_semaphore, #tpu.memory_space<semaphore_mem>>) src(%arg6 : memref<80x16xf32, #tpu.memory_space<vmem>>) dst(%dma_wait3A_58 : memref<10240x16xf32, #tpu.memory_space<vmem_shared>>)
        tpu.yield
      }) : () -> ()
    }
    %scan3A_36 = arith.constant 125 : i32
    %barrier3A_37 = arith.constant 0 : index
    tpu.barrier barrier_id(%barrier3A_37)
    %eq3A_38 = arith.constant 0 : i32
    %eq3A_39 = arith.cmpi eq, %arg0, %eq3A_38 : i32
    %convert_element_type3A_40 = arith.extui %eq3A_39 : i1 to i32
    %cond3A_41 = arith.constant 0 : i32
    %cond3A_42 = arith.cmpi ne, %convert_element_type3A_40, %cond3A_41 : i32
    scf.if %cond3A_42 {
      %mul3A = arith.constant 640 : i32
      %mul3A_48 = arith.muli %arg1, %mul3A : i32
      %mul3A_49 = arith.constant 640 : i32
      %mul3A_50 = arith.muli %arg1, %mul3A_49 : i32
      "tpu.region"() ({
        %run_scoped3A = tpu.sem_alloc : memref<!tpu.dma_semaphore, #tpu.memory_space<semaphore_mem>>
        %dma_start3A = arith.constant 0 : i32
        %dma_start3A_51 = tpu.memref_slice %arg4[%mul3A_50, %dma_start3A] : memref<10240x16xf32, #tpu.memory_space<hbm>> -> memref<640x16xf32, #tpu.memory_space<hbm>>
        %dma_start3A_52 = arith.constant 0 : i32
        %dma_start3A_53 = tpu.memref_slice %arg9[%mul3A_48, %dma_start3A_52] : memref<10240x16xf32, #tpu.memory_space<vmem_shared>> -> memref<640x16xf32, #tpu.memory_space<vmem_shared>>
        tpu.enqueue_dma source(%dma_start3A_53 : memref<640x16xf32, #tpu.memory_space<vmem_shared>>) target(%dma_start3A_51 : memref<640x16xf32, #tpu.memory_space<hbm>>) target_semaphore(%run_scoped3A : memref<!tpu.dma_semaphore, #tpu.memory_space<semaphore_mem>>)
        %dma_wait3A = arith.constant 0 : i32
        %dma_wait3A_54 = tpu.memref_slice %arg4[%mul3A_50, %dma_wait3A] : memref<10240x16xf32, #tpu.memory_space<hbm>> -> memref<640x16xf32, #tpu.memory_space<hbm>>
        %dma_wait3A_55 = arith.constant 0 : i32
        %dma_wait3A_56 = tpu.memref_slice %arg9[%mul3A_48, %dma_wait3A_55] : memref<10240x16xf32, #tpu.memory_space<vmem_shared>> -> memref<640x16xf32, #tpu.memory_space<vmem_shared>>
        tpu.wait_dma2 semaphore(%run_scoped3A : memref<!tpu.dma_semaphore, #tpu.memory_space<semaphore_mem>>) src(%dma_wait3A_56 : memref<640x16xf32, #tpu.memory_space<vmem_shared>>) dst(%dma_wait3A_54 : memref<640x16xf32, #tpu.memory_space<hbm>>)
        tpu.yield
      }) : () -> ()
    } else {
    }
    %eq3A_43 = arith.constant 1 : i32
    %eq3A_44 = arith.cmpi eq, %arg0, %eq3A_43 : i32
    %convert_element_type3A_45 = arith.extui %eq3A_44 : i1 to i32
    %cond3A_46 = arith.constant 0 : i32
    %cond3A_47 = arith.cmpi ne, %convert_element_type3A_45, %cond3A_46 : i32
    scf.if %cond3A_47 {
      %mul3A = arith.constant 640 : i32
      %mul3A_48 = arith.muli %arg1, %mul3A : i32
      %mul3A_49 = arith.constant 640 : i32
      %mul3A_50 = arith.muli %arg1, %mul3A_49 : i32
      "tpu.region"() ({
        %run_scoped3A = tpu.sem_alloc : memref<!tpu.dma_semaphore, #tpu.memory_space<semaphore_mem>>
        %dma_start3A = arith.constant 0 : i32
        %dma_start3A_51 = tpu.memref_slice %arg5[%mul3A_50, %dma_start3A] : memref<10240x16xf32, #tpu.memory_space<hbm>> -> memref<640x16xf32, #tpu.memory_space<hbm>>
        %dma_start3A_52 = arith.constant 0 : i32
        %dma_start3A_53 = tpu.memref_slice %arg9[%mul3A_48, %dma_start3A_52] : memref<10240x16xf32, #tpu.memory_space<vmem_shared>> -> memref<640x16xf32, #tpu.memory_space<vmem_shared>>
        tpu.enqueue_dma source(%dma_start3A_53 : memref<640x16xf32, #tpu.memory_space<vmem_shared>>) target(%dma_start3A_51 : memref<640x16xf32, #tpu.memory_space<hbm>>) target_semaphore(%run_scoped3A : memref<!tpu.dma_semaphore, #tpu.memory_space<semaphore_mem>>)
        %dma_wait3A = arith.constant 0 : i32
        %dma_wait3A_54 = tpu.memref_slice %arg5[%mul3A_50, %dma_wait3A] : memref<10240x16xf32, #tpu.memory_space<hbm>> -> memref<640x16xf32, #tpu.memory_space<hbm>>
        %dma_wait3A_55 = arith.constant 0 : i32
        %dma_wait3A_56 = tpu.memref_slice %arg9[%mul3A_48, %dma_wait3A_55] : memref<10240x16xf32, #tpu.memory_space<vmem_shared>> -> memref<640x16xf32, #tpu.memory_space<vmem_shared>>
        tpu.wait_dma2 semaphore(%run_scoped3A : memref<!tpu.dma_semaphore, #tpu.memory_space<semaphore_mem>>) src(%dma_wait3A_56 : memref<640x16xf32, #tpu.memory_space<vmem_shared>>) dst(%dma_wait3A_54 : memref<640x16xf32, #tpu.memory_space<hbm>>)
        tpu.yield
      }) : () -> ()
    } else {
    }
    return
  }
}

#map = affine_map<(d0, d1) -> (0, 0)>
#map1 = affine_map<(d0, d1) -> (0, 0, 0)>
module attributes {stable_mosaic.version = 14 : i64} {
  func.func @_seg_body(%arg0: i32, %arg1: i32, %arg2: memref<10000x128xf32, #tpu.memory_space<hbm>>, %arg3: memref<10000x128xf32, #tpu.memory_space<hbm>>, %arg4: memref<16x125x80xi32, #tpu.memory_space<hbm>>, %arg5: memref<10000x128xf32, #tpu.memory_space<hbm>>, %arg6: memref<10000x128xf32, #tpu.memory_space<hbm>>, %arg7: memref<125x80xi32, #tpu.memory_space<vmem>>, %arg8: memref<80xi32, #tpu.memory_space<vmem>>, %arg9: memref<80xi32, #tpu.memory_space<vmem>>, %arg10: memref<80xi32, #tpu.memory_space<vmem>>, %arg11: memref<80xi32, #tpu.memory_space<vmem>>, %arg12: memref<2x80x128xf32, #tpu.memory_space<vmem>>, %arg13: memref<10000x128xf32, #tpu.memory_space<vmem_shared>>, %arg14: memref<!tpu.dma_semaphore, #tpu.memory_space<semaphore_mem>>, %arg15: memref<!tpu.dma_semaphore, #tpu.memory_space<semaphore_mem>>, %arg16: memref<!tpu.dma_semaphore, #tpu.memory_space<semaphore_mem>>) attributes {dimension_semantics = [#tpu.dimension_semantics<core_parallel>, #tpu.dimension_semantics<subcore_parallel>], iteration_bounds = array<i64: 2, 16>, scalar_prefetch = 0 : i64, scratch_operands = 10 : i64, tpu.core_type = #tpu.core_type<sc_vector_subcore>, window_params = [{transform_indices = #map}, {transform_indices = #map}, {transform_indices = #map1}, {transform_indices = #map}, {transform_indices = #map}]} {
    %broadcast_in_dim3A = arith.constant 0.000000e+00 : f32
    %broadcast_in_dim3A_0 = vector.broadcast %broadcast_in_dim3A : f32 to vector<16xf32>
    %scan3A = arith.constant 0 : i32
    %scan3A_1 = arith.constant 0 : i32
    %scan3A_2 = arith.constant 640 : i32
    %scan3A_3 = arith.addi %scan3A_1, %scan3A_2 : i32
    %scan3A_4 = arith.constant 1 : i32
    scf.for %scan3A_52 = %scan3A_1 to %scan3A_3 step %scan3A_4  : i32 {
      %jit3A = arith.constant 8 : i32
      %div3A = arith.divsi %scan3A_52, %jit3A : i32
      %sign3A = arith.constant 0 : i32
      %sign3A_53 = arith.cmpi sgt, %scan3A_52, %sign3A : i32
      %sign3A_54 = arith.extui %sign3A_53 : i1 to i32
      %sign3A_55 = arith.constant 0 : i32
      %sign3A_56 = arith.cmpi slt, %scan3A_52, %sign3A_55 : i32
      %sign3A_57 = arith.extui %sign3A_56 : i1 to i32
      %sign3A_58 = arith.subi %sign3A_54, %sign3A_57 : i32
      %sign3A_59 = arith.constant 0 : i32
      %sign3A_60 = arith.cmpi sgt, %jit3A, %sign3A_59 : i32
      %sign3A_61 = arith.extui %sign3A_60 : i1 to i32
      %sign3A_62 = arith.constant 0 : i32
      %sign3A_63 = arith.cmpi slt, %jit3A, %sign3A_62 : i32
      %sign3A_64 = arith.extui %sign3A_63 : i1 to i32
      %sign3A_65 = arith.subi %sign3A_61, %sign3A_64 : i32
      %ne3A = arith.cmpi ne, %sign3A_58, %sign3A_65 : i32
      %rem3A = arith.remsi %scan3A_52, %jit3A : i32
      %ne3A_66 = arith.constant 0 : i32
      %ne3A_67 = arith.cmpi ne, %rem3A, %ne3A_66 : i32
      %and3A_68 = arith.andi %ne3A, %ne3A_67 : i1
      %sub3A = arith.constant 1 : i32
      %sub3A_69 = arith.subi %div3A, %sub3A : i32
      %select_n3A = arith.select %and3A_68, %sub3A_69, %div3A : i32
      %jit3A_70 = arith.constant 8 : i32
      %eq3A_71 = arith.constant 0 : i32
      %eq3A_72 = arith.cmpi eq, %jit3A_70, %eq3A_71 : i32
      %jit3A_73 = arith.constant 1 : i32
      %select_n3A_74 = arith.select %eq3A_72, %jit3A_73, %jit3A_70 : i32
      %rem3A_75 = arith.remsi %scan3A_52, %select_n3A_74 : i32
      %ne3A_76 = arith.constant 0 : i32
      %ne3A_77 = arith.cmpi ne, %rem3A_75, %ne3A_76 : i32
      %lt3A_78 = arith.constant 0 : i32
      %lt3A_79 = arith.cmpi slt, %rem3A_75, %lt3A_78 : i32
      %lt3A_80 = arith.constant 0 : i32
      %lt3A_81 = arith.cmpi slt, %select_n3A_74, %lt3A_80 : i32
      %ne3A_82 = arith.xori %lt3A_79, %lt3A_81 : i1
      %and3A_83 = arith.andi %ne3A_82, %ne3A_77 : i1
      %add3A_84 = arith.addi %rem3A_75, %select_n3A_74 : i32
      %select_n3A_85 = arith.select %and3A_83, %add3A_84, %rem3A_75 : i32
      %mul3A_86 = arith.constant 16 : i32
      %mul3A_87 = arith.muli %select_n3A_85, %mul3A_86 : i32
      %swap3A = arith.constant 0 : i32
      %swap3A_88 = arith.index_cast %swap3A : i32 to index
      %swap3A_89 = arith.index_cast %select_n3A : i32 to index
      %swap3A_90 = arith.index_cast %mul3A_87 : i32 to index
      %swap3A_91 = tpu.vector_load %arg12[%swap3A_88, %swap3A_89, %swap3A_90] {strides = array<i32>} : memref<2x80x128xf32, #tpu.memory_space<vmem>>, vector<1x1x16xf32>,
      %swap3A_92 = vector.shape_cast %swap3A_91 : vector<1x1x16xf32> to vector<16xf32>
      %swap3A_93 = vector.shape_cast %broadcast_in_dim3A_0 : vector<16xf32> to vector<1x1x16xf32>
      tpu.vector_store %arg12[%swap3A_88, %swap3A_89, %swap3A_90], %swap3A_93 {strides = array<i32>} : memref<2x80x128xf32, #tpu.memory_space<vmem>>, vector<1x1x16xf32>,
    }
    %scan3A_5 = arith.constant 640 : i32
    %scan3A_6 = arith.constant 0 : i32
    %scan3A_7 = arith.constant 0 : i32
    %scan3A_8 = arith.constant 7 : i32
    %scan3A_9 = arith.addi %scan3A_7, %scan3A_8 : i32
    %scan3A_10 = arith.constant 1 : i32
    scf.for %scan3A_52 = %scan3A_7 to %scan3A_9 step %scan3A_10  : i32 {
      %mul3A_53 = arith.constant 625 : i32
      %mul3A_54 = arith.muli %arg1, %mul3A_53 : i32
      %mul3A_55 = arith.constant 80 : i32
      %mul3A_56 = arith.muli %scan3A_52, %mul3A_55 : i32
      %add3A_57 = arith.addi %mul3A_54, %mul3A_56 : i32
      %run_scoped3A_58 = arith.constant 0 : i32
      "tpu.region"() ({
        %run_scoped3A_59 = tpu.sem_alloc : memref<!tpu.dma_semaphore, #tpu.memory_space<semaphore_mem>>
        %dma_start3A = arith.constant 0 : i32
        %dma_start3A_60 = arith.constant 0 : i32
        %dma_start3A_61 = tpu.memref_slice %arg12[%run_scoped3A_58, %dma_start3A, %dma_start3A_60] : memref<2x80x128xf32, #tpu.memory_space<vmem>> -> memref<1x80x128xf32, #tpu.memory_space<vmem>>
        %dma_start3A_62 = tpu.memref_squeeze %dma_start3A_61 : memref<1x80x128xf32, #tpu.memory_space<vmem>> -> memref<80x128xf32, #tpu.memory_space<vmem>>
        %dma_start3A_63 = arith.constant 0 : i32
        %dma_start3A_64 = tpu.memref_slice %arg13[%add3A_57, %dma_start3A_63] : memref<10000x128xf32, #tpu.memory_space<vmem_shared>> -> memref<80x128xf32, #tpu.memory_space<vmem_shared>>
        %dma_start3A_65 = arith.constant 0 : i32
        %dma_start3A_66 = tpu.memref_slice %arg13[%add3A_57, %dma_start3A_65] : memref<10000x128xf32, #tpu.memory_space<vmem_shared>> -> memref<80x128xf32, #tpu.memory_space<vmem_shared>>
        %dma_start3A_67 = arith.constant 0 : i32
        %dma_start3A_68 = arith.constant 0 : i32
        %dma_start3A_69 = tpu.memref_slice %arg12[%run_scoped3A_58, %dma_start3A_67, %dma_start3A_68] : memref<2x80x128xf32, #tpu.memory_space<vmem>> -> memref<1x80x128xf32, #tpu.memory_space<vmem>>
        %dma_start3A_70 = tpu.memref_squeeze %dma_start3A_69 : memref<1x80x128xf32, #tpu.memory_space<vmem>> -> memref<80x128xf32, #tpu.memory_space<vmem>>
        tpu.enqueue_dma source(%dma_start3A_70 : memref<80x128xf32, #tpu.memory_space<vmem>>) target(%dma_start3A_66 : memref<80x128xf32, #tpu.memory_space<vmem_shared>>) target_semaphore(%run_scoped3A_59 : memref<!tpu.dma_semaphore, #tpu.memory_space<semaphore_mem>>)
        %dma_wait3A = arith.constant 0 : i32
        %dma_wait3A_71 = arith.constant 0 : i32
        %dma_wait3A_72 = tpu.memref_slice %arg12[%run_scoped3A_58, %dma_wait3A, %dma_wait3A_71] : memref<2x80x128xf32, #tpu.memory_space<vmem>> -> memref<1x80x128xf32, #tpu.memory_space<vmem>>
        %dma_wait3A_73 = tpu.memref_squeeze %dma_wait3A_72 : memref<1x80x128xf32, #tpu.memory_space<vmem>> -> memref<80x128xf32, #tpu.memory_space<vmem>>
        %dma_wait3A_74 = arith.constant 0 : i32
        %dma_wait3A_75 = tpu.memref_slice %arg13[%add3A_57, %dma_wait3A_74] : memref<10000x128xf32, #tpu.memory_space<vmem_shared>> -> memref<80x128xf32, #tpu.memory_space<vmem_shared>>
        %dma_wait3A_76 = arith.constant 0 : i32
        %dma_wait3A_77 = tpu.memref_slice %arg13[%add3A_57, %dma_wait3A_76] : memref<10000x128xf32, #tpu.memory_space<vmem_shared>> -> memref<80x128xf32, #tpu.memory_space<vmem_shared>>
        %dma_wait3A_78 = arith.constant 0 : i32
        %dma_wait3A_79 = arith.constant 0 : i32
        %dma_wait3A_80 = tpu.memref_slice %arg12[%run_scoped3A_58, %dma_wait3A_78, %dma_wait3A_79] : memref<2x80x128xf32, #tpu.memory_space<vmem>> -> memref<1x80x128xf32, #tpu.memory_space<vmem>>
        %dma_wait3A_81 = tpu.memref_squeeze %dma_wait3A_80 : memref<1x80x128xf32, #tpu.memory_space<vmem>> -> memref<80x128xf32, #tpu.memory_space<vmem>>
        tpu.wait_dma2 semaphore(%run_scoped3A_59 : memref<!tpu.dma_semaphore, #tpu.memory_space<semaphore_mem>>) src(%dma_wait3A_81 : memref<80x128xf32, #tpu.memory_space<vmem>>) dst(%dma_wait3A_77 : memref<80x128xf32, #tpu.memory_space<vmem_shared>>)
        tpu.yield
      }) : () -> ()
    }
    %scan3A_11 = arith.constant 7 : i32
    %mul3A = arith.constant 625 : i32
    %mul3A_12 = arith.muli %arg1, %mul3A : i32
    %add3A = arith.constant 560 : i32
    %add3A_13 = arith.addi %mul3A_12, %add3A : i32
    %run_scoped3A = arith.constant 0 : i32
    "tpu.region"() ({
      %run_scoped3A_52 = tpu.sem_alloc : memref<!tpu.dma_semaphore, #tpu.memory_space<semaphore_mem>>
      %dma_start3A = arith.constant 0 : i32
      %dma_start3A_53 = arith.constant 0 : i32
      %dma_start3A_54 = tpu.memref_slice %arg12[%run_scoped3A, %dma_start3A, %dma_start3A_53] : memref<2x80x128xf32, #tpu.memory_space<vmem>> -> memref<1x65x128xf32, #tpu.memory_space<vmem>>
      %dma_start3A_55 = tpu.memref_squeeze %dma_start3A_54 : memref<1x65x128xf32, #tpu.memory_space<vmem>> -> memref<65x128xf32, #tpu.memory_space<vmem>>
      %dma_start3A_56 = arith.constant 0 : i32
      %dma_start3A_57 = tpu.memref_slice %arg13[%add3A_13, %dma_start3A_56] : memref<10000x128xf32, #tpu.memory_space<vmem_shared>> -> memref<65x128xf32, #tpu.memory_space<vmem_shared>>
      %dma_start3A_58 = arith.constant 0 : i32
      %dma_start3A_59 = tpu.memref_slice %arg13[%add3A_13, %dma_start3A_58] : memref<10000x128xf32, #tpu.memory_space<vmem_shared>> -> memref<65x128xf32, #tpu.memory_space<vmem_shared>>
      %dma_start3A_60 = arith.constant 0 : i32
      %dma_start3A_61 = arith.constant 0 : i32
      %dma_start3A_62 = tpu.memref_slice %arg12[%run_scoped3A, %dma_start3A_60, %dma_start3A_61] : memref<2x80x128xf32, #tpu.memory_space<vmem>> -> memref<1x65x128xf32, #tpu.memory_space<vmem>>
      %dma_start3A_63 = tpu.memref_squeeze %dma_start3A_62 : memref<1x65x128xf32, #tpu.memory_space<vmem>> -> memref<65x128xf32, #tpu.memory_space<vmem>>
      tpu.enqueue_dma source(%dma_start3A_63 : memref<65x128xf32, #tpu.memory_space<vmem>>) target(%dma_start3A_59 : memref<65x128xf32, #tpu.memory_space<vmem_shared>>) target_semaphore(%run_scoped3A_52 : memref<!tpu.dma_semaphore, #tpu.memory_space<semaphore_mem>>)
      %dma_wait3A = arith.constant 0 : i32
      %dma_wait3A_64 = arith.constant 0 : i32
      %dma_wait3A_65 = tpu.memref_slice %arg12[%run_scoped3A, %dma_wait3A, %dma_wait3A_64] : memref<2x80x128xf32, #tpu.memory_space<vmem>> -> memref<1x65x128xf32, #tpu.memory_space<vmem>>
      %dma_wait3A_66 = tpu.memref_squeeze %dma_wait3A_65 : memref<1x65x128xf32, #tpu.memory_space<vmem>> -> memref<65x128xf32, #tpu.memory_space<vmem>>
      %dma_wait3A_67 = arith.constant 0 : i32
      %dma_wait3A_68 = tpu.memref_slice %arg13[%add3A_13, %dma_wait3A_67] : memref<10000x128xf32, #tpu.memory_space<vmem_shared>> -> memref<65x128xf32, #tpu.memory_space<vmem_shared>>
      %dma_wait3A_69 = arith.constant 0 : i32
      %dma_wait3A_70 = tpu.memref_slice %arg13[%add3A_13, %dma_wait3A_69] : memref<10000x128xf32, #tpu.memory_space<vmem_shared>> -> memref<65x128xf32, #tpu.memory_space<vmem_shared>>
      %dma_wait3A_71 = arith.constant 0 : i32
      %dma_wait3A_72 = arith.constant 0 : i32
      %dma_wait3A_73 = tpu.memref_slice %arg12[%run_scoped3A, %dma_wait3A_71, %dma_wait3A_72] : memref<2x80x128xf32, #tpu.memory_space<vmem>> -> memref<1x65x128xf32, #tpu.memory_space<vmem>>
      %dma_wait3A_74 = tpu.memref_squeeze %dma_wait3A_73 : memref<1x65x128xf32, #tpu.memory_space<vmem>> -> memref<65x128xf32, #tpu.memory_space<vmem>>
      tpu.wait_dma2 semaphore(%run_scoped3A_52 : memref<!tpu.dma_semaphore, #tpu.memory_space<semaphore_mem>>) src(%dma_wait3A_74 : memref<65x128xf32, #tpu.memory_space<vmem>>) dst(%dma_wait3A_70 : memref<65x128xf32, #tpu.memory_space<vmem_shared>>)
      tpu.yield
    }) : () -> ()
    "tpu.region"() ({
      %run_scoped3A_52 = tpu.sem_alloc : memref<!tpu.dma_semaphore, #tpu.memory_space<semaphore_mem>>
      %dma_start3A = arith.constant 0 : i32
      %dma_start3A_53 = arith.constant 0 : i32
      %dma_start3A_54 = tpu.memref_slice %arg4[%arg1, %dma_start3A, %dma_start3A_53] : memref<16x125x80xi32, #tpu.memory_space<hbm>> -> memref<1x125x80xi32, #tpu.memory_space<hbm>>
      %dma_start3A_55 = tpu.memref_squeeze %dma_start3A_54 : memref<1x125x80xi32, #tpu.memory_space<hbm>> -> memref<125x80xi32, #tpu.memory_space<hbm>>
      %dma_start3A_56 = arith.constant 0 : i32
      %dma_start3A_57 = arith.constant 0 : i32
      %dma_start3A_58 = tpu.memref_slice %arg4[%arg1, %dma_start3A_56, %dma_start3A_57] : memref<16x125x80xi32, #tpu.memory_space<hbm>> -> memref<1x125x80xi32, #tpu.memory_space<hbm>>
      %dma_start3A_59 = tpu.memref_squeeze %dma_start3A_58 : memref<1x125x80xi32, #tpu.memory_space<hbm>> -> memref<125x80xi32, #tpu.memory_space<hbm>>
      tpu.enqueue_dma source(%dma_start3A_59 : memref<125x80xi32, #tpu.memory_space<hbm>>) target(%arg7 : memref<125x80xi32, #tpu.memory_space<vmem>>) target_semaphore(%run_scoped3A_52 : memref<!tpu.dma_semaphore, #tpu.memory_space<semaphore_mem>>)
      %dma_wait3A = arith.constant 0 : i32
      %dma_wait3A_60 = arith.constant 0 : i32
      %dma_wait3A_61 = tpu.memref_slice %arg4[%arg1, %dma_wait3A, %dma_wait3A_60] : memref<16x125x80xi32, #tpu.memory_space<hbm>> -> memref<1x125x80xi32, #tpu.memory_space<hbm>>
      %dma_wait3A_62 = tpu.memref_squeeze %dma_wait3A_61 : memref<1x125x80xi32, #tpu.memory_space<hbm>> -> memref<125x80xi32, #tpu.memory_space<hbm>>
      %dma_wait3A_63 = arith.constant 0 : i32
      %dma_wait3A_64 = arith.constant 0 : i32
      %dma_wait3A_65 = tpu.memref_slice %arg4[%arg1, %dma_wait3A_63, %dma_wait3A_64] : memref<16x125x80xi32, #tpu.memory_space<hbm>> -> memref<1x125x80xi32, #tpu.memory_space<hbm>>
      %dma_wait3A_66 = tpu.memref_squeeze %dma_wait3A_65 : memref<1x125x80xi32, #tpu.memory_space<hbm>> -> memref<125x80xi32, #tpu.memory_space<hbm>>
      tpu.wait_dma2 semaphore(%run_scoped3A_52 : memref<!tpu.dma_semaphore, #tpu.memory_space<semaphore_mem>>) src(%dma_wait3A_66 : memref<125x80xi32, #tpu.memory_space<hbm>>) dst(%arg7 : memref<125x80xi32, #tpu.memory_space<vmem>>)
      tpu.yield
    }) : () -> ()
    %barrier3A = arith.constant 0 : index
    tpu.barrier barrier_id(%barrier3A)
    %eq3A = arith.constant 0 : i32
    %eq3A_14 = arith.cmpi eq, %arg0, %eq3A : i32
    %convert_element_type3A = arith.extui %eq3A_14 : i1 to i32
    %cond3A = arith.constant 0 : i32
    %cond3A_15 = arith.cmpi ne, %convert_element_type3A, %cond3A : i32
    scf.if %cond3A_15 {
      %scan3A_52 = arith.constant 0 : i32
      %scan3A_53 = arith.constant 0 : i32
      %scan3A_54 = arith.constant 125 : i32
      %scan3A_55 = arith.addi %scan3A_53, %scan3A_54 : i32
      %scan3A_56 = arith.constant 1 : i32
      scf.for %scan3A_58 = %scan3A_53 to %scan3A_55 step %scan3A_56  : i32 {
        %scan3A_59 = arith.constant 0 : i32
        %scan3A_60 = arith.constant 0 : i32
        %scan3A_61 = arith.constant 5 : i32
        %scan3A_62 = arith.addi %scan3A_60, %scan3A_61 : i32
        %scan3A_63 = arith.constant 1 : i32
        scf.for %scan3A_80 = %scan3A_60 to %scan3A_62 step %scan3A_63  : i32 {
          %mul3A_81 = arith.constant 16 : i32
          %mul3A_82 = arith.muli %scan3A_80, %mul3A_81 : i32
          %get3A = arith.index_cast %scan3A_58 : i32 to index
          %get3A_83 = arith.index_cast %mul3A_82 : i32 to index
          %get3A_84 = tpu.vector_load %arg7[%get3A, %get3A_83] {strides = array<i32>} : memref<125x80xi32, #tpu.memory_space<vmem>>, vector<1x16xi32>,
          %get3A_85 = vector.shape_cast %get3A_84 : vector<1x16xi32> to vector<16xi32>
          %shift_right_logical3A = arith.constant 14 : i32
          %shift_right_logical3A_86 = vector.broadcast %shift_right_logical3A : i32 to vector<16xi32>
          %shift_right_logical3A_87 = arith.shrui %get3A_85, %shift_right_logical3A_86 : vector<16xi32>
          %mul3A_88 = arith.constant 16 : i32
          %mul3A_89 = arith.muli %scan3A_80, %mul3A_88 : i32
          %swap3A = arith.index_cast %mul3A_89 : i32 to index
          %swap3A_90 = tpu.vector_load %arg8[%swap3A] {strides = array<i32>} : memref<80xi32, #tpu.memory_space<vmem>>, vector<16xi32>,
          %swap3A_91 = vector.shape_cast %swap3A_90 : vector<16xi32> to vector<16xi32>
          %swap3A_92 = vector.shape_cast %shift_right_logical3A_87 : vector<16xi32> to vector<16xi32>
          tpu.vector_store %arg8[%swap3A], %swap3A_92 {strides = array<i32>} : memref<80xi32, #tpu.memory_space<vmem>>, vector<16xi32>,
          %and3A_93 = arith.constant 16383 : i32
          %and3A_94 = vector.broadcast %and3A_93 : i32 to vector<16xi32>
          %and3A_95 = arith.andi %get3A_85, %and3A_94 : vector<16xi32>
          %mul3A_96 = arith.constant 16 : i32
          %mul3A_97 = arith.muli %scan3A_80, %mul3A_96 : i32
          %swap3A_98 = arith.index_cast %mul3A_97 : i32 to index
          %swap3A_99 = tpu.vector_load %arg9[%swap3A_98] {strides = array<i32>} : memref<80xi32, #tpu.memory_space<vmem>>, vector<16xi32>,
          %swap3A_100 = vector.shape_cast %swap3A_99 : vector<16xi32> to vector<16xi32>
          %swap3A_101 = vector.shape_cast %and3A_95 : vector<16xi32> to vector<16xi32>
          tpu.vector_store %arg9[%swap3A_98], %swap3A_101 {strides = array<i32>} : memref<80xi32, #tpu.memory_space<vmem>>, vector<16xi32>,
        }
        %scan3A_64 = arith.constant 5 : i32
        %dma_start3A = arith.constant 0 : i32
        %dma_start3A_65 = arith.constant 0 : i32
        %dma_start3A_66 = arith.constant 0 : i32
        %dma_start3A_67 = tpu.memref_slice %arg12[%dma_start3A, %dma_start3A_65, %dma_start3A_66] : memref<2x80x128xf32, #tpu.memory_space<vmem>> -> memref<1x80x128xf32, #tpu.memory_space<vmem>>
        %dma_start3A_68 = tpu.memref_squeeze %dma_start3A_67 : memref<1x80x128xf32, #tpu.memory_space<vmem>> -> memref<80x128xf32, #tpu.memory_space<vmem>>
        %dma_start3A_69 = arith.constant 0 : i32
        %dma_start3A_70 = arith.constant 0 : i32
        %dma_start3A_71 = tpu.memref_slice %arg2[%dma_start3A_69, %dma_start3A_70] : memref<10000x128xf32, #tpu.memory_space<hbm>> -> memref<10000x128xf32, #tpu.memory_space<hbm>>
        tpu.enqueue_indirect_dma source(%dma_start3A_71 : memref<10000x128xf32, #tpu.memory_space<hbm>>) target(%dma_start3A_68 : memref<80x128xf32, #tpu.memory_space<vmem>>) offsets(%arg8 : memref<80xi32, #tpu.memory_space<vmem>>) semaphore(%arg14 : memref<!tpu.dma_semaphore, #tpu.memory_space<semaphore_mem>>)
        %dma_wait3A = arith.constant 0 : i32
        %dma_wait3A_72 = arith.constant 0 : i32
        %dma_wait3A_73 = arith.constant 0 : i32
        %dma_wait3A_74 = tpu.memref_slice %arg12[%dma_wait3A, %dma_wait3A_72, %dma_wait3A_73] : memref<2x80x128xf32, #tpu.memory_space<vmem>> -> memref<1x80x128xf32, #tpu.memory_space<vmem>>
        %dma_wait3A_75 = tpu.memref_squeeze %dma_wait3A_74 : memref<1x80x128xf32, #tpu.memory_space<vmem>> -> memref<80x128xf32, #tpu.memory_space<vmem>>
        %dma_wait3A_76 = arith.constant 0 : i32
        %dma_wait3A_77 = arith.constant 0 : i32
        %dma_wait3A_78 = tpu.memref_slice %arg2[%dma_wait3A_76, %dma_wait3A_77] : memref<10000x128xf32, #tpu.memory_space<hbm>> -> memref<10000x128xf32, #tpu.memory_space<hbm>>
        tpu.wait_indirect_dma semaphore(%arg14 : memref<!tpu.dma_semaphore, #tpu.memory_space<semaphore_mem>>) src(%dma_wait3A_78 : memref<10000x128xf32, #tpu.memory_space<hbm>>) dst(%dma_wait3A_75 : memref<80x128xf32, #tpu.memory_space<vmem>>)
        %run_scoped3A_79 = arith.constant 0 : i32
        "tpu.region"() ({
          %run_scoped3A_80 = tpu.sem_alloc : memref<!tpu.dma_semaphore, #tpu.memory_space<semaphore_mem>>
          %dma_start3A_81 = arith.constant 0 : i32
          %dma_start3A_82 = arith.constant 0 : i32
          %dma_start3A_83 = tpu.memref_slice %arg12[%run_scoped3A_79, %dma_start3A_81, %dma_start3A_82] : memref<2x80x128xf32, #tpu.memory_space<vmem>> -> memref<1x80x128xf32, #tpu.memory_space<vmem>>
          %dma_start3A_84 = tpu.memref_squeeze %dma_start3A_83 : memref<1x80x128xf32, #tpu.memory_space<vmem>> -> memref<80x128xf32, #tpu.memory_space<vmem>>
          %dma_start3A_85 = arith.constant 0 : i32
          %dma_start3A_86 = arith.constant 0 : i32
          %dma_start3A_87 = tpu.memref_slice %arg13[%dma_start3A_85, %dma_start3A_86] : memref<10000x128xf32, #tpu.memory_space<vmem_shared>> -> memref<10000x128xf32, #tpu.memory_space<vmem_shared>>
          tpu.enqueue_indirect_dma source(%dma_start3A_84 : memref<80x128xf32, #tpu.memory_space<vmem>>) target(%dma_start3A_87 : memref<10000x128xf32, #tpu.memory_space<vmem_shared>>) offsets(%arg9 : memref<80xi32, #tpu.memory_space<vmem>>) semaphore(%run_scoped3A_80 : memref<!tpu.dma_semaphore, #tpu.memory_space<semaphore_mem>>) {add = true}
          %dma_wait3A_88 = arith.constant 0 : i32
          %dma_wait3A_89 = arith.constant 0 : i32
          %dma_wait3A_90 = tpu.memref_slice %arg12[%run_scoped3A_79, %dma_wait3A_88, %dma_wait3A_89] : memref<2x80x128xf32, #tpu.memory_space<vmem>> -> memref<1x80x128xf32, #tpu.memory_space<vmem>>
          %dma_wait3A_91 = tpu.memref_squeeze %dma_wait3A_90 : memref<1x80x128xf32, #tpu.memory_space<vmem>> -> memref<80x128xf32, #tpu.memory_space<vmem>>
          %dma_wait3A_92 = arith.constant 0 : i32
          %dma_wait3A_93 = arith.constant 0 : i32
          %dma_wait3A_94 = tpu.memref_slice %arg13[%dma_wait3A_92, %dma_wait3A_93] : memref<10000x128xf32, #tpu.memory_space<vmem_shared>> -> memref<10000x128xf32, #tpu.memory_space<vmem_shared>>
          tpu.wait_indirect_dma semaphore(%run_scoped3A_80 : memref<!tpu.dma_semaphore, #tpu.memory_space<semaphore_mem>>) src(%dma_wait3A_91 : memref<80x128xf32, #tpu.memory_space<vmem>>) dst(%dma_wait3A_94 : memref<10000x128xf32, #tpu.memory_space<vmem_shared>>)
          tpu.yield
        }) : () -> ()
      }
      %scan3A_57 = arith.constant 125 : i32
    } else {
    }
    %eq3A_16 = arith.constant 1 : i32
    %eq3A_17 = arith.cmpi eq, %arg0, %eq3A_16 : i32
    %convert_element_type3A_18 = arith.extui %eq3A_17 : i1 to i32
    %cond3A_19 = arith.constant 0 : i32
    %cond3A_20 = arith.cmpi ne, %convert_element_type3A_18, %cond3A_19 : i32
    scf.if %cond3A_20 {
      %scan3A_52 = arith.constant 0 : i32
      %scan3A_53 = arith.constant 0 : i32
      %scan3A_54 = arith.constant 125 : i32
      %scan3A_55 = arith.addi %scan3A_53, %scan3A_54 : i32
      %scan3A_56 = arith.constant 1 : i32
      scf.for %scan3A_58 = %scan3A_53 to %scan3A_55 step %scan3A_56  : i32 {
        %scan3A_59 = arith.constant 0 : i32
        %scan3A_60 = arith.constant 0 : i32
        %scan3A_61 = arith.constant 5 : i32
        %scan3A_62 = arith.addi %scan3A_60, %scan3A_61 : i32
        %scan3A_63 = arith.constant 1 : i32
        scf.for %scan3A_80 = %scan3A_60 to %scan3A_62 step %scan3A_63  : i32 {
          %mul3A_81 = arith.constant 16 : i32
          %mul3A_82 = arith.muli %scan3A_80, %mul3A_81 : i32
          %get3A = arith.index_cast %scan3A_58 : i32 to index
          %get3A_83 = arith.index_cast %mul3A_82 : i32 to index
          %get3A_84 = tpu.vector_load %arg7[%get3A, %get3A_83] {strides = array<i32>} : memref<125x80xi32, #tpu.memory_space<vmem>>, vector<1x16xi32>,
          %get3A_85 = vector.shape_cast %get3A_84 : vector<1x16xi32> to vector<16xi32>
          %shift_right_logical3A = arith.constant 14 : i32
          %shift_right_logical3A_86 = vector.broadcast %shift_right_logical3A : i32 to vector<16xi32>
          %shift_right_logical3A_87 = arith.shrui %get3A_85, %shift_right_logical3A_86 : vector<16xi32>
          %mul3A_88 = arith.constant 16 : i32
          %mul3A_89 = arith.muli %scan3A_80, %mul3A_88 : i32
          %swap3A = arith.index_cast %mul3A_89 : i32 to index
          %swap3A_90 = tpu.vector_load %arg8[%swap3A] {strides = array<i32>} : memref<80xi32, #tpu.memory_space<vmem>>, vector<16xi32>,
          %swap3A_91 = vector.shape_cast %swap3A_90 : vector<16xi32> to vector<16xi32>
          %swap3A_92 = vector.shape_cast %shift_right_logical3A_87 : vector<16xi32> to vector<16xi32>
          tpu.vector_store %arg8[%swap3A], %swap3A_92 {strides = array<i32>} : memref<80xi32, #tpu.memory_space<vmem>>, vector<16xi32>,
          %and3A_93 = arith.constant 16383 : i32
          %and3A_94 = vector.broadcast %and3A_93 : i32 to vector<16xi32>
          %and3A_95 = arith.andi %get3A_85, %and3A_94 : vector<16xi32>
          %mul3A_96 = arith.constant 16 : i32
          %mul3A_97 = arith.muli %scan3A_80, %mul3A_96 : i32
          %swap3A_98 = arith.index_cast %mul3A_97 : i32 to index
          %swap3A_99 = tpu.vector_load %arg9[%swap3A_98] {strides = array<i32>} : memref<80xi32, #tpu.memory_space<vmem>>, vector<16xi32>,
          %swap3A_100 = vector.shape_cast %swap3A_99 : vector<16xi32> to vector<16xi32>
          %swap3A_101 = vector.shape_cast %and3A_95 : vector<16xi32> to vector<16xi32>
          tpu.vector_store %arg9[%swap3A_98], %swap3A_101 {strides = array<i32>} : memref<80xi32, #tpu.memory_space<vmem>>, vector<16xi32>,
        }
        %scan3A_64 = arith.constant 5 : i32
        %dma_start3A = arith.constant 0 : i32
        %dma_start3A_65 = arith.constant 0 : i32
        %dma_start3A_66 = arith.constant 0 : i32
        %dma_start3A_67 = tpu.memref_slice %arg12[%dma_start3A, %dma_start3A_65, %dma_start3A_66] : memref<2x80x128xf32, #tpu.memory_space<vmem>> -> memref<1x80x128xf32, #tpu.memory_space<vmem>>
        %dma_start3A_68 = tpu.memref_squeeze %dma_start3A_67 : memref<1x80x128xf32, #tpu.memory_space<vmem>> -> memref<80x128xf32, #tpu.memory_space<vmem>>
        %dma_start3A_69 = arith.constant 0 : i32
        %dma_start3A_70 = arith.constant 0 : i32
        %dma_start3A_71 = tpu.memref_slice %arg3[%dma_start3A_69, %dma_start3A_70] : memref<10000x128xf32, #tpu.memory_space<hbm>> -> memref<10000x128xf32, #tpu.memory_space<hbm>>
        tpu.enqueue_indirect_dma source(%dma_start3A_71 : memref<10000x128xf32, #tpu.memory_space<hbm>>) target(%dma_start3A_68 : memref<80x128xf32, #tpu.memory_space<vmem>>) offsets(%arg8 : memref<80xi32, #tpu.memory_space<vmem>>) semaphore(%arg14 : memref<!tpu.dma_semaphore, #tpu.memory_space<semaphore_mem>>)
        %dma_wait3A = arith.constant 0 : i32
        %dma_wait3A_72 = arith.constant 0 : i32
        %dma_wait3A_73 = arith.constant 0 : i32
        %dma_wait3A_74 = tpu.memref_slice %arg12[%dma_wait3A, %dma_wait3A_72, %dma_wait3A_73] : memref<2x80x128xf32, #tpu.memory_space<vmem>> -> memref<1x80x128xf32, #tpu.memory_space<vmem>>
        %dma_wait3A_75 = tpu.memref_squeeze %dma_wait3A_74 : memref<1x80x128xf32, #tpu.memory_space<vmem>> -> memref<80x128xf32, #tpu.memory_space<vmem>>
        %dma_wait3A_76 = arith.constant 0 : i32
        %dma_wait3A_77 = arith.constant 0 : i32
        %dma_wait3A_78 = tpu.memref_slice %arg3[%dma_wait3A_76, %dma_wait3A_77] : memref<10000x128xf32, #tpu.memory_space<hbm>> -> memref<10000x128xf32, #tpu.memory_space<hbm>>
        tpu.wait_indirect_dma semaphore(%arg14 : memref<!tpu.dma_semaphore, #tpu.memory_space<semaphore_mem>>) src(%dma_wait3A_78 : memref<10000x128xf32, #tpu.memory_space<hbm>>) dst(%dma_wait3A_75 : memref<80x128xf32, #tpu.memory_space<vmem>>)
        %run_scoped3A_79 = arith.constant 0 : i32
        "tpu.region"() ({
          %run_scoped3A_80 = tpu.sem_alloc : memref<!tpu.dma_semaphore, #tpu.memory_space<semaphore_mem>>
          %dma_start3A_81 = arith.constant 0 : i32
          %dma_start3A_82 = arith.constant 0 : i32
          %dma_start3A_83 = tpu.memref_slice %arg12[%run_scoped3A_79, %dma_start3A_81, %dma_start3A_82] : memref<2x80x128xf32, #tpu.memory_space<vmem>> -> memref<1x80x128xf32, #tpu.memory_space<vmem>>
          %dma_start3A_84 = tpu.memref_squeeze %dma_start3A_83 : memref<1x80x128xf32, #tpu.memory_space<vmem>> -> memref<80x128xf32, #tpu.memory_space<vmem>>
          %dma_start3A_85 = arith.constant 0 : i32
          %dma_start3A_86 = arith.constant 0 : i32
          %dma_start3A_87 = tpu.memref_slice %arg13[%dma_start3A_85, %dma_start3A_86] : memref<10000x128xf32, #tpu.memory_space<vmem_shared>> -> memref<10000x128xf32, #tpu.memory_space<vmem_shared>>
          tpu.enqueue_indirect_dma source(%dma_start3A_84 : memref<80x128xf32, #tpu.memory_space<vmem>>) target(%dma_start3A_87 : memref<10000x128xf32, #tpu.memory_space<vmem_shared>>) offsets(%arg9 : memref<80xi32, #tpu.memory_space<vmem>>) semaphore(%run_scoped3A_80 : memref<!tpu.dma_semaphore, #tpu.memory_space<semaphore_mem>>) {add = true}
          %dma_wait3A_88 = arith.constant 0 : i32
          %dma_wait3A_89 = arith.constant 0 : i32
          %dma_wait3A_90 = tpu.memref_slice %arg12[%run_scoped3A_79, %dma_wait3A_88, %dma_wait3A_89] : memref<2x80x128xf32, #tpu.memory_space<vmem>> -> memref<1x80x128xf32, #tpu.memory_space<vmem>>
          %dma_wait3A_91 = tpu.memref_squeeze %dma_wait3A_90 : memref<1x80x128xf32, #tpu.memory_space<vmem>> -> memref<80x128xf32, #tpu.memory_space<vmem>>
          %dma_wait3A_92 = arith.constant 0 : i32
          %dma_wait3A_93 = arith.constant 0 : i32
          %dma_wait3A_94 = tpu.memref_slice %arg13[%dma_wait3A_92, %dma_wait3A_93] : memref<10000x128xf32, #tpu.memory_space<vmem_shared>> -> memref<10000x128xf32, #tpu.memory_space<vmem_shared>>
          tpu.wait_indirect_dma semaphore(%run_scoped3A_80 : memref<!tpu.dma_semaphore, #tpu.memory_space<semaphore_mem>>) src(%dma_wait3A_91 : memref<80x128xf32, #tpu.memory_space<vmem>>) dst(%dma_wait3A_94 : memref<10000x128xf32, #tpu.memory_space<vmem_shared>>)
          tpu.yield
        }) : () -> ()
      }
      %scan3A_57 = arith.constant 125 : i32
    } else {
    }
    %barrier3A_21 = arith.constant 0 : index
    tpu.barrier barrier_id(%barrier3A_21)
    %eq3A_22 = arith.constant 0 : i32
    %eq3A_23 = arith.cmpi eq, %arg0, %eq3A_22 : i32
    %lt3A = arith.constant 15 : i32
    %lt3A_24 = arith.cmpi slt, %arg1, %lt3A : i32
    %and3A = arith.andi %eq3A_23, %lt3A_24 : i1
    %convert_element_type3A_25 = arith.extui %and3A : i1 to i32
    %cond3A_26 = arith.constant 0 : i32
    %cond3A_27 = arith.cmpi ne, %convert_element_type3A_25, %cond3A_26 : i32
    scf.if %cond3A_27 {
      %mul3A_52 = arith.constant 624 : i32
      %mul3A_53 = arith.muli %arg1, %mul3A_52 : i32
      %mul3A_54 = arith.constant 624 : i32
      %mul3A_55 = arith.muli %arg1, %mul3A_54 : i32
      "tpu.region"() ({
        %run_scoped3A_56 = tpu.sem_alloc : memref<!tpu.dma_semaphore, #tpu.memory_space<semaphore_mem>>
        %dma_start3A = arith.constant 0 : i32
        %dma_start3A_57 = tpu.memref_slice %arg5[%mul3A_55, %dma_start3A] : memref<10000x128xf32, #tpu.memory_space<hbm>> -> memref<624x128xf32, #tpu.memory_space<hbm>>
        %dma_start3A_58 = arith.constant 0 : i32
        %dma_start3A_59 = tpu.memref_slice %arg13[%mul3A_53, %dma_start3A_58] : memref<10000x128xf32, #tpu.memory_space<vmem_shared>> -> memref<624x128xf32, #tpu.memory_space<vmem_shared>>
        tpu.enqueue_dma source(%dma_start3A_59 : memref<624x128xf32, #tpu.memory_space<vmem_shared>>) target(%dma_start3A_57 : memref<624x128xf32, #tpu.memory_space<hbm>>) target_semaphore(%run_scoped3A_56 : memref<!tpu.dma_semaphore, #tpu.memory_space<semaphore_mem>>)
        %dma_wait3A = arith.constant 0 : i32
        %dma_wait3A_60 = tpu.memref_slice %arg5[%mul3A_55, %dma_wait3A] : memref<10000x128xf32, #tpu.memory_space<hbm>> -> memref<624x128xf32, #tpu.memory_space<hbm>>
        %dma_wait3A_61 = arith.constant 0 : i32
        %dma_wait3A_62 = tpu.memref_slice %arg13[%mul3A_53, %dma_wait3A_61] : memref<10000x128xf32, #tpu.memory_space<vmem_shared>> -> memref<624x128xf32, #tpu.memory_space<vmem_shared>>
        tpu.wait_dma2 semaphore(%run_scoped3A_56 : memref<!tpu.dma_semaphore, #tpu.memory_space<semaphore_mem>>) src(%dma_wait3A_62 : memref<624x128xf32, #tpu.memory_space<vmem_shared>>) dst(%dma_wait3A_60 : memref<624x128xf32, #tpu.memory_space<hbm>>)
        tpu.yield
      }) : () -> ()
    } else {
    }
    %eq3A_28 = arith.constant 0 : i32
    %eq3A_29 = arith.cmpi eq, %arg0, %eq3A_28 : i32
    %eq3A_30 = arith.constant 15 : i32
    %eq3A_31 = arith.cmpi eq, %arg1, %eq3A_30 : i32
    %and3A_32 = arith.andi %eq3A_29, %eq3A_31 : i1
    %convert_element_type3A_33 = arith.extui %and3A_32 : i1 to i32
    %cond3A_34 = arith.constant 0 : i32
    %cond3A_35 = arith.cmpi ne, %convert_element_type3A_33, %cond3A_34 : i32
    scf.if %cond3A_35 {
      "tpu.region"() ({
        %run_scoped3A_52 = tpu.sem_alloc : memref<!tpu.dma_semaphore, #tpu.memory_space<semaphore_mem>>
        %dma_start3A = arith.constant 9360 : i32
        %dma_start3A_53 = arith.constant 0 : i32
        %dma_start3A_54 = tpu.memref_slice %arg5[%dma_start3A, %dma_start3A_53] : memref<10000x128xf32, #tpu.memory_space<hbm>> -> memref<640x128xf32, #tpu.memory_space<hbm>>
        %dma_start3A_55 = arith.constant 9360 : i32
        %dma_start3A_56 = arith.constant 0 : i32
        %dma_start3A_57 = tpu.memref_slice %arg13[%dma_start3A_55, %dma_start3A_56] : memref<10000x128xf32, #tpu.memory_space<vmem_shared>> -> memref<640x128xf32, #tpu.memory_space<vmem_shared>>
        tpu.enqueue_dma source(%dma_start3A_57 : memref<640x128xf32, #tpu.memory_space<vmem_shared>>) target(%dma_start3A_54 : memref<640x128xf32, #tpu.memory_space<hbm>>) target_semaphore(%run_scoped3A_52 : memref<!tpu.dma_semaphore, #tpu.memory_space<semaphore_mem>>)
        %dma_wait3A = arith.constant 9360 : i32
        %dma_wait3A_58 = arith.constant 0 : i32
        %dma_wait3A_59 = tpu.memref_slice %arg5[%dma_wait3A, %dma_wait3A_58] : memref<10000x128xf32, #tpu.memory_space<hbm>> -> memref<640x128xf32, #tpu.memory_space<hbm>>
        %dma_wait3A_60 = arith.constant 9360 : i32
        %dma_wait3A_61 = arith.constant 0 : i32
        %dma_wait3A_62 = tpu.memref_slice %arg13[%dma_wait3A_60, %dma_wait3A_61] : memref<10000x128xf32, #tpu.memory_space<vmem_shared>> -> memref<640x128xf32, #tpu.memory_space<vmem_shared>>
        tpu.wait_dma2 semaphore(%run_scoped3A_52 : memref<!tpu.dma_semaphore, #tpu.memory_space<semaphore_mem>>) src(%dma_wait3A_62 : memref<640x128xf32, #tpu.memory_space<vmem_shared>>) dst(%dma_wait3A_59 : memref<640x128xf32, #tpu.memory_space<hbm>>)
        tpu.yield
      }) : () -> ()
    } else {
    }
    %eq3A_36 = arith.constant 1 : i32
    %eq3A_37 = arith.cmpi eq, %arg0, %eq3A_36 : i32
    %lt3A_38 = arith.constant 15 : i32
    %lt3A_39 = arith.cmpi slt, %arg1, %lt3A_38 : i32
    %and3A_40 = arith.andi %eq3A_37, %lt3A_39 : i1
    %convert_element_type3A_41 = arith.extui %and3A_40 : i1 to i32
    %cond3A_42 = arith.constant 0 : i32
    %cond3A_43 = arith.cmpi ne, %convert_element_type3A_41, %cond3A_42 : i32
    scf.if %cond3A_43 {
      %mul3A_52 = arith.constant 624 : i32
      %mul3A_53 = arith.muli %arg1, %mul3A_52 : i32
      %mul3A_54 = arith.constant 624 : i32
      %mul3A_55 = arith.muli %arg1, %mul3A_54 : i32
      "tpu.region"() ({
        %run_scoped3A_56 = tpu.sem_alloc : memref<!tpu.dma_semaphore, #tpu.memory_space<semaphore_mem>>
        %dma_start3A = arith.constant 0 : i32
        %dma_start3A_57 = tpu.memref_slice %arg6[%mul3A_55, %dma_start3A] : memref<10000x128xf32, #tpu.memory_space<hbm>> -> memref<624x128xf32, #tpu.memory_space<hbm>>
        %dma_start3A_58 = arith.constant 0 : i32
        %dma_start3A_59 = tpu.memref_slice %arg13[%mul3A_53, %dma_start3A_58] : memref<10000x128xf32, #tpu.memory_space<vmem_shared>> -> memref<624x128xf32, #tpu.memory_space<vmem_shared>>
        tpu.enqueue_dma source(%dma_start3A_59 : memref<624x128xf32, #tpu.memory_space<vmem_shared>>) target(%dma_start3A_57 : memref<624x128xf32, #tpu.memory_space<hbm>>) target_semaphore(%run_scoped3A_56 : memref<!tpu.dma_semaphore, #tpu.memory_space<semaphore_mem>>)
        %dma_wait3A = arith.constant 0 : i32
        %dma_wait3A_60 = tpu.memref_slice %arg6[%mul3A_55, %dma_wait3A] : memref<10000x128xf32, #tpu.memory_space<hbm>> -> memref<624x128xf32, #tpu.memory_space<hbm>>
        %dma_wait3A_61 = arith.constant 0 : i32
        %dma_wait3A_62 = tpu.memref_slice %arg13[%mul3A_53, %dma_wait3A_61] : memref<10000x128xf32, #tpu.memory_space<vmem_shared>> -> memref<624x128xf32, #tpu.memory_space<vmem_shared>>
        tpu.wait_dma2 semaphore(%run_scoped3A_56 : memref<!tpu.dma_semaphore, #tpu.memory_space<semaphore_mem>>) src(%dma_wait3A_62 : memref<624x128xf32, #tpu.memory_space<vmem_shared>>) dst(%dma_wait3A_60 : memref<624x128xf32, #tpu.memory_space<hbm>>)
        tpu.yield
      }) : () -> ()
    } else {
    }
    %eq3A_44 = arith.constant 1 : i32
    %eq3A_45 = arith.cmpi eq, %arg0, %eq3A_44 : i32
    %eq3A_46 = arith.constant 15 : i32
    %eq3A_47 = arith.cmpi eq, %arg1, %eq3A_46 : i32
    %and3A_48 = arith.andi %eq3A_45, %eq3A_47 : i1
    %convert_element_type3A_49 = arith.extui %and3A_48 : i1 to i32
    %cond3A_50 = arith.constant 0 : i32
    %cond3A_51 = arith.cmpi ne, %convert_element_type3A_49, %cond3A_50 : i32
    scf.if %cond3A_51 {
      "tpu.region"() ({
        %run_scoped3A_52 = tpu.sem_alloc : memref<!tpu.dma_semaphore, #tpu.memory_space<semaphore_mem>>
        %dma_start3A = arith.constant 9360 : i32
        %dma_start3A_53 = arith.constant 0 : i32
        %dma_start3A_54 = tpu.memref_slice %arg6[%dma_start3A, %dma_start3A_53] : memref<10000x128xf32, #tpu.memory_space<hbm>> -> memref<640x128xf32, #tpu.memory_space<hbm>>
        %dma_start3A_55 = arith.constant 9360 : i32
        %dma_start3A_56 = arith.constant 0 : i32
        %dma_start3A_57 = tpu.memref_slice %arg13[%dma_start3A_55, %dma_start3A_56] : memref<10000x128xf32, #tpu.memory_space<vmem_shared>> -> memref<640x128xf32, #tpu.memory_space<vmem_shared>>
        tpu.enqueue_dma source(%dma_start3A_57 : memref<640x128xf32, #tpu.memory_space<vmem_shared>>) target(%dma_start3A_54 : memref<640x128xf32, #tpu.memory_space<hbm>>) target_semaphore(%run_scoped3A_52 : memref<!tpu.dma_semaphore, #tpu.memory_space<semaphore_mem>>)
        %dma_wait3A = arith.constant 9360 : i32
        %dma_wait3A_58 = arith.constant 0 : i32
        %dma_wait3A_59 = tpu.memref_slice %arg6[%dma_wait3A, %dma_wait3A_58] : memref<10000x128xf32, #tpu.memory_space<hbm>> -> memref<640x128xf32, #tpu.memory_space<hbm>>
        %dma_wait3A_60 = arith.constant 9360 : i32
        %dma_wait3A_61 = arith.constant 0 : i32
        %dma_wait3A_62 = tpu.memref_slice %arg13[%dma_wait3A_60, %dma_wait3A_61] : memref<10000x128xf32, #tpu.memory_space<vmem_shared>> -> memref<640x128xf32, #tpu.memory_space<vmem_shared>>
        tpu.wait_dma2 semaphore(%run_scoped3A_52 : memref<!tpu.dma_semaphore, #tpu.memory_space<semaphore_mem>>) src(%dma_wait3A_62 : memref<640x128xf32, #tpu.memory_space<vmem_shared>>) dst(%dma_wait3A_59 : memref<640x128xf32, #tpu.memory_space<hbm>>)
        tpu.yield
      }) : () -> ()
    } else {
    }
    return
  }
}

#map = affine_map<(d0, d1) -> (0, 0)>
#map1 = affine_map<(d0, d1) -> (0, 0, 0)>
module attributes {stable_mosaic.version = 14 : i64} {
  func.func @_seg_body(%arg0: i32, %arg1: i32, %arg2: memref<10000x128xf32, #tpu.memory_space<hbm>>, %arg3: memref<10000x128xf32, #tpu.memory_space<hbm>>, %arg4: memref<16x125x80xi32, #tpu.memory_space<hbm>>, %arg5: memref<10000x128xf32, #tpu.memory_space<hbm>>, %arg6: memref<10000x128xf32, #tpu.memory_space<hbm>>, %arg7: memref<125x80xi32, #tpu.memory_space<vmem>>, %arg8: memref<80xi32, #tpu.memory_space<vmem>>, %arg9: memref<80xi32, #tpu.memory_space<vmem>>, %arg10: memref<80xi32, #tpu.memory_space<vmem>>, %arg11: memref<80xi32, #tpu.memory_space<vmem>>, %arg12: memref<2x80x128xf32, #tpu.memory_space<vmem>>, %arg13: memref<10000x128xf32, #tpu.memory_space<vmem_shared>>, %arg14: memref<!tpu.dma_semaphore, #tpu.memory_space<semaphore_mem>>, %arg15: memref<!tpu.dma_semaphore, #tpu.memory_space<semaphore_mem>>, %arg16: memref<!tpu.dma_semaphore, #tpu.memory_space<semaphore_mem>>) attributes {dimension_semantics = [#tpu.dimension_semantics<core_parallel>, #tpu.dimension_semantics<subcore_parallel>], iteration_bounds = array<i64: 2, 16>, scalar_prefetch = 0 : i64, scratch_operands = 10 : i64, tpu.core_type = #tpu.core_type<sc_vector_subcore>, window_params = [{transform_indices = #map}, {transform_indices = #map}, {transform_indices = #map1}, {transform_indices = #map}, {transform_indices = #map}]} {
    %broadcast_in_dim3A = arith.constant 0.000000e+00 : f32
    %broadcast_in_dim3A_0 = vector.broadcast %broadcast_in_dim3A : f32 to vector<16xf32>
    %scan3A = arith.constant 0 : i32
    %scan3A_1 = arith.constant 0 : i32
    %scan3A_2 = arith.constant 640 : i32
    %scan3A_3 = arith.addi %scan3A_1, %scan3A_2 : i32
    %scan3A_4 = arith.constant 1 : i32
    scf.for %scan3A_52 = %scan3A_1 to %scan3A_3 step %scan3A_4  : i32 {
      %jit3A = arith.constant 8 : i32
      %div3A = arith.divsi %scan3A_52, %jit3A : i32
      %sign3A = arith.constant 0 : i32
      %sign3A_53 = arith.cmpi sgt, %scan3A_52, %sign3A : i32
      %sign3A_54 = arith.extui %sign3A_53 : i1 to i32
      %sign3A_55 = arith.constant 0 : i32
      %sign3A_56 = arith.cmpi slt, %scan3A_52, %sign3A_55 : i32
      %sign3A_57 = arith.extui %sign3A_56 : i1 to i32
      %sign3A_58 = arith.subi %sign3A_54, %sign3A_57 : i32
      %sign3A_59 = arith.constant 0 : i32
      %sign3A_60 = arith.cmpi sgt, %jit3A, %sign3A_59 : i32
      %sign3A_61 = arith.extui %sign3A_60 : i1 to i32
      %sign3A_62 = arith.constant 0 : i32
      %sign3A_63 = arith.cmpi slt, %jit3A, %sign3A_62 : i32
      %sign3A_64 = arith.extui %sign3A_63 : i1 to i32
      %sign3A_65 = arith.subi %sign3A_61, %sign3A_64 : i32
      %ne3A = arith.cmpi ne, %sign3A_58, %sign3A_65 : i32
      %rem3A = arith.remsi %scan3A_52, %jit3A : i32
      %ne3A_66 = arith.constant 0 : i32
      %ne3A_67 = arith.cmpi ne, %rem3A, %ne3A_66 : i32
      %and3A_68 = arith.andi %ne3A, %ne3A_67 : i1
      %sub3A = arith.constant 1 : i32
      %sub3A_69 = arith.subi %div3A, %sub3A : i32
      %select_n3A = arith.select %and3A_68, %sub3A_69, %div3A : i32
      %jit3A_70 = arith.constant 8 : i32
      %eq3A_71 = arith.constant 0 : i32
      %eq3A_72 = arith.cmpi eq, %jit3A_70, %eq3A_71 : i32
      %jit3A_73 = arith.constant 1 : i32
      %select_n3A_74 = arith.select %eq3A_72, %jit3A_73, %jit3A_70 : i32
      %rem3A_75 = arith.remsi %scan3A_52, %select_n3A_74 : i32
      %ne3A_76 = arith.constant 0 : i32
      %ne3A_77 = arith.cmpi ne, %rem3A_75, %ne3A_76 : i32
      %lt3A_78 = arith.constant 0 : i32
      %lt3A_79 = arith.cmpi slt, %rem3A_75, %lt3A_78 : i32
      %lt3A_80 = arith.constant 0 : i32
      %lt3A_81 = arith.cmpi slt, %select_n3A_74, %lt3A_80 : i32
      %ne3A_82 = arith.xori %lt3A_79, %lt3A_81 : i1
      %and3A_83 = arith.andi %ne3A_82, %ne3A_77 : i1
      %add3A_84 = arith.addi %rem3A_75, %select_n3A_74 : i32
      %select_n3A_85 = arith.select %and3A_83, %add3A_84, %rem3A_75 : i32
      %mul3A_86 = arith.constant 16 : i32
      %mul3A_87 = arith.muli %select_n3A_85, %mul3A_86 : i32
      %swap3A = arith.constant 0 : i32
      %swap3A_88 = arith.index_cast %swap3A : i32 to index
      %swap3A_89 = arith.index_cast %select_n3A : i32 to index
      %swap3A_90 = arith.index_cast %mul3A_87 : i32 to index
      %swap3A_91 = tpu.vector_load %arg12[%swap3A_88, %swap3A_89, %swap3A_90] {strides = array<i32>} : memref<2x80x128xf32, #tpu.memory_space<vmem>>, vector<1x1x16xf32>,
      %swap3A_92 = vector.shape_cast %swap3A_91 : vector<1x1x16xf32> to vector<16xf32>
      %swap3A_93 = vector.shape_cast %broadcast_in_dim3A_0 : vector<16xf32> to vector<1x1x16xf32>
      tpu.vector_store %arg12[%swap3A_88, %swap3A_89, %swap3A_90], %swap3A_93 {strides = array<i32>} : memref<2x80x128xf32, #tpu.memory_space<vmem>>, vector<1x1x16xf32>,
    }
    %scan3A_5 = arith.constant 640 : i32
    %scan3A_6 = arith.constant 0 : i32
    %scan3A_7 = arith.constant 0 : i32
    %scan3A_8 = arith.constant 7 : i32
    %scan3A_9 = arith.addi %scan3A_7, %scan3A_8 : i32
    %scan3A_10 = arith.constant 1 : i32
    scf.for %scan3A_52 = %scan3A_7 to %scan3A_9 step %scan3A_10  : i32 {
      %mul3A_53 = arith.constant 625 : i32
      %mul3A_54 = arith.muli %arg1, %mul3A_53 : i32
      %mul3A_55 = arith.constant 80 : i32
      %mul3A_56 = arith.muli %scan3A_52, %mul3A_55 : i32
      %add3A_57 = arith.addi %mul3A_54, %mul3A_56 : i32
      %run_scoped3A_58 = arith.constant 0 : i32
      "tpu.region"() ({
        %run_scoped3A_59 = tpu.sem_alloc : memref<!tpu.dma_semaphore, #tpu.memory_space<semaphore_mem>>
        %dma_start3A = arith.constant 0 : i32
        %dma_start3A_60 = arith.constant 0 : i32
        %dma_start3A_61 = tpu.memref_slice %arg12[%run_scoped3A_58, %dma_start3A, %dma_start3A_60] : memref<2x80x128xf32, #tpu.memory_space<vmem>> -> memref<1x80x128xf32, #tpu.memory_space<vmem>>
        %dma_start3A_62 = tpu.memref_squeeze %dma_start3A_61 : memref<1x80x128xf32, #tpu.memory_space<vmem>> -> memref<80x128xf32, #tpu.memory_space<vmem>>
        %dma_start3A_63 = arith.constant 0 : i32
        %dma_start3A_64 = tpu.memref_slice %arg13[%add3A_57, %dma_start3A_63] : memref<10000x128xf32, #tpu.memory_space<vmem_shared>> -> memref<80x128xf32, #tpu.memory_space<vmem_shared>>
        %dma_start3A_65 = arith.constant 0 : i32
        %dma_start3A_66 = tpu.memref_slice %arg13[%add3A_57, %dma_start3A_65] : memref<10000x128xf32, #tpu.memory_space<vmem_shared>> -> memref<80x128xf32, #tpu.memory_space<vmem_shared>>
        %dma_start3A_67 = arith.constant 0 : i32
        %dma_start3A_68 = arith.constant 0 : i32
        %dma_start3A_69 = tpu.memref_slice %arg12[%run_scoped3A_58, %dma_start3A_67, %dma_start3A_68] : memref<2x80x128xf32, #tpu.memory_space<vmem>> -> memref<1x80x128xf32, #tpu.memory_space<vmem>>
        %dma_start3A_70 = tpu.memref_squeeze %dma_start3A_69 : memref<1x80x128xf32, #tpu.memory_space<vmem>> -> memref<80x128xf32, #tpu.memory_space<vmem>>
        tpu.enqueue_dma source(%dma_start3A_70 : memref<80x128xf32, #tpu.memory_space<vmem>>) target(%dma_start3A_66 : memref<80x128xf32, #tpu.memory_space<vmem_shared>>) target_semaphore(%run_scoped3A_59 : memref<!tpu.dma_semaphore, #tpu.memory_space<semaphore_mem>>)
        %dma_wait3A = arith.constant 0 : i32
        %dma_wait3A_71 = arith.constant 0 : i32
        %dma_wait3A_72 = tpu.memref_slice %arg12[%run_scoped3A_58, %dma_wait3A, %dma_wait3A_71] : memref<2x80x128xf32, #tpu.memory_space<vmem>> -> memref<1x80x128xf32, #tpu.memory_space<vmem>>
        %dma_wait3A_73 = tpu.memref_squeeze %dma_wait3A_72 : memref<1x80x128xf32, #tpu.memory_space<vmem>> -> memref<80x128xf32, #tpu.memory_space<vmem>>
        %dma_wait3A_74 = arith.constant 0 : i32
        %dma_wait3A_75 = tpu.memref_slice %arg13[%add3A_57, %dma_wait3A_74] : memref<10000x128xf32, #tpu.memory_space<vmem_shared>> -> memref<80x128xf32, #tpu.memory_space<vmem_shared>>
        %dma_wait3A_76 = arith.constant 0 : i32
        %dma_wait3A_77 = tpu.memref_slice %arg13[%add3A_57, %dma_wait3A_76] : memref<10000x128xf32, #tpu.memory_space<vmem_shared>> -> memref<80x128xf32, #tpu.memory_space<vmem_shared>>
        %dma_wait3A_78 = arith.constant 0 : i32
        %dma_wait3A_79 = arith.constant 0 : i32
        %dma_wait3A_80 = tpu.memref_slice %arg12[%run_scoped3A_58, %dma_wait3A_78, %dma_wait3A_79] : memref<2x80x128xf32, #tpu.memory_space<vmem>> -> memref<1x80x128xf32, #tpu.memory_space<vmem>>
        %dma_wait3A_81 = tpu.memref_squeeze %dma_wait3A_80 : memref<1x80x128xf32, #tpu.memory_space<vmem>> -> memref<80x128xf32, #tpu.memory_space<vmem>>
        tpu.wait_dma2 semaphore(%run_scoped3A_59 : memref<!tpu.dma_semaphore, #tpu.memory_space<semaphore_mem>>) src(%dma_wait3A_81 : memref<80x128xf32, #tpu.memory_space<vmem>>) dst(%dma_wait3A_77 : memref<80x128xf32, #tpu.memory_space<vmem_shared>>)
        tpu.yield
      }) : () -> ()
    }
    %scan3A_11 = arith.constant 7 : i32
    %mul3A = arith.constant 625 : i32
    %mul3A_12 = arith.muli %arg1, %mul3A : i32
    %add3A = arith.constant 560 : i32
    %add3A_13 = arith.addi %mul3A_12, %add3A : i32
    %run_scoped3A = arith.constant 0 : i32
    "tpu.region"() ({
      %run_scoped3A_52 = tpu.sem_alloc : memref<!tpu.dma_semaphore, #tpu.memory_space<semaphore_mem>>
      %dma_start3A = arith.constant 0 : i32
      %dma_start3A_53 = arith.constant 0 : i32
      %dma_start3A_54 = tpu.memref_slice %arg12[%run_scoped3A, %dma_start3A, %dma_start3A_53] : memref<2x80x128xf32, #tpu.memory_space<vmem>> -> memref<1x65x128xf32, #tpu.memory_space<vmem>>
      %dma_start3A_55 = tpu.memref_squeeze %dma_start3A_54 : memref<1x65x128xf32, #tpu.memory_space<vmem>> -> memref<65x128xf32, #tpu.memory_space<vmem>>
      %dma_start3A_56 = arith.constant 0 : i32
      %dma_start3A_57 = tpu.memref_slice %arg13[%add3A_13, %dma_start3A_56] : memref<10000x128xf32, #tpu.memory_space<vmem_shared>> -> memref<65x128xf32, #tpu.memory_space<vmem_shared>>
      %dma_start3A_58 = arith.constant 0 : i32
      %dma_start3A_59 = tpu.memref_slice %arg13[%add3A_13, %dma_start3A_58] : memref<10000x128xf32, #tpu.memory_space<vmem_shared>> -> memref<65x128xf32, #tpu.memory_space<vmem_shared>>
      %dma_start3A_60 = arith.constant 0 : i32
      %dma_start3A_61 = arith.constant 0 : i32
      %dma_start3A_62 = tpu.memref_slice %arg12[%run_scoped3A, %dma_start3A_60, %dma_start3A_61] : memref<2x80x128xf32, #tpu.memory_space<vmem>> -> memref<1x65x128xf32, #tpu.memory_space<vmem>>
      %dma_start3A_63 = tpu.memref_squeeze %dma_start3A_62 : memref<1x65x128xf32, #tpu.memory_space<vmem>> -> memref<65x128xf32, #tpu.memory_space<vmem>>
      tpu.enqueue_dma source(%dma_start3A_63 : memref<65x128xf32, #tpu.memory_space<vmem>>) target(%dma_start3A_59 : memref<65x128xf32, #tpu.memory_space<vmem_shared>>) target_semaphore(%run_scoped3A_52 : memref<!tpu.dma_semaphore, #tpu.memory_space<semaphore_mem>>)
      %dma_wait3A = arith.constant 0 : i32
      %dma_wait3A_64 = arith.constant 0 : i32
      %dma_wait3A_65 = tpu.memref_slice %arg12[%run_scoped3A, %dma_wait3A, %dma_wait3A_64] : memref<2x80x128xf32, #tpu.memory_space<vmem>> -> memref<1x65x128xf32, #tpu.memory_space<vmem>>
      %dma_wait3A_66 = tpu.memref_squeeze %dma_wait3A_65 : memref<1x65x128xf32, #tpu.memory_space<vmem>> -> memref<65x128xf32, #tpu.memory_space<vmem>>
      %dma_wait3A_67 = arith.constant 0 : i32
      %dma_wait3A_68 = tpu.memref_slice %arg13[%add3A_13, %dma_wait3A_67] : memref<10000x128xf32, #tpu.memory_space<vmem_shared>> -> memref<65x128xf32, #tpu.memory_space<vmem_shared>>
      %dma_wait3A_69 = arith.constant 0 : i32
      %dma_wait3A_70 = tpu.memref_slice %arg13[%add3A_13, %dma_wait3A_69] : memref<10000x128xf32, #tpu.memory_space<vmem_shared>> -> memref<65x128xf32, #tpu.memory_space<vmem_shared>>
      %dma_wait3A_71 = arith.constant 0 : i32
      %dma_wait3A_72 = arith.constant 0 : i32
      %dma_wait3A_73 = tpu.memref_slice %arg12[%run_scoped3A, %dma_wait3A_71, %dma_wait3A_72] : memref<2x80x128xf32, #tpu.memory_space<vmem>> -> memref<1x65x128xf32, #tpu.memory_space<vmem>>
      %dma_wait3A_74 = tpu.memref_squeeze %dma_wait3A_73 : memref<1x65x128xf32, #tpu.memory_space<vmem>> -> memref<65x128xf32, #tpu.memory_space<vmem>>
      tpu.wait_dma2 semaphore(%run_scoped3A_52 : memref<!tpu.dma_semaphore, #tpu.memory_space<semaphore_mem>>) src(%dma_wait3A_74 : memref<65x128xf32, #tpu.memory_space<vmem>>) dst(%dma_wait3A_70 : memref<65x128xf32, #tpu.memory_space<vmem_shared>>)
      tpu.yield
    }) : () -> ()
    "tpu.region"() ({
      %run_scoped3A_52 = tpu.sem_alloc : memref<!tpu.dma_semaphore, #tpu.memory_space<semaphore_mem>>
      %dma_start3A = arith.constant 0 : i32
      %dma_start3A_53 = arith.constant 0 : i32
      %dma_start3A_54 = tpu.memref_slice %arg4[%arg1, %dma_start3A, %dma_start3A_53] : memref<16x125x80xi32, #tpu.memory_space<hbm>> -> memref<1x125x80xi32, #tpu.memory_space<hbm>>
      %dma_start3A_55 = tpu.memref_squeeze %dma_start3A_54 : memref<1x125x80xi32, #tpu.memory_space<hbm>> -> memref<125x80xi32, #tpu.memory_space<hbm>>
      %dma_start3A_56 = arith.constant 0 : i32
      %dma_start3A_57 = arith.constant 0 : i32
      %dma_start3A_58 = tpu.memref_slice %arg4[%arg1, %dma_start3A_56, %dma_start3A_57] : memref<16x125x80xi32, #tpu.memory_space<hbm>> -> memref<1x125x80xi32, #tpu.memory_space<hbm>>
      %dma_start3A_59 = tpu.memref_squeeze %dma_start3A_58 : memref<1x125x80xi32, #tpu.memory_space<hbm>> -> memref<125x80xi32, #tpu.memory_space<hbm>>
      tpu.enqueue_dma source(%dma_start3A_59 : memref<125x80xi32, #tpu.memory_space<hbm>>) target(%arg7 : memref<125x80xi32, #tpu.memory_space<vmem>>) target_semaphore(%run_scoped3A_52 : memref<!tpu.dma_semaphore, #tpu.memory_space<semaphore_mem>>)
      %dma_wait3A = arith.constant 0 : i32
      %dma_wait3A_60 = arith.constant 0 : i32
      %dma_wait3A_61 = tpu.memref_slice %arg4[%arg1, %dma_wait3A, %dma_wait3A_60] : memref<16x125x80xi32, #tpu.memory_space<hbm>> -> memref<1x125x80xi32, #tpu.memory_space<hbm>>
      %dma_wait3A_62 = tpu.memref_squeeze %dma_wait3A_61 : memref<1x125x80xi32, #tpu.memory_space<hbm>> -> memref<125x80xi32, #tpu.memory_space<hbm>>
      %dma_wait3A_63 = arith.constant 0 : i32
      %dma_wait3A_64 = arith.constant 0 : i32
      %dma_wait3A_65 = tpu.memref_slice %arg4[%arg1, %dma_wait3A_63, %dma_wait3A_64] : memref<16x125x80xi32, #tpu.memory_space<hbm>> -> memref<1x125x80xi32, #tpu.memory_space<hbm>>
      %dma_wait3A_66 = tpu.memref_squeeze %dma_wait3A_65 : memref<1x125x80xi32, #tpu.memory_space<hbm>> -> memref<125x80xi32, #tpu.memory_space<hbm>>
      tpu.wait_dma2 semaphore(%run_scoped3A_52 : memref<!tpu.dma_semaphore, #tpu.memory_space<semaphore_mem>>) src(%dma_wait3A_66 : memref<125x80xi32, #tpu.memory_space<hbm>>) dst(%arg7 : memref<125x80xi32, #tpu.memory_space<vmem>>)
      tpu.yield
    }) : () -> ()
    %barrier3A = arith.constant 0 : index
    tpu.barrier barrier_id(%barrier3A)
    %eq3A = arith.constant 0 : i32
    %eq3A_14 = arith.cmpi eq, %arg0, %eq3A : i32
    %convert_element_type3A = arith.extui %eq3A_14 : i1 to i32
    %cond3A = arith.constant 0 : i32
    %cond3A_15 = arith.cmpi ne, %convert_element_type3A, %cond3A : i32
    scf.if %cond3A_15 {
      %scan3A_52 = arith.constant 0 : i32
      %scan3A_53 = arith.constant 0 : i32
      %scan3A_54 = arith.constant 125 : i32
      %scan3A_55 = arith.addi %scan3A_53, %scan3A_54 : i32
      %scan3A_56 = arith.constant 1 : i32
      scf.for %scan3A_58 = %scan3A_53 to %scan3A_55 step %scan3A_56  : i32 {
        %scan3A_59 = arith.constant 0 : i32
        %scan3A_60 = arith.constant 0 : i32
        %scan3A_61 = arith.constant 5 : i32
        %scan3A_62 = arith.addi %scan3A_60, %scan3A_61 : i32
        %scan3A_63 = arith.constant 1 : i32
        scf.for %scan3A_80 = %scan3A_60 to %scan3A_62 step %scan3A_63  : i32 {
          %mul3A_81 = arith.constant 16 : i32
          %mul3A_82 = arith.muli %scan3A_80, %mul3A_81 : i32
          %get3A = arith.index_cast %scan3A_58 : i32 to index
          %get3A_83 = arith.index_cast %mul3A_82 : i32 to index
          %get3A_84 = tpu.vector_load %arg7[%get3A, %get3A_83] {strides = array<i32>} : memref<125x80xi32, #tpu.memory_space<vmem>>, vector<1x16xi32>,
          %get3A_85 = vector.shape_cast %get3A_84 : vector<1x16xi32> to vector<16xi32>
          %shift_right_logical3A = arith.constant 14 : i32
          %shift_right_logical3A_86 = vector.broadcast %shift_right_logical3A : i32 to vector<16xi32>
          %shift_right_logical3A_87 = arith.shrui %get3A_85, %shift_right_logical3A_86 : vector<16xi32>
          %mul3A_88 = arith.constant 16 : i32
          %mul3A_89 = arith.muli %scan3A_80, %mul3A_88 : i32
          %swap3A = arith.index_cast %mul3A_89 : i32 to index
          %swap3A_90 = tpu.vector_load %arg8[%swap3A] {strides = array<i32>} : memref<80xi32, #tpu.memory_space<vmem>>, vector<16xi32>,
          %swap3A_91 = vector.shape_cast %swap3A_90 : vector<16xi32> to vector<16xi32>
          %swap3A_92 = vector.shape_cast %shift_right_logical3A_87 : vector<16xi32> to vector<16xi32>
          tpu.vector_store %arg8[%swap3A], %swap3A_92 {strides = array<i32>} : memref<80xi32, #tpu.memory_space<vmem>>, vector<16xi32>,
          %and3A_93 = arith.constant 16383 : i32
          %and3A_94 = vector.broadcast %and3A_93 : i32 to vector<16xi32>
          %and3A_95 = arith.andi %get3A_85, %and3A_94 : vector<16xi32>
          %mul3A_96 = arith.constant 16 : i32
          %mul3A_97 = arith.muli %scan3A_80, %mul3A_96 : i32
          %swap3A_98 = arith.index_cast %mul3A_97 : i32 to index
          %swap3A_99 = tpu.vector_load %arg9[%swap3A_98] {strides = array<i32>} : memref<80xi32, #tpu.memory_space<vmem>>, vector<16xi32>,
          %swap3A_100 = vector.shape_cast %swap3A_99 : vector<16xi32> to vector<16xi32>
          %swap3A_101 = vector.shape_cast %and3A_95 : vector<16xi32> to vector<16xi32>
          tpu.vector_store %arg9[%swap3A_98], %swap3A_101 {strides = array<i32>} : memref<80xi32, #tpu.memory_space<vmem>>, vector<16xi32>,
        }
        %scan3A_64 = arith.constant 5 : i32
        %dma_start3A = arith.constant 0 : i32
        %dma_start3A_65 = arith.constant 0 : i32
        %dma_start3A_66 = arith.constant 0 : i32
        %dma_start3A_67 = tpu.memref_slice %arg12[%dma_start3A, %dma_start3A_65, %dma_start3A_66] : memref<2x80x128xf32, #tpu.memory_space<vmem>> -> memref<1x80x128xf32, #tpu.memory_space<vmem>>
        %dma_start3A_68 = tpu.memref_squeeze %dma_start3A_67 : memref<1x80x128xf32, #tpu.memory_space<vmem>> -> memref<80x128xf32, #tpu.memory_space<vmem>>
        %dma_start3A_69 = arith.constant 0 : i32
        %dma_start3A_70 = arith.constant 0 : i32
        %dma_start3A_71 = tpu.memref_slice %arg2[%dma_start3A_69, %dma_start3A_70] : memref<10000x128xf32, #tpu.memory_space<hbm>> -> memref<10000x128xf32, #tpu.memory_space<hbm>>
        tpu.enqueue_indirect_dma source(%dma_start3A_71 : memref<10000x128xf32, #tpu.memory_space<hbm>>) target(%dma_start3A_68 : memref<80x128xf32, #tpu.memory_space<vmem>>) offsets(%arg8 : memref<80xi32, #tpu.memory_space<vmem>>) semaphore(%arg14 : memref<!tpu.dma_semaphore, #tpu.memory_space<semaphore_mem>>)
        %dma_wait3A = arith.constant 0 : i32
        %dma_wait3A_72 = arith.constant 0 : i32
        %dma_wait3A_73 = arith.constant 0 : i32
        %dma_wait3A_74 = tpu.memref_slice %arg12[%dma_wait3A, %dma_wait3A_72, %dma_wait3A_73] : memref<2x80x128xf32, #tpu.memory_space<vmem>> -> memref<1x80x128xf32, #tpu.memory_space<vmem>>
        %dma_wait3A_75 = tpu.memref_squeeze %dma_wait3A_74 : memref<1x80x128xf32, #tpu.memory_space<vmem>> -> memref<80x128xf32, #tpu.memory_space<vmem>>
        %dma_wait3A_76 = arith.constant 0 : i32
        %dma_wait3A_77 = arith.constant 0 : i32
        %dma_wait3A_78 = tpu.memref_slice %arg2[%dma_wait3A_76, %dma_wait3A_77] : memref<10000x128xf32, #tpu.memory_space<hbm>> -> memref<10000x128xf32, #tpu.memory_space<hbm>>
        tpu.wait_indirect_dma semaphore(%arg14 : memref<!tpu.dma_semaphore, #tpu.memory_space<semaphore_mem>>) src(%dma_wait3A_78 : memref<10000x128xf32, #tpu.memory_space<hbm>>) dst(%dma_wait3A_75 : memref<80x128xf32, #tpu.memory_space<vmem>>)
        %run_scoped3A_79 = arith.constant 0 : i32
        "tpu.region"() ({
          %run_scoped3A_80 = tpu.sem_alloc : memref<!tpu.dma_semaphore, #tpu.memory_space<semaphore_mem>>
          %dma_start3A_81 = arith.constant 0 : i32
          %dma_start3A_82 = arith.constant 0 : i32
          %dma_start3A_83 = tpu.memref_slice %arg12[%run_scoped3A_79, %dma_start3A_81, %dma_start3A_82] : memref<2x80x128xf32, #tpu.memory_space<vmem>> -> memref<1x80x128xf32, #tpu.memory_space<vmem>>
          %dma_start3A_84 = tpu.memref_squeeze %dma_start3A_83 : memref<1x80x128xf32, #tpu.memory_space<vmem>> -> memref<80x128xf32, #tpu.memory_space<vmem>>
          %dma_start3A_85 = arith.constant 0 : i32
          %dma_start3A_86 = arith.constant 0 : i32
          %dma_start3A_87 = tpu.memref_slice %arg13[%dma_start3A_85, %dma_start3A_86] : memref<10000x128xf32, #tpu.memory_space<vmem_shared>> -> memref<10000x128xf32, #tpu.memory_space<vmem_shared>>
          tpu.enqueue_indirect_dma source(%dma_start3A_84 : memref<80x128xf32, #tpu.memory_space<vmem>>) target(%dma_start3A_87 : memref<10000x128xf32, #tpu.memory_space<vmem_shared>>) offsets(%arg9 : memref<80xi32, #tpu.memory_space<vmem>>) semaphore(%run_scoped3A_80 : memref<!tpu.dma_semaphore, #tpu.memory_space<semaphore_mem>>) {add = true}
          %dma_wait3A_88 = arith.constant 0 : i32
          %dma_wait3A_89 = arith.constant 0 : i32
          %dma_wait3A_90 = tpu.memref_slice %arg12[%run_scoped3A_79, %dma_wait3A_88, %dma_wait3A_89] : memref<2x80x128xf32, #tpu.memory_space<vmem>> -> memref<1x80x128xf32, #tpu.memory_space<vmem>>
          %dma_wait3A_91 = tpu.memref_squeeze %dma_wait3A_90 : memref<1x80x128xf32, #tpu.memory_space<vmem>> -> memref<80x128xf32, #tpu.memory_space<vmem>>
          %dma_wait3A_92 = arith.constant 0 : i32
          %dma_wait3A_93 = arith.constant 0 : i32
          %dma_wait3A_94 = tpu.memref_slice %arg13[%dma_wait3A_92, %dma_wait3A_93] : memref<10000x128xf32, #tpu.memory_space<vmem_shared>> -> memref<10000x128xf32, #tpu.memory_space<vmem_shared>>
          tpu.wait_indirect_dma semaphore(%run_scoped3A_80 : memref<!tpu.dma_semaphore, #tpu.memory_space<semaphore_mem>>) src(%dma_wait3A_91 : memref<80x128xf32, #tpu.memory_space<vmem>>) dst(%dma_wait3A_94 : memref<10000x128xf32, #tpu.memory_space<vmem_shared>>)
          tpu.yield
        }) : () -> ()
      }
      %scan3A_57 = arith.constant 125 : i32
    } else {
    }
    %eq3A_16 = arith.constant 1 : i32
    %eq3A_17 = arith.cmpi eq, %arg0, %eq3A_16 : i32
    %convert_element_type3A_18 = arith.extui %eq3A_17 : i1 to i32
    %cond3A_19 = arith.constant 0 : i32
    %cond3A_20 = arith.cmpi ne, %convert_element_type3A_18, %cond3A_19 : i32
    scf.if %cond3A_20 {
      %scan3A_52 = arith.constant 0 : i32
      %scan3A_53 = arith.constant 0 : i32
      %scan3A_54 = arith.constant 125 : i32
      %scan3A_55 = arith.addi %scan3A_53, %scan3A_54 : i32
      %scan3A_56 = arith.constant 1 : i32
      scf.for %scan3A_58 = %scan3A_53 to %scan3A_55 step %scan3A_56  : i32 {
        %scan3A_59 = arith.constant 0 : i32
        %scan3A_60 = arith.constant 0 : i32
        %scan3A_61 = arith.constant 5 : i32
        %scan3A_62 = arith.addi %scan3A_60, %scan3A_61 : i32
        %scan3A_63 = arith.constant 1 : i32
        scf.for %scan3A_80 = %scan3A_60 to %scan3A_62 step %scan3A_63  : i32 {
          %mul3A_81 = arith.constant 16 : i32
          %mul3A_82 = arith.muli %scan3A_80, %mul3A_81 : i32
          %get3A = arith.index_cast %scan3A_58 : i32 to index
          %get3A_83 = arith.index_cast %mul3A_82 : i32 to index
          %get3A_84 = tpu.vector_load %arg7[%get3A, %get3A_83] {strides = array<i32>} : memref<125x80xi32, #tpu.memory_space<vmem>>, vector<1x16xi32>,
          %get3A_85 = vector.shape_cast %get3A_84 : vector<1x16xi32> to vector<16xi32>
          %shift_right_logical3A = arith.constant 14 : i32
          %shift_right_logical3A_86 = vector.broadcast %shift_right_logical3A : i32 to vector<16xi32>
          %shift_right_logical3A_87 = arith.shrui %get3A_85, %shift_right_logical3A_86 : vector<16xi32>
          %mul3A_88 = arith.constant 16 : i32
          %mul3A_89 = arith.muli %scan3A_80, %mul3A_88 : i32
          %swap3A = arith.index_cast %mul3A_89 : i32 to index
          %swap3A_90 = tpu.vector_load %arg8[%swap3A] {strides = array<i32>} : memref<80xi32, #tpu.memory_space<vmem>>, vector<16xi32>,
          %swap3A_91 = vector.shape_cast %swap3A_90 : vector<16xi32> to vector<16xi32>
          %swap3A_92 = vector.shape_cast %shift_right_logical3A_87 : vector<16xi32> to vector<16xi32>
          tpu.vector_store %arg8[%swap3A], %swap3A_92 {strides = array<i32>} : memref<80xi32, #tpu.memory_space<vmem>>, vector<16xi32>,
          %and3A_93 = arith.constant 16383 : i32
          %and3A_94 = vector.broadcast %and3A_93 : i32 to vector<16xi32>
          %and3A_95 = arith.andi %get3A_85, %and3A_94 : vector<16xi32>
          %mul3A_96 = arith.constant 16 : i32
          %mul3A_97 = arith.muli %scan3A_80, %mul3A_96 : i32
          %swap3A_98 = arith.index_cast %mul3A_97 : i32 to index
          %swap3A_99 = tpu.vector_load %arg9[%swap3A_98] {strides = array<i32>} : memref<80xi32, #tpu.memory_space<vmem>>, vector<16xi32>,
          %swap3A_100 = vector.shape_cast %swap3A_99 : vector<16xi32> to vector<16xi32>
          %swap3A_101 = vector.shape_cast %and3A_95 : vector<16xi32> to vector<16xi32>
          tpu.vector_store %arg9[%swap3A_98], %swap3A_101 {strides = array<i32>} : memref<80xi32, #tpu.memory_space<vmem>>, vector<16xi32>,
        }
        %scan3A_64 = arith.constant 5 : i32
        %dma_start3A = arith.constant 0 : i32
        %dma_start3A_65 = arith.constant 0 : i32
        %dma_start3A_66 = arith.constant 0 : i32
        %dma_start3A_67 = tpu.memref_slice %arg12[%dma_start3A, %dma_start3A_65, %dma_start3A_66] : memref<2x80x128xf32, #tpu.memory_space<vmem>> -> memref<1x80x128xf32, #tpu.memory_space<vmem>>
        %dma_start3A_68 = tpu.memref_squeeze %dma_start3A_67 : memref<1x80x128xf32, #tpu.memory_space<vmem>> -> memref<80x128xf32, #tpu.memory_space<vmem>>
        %dma_start3A_69 = arith.constant 0 : i32
        %dma_start3A_70 = arith.constant 0 : i32
        %dma_start3A_71 = tpu.memref_slice %arg3[%dma_start3A_69, %dma_start3A_70] : memref<10000x128xf32, #tpu.memory_space<hbm>> -> memref<10000x128xf32, #tpu.memory_space<hbm>>
        tpu.enqueue_indirect_dma source(%dma_start3A_71 : memref<10000x128xf32, #tpu.memory_space<hbm>>) target(%dma_start3A_68 : memref<80x128xf32, #tpu.memory_space<vmem>>) offsets(%arg8 : memref<80xi32, #tpu.memory_space<vmem>>) semaphore(%arg14 : memref<!tpu.dma_semaphore, #tpu.memory_space<semaphore_mem>>)
        %dma_wait3A = arith.constant 0 : i32
        %dma_wait3A_72 = arith.constant 0 : i32
        %dma_wait3A_73 = arith.constant 0 : i32
        %dma_wait3A_74 = tpu.memref_slice %arg12[%dma_wait3A, %dma_wait3A_72, %dma_wait3A_73] : memref<2x80x128xf32, #tpu.memory_space<vmem>> -> memref<1x80x128xf32, #tpu.memory_space<vmem>>
        %dma_wait3A_75 = tpu.memref_squeeze %dma_wait3A_74 : memref<1x80x128xf32, #tpu.memory_space<vmem>> -> memref<80x128xf32, #tpu.memory_space<vmem>>
        %dma_wait3A_76 = arith.constant 0 : i32
        %dma_wait3A_77 = arith.constant 0 : i32
        %dma_wait3A_78 = tpu.memref_slice %arg3[%dma_wait3A_76, %dma_wait3A_77] : memref<10000x128xf32, #tpu.memory_space<hbm>> -> memref<10000x128xf32, #tpu.memory_space<hbm>>
        tpu.wait_indirect_dma semaphore(%arg14 : memref<!tpu.dma_semaphore, #tpu.memory_space<semaphore_mem>>) src(%dma_wait3A_78 : memref<10000x128xf32, #tpu.memory_space<hbm>>) dst(%dma_wait3A_75 : memref<80x128xf32, #tpu.memory_space<vmem>>)
        %run_scoped3A_79 = arith.constant 0 : i32
        "tpu.region"() ({
          %run_scoped3A_80 = tpu.sem_alloc : memref<!tpu.dma_semaphore, #tpu.memory_space<semaphore_mem>>
          %dma_start3A_81 = arith.constant 0 : i32
          %dma_start3A_82 = arith.constant 0 : i32
          %dma_start3A_83 = tpu.memref_slice %arg12[%run_scoped3A_79, %dma_start3A_81, %dma_start3A_82] : memref<2x80x128xf32, #tpu.memory_space<vmem>> -> memref<1x80x128xf32, #tpu.memory_space<vmem>>
          %dma_start3A_84 = tpu.memref_squeeze %dma_start3A_83 : memref<1x80x128xf32, #tpu.memory_space<vmem>> -> memref<80x128xf32, #tpu.memory_space<vmem>>
          %dma_start3A_85 = arith.constant 0 : i32
          %dma_start3A_86 = arith.constant 0 : i32
          %dma_start3A_87 = tpu.memref_slice %arg13[%dma_start3A_85, %dma_start3A_86] : memref<10000x128xf32, #tpu.memory_space<vmem_shared>> -> memref<10000x128xf32, #tpu.memory_space<vmem_shared>>
          tpu.enqueue_indirect_dma source(%dma_start3A_84 : memref<80x128xf32, #tpu.memory_space<vmem>>) target(%dma_start3A_87 : memref<10000x128xf32, #tpu.memory_space<vmem_shared>>) offsets(%arg9 : memref<80xi32, #tpu.memory_space<vmem>>) semaphore(%run_scoped3A_80 : memref<!tpu.dma_semaphore, #tpu.memory_space<semaphore_mem>>) {add = true}
          %dma_wait3A_88 = arith.constant 0 : i32
          %dma_wait3A_89 = arith.constant 0 : i32
          %dma_wait3A_90 = tpu.memref_slice %arg12[%run_scoped3A_79, %dma_wait3A_88, %dma_wait3A_89] : memref<2x80x128xf32, #tpu.memory_space<vmem>> -> memref<1x80x128xf32, #tpu.memory_space<vmem>>
          %dma_wait3A_91 = tpu.memref_squeeze %dma_wait3A_90 : memref<1x80x128xf32, #tpu.memory_space<vmem>> -> memref<80x128xf32, #tpu.memory_space<vmem>>
          %dma_wait3A_92 = arith.constant 0 : i32
          %dma_wait3A_93 = arith.constant 0 : i32
          %dma_wait3A_94 = tpu.memref_slice %arg13[%dma_wait3A_92, %dma_wait3A_93] : memref<10000x128xf32, #tpu.memory_space<vmem_shared>> -> memref<10000x128xf32, #tpu.memory_space<vmem_shared>>
          tpu.wait_indirect_dma semaphore(%run_scoped3A_80 : memref<!tpu.dma_semaphore, #tpu.memory_space<semaphore_mem>>) src(%dma_wait3A_91 : memref<80x128xf32, #tpu.memory_space<vmem>>) dst(%dma_wait3A_94 : memref<10000x128xf32, #tpu.memory_space<vmem_shared>>)
          tpu.yield
        }) : () -> ()
      }
      %scan3A_57 = arith.constant 125 : i32
    } else {
    }
    %barrier3A_21 = arith.constant 0 : index
    tpu.barrier barrier_id(%barrier3A_21)
    %eq3A_22 = arith.constant 0 : i32
    %eq3A_23 = arith.cmpi eq, %arg0, %eq3A_22 : i32
    %lt3A = arith.constant 15 : i32
    %lt3A_24 = arith.cmpi slt, %arg1, %lt3A : i32
    %and3A = arith.andi %eq3A_23, %lt3A_24 : i1
    %convert_element_type3A_25 = arith.extui %and3A : i1 to i32
    %cond3A_26 = arith.constant 0 : i32
    %cond3A_27 = arith.cmpi ne, %convert_element_type3A_25, %cond3A_26 : i32
    scf.if %cond3A_27 {
      %mul3A_52 = arith.constant 624 : i32
      %mul3A_53 = arith.muli %arg1, %mul3A_52 : i32
      %mul3A_54 = arith.constant 624 : i32
      %mul3A_55 = arith.muli %arg1, %mul3A_54 : i32
      "tpu.region"() ({
        %run_scoped3A_56 = tpu.sem_alloc : memref<!tpu.dma_semaphore, #tpu.memory_space<semaphore_mem>>
        %dma_start3A = arith.constant 0 : i32
        %dma_start3A_57 = tpu.memref_slice %arg5[%mul3A_55, %dma_start3A] : memref<10000x128xf32, #tpu.memory_space<hbm>> -> memref<624x128xf32, #tpu.memory_space<hbm>>
        %dma_start3A_58 = arith.constant 0 : i32
        %dma_start3A_59 = tpu.memref_slice %arg13[%mul3A_53, %dma_start3A_58] : memref<10000x128xf32, #tpu.memory_space<vmem_shared>> -> memref<624x128xf32, #tpu.memory_space<vmem_shared>>
        tpu.enqueue_dma source(%dma_start3A_59 : memref<624x128xf32, #tpu.memory_space<vmem_shared>>) target(%dma_start3A_57 : memref<624x128xf32, #tpu.memory_space<hbm>>) target_semaphore(%run_scoped3A_56 : memref<!tpu.dma_semaphore, #tpu.memory_space<semaphore_mem>>)
        %dma_wait3A = arith.constant 0 : i32
        %dma_wait3A_60 = tpu.memref_slice %arg5[%mul3A_55, %dma_wait3A] : memref<10000x128xf32, #tpu.memory_space<hbm>> -> memref<624x128xf32, #tpu.memory_space<hbm>>
        %dma_wait3A_61 = arith.constant 0 : i32
        %dma_wait3A_62 = tpu.memref_slice %arg13[%mul3A_53, %dma_wait3A_61] : memref<10000x128xf32, #tpu.memory_space<vmem_shared>> -> memref<624x128xf32, #tpu.memory_space<vmem_shared>>
        tpu.wait_dma2 semaphore(%run_scoped3A_56 : memref<!tpu.dma_semaphore, #tpu.memory_space<semaphore_mem>>) src(%dma_wait3A_62 : memref<624x128xf32, #tpu.memory_space<vmem_shared>>) dst(%dma_wait3A_60 : memref<624x128xf32, #tpu.memory_space<hbm>>)
        tpu.yield
      }) : () -> ()
    } else {
    }
    %eq3A_28 = arith.constant 0 : i32
    %eq3A_29 = arith.cmpi eq, %arg0, %eq3A_28 : i32
    %eq3A_30 = arith.constant 15 : i32
    %eq3A_31 = arith.cmpi eq, %arg1, %eq3A_30 : i32
    %and3A_32 = arith.andi %eq3A_29, %eq3A_31 : i1
    %convert_element_type3A_33 = arith.extui %and3A_32 : i1 to i32
    %cond3A_34 = arith.constant 0 : i32
    %cond3A_35 = arith.cmpi ne, %convert_element_type3A_33, %cond3A_34 : i32
    scf.if %cond3A_35 {
      "tpu.region"() ({
        %run_scoped3A_52 = tpu.sem_alloc : memref<!tpu.dma_semaphore, #tpu.memory_space<semaphore_mem>>
        %dma_start3A = arith.constant 9360 : i32
        %dma_start3A_53 = arith.constant 0 : i32
        %dma_start3A_54 = tpu.memref_slice %arg5[%dma_start3A, %dma_start3A_53] : memref<10000x128xf32, #tpu.memory_space<hbm>> -> memref<640x128xf32, #tpu.memory_space<hbm>>
        %dma_start3A_55 = arith.constant 9360 : i32
        %dma_start3A_56 = arith.constant 0 : i32
        %dma_start3A_57 = tpu.memref_slice %arg13[%dma_start3A_55, %dma_start3A_56] : memref<10000x128xf32, #tpu.memory_space<vmem_shared>> -> memref<640x128xf32, #tpu.memory_space<vmem_shared>>
        tpu.enqueue_dma source(%dma_start3A_57 : memref<640x128xf32, #tpu.memory_space<vmem_shared>>) target(%dma_start3A_54 : memref<640x128xf32, #tpu.memory_space<hbm>>) target_semaphore(%run_scoped3A_52 : memref<!tpu.dma_semaphore, #tpu.memory_space<semaphore_mem>>)
        %dma_wait3A = arith.constant 9360 : i32
        %dma_wait3A_58 = arith.constant 0 : i32
        %dma_wait3A_59 = tpu.memref_slice %arg5[%dma_wait3A, %dma_wait3A_58] : memref<10000x128xf32, #tpu.memory_space<hbm>> -> memref<640x128xf32, #tpu.memory_space<hbm>>
        %dma_wait3A_60 = arith.constant 9360 : i32
        %dma_wait3A_61 = arith.constant 0 : i32
        %dma_wait3A_62 = tpu.memref_slice %arg13[%dma_wait3A_60, %dma_wait3A_61] : memref<10000x128xf32, #tpu.memory_space<vmem_shared>> -> memref<640x128xf32, #tpu.memory_space<vmem_shared>>
        tpu.wait_dma2 semaphore(%run_scoped3A_52 : memref<!tpu.dma_semaphore, #tpu.memory_space<semaphore_mem>>) src(%dma_wait3A_62 : memref<640x128xf32, #tpu.memory_space<vmem_shared>>) dst(%dma_wait3A_59 : memref<640x128xf32, #tpu.memory_space<hbm>>)
        tpu.yield
      }) : () -> ()
    } else {
    }
    %eq3A_36 = arith.constant 1 : i32
    %eq3A_37 = arith.cmpi eq, %arg0, %eq3A_36 : i32
    %lt3A_38 = arith.constant 15 : i32
    %lt3A_39 = arith.cmpi slt, %arg1, %lt3A_38 : i32
    %and3A_40 = arith.andi %eq3A_37, %lt3A_39 : i1
    %convert_element_type3A_41 = arith.extui %and3A_40 : i1 to i32
    %cond3A_42 = arith.constant 0 : i32
    %cond3A_43 = arith.cmpi ne, %convert_element_type3A_41, %cond3A_42 : i32
    scf.if %cond3A_43 {
      %mul3A_52 = arith.constant 624 : i32
      %mul3A_53 = arith.muli %arg1, %mul3A_52 : i32
      %mul3A_54 = arith.constant 624 : i32
      %mul3A_55 = arith.muli %arg1, %mul3A_54 : i32
      "tpu.region"() ({
        %run_scoped3A_56 = tpu.sem_alloc : memref<!tpu.dma_semaphore, #tpu.memory_space<semaphore_mem>>
        %dma_start3A = arith.constant 0 : i32
        %dma_start3A_57 = tpu.memref_slice %arg6[%mul3A_55, %dma_start3A] : memref<10000x128xf32, #tpu.memory_space<hbm>> -> memref<624x128xf32, #tpu.memory_space<hbm>>
        %dma_start3A_58 = arith.constant 0 : i32
        %dma_start3A_59 = tpu.memref_slice %arg13[%mul3A_53, %dma_start3A_58] : memref<10000x128xf32, #tpu.memory_space<vmem_shared>> -> memref<624x128xf32, #tpu.memory_space<vmem_shared>>
        tpu.enqueue_dma source(%dma_start3A_59 : memref<624x128xf32, #tpu.memory_space<vmem_shared>>) target(%dma_start3A_57 : memref<624x128xf32, #tpu.memory_space<hbm>>) target_semaphore(%run_scoped3A_56 : memref<!tpu.dma_semaphore, #tpu.memory_space<semaphore_mem>>)
        %dma_wait3A = arith.constant 0 : i32
        %dma_wait3A_60 = tpu.memref_slice %arg6[%mul3A_55, %dma_wait3A] : memref<10000x128xf32, #tpu.memory_space<hbm>> -> memref<624x128xf32, #tpu.memory_space<hbm>>
        %dma_wait3A_61 = arith.constant 0 : i32
        %dma_wait3A_62 = tpu.memref_slice %arg13[%mul3A_53, %dma_wait3A_61] : memref<10000x128xf32, #tpu.memory_space<vmem_shared>> -> memref<624x128xf32, #tpu.memory_space<vmem_shared>>
        tpu.wait_dma2 semaphore(%run_scoped3A_56 : memref<!tpu.dma_semaphore, #tpu.memory_space<semaphore_mem>>) src(%dma_wait3A_62 : memref<624x128xf32, #tpu.memory_space<vmem_shared>>) dst(%dma_wait3A_60 : memref<624x128xf32, #tpu.memory_space<hbm>>)
        tpu.yield
      }) : () -> ()
    } else {
    }
    %eq3A_44 = arith.constant 1 : i32
    %eq3A_45 = arith.cmpi eq, %arg0, %eq3A_44 : i32
    %eq3A_46 = arith.constant 15 : i32
    %eq3A_47 = arith.cmpi eq, %arg1, %eq3A_46 : i32
    %and3A_48 = arith.andi %eq3A_45, %eq3A_47 : i1
    %convert_element_type3A_49 = arith.extui %and3A_48 : i1 to i32
    %cond3A_50 = arith.constant 0 : i32
    %cond3A_51 = arith.cmpi ne, %convert_element_type3A_49, %cond3A_50 : i32
    scf.if %cond3A_51 {
      "tpu.region"() ({
        %run_scoped3A_52 = tpu.sem_alloc : memref<!tpu.dma_semaphore, #tpu.memory_space<semaphore_mem>>
        %dma_start3A = arith.constant 9360 : i32
        %dma_start3A_53 = arith.constant 0 : i32
        %dma_start3A_54 = tpu.memref_slice %arg6[%dma_start3A, %dma_start3A_53] : memref<10000x128xf32, #tpu.memory_space<hbm>> -> memref<640x128xf32, #tpu.memory_space<hbm>>
        %dma_start3A_55 = arith.constant 9360 : i32
        %dma_start3A_56 = arith.constant 0 : i32
        %dma_start3A_57 = tpu.memref_slice %arg13[%dma_start3A_55, %dma_start3A_56] : memref<10000x128xf32, #tpu.memory_space<vmem_shared>> -> memref<640x128xf32, #tpu.memory_space<vmem_shared>>
        tpu.enqueue_dma source(%dma_start3A_57 : memref<640x128xf32, #tpu.memory_space<vmem_shared>>) target(%dma_start3A_54 : memref<640x128xf32, #tpu.memory_space<hbm>>) target_semaphore(%run_scoped3A_52 : memref<!tpu.dma_semaphore, #tpu.memory_space<semaphore_mem>>)
        %dma_wait3A = arith.constant 9360 : i32
        %dma_wait3A_58 = arith.constant 0 : i32
        %dma_wait3A_59 = tpu.memref_slice %arg6[%dma_wait3A, %dma_wait3A_58] : memref<10000x128xf32, #tpu.memory_space<hbm>> -> memref<640x128xf32, #tpu.memory_space<hbm>>
        %dma_wait3A_60 = arith.constant 9360 : i32
        %dma_wait3A_61 = arith.constant 0 : i32
        %dma_wait3A_62 = tpu.memref_slice %arg13[%dma_wait3A_60, %dma_wait3A_61] : memref<10000x128xf32, #tpu.memory_space<vmem_shared>> -> memref<640x128xf32, #tpu.memory_space<vmem_shared>>
        tpu.wait_dma2 semaphore(%run_scoped3A_52 : memref<!tpu.dma_semaphore, #tpu.memory_space<semaphore_mem>>) src(%dma_wait3A_62 : memref<640x128xf32, #tpu.memory_space<vmem_shared>>) dst(%dma_wait3A_59 : memref<640x128xf32, #tpu.memory_space<hbm>>)
        tpu.yield
      }) : () -> ()
    } else {
    }
    return
  }
}

#map = affine_map<(d0, d1) -> (0, 0)>
#map1 = affine_map<(d0, d1) -> (0, 0, 0)>
module attributes {stable_mosaic.version = 14 : i64} {
  func.func @_seg_body(%arg0: i32, %arg1: i32, %arg2: memref<10000x128xf32, #tpu.memory_space<hbm>>, %arg3: memref<10000x128xf32, #tpu.memory_space<hbm>>, %arg4: memref<16x125x80xi32, #tpu.memory_space<hbm>>, %arg5: memref<10000x128xf32, #tpu.memory_space<hbm>>, %arg6: memref<10000x128xf32, #tpu.memory_space<hbm>>, %arg7: memref<125x80xi32, #tpu.memory_space<vmem>>, %arg8: memref<80xi32, #tpu.memory_space<vmem>>, %arg9: memref<80xi32, #tpu.memory_space<vmem>>, %arg10: memref<80xi32, #tpu.memory_space<vmem>>, %arg11: memref<80xi32, #tpu.memory_space<vmem>>, %arg12: memref<2x80x128xf32, #tpu.memory_space<vmem>>, %arg13: memref<10000x128xf32, #tpu.memory_space<vmem_shared>>, %arg14: memref<!tpu.dma_semaphore, #tpu.memory_space<semaphore_mem>>, %arg15: memref<!tpu.dma_semaphore, #tpu.memory_space<semaphore_mem>>, %arg16: memref<!tpu.dma_semaphore, #tpu.memory_space<semaphore_mem>>) attributes {dimension_semantics = [#tpu.dimension_semantics<core_parallel>, #tpu.dimension_semantics<subcore_parallel>], iteration_bounds = array<i64: 2, 16>, scalar_prefetch = 0 : i64, scratch_operands = 10 : i64, tpu.core_type = #tpu.core_type<sc_vector_subcore>, window_params = [{transform_indices = #map}, {transform_indices = #map}, {transform_indices = #map1}, {transform_indices = #map}, {transform_indices = #map}]} {
    %broadcast_in_dim3A = arith.constant 0.000000e+00 : f32
    %broadcast_in_dim3A_0 = vector.broadcast %broadcast_in_dim3A : f32 to vector<16xf32>
    %scan3A = arith.constant 0 : i32
    %scan3A_1 = arith.constant 0 : i32
    %scan3A_2 = arith.constant 640 : i32
    %scan3A_3 = arith.addi %scan3A_1, %scan3A_2 : i32
    %scan3A_4 = arith.constant 1 : i32
    scf.for %scan3A_52 = %scan3A_1 to %scan3A_3 step %scan3A_4  : i32 {
      %jit3A = arith.constant 8 : i32
      %div3A = arith.divsi %scan3A_52, %jit3A : i32
      %sign3A = arith.constant 0 : i32
      %sign3A_53 = arith.cmpi sgt, %scan3A_52, %sign3A : i32
      %sign3A_54 = arith.extui %sign3A_53 : i1 to i32
      %sign3A_55 = arith.constant 0 : i32
      %sign3A_56 = arith.cmpi slt, %scan3A_52, %sign3A_55 : i32
      %sign3A_57 = arith.extui %sign3A_56 : i1 to i32
      %sign3A_58 = arith.subi %sign3A_54, %sign3A_57 : i32
      %sign3A_59 = arith.constant 0 : i32
      %sign3A_60 = arith.cmpi sgt, %jit3A, %sign3A_59 : i32
      %sign3A_61 = arith.extui %sign3A_60 : i1 to i32
      %sign3A_62 = arith.constant 0 : i32
      %sign3A_63 = arith.cmpi slt, %jit3A, %sign3A_62 : i32
      %sign3A_64 = arith.extui %sign3A_63 : i1 to i32
      %sign3A_65 = arith.subi %sign3A_61, %sign3A_64 : i32
      %ne3A = arith.cmpi ne, %sign3A_58, %sign3A_65 : i32
      %rem3A = arith.remsi %scan3A_52, %jit3A : i32
      %ne3A_66 = arith.constant 0 : i32
      %ne3A_67 = arith.cmpi ne, %rem3A, %ne3A_66 : i32
      %and3A_68 = arith.andi %ne3A, %ne3A_67 : i1
      %sub3A = arith.constant 1 : i32
      %sub3A_69 = arith.subi %div3A, %sub3A : i32
      %select_n3A = arith.select %and3A_68, %sub3A_69, %div3A : i32
      %jit3A_70 = arith.constant 8 : i32
      %eq3A_71 = arith.constant 0 : i32
      %eq3A_72 = arith.cmpi eq, %jit3A_70, %eq3A_71 : i32
      %jit3A_73 = arith.constant 1 : i32
      %select_n3A_74 = arith.select %eq3A_72, %jit3A_73, %jit3A_70 : i32
      %rem3A_75 = arith.remsi %scan3A_52, %select_n3A_74 : i32
      %ne3A_76 = arith.constant 0 : i32
      %ne3A_77 = arith.cmpi ne, %rem3A_75, %ne3A_76 : i32
      %lt3A_78 = arith.constant 0 : i32
      %lt3A_79 = arith.cmpi slt, %rem3A_75, %lt3A_78 : i32
      %lt3A_80 = arith.constant 0 : i32
      %lt3A_81 = arith.cmpi slt, %select_n3A_74, %lt3A_80 : i32
      %ne3A_82 = arith.xori %lt3A_79, %lt3A_81 : i1
      %and3A_83 = arith.andi %ne3A_82, %ne3A_77 : i1
      %add3A_84 = arith.addi %rem3A_75, %select_n3A_74 : i32
      %select_n3A_85 = arith.select %and3A_83, %add3A_84, %rem3A_75 : i32
      %mul3A_86 = arith.constant 16 : i32
      %mul3A_87 = arith.muli %select_n3A_85, %mul3A_86 : i32
      %swap3A = arith.constant 0 : i32
      %swap3A_88 = arith.index_cast %swap3A : i32 to index
      %swap3A_89 = arith.index_cast %select_n3A : i32 to index
      %swap3A_90 = arith.index_cast %mul3A_87 : i32 to index
      %swap3A_91 = tpu.vector_load %arg12[%swap3A_88, %swap3A_89, %swap3A_90] {strides = array<i32>} : memref<2x80x128xf32, #tpu.memory_space<vmem>>, vector<1x1x16xf32>,
      %swap3A_92 = vector.shape_cast %swap3A_91 : vector<1x1x16xf32> to vector<16xf32>
      %swap3A_93 = vector.shape_cast %broadcast_in_dim3A_0 : vector<16xf32> to vector<1x1x16xf32>
      tpu.vector_store %arg12[%swap3A_88, %swap3A_89, %swap3A_90], %swap3A_93 {strides = array<i32>} : memref<2x80x128xf32, #tpu.memory_space<vmem>>, vector<1x1x16xf32>,
    }
    %scan3A_5 = arith.constant 640 : i32
    %scan3A_6 = arith.constant 0 : i32
    %scan3A_7 = arith.constant 0 : i32
    %scan3A_8 = arith.constant 7 : i32
    %scan3A_9 = arith.addi %scan3A_7, %scan3A_8 : i32
    %scan3A_10 = arith.constant 1 : i32
    scf.for %scan3A_52 = %scan3A_7 to %scan3A_9 step %scan3A_10  : i32 {
      %mul3A_53 = arith.constant 625 : i32
      %mul3A_54 = arith.muli %arg1, %mul3A_53 : i32
      %mul3A_55 = arith.constant 80 : i32
      %mul3A_56 = arith.muli %scan3A_52, %mul3A_55 : i32
      %add3A_57 = arith.addi %mul3A_54, %mul3A_56 : i32
      %run_scoped3A_58 = arith.constant 0 : i32
      "tpu.region"() ({
        %run_scoped3A_59 = tpu.sem_alloc : memref<!tpu.dma_semaphore, #tpu.memory_space<semaphore_mem>>
        %dma_start3A = arith.constant 0 : i32
        %dma_start3A_60 = arith.constant 0 : i32
        %dma_start3A_61 = tpu.memref_slice %arg12[%run_scoped3A_58, %dma_start3A, %dma_start3A_60] : memref<2x80x128xf32, #tpu.memory_space<vmem>> -> memref<1x80x128xf32, #tpu.memory_space<vmem>>
        %dma_start3A_62 = tpu.memref_squeeze %dma_start3A_61 : memref<1x80x128xf32, #tpu.memory_space<vmem>> -> memref<80x128xf32, #tpu.memory_space<vmem>>
        %dma_start3A_63 = arith.constant 0 : i32
        %dma_start3A_64 = tpu.memref_slice %arg13[%add3A_57, %dma_start3A_63] : memref<10000x128xf32, #tpu.memory_space<vmem_shared>> -> memref<80x128xf32, #tpu.memory_space<vmem_shared>>
        %dma_start3A_65 = arith.constant 0 : i32
        %dma_start3A_66 = tpu.memref_slice %arg13[%add3A_57, %dma_start3A_65] : memref<10000x128xf32, #tpu.memory_space<vmem_shared>> -> memref<80x128xf32, #tpu.memory_space<vmem_shared>>
        %dma_start3A_67 = arith.constant 0 : i32
        %dma_start3A_68 = arith.constant 0 : i32
        %dma_start3A_69 = tpu.memref_slice %arg12[%run_scoped3A_58, %dma_start3A_67, %dma_start3A_68] : memref<2x80x128xf32, #tpu.memory_space<vmem>> -> memref<1x80x128xf32, #tpu.memory_space<vmem>>
        %dma_start3A_70 = tpu.memref_squeeze %dma_start3A_69 : memref<1x80x128xf32, #tpu.memory_space<vmem>> -> memref<80x128xf32, #tpu.memory_space<vmem>>
        tpu.enqueue_dma source(%dma_start3A_70 : memref<80x128xf32, #tpu.memory_space<vmem>>) target(%dma_start3A_66 : memref<80x128xf32, #tpu.memory_space<vmem_shared>>) target_semaphore(%run_scoped3A_59 : memref<!tpu.dma_semaphore, #tpu.memory_space<semaphore_mem>>)
        %dma_wait3A = arith.constant 0 : i32
        %dma_wait3A_71 = arith.constant 0 : i32
        %dma_wait3A_72 = tpu.memref_slice %arg12[%run_scoped3A_58, %dma_wait3A, %dma_wait3A_71] : memref<2x80x128xf32, #tpu.memory_space<vmem>> -> memref<1x80x128xf32, #tpu.memory_space<vmem>>
        %dma_wait3A_73 = tpu.memref_squeeze %dma_wait3A_72 : memref<1x80x128xf32, #tpu.memory_space<vmem>> -> memref<80x128xf32, #tpu.memory_space<vmem>>
        %dma_wait3A_74 = arith.constant 0 : i32
        %dma_wait3A_75 = tpu.memref_slice %arg13[%add3A_57, %dma_wait3A_74] : memref<10000x128xf32, #tpu.memory_space<vmem_shared>> -> memref<80x128xf32, #tpu.memory_space<vmem_shared>>
        %dma_wait3A_76 = arith.constant 0 : i32
        %dma_wait3A_77 = tpu.memref_slice %arg13[%add3A_57, %dma_wait3A_76] : memref<10000x128xf32, #tpu.memory_space<vmem_shared>> -> memref<80x128xf32, #tpu.memory_space<vmem_shared>>
        %dma_wait3A_78 = arith.constant 0 : i32
        %dma_wait3A_79 = arith.constant 0 : i32
        %dma_wait3A_80 = tpu.memref_slice %arg12[%run_scoped3A_58, %dma_wait3A_78, %dma_wait3A_79] : memref<2x80x128xf32, #tpu.memory_space<vmem>> -> memref<1x80x128xf32, #tpu.memory_space<vmem>>
        %dma_wait3A_81 = tpu.memref_squeeze %dma_wait3A_80 : memref<1x80x128xf32, #tpu.memory_space<vmem>> -> memref<80x128xf32, #tpu.memory_space<vmem>>
        tpu.wait_dma2 semaphore(%run_scoped3A_59 : memref<!tpu.dma_semaphore, #tpu.memory_space<semaphore_mem>>) src(%dma_wait3A_81 : memref<80x128xf32, #tpu.memory_space<vmem>>) dst(%dma_wait3A_77 : memref<80x128xf32, #tpu.memory_space<vmem_shared>>)
        tpu.yield
      }) : () -> ()
    }
    %scan3A_11 = arith.constant 7 : i32
    %mul3A = arith.constant 625 : i32
    %mul3A_12 = arith.muli %arg1, %mul3A : i32
    %add3A = arith.constant 560 : i32
    %add3A_13 = arith.addi %mul3A_12, %add3A : i32
    %run_scoped3A = arith.constant 0 : i32
    "tpu.region"() ({
      %run_scoped3A_52 = tpu.sem_alloc : memref<!tpu.dma_semaphore, #tpu.memory_space<semaphore_mem>>
      %dma_start3A = arith.constant 0 : i32
      %dma_start3A_53 = arith.constant 0 : i32
      %dma_start3A_54 = tpu.memref_slice %arg12[%run_scoped3A, %dma_start3A, %dma_start3A_53] : memref<2x80x128xf32, #tpu.memory_space<vmem>> -> memref<1x65x128xf32, #tpu.memory_space<vmem>>
      %dma_start3A_55 = tpu.memref_squeeze %dma_start3A_54 : memref<1x65x128xf32, #tpu.memory_space<vmem>> -> memref<65x128xf32, #tpu.memory_space<vmem>>
      %dma_start3A_56 = arith.constant 0 : i32
      %dma_start3A_57 = tpu.memref_slice %arg13[%add3A_13, %dma_start3A_56] : memref<10000x128xf32, #tpu.memory_space<vmem_shared>> -> memref<65x128xf32, #tpu.memory_space<vmem_shared>>
      %dma_start3A_58 = arith.constant 0 : i32
      %dma_start3A_59 = tpu.memref_slice %arg13[%add3A_13, %dma_start3A_58] : memref<10000x128xf32, #tpu.memory_space<vmem_shared>> -> memref<65x128xf32, #tpu.memory_space<vmem_shared>>
      %dma_start3A_60 = arith.constant 0 : i32
      %dma_start3A_61 = arith.constant 0 : i32
      %dma_start3A_62 = tpu.memref_slice %arg12[%run_scoped3A, %dma_start3A_60, %dma_start3A_61] : memref<2x80x128xf32, #tpu.memory_space<vmem>> -> memref<1x65x128xf32, #tpu.memory_space<vmem>>
      %dma_start3A_63 = tpu.memref_squeeze %dma_start3A_62 : memref<1x65x128xf32, #tpu.memory_space<vmem>> -> memref<65x128xf32, #tpu.memory_space<vmem>>
      tpu.enqueue_dma source(%dma_start3A_63 : memref<65x128xf32, #tpu.memory_space<vmem>>) target(%dma_start3A_59 : memref<65x128xf32, #tpu.memory_space<vmem_shared>>) target_semaphore(%run_scoped3A_52 : memref<!tpu.dma_semaphore, #tpu.memory_space<semaphore_mem>>)
      %dma_wait3A = arith.constant 0 : i32
      %dma_wait3A_64 = arith.constant 0 : i32
      %dma_wait3A_65 = tpu.memref_slice %arg12[%run_scoped3A, %dma_wait3A, %dma_wait3A_64] : memref<2x80x128xf32, #tpu.memory_space<vmem>> -> memref<1x65x128xf32, #tpu.memory_space<vmem>>
      %dma_wait3A_66 = tpu.memref_squeeze %dma_wait3A_65 : memref<1x65x128xf32, #tpu.memory_space<vmem>> -> memref<65x128xf32, #tpu.memory_space<vmem>>
      %dma_wait3A_67 = arith.constant 0 : i32
      %dma_wait3A_68 = tpu.memref_slice %arg13[%add3A_13, %dma_wait3A_67] : memref<10000x128xf32, #tpu.memory_space<vmem_shared>> -> memref<65x128xf32, #tpu.memory_space<vmem_shared>>
      %dma_wait3A_69 = arith.constant 0 : i32
      %dma_wait3A_70 = tpu.memref_slice %arg13[%add3A_13, %dma_wait3A_69] : memref<10000x128xf32, #tpu.memory_space<vmem_shared>> -> memref<65x128xf32, #tpu.memory_space<vmem_shared>>
      %dma_wait3A_71 = arith.constant 0 : i32
      %dma_wait3A_72 = arith.constant 0 : i32
      %dma_wait3A_73 = tpu.memref_slice %arg12[%run_scoped3A, %dma_wait3A_71, %dma_wait3A_72] : memref<2x80x128xf32, #tpu.memory_space<vmem>> -> memref<1x65x128xf32, #tpu.memory_space<vmem>>
      %dma_wait3A_74 = tpu.memref_squeeze %dma_wait3A_73 : memref<1x65x128xf32, #tpu.memory_space<vmem>> -> memref<65x128xf32, #tpu.memory_space<vmem>>
      tpu.wait_dma2 semaphore(%run_scoped3A_52 : memref<!tpu.dma_semaphore, #tpu.memory_space<semaphore_mem>>) src(%dma_wait3A_74 : memref<65x128xf32, #tpu.memory_space<vmem>>) dst(%dma_wait3A_70 : memref<65x128xf32, #tpu.memory_space<vmem_shared>>)
      tpu.yield
    }) : () -> ()
    "tpu.region"() ({
      %run_scoped3A_52 = tpu.sem_alloc : memref<!tpu.dma_semaphore, #tpu.memory_space<semaphore_mem>>
      %dma_start3A = arith.constant 0 : i32
      %dma_start3A_53 = arith.constant 0 : i32
      %dma_start3A_54 = tpu.memref_slice %arg4[%arg1, %dma_start3A, %dma_start3A_53] : memref<16x125x80xi32, #tpu.memory_space<hbm>> -> memref<1x125x80xi32, #tpu.memory_space<hbm>>
      %dma_start3A_55 = tpu.memref_squeeze %dma_start3A_54 : memref<1x125x80xi32, #tpu.memory_space<hbm>> -> memref<125x80xi32, #tpu.memory_space<hbm>>
      %dma_start3A_56 = arith.constant 0 : i32
      %dma_start3A_57 = arith.constant 0 : i32
      %dma_start3A_58 = tpu.memref_slice %arg4[%arg1, %dma_start3A_56, %dma_start3A_57] : memref<16x125x80xi32, #tpu.memory_space<hbm>> -> memref<1x125x80xi32, #tpu.memory_space<hbm>>
      %dma_start3A_59 = tpu.memref_squeeze %dma_start3A_58 : memref<1x125x80xi32, #tpu.memory_space<hbm>> -> memref<125x80xi32, #tpu.memory_space<hbm>>
      tpu.enqueue_dma source(%dma_start3A_59 : memref<125x80xi32, #tpu.memory_space<hbm>>) target(%arg7 : memref<125x80xi32, #tpu.memory_space<vmem>>) target_semaphore(%run_scoped3A_52 : memref<!tpu.dma_semaphore, #tpu.memory_space<semaphore_mem>>)
      %dma_wait3A = arith.constant 0 : i32
      %dma_wait3A_60 = arith.constant 0 : i32
      %dma_wait3A_61 = tpu.memref_slice %arg4[%arg1, %dma_wait3A, %dma_wait3A_60] : memref<16x125x80xi32, #tpu.memory_space<hbm>> -> memref<1x125x80xi32, #tpu.memory_space<hbm>>
      %dma_wait3A_62 = tpu.memref_squeeze %dma_wait3A_61 : memref<1x125x80xi32, #tpu.memory_space<hbm>> -> memref<125x80xi32, #tpu.memory_space<hbm>>
      %dma_wait3A_63 = arith.constant 0 : i32
      %dma_wait3A_64 = arith.constant 0 : i32
      %dma_wait3A_65 = tpu.memref_slice %arg4[%arg1, %dma_wait3A_63, %dma_wait3A_64] : memref<16x125x80xi32, #tpu.memory_space<hbm>> -> memref<1x125x80xi32, #tpu.memory_space<hbm>>
      %dma_wait3A_66 = tpu.memref_squeeze %dma_wait3A_65 : memref<1x125x80xi32, #tpu.memory_space<hbm>> -> memref<125x80xi32, #tpu.memory_space<hbm>>
      tpu.wait_dma2 semaphore(%run_scoped3A_52 : memref<!tpu.dma_semaphore, #tpu.memory_space<semaphore_mem>>) src(%dma_wait3A_66 : memref<125x80xi32, #tpu.memory_space<hbm>>) dst(%arg7 : memref<125x80xi32, #tpu.memory_space<vmem>>)
      tpu.yield
    }) : () -> ()
    %barrier3A = arith.constant 0 : index
    tpu.barrier barrier_id(%barrier3A)
    %eq3A = arith.constant 0 : i32
    %eq3A_14 = arith.cmpi eq, %arg0, %eq3A : i32
    %convert_element_type3A = arith.extui %eq3A_14 : i1 to i32
    %cond3A = arith.constant 0 : i32
    %cond3A_15 = arith.cmpi ne, %convert_element_type3A, %cond3A : i32
    scf.if %cond3A_15 {
      %scan3A_52 = arith.constant 0 : i32
      %scan3A_53 = arith.constant 0 : i32
      %scan3A_54 = arith.constant 125 : i32
      %scan3A_55 = arith.addi %scan3A_53, %scan3A_54 : i32
      %scan3A_56 = arith.constant 1 : i32
      scf.for %scan3A_58 = %scan3A_53 to %scan3A_55 step %scan3A_56  : i32 {
        %scan3A_59 = arith.constant 0 : i32
        %scan3A_60 = arith.constant 0 : i32
        %scan3A_61 = arith.constant 5 : i32
        %scan3A_62 = arith.addi %scan3A_60, %scan3A_61 : i32
        %scan3A_63 = arith.constant 1 : i32
        scf.for %scan3A_80 = %scan3A_60 to %scan3A_62 step %scan3A_63  : i32 {
          %mul3A_81 = arith.constant 16 : i32
          %mul3A_82 = arith.muli %scan3A_80, %mul3A_81 : i32
          %get3A = arith.index_cast %scan3A_58 : i32 to index
          %get3A_83 = arith.index_cast %mul3A_82 : i32 to index
          %get3A_84 = tpu.vector_load %arg7[%get3A, %get3A_83] {strides = array<i32>} : memref<125x80xi32, #tpu.memory_space<vmem>>, vector<1x16xi32>,
          %get3A_85 = vector.shape_cast %get3A_84 : vector<1x16xi32> to vector<16xi32>
          %shift_right_logical3A = arith.constant 14 : i32
          %shift_right_logical3A_86 = vector.broadcast %shift_right_logical3A : i32 to vector<16xi32>
          %shift_right_logical3A_87 = arith.shrui %get3A_85, %shift_right_logical3A_86 : vector<16xi32>
          %mul3A_88 = arith.constant 16 : i32
          %mul3A_89 = arith.muli %scan3A_80, %mul3A_88 : i32
          %swap3A = arith.index_cast %mul3A_89 : i32 to index
          %swap3A_90 = tpu.vector_load %arg8[%swap3A] {strides = array<i32>} : memref<80xi32, #tpu.memory_space<vmem>>, vector<16xi32>,
          %swap3A_91 = vector.shape_cast %swap3A_90 : vector<16xi32> to vector<16xi32>
          %swap3A_92 = vector.shape_cast %shift_right_logical3A_87 : vector<16xi32> to vector<16xi32>
          tpu.vector_store %arg8[%swap3A], %swap3A_92 {strides = array<i32>} : memref<80xi32, #tpu.memory_space<vmem>>, vector<16xi32>,
          %and3A_93 = arith.constant 16383 : i32
          %and3A_94 = vector.broadcast %and3A_93 : i32 to vector<16xi32>
          %and3A_95 = arith.andi %get3A_85, %and3A_94 : vector<16xi32>
          %mul3A_96 = arith.constant 16 : i32
          %mul3A_97 = arith.muli %scan3A_80, %mul3A_96 : i32
          %swap3A_98 = arith.index_cast %mul3A_97 : i32 to index
          %swap3A_99 = tpu.vector_load %arg9[%swap3A_98] {strides = array<i32>} : memref<80xi32, #tpu.memory_space<vmem>>, vector<16xi32>,
          %swap3A_100 = vector.shape_cast %swap3A_99 : vector<16xi32> to vector<16xi32>
          %swap3A_101 = vector.shape_cast %and3A_95 : vector<16xi32> to vector<16xi32>
          tpu.vector_store %arg9[%swap3A_98], %swap3A_101 {strides = array<i32>} : memref<80xi32, #tpu.memory_space<vmem>>, vector<16xi32>,
        }
        %scan3A_64 = arith.constant 5 : i32
        %dma_start3A = arith.constant 0 : i32
        %dma_start3A_65 = arith.constant 0 : i32
        %dma_start3A_66 = arith.constant 0 : i32
        %dma_start3A_67 = tpu.memref_slice %arg12[%dma_start3A, %dma_start3A_65, %dma_start3A_66] : memref<2x80x128xf32, #tpu.memory_space<vmem>> -> memref<1x80x128xf32, #tpu.memory_space<vmem>>
        %dma_start3A_68 = tpu.memref_squeeze %dma_start3A_67 : memref<1x80x128xf32, #tpu.memory_space<vmem>> -> memref<80x128xf32, #tpu.memory_space<vmem>>
        %dma_start3A_69 = arith.constant 0 : i32
        %dma_start3A_70 = arith.constant 0 : i32
        %dma_start3A_71 = tpu.memref_slice %arg2[%dma_start3A_69, %dma_start3A_70] : memref<10000x128xf32, #tpu.memory_space<hbm>> -> memref<10000x128xf32, #tpu.memory_space<hbm>>
        tpu.enqueue_indirect_dma source(%dma_start3A_71 : memref<10000x128xf32, #tpu.memory_space<hbm>>) target(%dma_start3A_68 : memref<80x128xf32, #tpu.memory_space<vmem>>) offsets(%arg8 : memref<80xi32, #tpu.memory_space<vmem>>) semaphore(%arg14 : memref<!tpu.dma_semaphore, #tpu.memory_space<semaphore_mem>>)
        %dma_wait3A = arith.constant 0 : i32
        %dma_wait3A_72 = arith.constant 0 : i32
        %dma_wait3A_73 = arith.constant 0 : i32
        %dma_wait3A_74 = tpu.memref_slice %arg12[%dma_wait3A, %dma_wait3A_72, %dma_wait3A_73] : memref<2x80x128xf32, #tpu.memory_space<vmem>> -> memref<1x80x128xf32, #tpu.memory_space<vmem>>
        %dma_wait3A_75 = tpu.memref_squeeze %dma_wait3A_74 : memref<1x80x128xf32, #tpu.memory_space<vmem>> -> memref<80x128xf32, #tpu.memory_space<vmem>>
        %dma_wait3A_76 = arith.constant 0 : i32
        %dma_wait3A_77 = arith.constant 0 : i32
        %dma_wait3A_78 = tpu.memref_slice %arg2[%dma_wait3A_76, %dma_wait3A_77] : memref<10000x128xf32, #tpu.memory_space<hbm>> -> memref<10000x128xf32, #tpu.memory_space<hbm>>
        tpu.wait_indirect_dma semaphore(%arg14 : memref<!tpu.dma_semaphore, #tpu.memory_space<semaphore_mem>>) src(%dma_wait3A_78 : memref<10000x128xf32, #tpu.memory_space<hbm>>) dst(%dma_wait3A_75 : memref<80x128xf32, #tpu.memory_space<vmem>>)
        %run_scoped3A_79 = arith.constant 0 : i32
        "tpu.region"() ({
          %run_scoped3A_80 = tpu.sem_alloc : memref<!tpu.dma_semaphore, #tpu.memory_space<semaphore_mem>>
          %dma_start3A_81 = arith.constant 0 : i32
          %dma_start3A_82 = arith.constant 0 : i32
          %dma_start3A_83 = tpu.memref_slice %arg12[%run_scoped3A_79, %dma_start3A_81, %dma_start3A_82] : memref<2x80x128xf32, #tpu.memory_space<vmem>> -> memref<1x80x128xf32, #tpu.memory_space<vmem>>
          %dma_start3A_84 = tpu.memref_squeeze %dma_start3A_83 : memref<1x80x128xf32, #tpu.memory_space<vmem>> -> memref<80x128xf32, #tpu.memory_space<vmem>>
          %dma_start3A_85 = arith.constant 0 : i32
          %dma_start3A_86 = arith.constant 0 : i32
          %dma_start3A_87 = tpu.memref_slice %arg13[%dma_start3A_85, %dma_start3A_86] : memref<10000x128xf32, #tpu.memory_space<vmem_shared>> -> memref<10000x128xf32, #tpu.memory_space<vmem_shared>>
          tpu.enqueue_indirect_dma source(%dma_start3A_84 : memref<80x128xf32, #tpu.memory_space<vmem>>) target(%dma_start3A_87 : memref<10000x128xf32, #tpu.memory_space<vmem_shared>>) offsets(%arg9 : memref<80xi32, #tpu.memory_space<vmem>>) semaphore(%run_scoped3A_80 : memref<!tpu.dma_semaphore, #tpu.memory_space<semaphore_mem>>) {add = true}
          %dma_wait3A_88 = arith.constant 0 : i32
          %dma_wait3A_89 = arith.constant 0 : i32
          %dma_wait3A_90 = tpu.memref_slice %arg12[%run_scoped3A_79, %dma_wait3A_88, %dma_wait3A_89] : memref<2x80x128xf32, #tpu.memory_space<vmem>> -> memref<1x80x128xf32, #tpu.memory_space<vmem>>
          %dma_wait3A_91 = tpu.memref_squeeze %dma_wait3A_90 : memref<1x80x128xf32, #tpu.memory_space<vmem>> -> memref<80x128xf32, #tpu.memory_space<vmem>>
          %dma_wait3A_92 = arith.constant 0 : i32
          %dma_wait3A_93 = arith.constant 0 : i32
          %dma_wait3A_94 = tpu.memref_slice %arg13[%dma_wait3A_92, %dma_wait3A_93] : memref<10000x128xf32, #tpu.memory_space<vmem_shared>> -> memref<10000x128xf32, #tpu.memory_space<vmem_shared>>
          tpu.wait_indirect_dma semaphore(%run_scoped3A_80 : memref<!tpu.dma_semaphore, #tpu.memory_space<semaphore_mem>>) src(%dma_wait3A_91 : memref<80x128xf32, #tpu.memory_space<vmem>>) dst(%dma_wait3A_94 : memref<10000x128xf32, #tpu.memory_space<vmem_shared>>)
          tpu.yield
        }) : () -> ()
      }
      %scan3A_57 = arith.constant 125 : i32
    } else {
    }
    %eq3A_16 = arith.constant 1 : i32
    %eq3A_17 = arith.cmpi eq, %arg0, %eq3A_16 : i32
    %convert_element_type3A_18 = arith.extui %eq3A_17 : i1 to i32
    %cond3A_19 = arith.constant 0 : i32
    %cond3A_20 = arith.cmpi ne, %convert_element_type3A_18, %cond3A_19 : i32
    scf.if %cond3A_20 {
      %scan3A_52 = arith.constant 0 : i32
      %scan3A_53 = arith.constant 0 : i32
      %scan3A_54 = arith.constant 125 : i32
      %scan3A_55 = arith.addi %scan3A_53, %scan3A_54 : i32
      %scan3A_56 = arith.constant 1 : i32
      scf.for %scan3A_58 = %scan3A_53 to %scan3A_55 step %scan3A_56  : i32 {
        %scan3A_59 = arith.constant 0 : i32
        %scan3A_60 = arith.constant 0 : i32
        %scan3A_61 = arith.constant 5 : i32
        %scan3A_62 = arith.addi %scan3A_60, %scan3A_61 : i32
        %scan3A_63 = arith.constant 1 : i32
        scf.for %scan3A_80 = %scan3A_60 to %scan3A_62 step %scan3A_63  : i32 {
          %mul3A_81 = arith.constant 16 : i32
          %mul3A_82 = arith.muli %scan3A_80, %mul3A_81 : i32
          %get3A = arith.index_cast %scan3A_58 : i32 to index
          %get3A_83 = arith.index_cast %mul3A_82 : i32 to index
          %get3A_84 = tpu.vector_load %arg7[%get3A, %get3A_83] {strides = array<i32>} : memref<125x80xi32, #tpu.memory_space<vmem>>, vector<1x16xi32>,
          %get3A_85 = vector.shape_cast %get3A_84 : vector<1x16xi32> to vector<16xi32>
          %shift_right_logical3A = arith.constant 14 : i32
          %shift_right_logical3A_86 = vector.broadcast %shift_right_logical3A : i32 to vector<16xi32>
          %shift_right_logical3A_87 = arith.shrui %get3A_85, %shift_right_logical3A_86 : vector<16xi32>
          %mul3A_88 = arith.constant 16 : i32
          %mul3A_89 = arith.muli %scan3A_80, %mul3A_88 : i32
          %swap3A = arith.index_cast %mul3A_89 : i32 to index
          %swap3A_90 = tpu.vector_load %arg8[%swap3A] {strides = array<i32>} : memref<80xi32, #tpu.memory_space<vmem>>, vector<16xi32>,
          %swap3A_91 = vector.shape_cast %swap3A_90 : vector<16xi32> to vector<16xi32>
          %swap3A_92 = vector.shape_cast %shift_right_logical3A_87 : vector<16xi32> to vector<16xi32>
          tpu.vector_store %arg8[%swap3A], %swap3A_92 {strides = array<i32>} : memref<80xi32, #tpu.memory_space<vmem>>, vector<16xi32>,
          %and3A_93 = arith.constant 16383 : i32
          %and3A_94 = vector.broadcast %and3A_93 : i32 to vector<16xi32>
          %and3A_95 = arith.andi %get3A_85, %and3A_94 : vector<16xi32>
          %mul3A_96 = arith.constant 16 : i32
          %mul3A_97 = arith.muli %scan3A_80, %mul3A_96 : i32
          %swap3A_98 = arith.index_cast %mul3A_97 : i32 to index
          %swap3A_99 = tpu.vector_load %arg9[%swap3A_98] {strides = array<i32>} : memref<80xi32, #tpu.memory_space<vmem>>, vector<16xi32>,
          %swap3A_100 = vector.shape_cast %swap3A_99 : vector<16xi32> to vector<16xi32>
          %swap3A_101 = vector.shape_cast %and3A_95 : vector<16xi32> to vector<16xi32>
          tpu.vector_store %arg9[%swap3A_98], %swap3A_101 {strides = array<i32>} : memref<80xi32, #tpu.memory_space<vmem>>, vector<16xi32>,
        }
        %scan3A_64 = arith.constant 5 : i32
        %dma_start3A = arith.constant 0 : i32
        %dma_start3A_65 = arith.constant 0 : i32
        %dma_start3A_66 = arith.constant 0 : i32
        %dma_start3A_67 = tpu.memref_slice %arg12[%dma_start3A, %dma_start3A_65, %dma_start3A_66] : memref<2x80x128xf32, #tpu.memory_space<vmem>> -> memref<1x80x128xf32, #tpu.memory_space<vmem>>
        %dma_start3A_68 = tpu.memref_squeeze %dma_start3A_67 : memref<1x80x128xf32, #tpu.memory_space<vmem>> -> memref<80x128xf32, #tpu.memory_space<vmem>>
        %dma_start3A_69 = arith.constant 0 : i32
        %dma_start3A_70 = arith.constant 0 : i32
        %dma_start3A_71 = tpu.memref_slice %arg3[%dma_start3A_69, %dma_start3A_70] : memref<10000x128xf32, #tpu.memory_space<hbm>> -> memref<10000x128xf32, #tpu.memory_space<hbm>>
        tpu.enqueue_indirect_dma source(%dma_start3A_71 : memref<10000x128xf32, #tpu.memory_space<hbm>>) target(%dma_start3A_68 : memref<80x128xf32, #tpu.memory_space<vmem>>) offsets(%arg8 : memref<80xi32, #tpu.memory_space<vmem>>) semaphore(%arg14 : memref<!tpu.dma_semaphore, #tpu.memory_space<semaphore_mem>>)
        %dma_wait3A = arith.constant 0 : i32
        %dma_wait3A_72 = arith.constant 0 : i32
        %dma_wait3A_73 = arith.constant 0 : i32
        %dma_wait3A_74 = tpu.memref_slice %arg12[%dma_wait3A, %dma_wait3A_72, %dma_wait3A_73] : memref<2x80x128xf32, #tpu.memory_space<vmem>> -> memref<1x80x128xf32, #tpu.memory_space<vmem>>
        %dma_wait3A_75 = tpu.memref_squeeze %dma_wait3A_74 : memref<1x80x128xf32, #tpu.memory_space<vmem>> -> memref<80x128xf32, #tpu.memory_space<vmem>>
        %dma_wait3A_76 = arith.constant 0 : i32
        %dma_wait3A_77 = arith.constant 0 : i32
        %dma_wait3A_78 = tpu.memref_slice %arg3[%dma_wait3A_76, %dma_wait3A_77] : memref<10000x128xf32, #tpu.memory_space<hbm>> -> memref<10000x128xf32, #tpu.memory_space<hbm>>
        tpu.wait_indirect_dma semaphore(%arg14 : memref<!tpu.dma_semaphore, #tpu.memory_space<semaphore_mem>>) src(%dma_wait3A_78 : memref<10000x128xf32, #tpu.memory_space<hbm>>) dst(%dma_wait3A_75 : memref<80x128xf32, #tpu.memory_space<vmem>>)
        %run_scoped3A_79 = arith.constant 0 : i32
        "tpu.region"() ({
          %run_scoped3A_80 = tpu.sem_alloc : memref<!tpu.dma_semaphore, #tpu.memory_space<semaphore_mem>>
          %dma_start3A_81 = arith.constant 0 : i32
          %dma_start3A_82 = arith.constant 0 : i32
          %dma_start3A_83 = tpu.memref_slice %arg12[%run_scoped3A_79, %dma_start3A_81, %dma_start3A_82] : memref<2x80x128xf32, #tpu.memory_space<vmem>> -> memref<1x80x128xf32, #tpu.memory_space<vmem>>
          %dma_start3A_84 = tpu.memref_squeeze %dma_start3A_83 : memref<1x80x128xf32, #tpu.memory_space<vmem>> -> memref<80x128xf32, #tpu.memory_space<vmem>>
          %dma_start3A_85 = arith.constant 0 : i32
          %dma_start3A_86 = arith.constant 0 : i32
          %dma_start3A_87 = tpu.memref_slice %arg13[%dma_start3A_85, %dma_start3A_86] : memref<10000x128xf32, #tpu.memory_space<vmem_shared>> -> memref<10000x128xf32, #tpu.memory_space<vmem_shared>>
          tpu.enqueue_indirect_dma source(%dma_start3A_84 : memref<80x128xf32, #tpu.memory_space<vmem>>) target(%dma_start3A_87 : memref<10000x128xf32, #tpu.memory_space<vmem_shared>>) offsets(%arg9 : memref<80xi32, #tpu.memory_space<vmem>>) semaphore(%run_scoped3A_80 : memref<!tpu.dma_semaphore, #tpu.memory_space<semaphore_mem>>) {add = true}
          %dma_wait3A_88 = arith.constant 0 : i32
          %dma_wait3A_89 = arith.constant 0 : i32
          %dma_wait3A_90 = tpu.memref_slice %arg12[%run_scoped3A_79, %dma_wait3A_88, %dma_wait3A_89] : memref<2x80x128xf32, #tpu.memory_space<vmem>> -> memref<1x80x128xf32, #tpu.memory_space<vmem>>
          %dma_wait3A_91 = tpu.memref_squeeze %dma_wait3A_90 : memref<1x80x128xf32, #tpu.memory_space<vmem>> -> memref<80x128xf32, #tpu.memory_space<vmem>>
          %dma_wait3A_92 = arith.constant 0 : i32
          %dma_wait3A_93 = arith.constant 0 : i32
          %dma_wait3A_94 = tpu.memref_slice %arg13[%dma_wait3A_92, %dma_wait3A_93] : memref<10000x128xf32, #tpu.memory_space<vmem_shared>> -> memref<10000x128xf32, #tpu.memory_space<vmem_shared>>
          tpu.wait_indirect_dma semaphore(%run_scoped3A_80 : memref<!tpu.dma_semaphore, #tpu.memory_space<semaphore_mem>>) src(%dma_wait3A_91 : memref<80x128xf32, #tpu.memory_space<vmem>>) dst(%dma_wait3A_94 : memref<10000x128xf32, #tpu.memory_space<vmem_shared>>)
          tpu.yield
        }) : () -> ()
      }
      %scan3A_57 = arith.constant 125 : i32
    } else {
    }
    %barrier3A_21 = arith.constant 0 : index
    tpu.barrier barrier_id(%barrier3A_21)
    %eq3A_22 = arith.constant 0 : i32
    %eq3A_23 = arith.cmpi eq, %arg0, %eq3A_22 : i32
    %lt3A = arith.constant 15 : i32
    %lt3A_24 = arith.cmpi slt, %arg1, %lt3A : i32
    %and3A = arith.andi %eq3A_23, %lt3A_24 : i1
    %convert_element_type3A_25 = arith.extui %and3A : i1 to i32
    %cond3A_26 = arith.constant 0 : i32
    %cond3A_27 = arith.cmpi ne, %convert_element_type3A_25, %cond3A_26 : i32
    scf.if %cond3A_27 {
      %mul3A_52 = arith.constant 624 : i32
      %mul3A_53 = arith.muli %arg1, %mul3A_52 : i32
      %mul3A_54 = arith.constant 624 : i32
      %mul3A_55 = arith.muli %arg1, %mul3A_54 : i32
      "tpu.region"() ({
        %run_scoped3A_56 = tpu.sem_alloc : memref<!tpu.dma_semaphore, #tpu.memory_space<semaphore_mem>>
        %dma_start3A = arith.constant 0 : i32
        %dma_start3A_57 = tpu.memref_slice %arg5[%mul3A_55, %dma_start3A] : memref<10000x128xf32, #tpu.memory_space<hbm>> -> memref<624x128xf32, #tpu.memory_space<hbm>>
        %dma_start3A_58 = arith.constant 0 : i32
        %dma_start3A_59 = tpu.memref_slice %arg13[%mul3A_53, %dma_start3A_58] : memref<10000x128xf32, #tpu.memory_space<vmem_shared>> -> memref<624x128xf32, #tpu.memory_space<vmem_shared>>
        tpu.enqueue_dma source(%dma_start3A_59 : memref<624x128xf32, #tpu.memory_space<vmem_shared>>) target(%dma_start3A_57 : memref<624x128xf32, #tpu.memory_space<hbm>>) target_semaphore(%run_scoped3A_56 : memref<!tpu.dma_semaphore, #tpu.memory_space<semaphore_mem>>)
        %dma_wait3A = arith.constant 0 : i32
        %dma_wait3A_60 = tpu.memref_slice %arg5[%mul3A_55, %dma_wait3A] : memref<10000x128xf32, #tpu.memory_space<hbm>> -> memref<624x128xf32, #tpu.memory_space<hbm>>
        %dma_wait3A_61 = arith.constant 0 : i32
        %dma_wait3A_62 = tpu.memref_slice %arg13[%mul3A_53, %dma_wait3A_61] : memref<10000x128xf32, #tpu.memory_space<vmem_shared>> -> memref<624x128xf32, #tpu.memory_space<vmem_shared>>
        tpu.wait_dma2 semaphore(%run_scoped3A_56 : memref<!tpu.dma_semaphore, #tpu.memory_space<semaphore_mem>>) src(%dma_wait3A_62 : memref<624x128xf32, #tpu.memory_space<vmem_shared>>) dst(%dma_wait3A_60 : memref<624x128xf32, #tpu.memory_space<hbm>>)
        tpu.yield
      }) : () -> ()
    } else {
    }
    %eq3A_28 = arith.constant 0 : i32
    %eq3A_29 = arith.cmpi eq, %arg0, %eq3A_28 : i32
    %eq3A_30 = arith.constant 15 : i32
    %eq3A_31 = arith.cmpi eq, %arg1, %eq3A_30 : i32
    %and3A_32 = arith.andi %eq3A_29, %eq3A_31 : i1
    %convert_element_type3A_33 = arith.extui %and3A_32 : i1 to i32
    %cond3A_34 = arith.constant 0 : i32
    %cond3A_35 = arith.cmpi ne, %convert_element_type3A_33, %cond3A_34 : i32
    scf.if %cond3A_35 {
      "tpu.region"() ({
        %run_scoped3A_52 = tpu.sem_alloc : memref<!tpu.dma_semaphore, #tpu.memory_space<semaphore_mem>>
        %dma_start3A = arith.constant 9360 : i32
        %dma_start3A_53 = arith.constant 0 : i32
        %dma_start3A_54 = tpu.memref_slice %arg5[%dma_start3A, %dma_start3A_53] : memref<10000x128xf32, #tpu.memory_space<hbm>> -> memref<640x128xf32, #tpu.memory_space<hbm>>
        %dma_start3A_55 = arith.constant 9360 : i32
        %dma_start3A_56 = arith.constant 0 : i32
        %dma_start3A_57 = tpu.memref_slice %arg13[%dma_start3A_55, %dma_start3A_56] : memref<10000x128xf32, #tpu.memory_space<vmem_shared>> -> memref<640x128xf32, #tpu.memory_space<vmem_shared>>
        tpu.enqueue_dma source(%dma_start3A_57 : memref<640x128xf32, #tpu.memory_space<vmem_shared>>) target(%dma_start3A_54 : memref<640x128xf32, #tpu.memory_space<hbm>>) target_semaphore(%run_scoped3A_52 : memref<!tpu.dma_semaphore, #tpu.memory_space<semaphore_mem>>)
        %dma_wait3A = arith.constant 9360 : i32
        %dma_wait3A_58 = arith.constant 0 : i32
        %dma_wait3A_59 = tpu.memref_slice %arg5[%dma_wait3A, %dma_wait3A_58] : memref<10000x128xf32, #tpu.memory_space<hbm>> -> memref<640x128xf32, #tpu.memory_space<hbm>>
        %dma_wait3A_60 = arith.constant 9360 : i32
        %dma_wait3A_61 = arith.constant 0 : i32
        %dma_wait3A_62 = tpu.memref_slice %arg13[%dma_wait3A_60, %dma_wait3A_61] : memref<10000x128xf32, #tpu.memory_space<vmem_shared>> -> memref<640x128xf32, #tpu.memory_space<vmem_shared>>
        tpu.wait_dma2 semaphore(%run_scoped3A_52 : memref<!tpu.dma_semaphore, #tpu.memory_space<semaphore_mem>>) src(%dma_wait3A_62 : memref<640x128xf32, #tpu.memory_space<vmem_shared>>) dst(%dma_wait3A_59 : memref<640x128xf32, #tpu.memory_space<hbm>>)
        tpu.yield
      }) : () -> ()
    } else {
    }
    %eq3A_36 = arith.constant 1 : i32
    %eq3A_37 = arith.cmpi eq, %arg0, %eq3A_36 : i32
    %lt3A_38 = arith.constant 15 : i32
    %lt3A_39 = arith.cmpi slt, %arg1, %lt3A_38 : i32
    %and3A_40 = arith.andi %eq3A_37, %lt3A_39 : i1
    %convert_element_type3A_41 = arith.extui %and3A_40 : i1 to i32
    %cond3A_42 = arith.constant 0 : i32
    %cond3A_43 = arith.cmpi ne, %convert_element_type3A_41, %cond3A_42 : i32
    scf.if %cond3A_43 {
      %mul3A_52 = arith.constant 624 : i32
      %mul3A_53 = arith.muli %arg1, %mul3A_52 : i32
      %mul3A_54 = arith.constant 624 : i32
      %mul3A_55 = arith.muli %arg1, %mul3A_54 : i32
      "tpu.region"() ({
        %run_scoped3A_56 = tpu.sem_alloc : memref<!tpu.dma_semaphore, #tpu.memory_space<semaphore_mem>>
        %dma_start3A = arith.constant 0 : i32
        %dma_start3A_57 = tpu.memref_slice %arg6[%mul3A_55, %dma_start3A] : memref<10000x128xf32, #tpu.memory_space<hbm>> -> memref<624x128xf32, #tpu.memory_space<hbm>>
        %dma_start3A_58 = arith.constant 0 : i32
        %dma_start3A_59 = tpu.memref_slice %arg13[%mul3A_53, %dma_start3A_58] : memref<10000x128xf32, #tpu.memory_space<vmem_shared>> -> memref<624x128xf32, #tpu.memory_space<vmem_shared>>
        tpu.enqueue_dma source(%dma_start3A_59 : memref<624x128xf32, #tpu.memory_space<vmem_shared>>) target(%dma_start3A_57 : memref<624x128xf32, #tpu.memory_space<hbm>>) target_semaphore(%run_scoped3A_56 : memref<!tpu.dma_semaphore, #tpu.memory_space<semaphore_mem>>)
        %dma_wait3A = arith.constant 0 : i32
        %dma_wait3A_60 = tpu.memref_slice %arg6[%mul3A_55, %dma_wait3A] : memref<10000x128xf32, #tpu.memory_space<hbm>> -> memref<624x128xf32, #tpu.memory_space<hbm>>
        %dma_wait3A_61 = arith.constant 0 : i32
        %dma_wait3A_62 = tpu.memref_slice %arg13[%mul3A_53, %dma_wait3A_61] : memref<10000x128xf32, #tpu.memory_space<vmem_shared>> -> memref<624x128xf32, #tpu.memory_space<vmem_shared>>
        tpu.wait_dma2 semaphore(%run_scoped3A_56 : memref<!tpu.dma_semaphore, #tpu.memory_space<semaphore_mem>>) src(%dma_wait3A_62 : memref<624x128xf32, #tpu.memory_space<vmem_shared>>) dst(%dma_wait3A_60 : memref<624x128xf32, #tpu.memory_space<hbm>>)
        tpu.yield
      }) : () -> ()
    } else {
    }
    %eq3A_44 = arith.constant 1 : i32
    %eq3A_45 = arith.cmpi eq, %arg0, %eq3A_44 : i32
    %eq3A_46 = arith.constant 15 : i32
    %eq3A_47 = arith.cmpi eq, %arg1, %eq3A_46 : i32
    %and3A_48 = arith.andi %eq3A_45, %eq3A_47 : i1
    %convert_element_type3A_49 = arith.extui %and3A_48 : i1 to i32
    %cond3A_50 = arith.constant 0 : i32
    %cond3A_51 = arith.cmpi ne, %convert_element_type3A_49, %cond3A_50 : i32
    scf.if %cond3A_51 {
      "tpu.region"() ({
        %run_scoped3A_52 = tpu.sem_alloc : memref<!tpu.dma_semaphore, #tpu.memory_space<semaphore_mem>>
        %dma_start3A = arith.constant 9360 : i32
        %dma_start3A_53 = arith.constant 0 : i32
        %dma_start3A_54 = tpu.memref_slice %arg6[%dma_start3A, %dma_start3A_53] : memref<10000x128xf32, #tpu.memory_space<hbm>> -> memref<640x128xf32, #tpu.memory_space<hbm>>
        %dma_start3A_55 = arith.constant 9360 : i32
        %dma_start3A_56 = arith.constant 0 : i32
        %dma_start3A_57 = tpu.memref_slice %arg13[%dma_start3A_55, %dma_start3A_56] : memref<10000x128xf32, #tpu.memory_space<vmem_shared>> -> memref<640x128xf32, #tpu.memory_space<vmem_shared>>
        tpu.enqueue_dma source(%dma_start3A_57 : memref<640x128xf32, #tpu.memory_space<vmem_shared>>) target(%dma_start3A_54 : memref<640x128xf32, #tpu.memory_space<hbm>>) target_semaphore(%run_scoped3A_52 : memref<!tpu.dma_semaphore, #tpu.memory_space<semaphore_mem>>)
        %dma_wait3A = arith.constant 9360 : i32
        %dma_wait3A_58 = arith.constant 0 : i32
        %dma_wait3A_59 = tpu.memref_slice %arg6[%dma_wait3A, %dma_wait3A_58] : memref<10000x128xf32, #tpu.memory_space<hbm>> -> memref<640x128xf32, #tpu.memory_space<hbm>>
        %dma_wait3A_60 = arith.constant 9360 : i32
        %dma_wait3A_61 = arith.constant 0 : i32
        %dma_wait3A_62 = tpu.memref_slice %arg13[%dma_wait3A_60, %dma_wait3A_61] : memref<10000x128xf32, #tpu.memory_space<vmem_shared>> -> memref<640x128xf32, #tpu.memory_space<vmem_shared>>
        tpu.wait_dma2 semaphore(%run_scoped3A_52 : memref<!tpu.dma_semaphore, #tpu.memory_space<semaphore_mem>>) src(%dma_wait3A_62 : memref<640x128xf32, #tpu.memory_space<vmem_shared>>) dst(%dma_wait3A_59 : memref<640x128xf32, #tpu.memory_space<hbm>>)
        tpu.yield
      }) : () -> ()
    } else {
    }
    return
  }
}

#map = affine_map<(d0, d1) -> (0, 0)>
#map1 = affine_map<(d0, d1) -> (0, 0, 0)>
module attributes {stable_mosaic.version = 14 : i64} {
  func.func @_seg_body(%arg0: i32, %arg1: i32, %arg2: memref<10000x128xf32, #tpu.memory_space<hbm>>, %arg3: memref<10000x128xf32, #tpu.memory_space<hbm>>, %arg4: memref<16x125x80xi32, #tpu.memory_space<hbm>>, %arg5: memref<10000x128xf32, #tpu.memory_space<hbm>>, %arg6: memref<10000x128xf32, #tpu.memory_space<hbm>>, %arg7: memref<125x80xi32, #tpu.memory_space<vmem>>, %arg8: memref<80xi32, #tpu.memory_space<vmem>>, %arg9: memref<80xi32, #tpu.memory_space<vmem>>, %arg10: memref<80xi32, #tpu.memory_space<vmem>>, %arg11: memref<80xi32, #tpu.memory_space<vmem>>, %arg12: memref<2x80x128xf32, #tpu.memory_space<vmem>>, %arg13: memref<10000x128xf32, #tpu.memory_space<vmem_shared>>, %arg14: memref<!tpu.dma_semaphore, #tpu.memory_space<semaphore_mem>>, %arg15: memref<!tpu.dma_semaphore, #tpu.memory_space<semaphore_mem>>, %arg16: memref<!tpu.dma_semaphore, #tpu.memory_space<semaphore_mem>>) attributes {dimension_semantics = [#tpu.dimension_semantics<core_parallel>, #tpu.dimension_semantics<subcore_parallel>], iteration_bounds = array<i64: 2, 16>, scalar_prefetch = 0 : i64, scratch_operands = 10 : i64, tpu.core_type = #tpu.core_type<sc_vector_subcore>, window_params = [{transform_indices = #map}, {transform_indices = #map}, {transform_indices = #map1}, {transform_indices = #map}, {transform_indices = #map}]} {
    %broadcast_in_dim3A = arith.constant 0.000000e+00 : f32
    %broadcast_in_dim3A_0 = vector.broadcast %broadcast_in_dim3A : f32 to vector<16xf32>
    %scan3A = arith.constant 0 : i32
    %scan3A_1 = arith.constant 0 : i32
    %scan3A_2 = arith.constant 640 : i32
    %scan3A_3 = arith.addi %scan3A_1, %scan3A_2 : i32
    %scan3A_4 = arith.constant 1 : i32
    scf.for %scan3A_52 = %scan3A_1 to %scan3A_3 step %scan3A_4  : i32 {
      %jit3A = arith.constant 8 : i32
      %div3A = arith.divsi %scan3A_52, %jit3A : i32
      %sign3A = arith.constant 0 : i32
      %sign3A_53 = arith.cmpi sgt, %scan3A_52, %sign3A : i32
      %sign3A_54 = arith.extui %sign3A_53 : i1 to i32
      %sign3A_55 = arith.constant 0 : i32
      %sign3A_56 = arith.cmpi slt, %scan3A_52, %sign3A_55 : i32
      %sign3A_57 = arith.extui %sign3A_56 : i1 to i32
      %sign3A_58 = arith.subi %sign3A_54, %sign3A_57 : i32
      %sign3A_59 = arith.constant 0 : i32
      %sign3A_60 = arith.cmpi sgt, %jit3A, %sign3A_59 : i32
      %sign3A_61 = arith.extui %sign3A_60 : i1 to i32
      %sign3A_62 = arith.constant 0 : i32
      %sign3A_63 = arith.cmpi slt, %jit3A, %sign3A_62 : i32
      %sign3A_64 = arith.extui %sign3A_63 : i1 to i32
      %sign3A_65 = arith.subi %sign3A_61, %sign3A_64 : i32
      %ne3A = arith.cmpi ne, %sign3A_58, %sign3A_65 : i32
      %rem3A = arith.remsi %scan3A_52, %jit3A : i32
      %ne3A_66 = arith.constant 0 : i32
      %ne3A_67 = arith.cmpi ne, %rem3A, %ne3A_66 : i32
      %and3A_68 = arith.andi %ne3A, %ne3A_67 : i1
      %sub3A = arith.constant 1 : i32
      %sub3A_69 = arith.subi %div3A, %sub3A : i32
      %select_n3A = arith.select %and3A_68, %sub3A_69, %div3A : i32
      %jit3A_70 = arith.constant 8 : i32
      %eq3A_71 = arith.constant 0 : i32
      %eq3A_72 = arith.cmpi eq, %jit3A_70, %eq3A_71 : i32
      %jit3A_73 = arith.constant 1 : i32
      %select_n3A_74 = arith.select %eq3A_72, %jit3A_73, %jit3A_70 : i32
      %rem3A_75 = arith.remsi %scan3A_52, %select_n3A_74 : i32
      %ne3A_76 = arith.constant 0 : i32
      %ne3A_77 = arith.cmpi ne, %rem3A_75, %ne3A_76 : i32
      %lt3A_78 = arith.constant 0 : i32
      %lt3A_79 = arith.cmpi slt, %rem3A_75, %lt3A_78 : i32
      %lt3A_80 = arith.constant 0 : i32
      %lt3A_81 = arith.cmpi slt, %select_n3A_74, %lt3A_80 : i32
      %ne3A_82 = arith.xori %lt3A_79, %lt3A_81 : i1
      %and3A_83 = arith.andi %ne3A_82, %ne3A_77 : i1
      %add3A_84 = arith.addi %rem3A_75, %select_n3A_74 : i32
      %select_n3A_85 = arith.select %and3A_83, %add3A_84, %rem3A_75 : i32
      %mul3A_86 = arith.constant 16 : i32
      %mul3A_87 = arith.muli %select_n3A_85, %mul3A_86 : i32
      %swap3A = arith.constant 0 : i32
      %swap3A_88 = arith.index_cast %swap3A : i32 to index
      %swap3A_89 = arith.index_cast %select_n3A : i32 to index
      %swap3A_90 = arith.index_cast %mul3A_87 : i32 to index
      %swap3A_91 = tpu.vector_load %arg12[%swap3A_88, %swap3A_89, %swap3A_90] {strides = array<i32>} : memref<2x80x128xf32, #tpu.memory_space<vmem>>, vector<1x1x16xf32>,
      %swap3A_92 = vector.shape_cast %swap3A_91 : vector<1x1x16xf32> to vector<16xf32>
      %swap3A_93 = vector.shape_cast %broadcast_in_dim3A_0 : vector<16xf32> to vector<1x1x16xf32>
      tpu.vector_store %arg12[%swap3A_88, %swap3A_89, %swap3A_90], %swap3A_93 {strides = array<i32>} : memref<2x80x128xf32, #tpu.memory_space<vmem>>, vector<1x1x16xf32>,
    }
    %scan3A_5 = arith.constant 640 : i32
    %scan3A_6 = arith.constant 0 : i32
    %scan3A_7 = arith.constant 0 : i32
    %scan3A_8 = arith.constant 7 : i32
    %scan3A_9 = arith.addi %scan3A_7, %scan3A_8 : i32
    %scan3A_10 = arith.constant 1 : i32
    scf.for %scan3A_52 = %scan3A_7 to %scan3A_9 step %scan3A_10  : i32 {
      %mul3A_53 = arith.constant 625 : i32
      %mul3A_54 = arith.muli %arg1, %mul3A_53 : i32
      %mul3A_55 = arith.constant 80 : i32
      %mul3A_56 = arith.muli %scan3A_52, %mul3A_55 : i32
      %add3A_57 = arith.addi %mul3A_54, %mul3A_56 : i32
      %run_scoped3A_58 = arith.constant 0 : i32
      "tpu.region"() ({
        %run_scoped3A_59 = tpu.sem_alloc : memref<!tpu.dma_semaphore, #tpu.memory_space<semaphore_mem>>
        %dma_start3A = arith.constant 0 : i32
        %dma_start3A_60 = arith.constant 0 : i32
        %dma_start3A_61 = tpu.memref_slice %arg12[%run_scoped3A_58, %dma_start3A, %dma_start3A_60] : memref<2x80x128xf32, #tpu.memory_space<vmem>> -> memref<1x80x128xf32, #tpu.memory_space<vmem>>
        %dma_start3A_62 = tpu.memref_squeeze %dma_start3A_61 : memref<1x80x128xf32, #tpu.memory_space<vmem>> -> memref<80x128xf32, #tpu.memory_space<vmem>>
        %dma_start3A_63 = arith.constant 0 : i32
        %dma_start3A_64 = tpu.memref_slice %arg13[%add3A_57, %dma_start3A_63] : memref<10000x128xf32, #tpu.memory_space<vmem_shared>> -> memref<80x128xf32, #tpu.memory_space<vmem_shared>>
        %dma_start3A_65 = arith.constant 0 : i32
        %dma_start3A_66 = tpu.memref_slice %arg13[%add3A_57, %dma_start3A_65] : memref<10000x128xf32, #tpu.memory_space<vmem_shared>> -> memref<80x128xf32, #tpu.memory_space<vmem_shared>>
        %dma_start3A_67 = arith.constant 0 : i32
        %dma_start3A_68 = arith.constant 0 : i32
        %dma_start3A_69 = tpu.memref_slice %arg12[%run_scoped3A_58, %dma_start3A_67, %dma_start3A_68] : memref<2x80x128xf32, #tpu.memory_space<vmem>> -> memref<1x80x128xf32, #tpu.memory_space<vmem>>
        %dma_start3A_70 = tpu.memref_squeeze %dma_start3A_69 : memref<1x80x128xf32, #tpu.memory_space<vmem>> -> memref<80x128xf32, #tpu.memory_space<vmem>>
        tpu.enqueue_dma source(%dma_start3A_70 : memref<80x128xf32, #tpu.memory_space<vmem>>) target(%dma_start3A_66 : memref<80x128xf32, #tpu.memory_space<vmem_shared>>) target_semaphore(%run_scoped3A_59 : memref<!tpu.dma_semaphore, #tpu.memory_space<semaphore_mem>>)
        %dma_wait3A = arith.constant 0 : i32
        %dma_wait3A_71 = arith.constant 0 : i32
        %dma_wait3A_72 = tpu.memref_slice %arg12[%run_scoped3A_58, %dma_wait3A, %dma_wait3A_71] : memref<2x80x128xf32, #tpu.memory_space<vmem>> -> memref<1x80x128xf32, #tpu.memory_space<vmem>>
        %dma_wait3A_73 = tpu.memref_squeeze %dma_wait3A_72 : memref<1x80x128xf32, #tpu.memory_space<vmem>> -> memref<80x128xf32, #tpu.memory_space<vmem>>
        %dma_wait3A_74 = arith.constant 0 : i32
        %dma_wait3A_75 = tpu.memref_slice %arg13[%add3A_57, %dma_wait3A_74] : memref<10000x128xf32, #tpu.memory_space<vmem_shared>> -> memref<80x128xf32, #tpu.memory_space<vmem_shared>>
        %dma_wait3A_76 = arith.constant 0 : i32
        %dma_wait3A_77 = tpu.memref_slice %arg13[%add3A_57, %dma_wait3A_76] : memref<10000x128xf32, #tpu.memory_space<vmem_shared>> -> memref<80x128xf32, #tpu.memory_space<vmem_shared>>
        %dma_wait3A_78 = arith.constant 0 : i32
        %dma_wait3A_79 = arith.constant 0 : i32
        %dma_wait3A_80 = tpu.memref_slice %arg12[%run_scoped3A_58, %dma_wait3A_78, %dma_wait3A_79] : memref<2x80x128xf32, #tpu.memory_space<vmem>> -> memref<1x80x128xf32, #tpu.memory_space<vmem>>
        %dma_wait3A_81 = tpu.memref_squeeze %dma_wait3A_80 : memref<1x80x128xf32, #tpu.memory_space<vmem>> -> memref<80x128xf32, #tpu.memory_space<vmem>>
        tpu.wait_dma2 semaphore(%run_scoped3A_59 : memref<!tpu.dma_semaphore, #tpu.memory_space<semaphore_mem>>) src(%dma_wait3A_81 : memref<80x128xf32, #tpu.memory_space<vmem>>) dst(%dma_wait3A_77 : memref<80x128xf32, #tpu.memory_space<vmem_shared>>)
        tpu.yield
      }) : () -> ()
    }
    %scan3A_11 = arith.constant 7 : i32
    %mul3A = arith.constant 625 : i32
    %mul3A_12 = arith.muli %arg1, %mul3A : i32
    %add3A = arith.constant 560 : i32
    %add3A_13 = arith.addi %mul3A_12, %add3A : i32
    %run_scoped3A = arith.constant 0 : i32
    "tpu.region"() ({
      %run_scoped3A_52 = tpu.sem_alloc : memref<!tpu.dma_semaphore, #tpu.memory_space<semaphore_mem>>
      %dma_start3A = arith.constant 0 : i32
      %dma_start3A_53 = arith.constant 0 : i32
      %dma_start3A_54 = tpu.memref_slice %arg12[%run_scoped3A, %dma_start3A, %dma_start3A_53] : memref<2x80x128xf32, #tpu.memory_space<vmem>> -> memref<1x65x128xf32, #tpu.memory_space<vmem>>
      %dma_start3A_55 = tpu.memref_squeeze %dma_start3A_54 : memref<1x65x128xf32, #tpu.memory_space<vmem>> -> memref<65x128xf32, #tpu.memory_space<vmem>>
      %dma_start3A_56 = arith.constant 0 : i32
      %dma_start3A_57 = tpu.memref_slice %arg13[%add3A_13, %dma_start3A_56] : memref<10000x128xf32, #tpu.memory_space<vmem_shared>> -> memref<65x128xf32, #tpu.memory_space<vmem_shared>>
      %dma_start3A_58 = arith.constant 0 : i32
      %dma_start3A_59 = tpu.memref_slice %arg13[%add3A_13, %dma_start3A_58] : memref<10000x128xf32, #tpu.memory_space<vmem_shared>> -> memref<65x128xf32, #tpu.memory_space<vmem_shared>>
      %dma_start3A_60 = arith.constant 0 : i32
      %dma_start3A_61 = arith.constant 0 : i32
      %dma_start3A_62 = tpu.memref_slice %arg12[%run_scoped3A, %dma_start3A_60, %dma_start3A_61] : memref<2x80x128xf32, #tpu.memory_space<vmem>> -> memref<1x65x128xf32, #tpu.memory_space<vmem>>
      %dma_start3A_63 = tpu.memref_squeeze %dma_start3A_62 : memref<1x65x128xf32, #tpu.memory_space<vmem>> -> memref<65x128xf32, #tpu.memory_space<vmem>>
      tpu.enqueue_dma source(%dma_start3A_63 : memref<65x128xf32, #tpu.memory_space<vmem>>) target(%dma_start3A_59 : memref<65x128xf32, #tpu.memory_space<vmem_shared>>) target_semaphore(%run_scoped3A_52 : memref<!tpu.dma_semaphore, #tpu.memory_space<semaphore_mem>>)
      %dma_wait3A = arith.constant 0 : i32
      %dma_wait3A_64 = arith.constant 0 : i32
      %dma_wait3A_65 = tpu.memref_slice %arg12[%run_scoped3A, %dma_wait3A, %dma_wait3A_64] : memref<2x80x128xf32, #tpu.memory_space<vmem>> -> memref<1x65x128xf32, #tpu.memory_space<vmem>>
      %dma_wait3A_66 = tpu.memref_squeeze %dma_wait3A_65 : memref<1x65x128xf32, #tpu.memory_space<vmem>> -> memref<65x128xf32, #tpu.memory_space<vmem>>
      %dma_wait3A_67 = arith.constant 0 : i32
      %dma_wait3A_68 = tpu.memref_slice %arg13[%add3A_13, %dma_wait3A_67] : memref<10000x128xf32, #tpu.memory_space<vmem_shared>> -> memref<65x128xf32, #tpu.memory_space<vmem_shared>>
      %dma_wait3A_69 = arith.constant 0 : i32
      %dma_wait3A_70 = tpu.memref_slice %arg13[%add3A_13, %dma_wait3A_69] : memref<10000x128xf32, #tpu.memory_space<vmem_shared>> -> memref<65x128xf32, #tpu.memory_space<vmem_shared>>
      %dma_wait3A_71 = arith.constant 0 : i32
      %dma_wait3A_72 = arith.constant 0 : i32
      %dma_wait3A_73 = tpu.memref_slice %arg12[%run_scoped3A, %dma_wait3A_71, %dma_wait3A_72] : memref<2x80x128xf32, #tpu.memory_space<vmem>> -> memref<1x65x128xf32, #tpu.memory_space<vmem>>
      %dma_wait3A_74 = tpu.memref_squeeze %dma_wait3A_73 : memref<1x65x128xf32, #tpu.memory_space<vmem>> -> memref<65x128xf32, #tpu.memory_space<vmem>>
      tpu.wait_dma2 semaphore(%run_scoped3A_52 : memref<!tpu.dma_semaphore, #tpu.memory_space<semaphore_mem>>) src(%dma_wait3A_74 : memref<65x128xf32, #tpu.memory_space<vmem>>) dst(%dma_wait3A_70 : memref<65x128xf32, #tpu.memory_space<vmem_shared>>)
      tpu.yield
    }) : () -> ()
    "tpu.region"() ({
      %run_scoped3A_52 = tpu.sem_alloc : memref<!tpu.dma_semaphore, #tpu.memory_space<semaphore_mem>>
      %dma_start3A = arith.constant 0 : i32
      %dma_start3A_53 = arith.constant 0 : i32
      %dma_start3A_54 = tpu.memref_slice %arg4[%arg1, %dma_start3A, %dma_start3A_53] : memref<16x125x80xi32, #tpu.memory_space<hbm>> -> memref<1x125x80xi32, #tpu.memory_space<hbm>>
      %dma_start3A_55 = tpu.memref_squeeze %dma_start3A_54 : memref<1x125x80xi32, #tpu.memory_space<hbm>> -> memref<125x80xi32, #tpu.memory_space<hbm>>
      %dma_start3A_56 = arith.constant 0 : i32
      %dma_start3A_57 = arith.constant 0 : i32
      %dma_start3A_58 = tpu.memref_slice %arg4[%arg1, %dma_start3A_56, %dma_start3A_57] : memref<16x125x80xi32, #tpu.memory_space<hbm>> -> memref<1x125x80xi32, #tpu.memory_space<hbm>>
      %dma_start3A_59 = tpu.memref_squeeze %dma_start3A_58 : memref<1x125x80xi32, #tpu.memory_space<hbm>> -> memref<125x80xi32, #tpu.memory_space<hbm>>
      tpu.enqueue_dma source(%dma_start3A_59 : memref<125x80xi32, #tpu.memory_space<hbm>>) target(%arg7 : memref<125x80xi32, #tpu.memory_space<vmem>>) target_semaphore(%run_scoped3A_52 : memref<!tpu.dma_semaphore, #tpu.memory_space<semaphore_mem>>)
      %dma_wait3A = arith.constant 0 : i32
      %dma_wait3A_60 = arith.constant 0 : i32
      %dma_wait3A_61 = tpu.memref_slice %arg4[%arg1, %dma_wait3A, %dma_wait3A_60] : memref<16x125x80xi32, #tpu.memory_space<hbm>> -> memref<1x125x80xi32, #tpu.memory_space<hbm>>
      %dma_wait3A_62 = tpu.memref_squeeze %dma_wait3A_61 : memref<1x125x80xi32, #tpu.memory_space<hbm>> -> memref<125x80xi32, #tpu.memory_space<hbm>>
      %dma_wait3A_63 = arith.constant 0 : i32
      %dma_wait3A_64 = arith.constant 0 : i32
      %dma_wait3A_65 = tpu.memref_slice %arg4[%arg1, %dma_wait3A_63, %dma_wait3A_64] : memref<16x125x80xi32, #tpu.memory_space<hbm>> -> memref<1x125x80xi32, #tpu.memory_space<hbm>>
      %dma_wait3A_66 = tpu.memref_squeeze %dma_wait3A_65 : memref<1x125x80xi32, #tpu.memory_space<hbm>> -> memref<125x80xi32, #tpu.memory_space<hbm>>
      tpu.wait_dma2 semaphore(%run_scoped3A_52 : memref<!tpu.dma_semaphore, #tpu.memory_space<semaphore_mem>>) src(%dma_wait3A_66 : memref<125x80xi32, #tpu.memory_space<hbm>>) dst(%arg7 : memref<125x80xi32, #tpu.memory_space<vmem>>)
      tpu.yield
    }) : () -> ()
    %barrier3A = arith.constant 0 : index
    tpu.barrier barrier_id(%barrier3A)
    %eq3A = arith.constant 0 : i32
    %eq3A_14 = arith.cmpi eq, %arg0, %eq3A : i32
    %convert_element_type3A = arith.extui %eq3A_14 : i1 to i32
    %cond3A = arith.constant 0 : i32
    %cond3A_15 = arith.cmpi ne, %convert_element_type3A, %cond3A : i32
    scf.if %cond3A_15 {
      %scan3A_52 = arith.constant 0 : i32
      %scan3A_53 = arith.constant 0 : i32
      %scan3A_54 = arith.constant 125 : i32
      %scan3A_55 = arith.addi %scan3A_53, %scan3A_54 : i32
      %scan3A_56 = arith.constant 1 : i32
      scf.for %scan3A_58 = %scan3A_53 to %scan3A_55 step %scan3A_56  : i32 {
        %scan3A_59 = arith.constant 0 : i32
        %scan3A_60 = arith.constant 0 : i32
        %scan3A_61 = arith.constant 5 : i32
        %scan3A_62 = arith.addi %scan3A_60, %scan3A_61 : i32
        %scan3A_63 = arith.constant 1 : i32
        scf.for %scan3A_80 = %scan3A_60 to %scan3A_62 step %scan3A_63  : i32 {
          %mul3A_81 = arith.constant 16 : i32
          %mul3A_82 = arith.muli %scan3A_80, %mul3A_81 : i32
          %get3A = arith.index_cast %scan3A_58 : i32 to index
          %get3A_83 = arith.index_cast %mul3A_82 : i32 to index
          %get3A_84 = tpu.vector_load %arg7[%get3A, %get3A_83] {strides = array<i32>} : memref<125x80xi32, #tpu.memory_space<vmem>>, vector<1x16xi32>,
          %get3A_85 = vector.shape_cast %get3A_84 : vector<1x16xi32> to vector<16xi32>
          %shift_right_logical3A = arith.constant 14 : i32
          %shift_right_logical3A_86 = vector.broadcast %shift_right_logical3A : i32 to vector<16xi32>
          %shift_right_logical3A_87 = arith.shrui %get3A_85, %shift_right_logical3A_86 : vector<16xi32>
          %mul3A_88 = arith.constant 16 : i32
          %mul3A_89 = arith.muli %scan3A_80, %mul3A_88 : i32
          %swap3A = arith.index_cast %mul3A_89 : i32 to index
          %swap3A_90 = tpu.vector_load %arg8[%swap3A] {strides = array<i32>} : memref<80xi32, #tpu.memory_space<vmem>>, vector<16xi32>,
          %swap3A_91 = vector.shape_cast %swap3A_90 : vector<16xi32> to vector<16xi32>
          %swap3A_92 = vector.shape_cast %shift_right_logical3A_87 : vector<16xi32> to vector<16xi32>
          tpu.vector_store %arg8[%swap3A], %swap3A_92 {strides = array<i32>} : memref<80xi32, #tpu.memory_space<vmem>>, vector<16xi32>,
          %and3A_93 = arith.constant 16383 : i32
          %and3A_94 = vector.broadcast %and3A_93 : i32 to vector<16xi32>
          %and3A_95 = arith.andi %get3A_85, %and3A_94 : vector<16xi32>
          %mul3A_96 = arith.constant 16 : i32
          %mul3A_97 = arith.muli %scan3A_80, %mul3A_96 : i32
          %swap3A_98 = arith.index_cast %mul3A_97 : i32 to index
          %swap3A_99 = tpu.vector_load %arg9[%swap3A_98] {strides = array<i32>} : memref<80xi32, #tpu.memory_space<vmem>>, vector<16xi32>,
          %swap3A_100 = vector.shape_cast %swap3A_99 : vector<16xi32> to vector<16xi32>
          %swap3A_101 = vector.shape_cast %and3A_95 : vector<16xi32> to vector<16xi32>
          tpu.vector_store %arg9[%swap3A_98], %swap3A_101 {strides = array<i32>} : memref<80xi32, #tpu.memory_space<vmem>>, vector<16xi32>,
        }
        %scan3A_64 = arith.constant 5 : i32
        %dma_start3A = arith.constant 0 : i32
        %dma_start3A_65 = arith.constant 0 : i32
        %dma_start3A_66 = arith.constant 0 : i32
        %dma_start3A_67 = tpu.memref_slice %arg12[%dma_start3A, %dma_start3A_65, %dma_start3A_66] : memref<2x80x128xf32, #tpu.memory_space<vmem>> -> memref<1x80x128xf32, #tpu.memory_space<vmem>>
        %dma_start3A_68 = tpu.memref_squeeze %dma_start3A_67 : memref<1x80x128xf32, #tpu.memory_space<vmem>> -> memref<80x128xf32, #tpu.memory_space<vmem>>
        %dma_start3A_69 = arith.constant 0 : i32
        %dma_start3A_70 = arith.constant 0 : i32
        %dma_start3A_71 = tpu.memref_slice %arg2[%dma_start3A_69, %dma_start3A_70] : memref<10000x128xf32, #tpu.memory_space<hbm>> -> memref<10000x128xf32, #tpu.memory_space<hbm>>
        tpu.enqueue_indirect_dma source(%dma_start3A_71 : memref<10000x128xf32, #tpu.memory_space<hbm>>) target(%dma_start3A_68 : memref<80x128xf32, #tpu.memory_space<vmem>>) offsets(%arg8 : memref<80xi32, #tpu.memory_space<vmem>>) semaphore(%arg14 : memref<!tpu.dma_semaphore, #tpu.memory_space<semaphore_mem>>)
        %dma_wait3A = arith.constant 0 : i32
        %dma_wait3A_72 = arith.constant 0 : i32
        %dma_wait3A_73 = arith.constant 0 : i32
        %dma_wait3A_74 = tpu.memref_slice %arg12[%dma_wait3A, %dma_wait3A_72, %dma_wait3A_73] : memref<2x80x128xf32, #tpu.memory_space<vmem>> -> memref<1x80x128xf32, #tpu.memory_space<vmem>>
        %dma_wait3A_75 = tpu.memref_squeeze %dma_wait3A_74 : memref<1x80x128xf32, #tpu.memory_space<vmem>> -> memref<80x128xf32, #tpu.memory_space<vmem>>
        %dma_wait3A_76 = arith.constant 0 : i32
        %dma_wait3A_77 = arith.constant 0 : i32
        %dma_wait3A_78 = tpu.memref_slice %arg2[%dma_wait3A_76, %dma_wait3A_77] : memref<10000x128xf32, #tpu.memory_space<hbm>> -> memref<10000x128xf32, #tpu.memory_space<hbm>>
        tpu.wait_indirect_dma semaphore(%arg14 : memref<!tpu.dma_semaphore, #tpu.memory_space<semaphore_mem>>) src(%dma_wait3A_78 : memref<10000x128xf32, #tpu.memory_space<hbm>>) dst(%dma_wait3A_75 : memref<80x128xf32, #tpu.memory_space<vmem>>)
        %run_scoped3A_79 = arith.constant 0 : i32
        "tpu.region"() ({
          %run_scoped3A_80 = tpu.sem_alloc : memref<!tpu.dma_semaphore, #tpu.memory_space<semaphore_mem>>
          %dma_start3A_81 = arith.constant 0 : i32
          %dma_start3A_82 = arith.constant 0 : i32
          %dma_start3A_83 = tpu.memref_slice %arg12[%run_scoped3A_79, %dma_start3A_81, %dma_start3A_82] : memref<2x80x128xf32, #tpu.memory_space<vmem>> -> memref<1x80x128xf32, #tpu.memory_space<vmem>>
          %dma_start3A_84 = tpu.memref_squeeze %dma_start3A_83 : memref<1x80x128xf32, #tpu.memory_space<vmem>> -> memref<80x128xf32, #tpu.memory_space<vmem>>
          %dma_start3A_85 = arith.constant 0 : i32
          %dma_start3A_86 = arith.constant 0 : i32
          %dma_start3A_87 = tpu.memref_slice %arg13[%dma_start3A_85, %dma_start3A_86] : memref<10000x128xf32, #tpu.memory_space<vmem_shared>> -> memref<10000x128xf32, #tpu.memory_space<vmem_shared>>
          tpu.enqueue_indirect_dma source(%dma_start3A_84 : memref<80x128xf32, #tpu.memory_space<vmem>>) target(%dma_start3A_87 : memref<10000x128xf32, #tpu.memory_space<vmem_shared>>) offsets(%arg9 : memref<80xi32, #tpu.memory_space<vmem>>) semaphore(%run_scoped3A_80 : memref<!tpu.dma_semaphore, #tpu.memory_space<semaphore_mem>>) {add = true}
          %dma_wait3A_88 = arith.constant 0 : i32
          %dma_wait3A_89 = arith.constant 0 : i32
          %dma_wait3A_90 = tpu.memref_slice %arg12[%run_scoped3A_79, %dma_wait3A_88, %dma_wait3A_89] : memref<2x80x128xf32, #tpu.memory_space<vmem>> -> memref<1x80x128xf32, #tpu.memory_space<vmem>>
          %dma_wait3A_91 = tpu.memref_squeeze %dma_wait3A_90 : memref<1x80x128xf32, #tpu.memory_space<vmem>> -> memref<80x128xf32, #tpu.memory_space<vmem>>
          %dma_wait3A_92 = arith.constant 0 : i32
          %dma_wait3A_93 = arith.constant 0 : i32
          %dma_wait3A_94 = tpu.memref_slice %arg13[%dma_wait3A_92, %dma_wait3A_93] : memref<10000x128xf32, #tpu.memory_space<vmem_shared>> -> memref<10000x128xf32, #tpu.memory_space<vmem_shared>>
          tpu.wait_indirect_dma semaphore(%run_scoped3A_80 : memref<!tpu.dma_semaphore, #tpu.memory_space<semaphore_mem>>) src(%dma_wait3A_91 : memref<80x128xf32, #tpu.memory_space<vmem>>) dst(%dma_wait3A_94 : memref<10000x128xf32, #tpu.memory_space<vmem_shared>>)
          tpu.yield
        }) : () -> ()
      }
      %scan3A_57 = arith.constant 125 : i32
    } else {
    }
    %eq3A_16 = arith.constant 1 : i32
    %eq3A_17 = arith.cmpi eq, %arg0, %eq3A_16 : i32
    %convert_element_type3A_18 = arith.extui %eq3A_17 : i1 to i32
    %cond3A_19 = arith.constant 0 : i32
    %cond3A_20 = arith.cmpi ne, %convert_element_type3A_18, %cond3A_19 : i32
    scf.if %cond3A_20 {
      %scan3A_52 = arith.constant 0 : i32
      %scan3A_53 = arith.constant 0 : i32
      %scan3A_54 = arith.constant 125 : i32
      %scan3A_55 = arith.addi %scan3A_53, %scan3A_54 : i32
      %scan3A_56 = arith.constant 1 : i32
      scf.for %scan3A_58 = %scan3A_53 to %scan3A_55 step %scan3A_56  : i32 {
        %scan3A_59 = arith.constant 0 : i32
        %scan3A_60 = arith.constant 0 : i32
        %scan3A_61 = arith.constant 5 : i32
        %scan3A_62 = arith.addi %scan3A_60, %scan3A_61 : i32
        %scan3A_63 = arith.constant 1 : i32
        scf.for %scan3A_80 = %scan3A_60 to %scan3A_62 step %scan3A_63  : i32 {
          %mul3A_81 = arith.constant 16 : i32
          %mul3A_82 = arith.muli %scan3A_80, %mul3A_81 : i32
          %get3A = arith.index_cast %scan3A_58 : i32 to index
          %get3A_83 = arith.index_cast %mul3A_82 : i32 to index
          %get3A_84 = tpu.vector_load %arg7[%get3A, %get3A_83] {strides = array<i32>} : memref<125x80xi32, #tpu.memory_space<vmem>>, vector<1x16xi32>,
          %get3A_85 = vector.shape_cast %get3A_84 : vector<1x16xi32> to vector<16xi32>
          %shift_right_logical3A = arith.constant 14 : i32
          %shift_right_logical3A_86 = vector.broadcast %shift_right_logical3A : i32 to vector<16xi32>
          %shift_right_logical3A_87 = arith.shrui %get3A_85, %shift_right_logical3A_86 : vector<16xi32>
          %mul3A_88 = arith.constant 16 : i32
          %mul3A_89 = arith.muli %scan3A_80, %mul3A_88 : i32
          %swap3A = arith.index_cast %mul3A_89 : i32 to index
          %swap3A_90 = tpu.vector_load %arg8[%swap3A] {strides = array<i32>} : memref<80xi32, #tpu.memory_space<vmem>>, vector<16xi32>,
          %swap3A_91 = vector.shape_cast %swap3A_90 : vector<16xi32> to vector<16xi32>
          %swap3A_92 = vector.shape_cast %shift_right_logical3A_87 : vector<16xi32> to vector<16xi32>
          tpu.vector_store %arg8[%swap3A], %swap3A_92 {strides = array<i32>} : memref<80xi32, #tpu.memory_space<vmem>>, vector<16xi32>,
          %and3A_93 = arith.constant 16383 : i32
          %and3A_94 = vector.broadcast %and3A_93 : i32 to vector<16xi32>
          %and3A_95 = arith.andi %get3A_85, %and3A_94 : vector<16xi32>
          %mul3A_96 = arith.constant 16 : i32
          %mul3A_97 = arith.muli %scan3A_80, %mul3A_96 : i32
          %swap3A_98 = arith.index_cast %mul3A_97 : i32 to index
          %swap3A_99 = tpu.vector_load %arg9[%swap3A_98] {strides = array<i32>} : memref<80xi32, #tpu.memory_space<vmem>>, vector<16xi32>,
          %swap3A_100 = vector.shape_cast %swap3A_99 : vector<16xi32> to vector<16xi32>
          %swap3A_101 = vector.shape_cast %and3A_95 : vector<16xi32> to vector<16xi32>
          tpu.vector_store %arg9[%swap3A_98], %swap3A_101 {strides = array<i32>} : memref<80xi32, #tpu.memory_space<vmem>>, vector<16xi32>,
        }
        %scan3A_64 = arith.constant 5 : i32
        %dma_start3A = arith.constant 0 : i32
        %dma_start3A_65 = arith.constant 0 : i32
        %dma_start3A_66 = arith.constant 0 : i32
        %dma_start3A_67 = tpu.memref_slice %arg12[%dma_start3A, %dma_start3A_65, %dma_start3A_66] : memref<2x80x128xf32, #tpu.memory_space<vmem>> -> memref<1x80x128xf32, #tpu.memory_space<vmem>>
        %dma_start3A_68 = tpu.memref_squeeze %dma_start3A_67 : memref<1x80x128xf32, #tpu.memory_space<vmem>> -> memref<80x128xf32, #tpu.memory_space<vmem>>
        %dma_start3A_69 = arith.constant 0 : i32
        %dma_start3A_70 = arith.constant 0 : i32
        %dma_start3A_71 = tpu.memref_slice %arg3[%dma_start3A_69, %dma_start3A_70] : memref<10000x128xf32, #tpu.memory_space<hbm>> -> memref<10000x128xf32, #tpu.memory_space<hbm>>
        tpu.enqueue_indirect_dma source(%dma_start3A_71 : memref<10000x128xf32, #tpu.memory_space<hbm>>) target(%dma_start3A_68 : memref<80x128xf32, #tpu.memory_space<vmem>>) offsets(%arg8 : memref<80xi32, #tpu.memory_space<vmem>>) semaphore(%arg14 : memref<!tpu.dma_semaphore, #tpu.memory_space<semaphore_mem>>)
        %dma_wait3A = arith.constant 0 : i32
        %dma_wait3A_72 = arith.constant 0 : i32
        %dma_wait3A_73 = arith.constant 0 : i32
        %dma_wait3A_74 = tpu.memref_slice %arg12[%dma_wait3A, %dma_wait3A_72, %dma_wait3A_73] : memref<2x80x128xf32, #tpu.memory_space<vmem>> -> memref<1x80x128xf32, #tpu.memory_space<vmem>>
        %dma_wait3A_75 = tpu.memref_squeeze %dma_wait3A_74 : memref<1x80x128xf32, #tpu.memory_space<vmem>> -> memref<80x128xf32, #tpu.memory_space<vmem>>
        %dma_wait3A_76 = arith.constant 0 : i32
        %dma_wait3A_77 = arith.constant 0 : i32
        %dma_wait3A_78 = tpu.memref_slice %arg3[%dma_wait3A_76, %dma_wait3A_77] : memref<10000x128xf32, #tpu.memory_space<hbm>> -> memref<10000x128xf32, #tpu.memory_space<hbm>>
        tpu.wait_indirect_dma semaphore(%arg14 : memref<!tpu.dma_semaphore, #tpu.memory_space<semaphore_mem>>) src(%dma_wait3A_78 : memref<10000x128xf32, #tpu.memory_space<hbm>>) dst(%dma_wait3A_75 : memref<80x128xf32, #tpu.memory_space<vmem>>)
        %run_scoped3A_79 = arith.constant 0 : i32
        "tpu.region"() ({
          %run_scoped3A_80 = tpu.sem_alloc : memref<!tpu.dma_semaphore, #tpu.memory_space<semaphore_mem>>
          %dma_start3A_81 = arith.constant 0 : i32
          %dma_start3A_82 = arith.constant 0 : i32
          %dma_start3A_83 = tpu.memref_slice %arg12[%run_scoped3A_79, %dma_start3A_81, %dma_start3A_82] : memref<2x80x128xf32, #tpu.memory_space<vmem>> -> memref<1x80x128xf32, #tpu.memory_space<vmem>>
          %dma_start3A_84 = tpu.memref_squeeze %dma_start3A_83 : memref<1x80x128xf32, #tpu.memory_space<vmem>> -> memref<80x128xf32, #tpu.memory_space<vmem>>
          %dma_start3A_85 = arith.constant 0 : i32
          %dma_start3A_86 = arith.constant 0 : i32
          %dma_start3A_87 = tpu.memref_slice %arg13[%dma_start3A_85, %dma_start3A_86] : memref<10000x128xf32, #tpu.memory_space<vmem_shared>> -> memref<10000x128xf32, #tpu.memory_space<vmem_shared>>
          tpu.enqueue_indirect_dma source(%dma_start3A_84 : memref<80x128xf32, #tpu.memory_space<vmem>>) target(%dma_start3A_87 : memref<10000x128xf32, #tpu.memory_space<vmem_shared>>) offsets(%arg9 : memref<80xi32, #tpu.memory_space<vmem>>) semaphore(%run_scoped3A_80 : memref<!tpu.dma_semaphore, #tpu.memory_space<semaphore_mem>>) {add = true}
          %dma_wait3A_88 = arith.constant 0 : i32
          %dma_wait3A_89 = arith.constant 0 : i32
          %dma_wait3A_90 = tpu.memref_slice %arg12[%run_scoped3A_79, %dma_wait3A_88, %dma_wait3A_89] : memref<2x80x128xf32, #tpu.memory_space<vmem>> -> memref<1x80x128xf32, #tpu.memory_space<vmem>>
          %dma_wait3A_91 = tpu.memref_squeeze %dma_wait3A_90 : memref<1x80x128xf32, #tpu.memory_space<vmem>> -> memref<80x128xf32, #tpu.memory_space<vmem>>
          %dma_wait3A_92 = arith.constant 0 : i32
          %dma_wait3A_93 = arith.constant 0 : i32
          %dma_wait3A_94 = tpu.memref_slice %arg13[%dma_wait3A_92, %dma_wait3A_93] : memref<10000x128xf32, #tpu.memory_space<vmem_shared>> -> memref<10000x128xf32, #tpu.memory_space<vmem_shared>>
          tpu.wait_indirect_dma semaphore(%run_scoped3A_80 : memref<!tpu.dma_semaphore, #tpu.memory_space<semaphore_mem>>) src(%dma_wait3A_91 : memref<80x128xf32, #tpu.memory_space<vmem>>) dst(%dma_wait3A_94 : memref<10000x128xf32, #tpu.memory_space<vmem_shared>>)
          tpu.yield
        }) : () -> ()
      }
      %scan3A_57 = arith.constant 125 : i32
    } else {
    }
    %barrier3A_21 = arith.constant 0 : index
    tpu.barrier barrier_id(%barrier3A_21)
    %eq3A_22 = arith.constant 0 : i32
    %eq3A_23 = arith.cmpi eq, %arg0, %eq3A_22 : i32
    %lt3A = arith.constant 15 : i32
    %lt3A_24 = arith.cmpi slt, %arg1, %lt3A : i32
    %and3A = arith.andi %eq3A_23, %lt3A_24 : i1
    %convert_element_type3A_25 = arith.extui %and3A : i1 to i32
    %cond3A_26 = arith.constant 0 : i32
    %cond3A_27 = arith.cmpi ne, %convert_element_type3A_25, %cond3A_26 : i32
    scf.if %cond3A_27 {
      %mul3A_52 = arith.constant 624 : i32
      %mul3A_53 = arith.muli %arg1, %mul3A_52 : i32
      %mul3A_54 = arith.constant 624 : i32
      %mul3A_55 = arith.muli %arg1, %mul3A_54 : i32
      "tpu.region"() ({
        %run_scoped3A_56 = tpu.sem_alloc : memref<!tpu.dma_semaphore, #tpu.memory_space<semaphore_mem>>
        %dma_start3A = arith.constant 0 : i32
        %dma_start3A_57 = tpu.memref_slice %arg5[%mul3A_55, %dma_start3A] : memref<10000x128xf32, #tpu.memory_space<hbm>> -> memref<624x128xf32, #tpu.memory_space<hbm>>
        %dma_start3A_58 = arith.constant 0 : i32
        %dma_start3A_59 = tpu.memref_slice %arg13[%mul3A_53, %dma_start3A_58] : memref<10000x128xf32, #tpu.memory_space<vmem_shared>> -> memref<624x128xf32, #tpu.memory_space<vmem_shared>>
        tpu.enqueue_dma source(%dma_start3A_59 : memref<624x128xf32, #tpu.memory_space<vmem_shared>>) target(%dma_start3A_57 : memref<624x128xf32, #tpu.memory_space<hbm>>) target_semaphore(%run_scoped3A_56 : memref<!tpu.dma_semaphore, #tpu.memory_space<semaphore_mem>>)
        %dma_wait3A = arith.constant 0 : i32
        %dma_wait3A_60 = tpu.memref_slice %arg5[%mul3A_55, %dma_wait3A] : memref<10000x128xf32, #tpu.memory_space<hbm>> -> memref<624x128xf32, #tpu.memory_space<hbm>>
        %dma_wait3A_61 = arith.constant 0 : i32
        %dma_wait3A_62 = tpu.memref_slice %arg13[%mul3A_53, %dma_wait3A_61] : memref<10000x128xf32, #tpu.memory_space<vmem_shared>> -> memref<624x128xf32, #tpu.memory_space<vmem_shared>>
        tpu.wait_dma2 semaphore(%run_scoped3A_56 : memref<!tpu.dma_semaphore, #tpu.memory_space<semaphore_mem>>) src(%dma_wait3A_62 : memref<624x128xf32, #tpu.memory_space<vmem_shared>>) dst(%dma_wait3A_60 : memref<624x128xf32, #tpu.memory_space<hbm>>)
        tpu.yield
      }) : () -> ()
    } else {
    }
    %eq3A_28 = arith.constant 0 : i32
    %eq3A_29 = arith.cmpi eq, %arg0, %eq3A_28 : i32
    %eq3A_30 = arith.constant 15 : i32
    %eq3A_31 = arith.cmpi eq, %arg1, %eq3A_30 : i32
    %and3A_32 = arith.andi %eq3A_29, %eq3A_31 : i1
    %convert_element_type3A_33 = arith.extui %and3A_32 : i1 to i32
    %cond3A_34 = arith.constant 0 : i32
    %cond3A_35 = arith.cmpi ne, %convert_element_type3A_33, %cond3A_34 : i32
    scf.if %cond3A_35 {
      "tpu.region"() ({
        %run_scoped3A_52 = tpu.sem_alloc : memref<!tpu.dma_semaphore, #tpu.memory_space<semaphore_mem>>
        %dma_start3A = arith.constant 9360 : i32
        %dma_start3A_53 = arith.constant 0 : i32
        %dma_start3A_54 = tpu.memref_slice %arg5[%dma_start3A, %dma_start3A_53] : memref<10000x128xf32, #tpu.memory_space<hbm>> -> memref<640x128xf32, #tpu.memory_space<hbm>>
        %dma_start3A_55 = arith.constant 9360 : i32
        %dma_start3A_56 = arith.constant 0 : i32
        %dma_start3A_57 = tpu.memref_slice %arg13[%dma_start3A_55, %dma_start3A_56] : memref<10000x128xf32, #tpu.memory_space<vmem_shared>> -> memref<640x128xf32, #tpu.memory_space<vmem_shared>>
        tpu.enqueue_dma source(%dma_start3A_57 : memref<640x128xf32, #tpu.memory_space<vmem_shared>>) target(%dma_start3A_54 : memref<640x128xf32, #tpu.memory_space<hbm>>) target_semaphore(%run_scoped3A_52 : memref<!tpu.dma_semaphore, #tpu.memory_space<semaphore_mem>>)
        %dma_wait3A = arith.constant 9360 : i32
        %dma_wait3A_58 = arith.constant 0 : i32
        %dma_wait3A_59 = tpu.memref_slice %arg5[%dma_wait3A, %dma_wait3A_58] : memref<10000x128xf32, #tpu.memory_space<hbm>> -> memref<640x128xf32, #tpu.memory_space<hbm>>
        %dma_wait3A_60 = arith.constant 9360 : i32
        %dma_wait3A_61 = arith.constant 0 : i32
        %dma_wait3A_62 = tpu.memref_slice %arg13[%dma_wait3A_60, %dma_wait3A_61] : memref<10000x128xf32, #tpu.memory_space<vmem_shared>> -> memref<640x128xf32, #tpu.memory_space<vmem_shared>>
        tpu.wait_dma2 semaphore(%run_scoped3A_52 : memref<!tpu.dma_semaphore, #tpu.memory_space<semaphore_mem>>) src(%dma_wait3A_62 : memref<640x128xf32, #tpu.memory_space<vmem_shared>>) dst(%dma_wait3A_59 : memref<640x128xf32, #tpu.memory_space<hbm>>)
        tpu.yield
      }) : () -> ()
    } else {
    }
    %eq3A_36 = arith.constant 1 : i32
    %eq3A_37 = arith.cmpi eq, %arg0, %eq3A_36 : i32
    %lt3A_38 = arith.constant 15 : i32
    %lt3A_39 = arith.cmpi slt, %arg1, %lt3A_38 : i32
    %and3A_40 = arith.andi %eq3A_37, %lt3A_39 : i1
    %convert_element_type3A_41 = arith.extui %and3A_40 : i1 to i32
    %cond3A_42 = arith.constant 0 : i32
    %cond3A_43 = arith.cmpi ne, %convert_element_type3A_41, %cond3A_42 : i32
    scf.if %cond3A_43 {
      %mul3A_52 = arith.constant 624 : i32
      %mul3A_53 = arith.muli %arg1, %mul3A_52 : i32
      %mul3A_54 = arith.constant 624 : i32
      %mul3A_55 = arith.muli %arg1, %mul3A_54 : i32
      "tpu.region"() ({
        %run_scoped3A_56 = tpu.sem_alloc : memref<!tpu.dma_semaphore, #tpu.memory_space<semaphore_mem>>
        %dma_start3A = arith.constant 0 : i32
        %dma_start3A_57 = tpu.memref_slice %arg6[%mul3A_55, %dma_start3A] : memref<10000x128xf32, #tpu.memory_space<hbm>> -> memref<624x128xf32, #tpu.memory_space<hbm>>
        %dma_start3A_58 = arith.constant 0 : i32
        %dma_start3A_59 = tpu.memref_slice %arg13[%mul3A_53, %dma_start3A_58] : memref<10000x128xf32, #tpu.memory_space<vmem_shared>> -> memref<624x128xf32, #tpu.memory_space<vmem_shared>>
        tpu.enqueue_dma source(%dma_start3A_59 : memref<624x128xf32, #tpu.memory_space<vmem_shared>>) target(%dma_start3A_57 : memref<624x128xf32, #tpu.memory_space<hbm>>) target_semaphore(%run_scoped3A_56 : memref<!tpu.dma_semaphore, #tpu.memory_space<semaphore_mem>>)
        %dma_wait3A = arith.constant 0 : i32
        %dma_wait3A_60 = tpu.memref_slice %arg6[%mul3A_55, %dma_wait3A] : memref<10000x128xf32, #tpu.memory_space<hbm>> -> memref<624x128xf32, #tpu.memory_space<hbm>>
        %dma_wait3A_61 = arith.constant 0 : i32
        %dma_wait3A_62 = tpu.memref_slice %arg13[%mul3A_53, %dma_wait3A_61] : memref<10000x128xf32, #tpu.memory_space<vmem_shared>> -> memref<624x128xf32, #tpu.memory_space<vmem_shared>>
        tpu.wait_dma2 semaphore(%run_scoped3A_56 : memref<!tpu.dma_semaphore, #tpu.memory_space<semaphore_mem>>) src(%dma_wait3A_62 : memref<624x128xf32, #tpu.memory_space<vmem_shared>>) dst(%dma_wait3A_60 : memref<624x128xf32, #tpu.memory_space<hbm>>)
        tpu.yield
      }) : () -> ()
    } else {
    }
    %eq3A_44 = arith.constant 1 : i32
    %eq3A_45 = arith.cmpi eq, %arg0, %eq3A_44 : i32
    %eq3A_46 = arith.constant 15 : i32
    %eq3A_47 = arith.cmpi eq, %arg1, %eq3A_46 : i32
    %and3A_48 = arith.andi %eq3A_45, %eq3A_47 : i1
    %convert_element_type3A_49 = arith.extui %and3A_48 : i1 to i32
    %cond3A_50 = arith.constant 0 : i32
    %cond3A_51 = arith.cmpi ne, %convert_element_type3A_49, %cond3A_50 : i32
    scf.if %cond3A_51 {
      "tpu.region"() ({
        %run_scoped3A_52 = tpu.sem_alloc : memref<!tpu.dma_semaphore, #tpu.memory_space<semaphore_mem>>
        %dma_start3A = arith.constant 9360 : i32
        %dma_start3A_53 = arith.constant 0 : i32
        %dma_start3A_54 = tpu.memref_slice %arg6[%dma_start3A, %dma_start3A_53] : memref<10000x128xf32, #tpu.memory_space<hbm>> -> memref<640x128xf32, #tpu.memory_space<hbm>>
        %dma_start3A_55 = arith.constant 9360 : i32
        %dma_start3A_56 = arith.constant 0 : i32
        %dma_start3A_57 = tpu.memref_slice %arg13[%dma_start3A_55, %dma_start3A_56] : memref<10000x128xf32, #tpu.memory_space<vmem_shared>> -> memref<640x128xf32, #tpu.memory_space<vmem_shared>>
        tpu.enqueue_dma source(%dma_start3A_57 : memref<640x128xf32, #tpu.memory_space<vmem_shared>>) target(%dma_start3A_54 : memref<640x128xf32, #tpu.memory_space<hbm>>) target_semaphore(%run_scoped3A_52 : memref<!tpu.dma_semaphore, #tpu.memory_space<semaphore_mem>>)
        %dma_wait3A = arith.constant 9360 : i32
        %dma_wait3A_58 = arith.constant 0 : i32
        %dma_wait3A_59 = tpu.memref_slice %arg6[%dma_wait3A, %dma_wait3A_58] : memref<10000x128xf32, #tpu.memory_space<hbm>> -> memref<640x128xf32, #tpu.memory_space<hbm>>
        %dma_wait3A_60 = arith.constant 9360 : i32
        %dma_wait3A_61 = arith.constant 0 : i32
        %dma_wait3A_62 = tpu.memref_slice %arg13[%dma_wait3A_60, %dma_wait3A_61] : memref<10000x128xf32, #tpu.memory_space<vmem_shared>> -> memref<640x128xf32, #tpu.memory_space<vmem_shared>>
        tpu.wait_dma2 semaphore(%run_scoped3A_52 : memref<!tpu.dma_semaphore, #tpu.memory_space<semaphore_mem>>) src(%dma_wait3A_62 : memref<640x128xf32, #tpu.memory_space<vmem_shared>>) dst(%dma_wait3A_59 : memref<640x128xf32, #tpu.memory_space<hbm>>)
        tpu.yield
      }) : () -> ()
    } else {
    }
    return
  }
}

module attributes {stable_mosaic.version = 14 : i64} {
  func.func @_pre0_body(%arg0: i32, %arg1: memref<1000x1xi32, #tpu.memory_space<vmem>>, %arg2: memref<1000x1xf32, #tpu.memory_space<vmem>>, %arg3: memref<1000x1xf32, #tpu.memory_space<vmem>>, %arg4: memref<129x256xf32, #tpu.memory_space<vmem>>, %arg5: memref<256x8xf32, #tpu.memory_space<vmem>>, %arg6: memref<1000x256xf32, #tpu.memory_space<vmem>>, %arg7: memref<1000x8xf32, #tpu.memory_space<vmem>>, %arg8: memref<1000x256xf32, #tpu.memory_space<vmem>>, %arg9: memref<1000x1xf32, #tpu.memory_space<vmem>>, %arg10: memref<1000x1xf32, #tpu.memory_space<vmem>>) attributes {dimension_semantics = [#tpu.dimension_semantics<arbitrary>], iteration_bounds = array<i64: 10>, scalar_prefetch = 0 : i64, scratch_operands = 0 : i64, tpu.core_type = #tpu.core_type<tc>, window_params = [{transform_indices = @transform_0, window_bounds = array<i64: 1000, 1>}, {transform_indices = @transform_1, window_bounds = array<i64: 1000, 1>}, {transform_indices = @transform_2, window_bounds = array<i64: 1000, 1>}, {pipeline_mode = #tpu.pipeline_mode<synchronous>, transform_indices = @transform_3, window_bounds = array<i64: 129, 256>}, {pipeline_mode = #tpu.pipeline_mode<synchronous>, transform_indices = @transform_4, window_bounds = array<i64: 256, 8>}, {transform_indices = @transform_5, window_bounds = array<i64: 1000, 256>}, {transform_indices = @transform_6, window_bounds = array<i64: 1000, 8>}, {transform_indices = @transform_7, window_bounds = array<i64: 1000, 256>}, {transform_indices = @transform_8, window_bounds = array<i64: 1000, 1>}, {transform_indices = @transform_9, window_bounds = array<i64: 1000, 1>}]} {
    %get3A = arith.constant 0 : index
    %get3A_0 = arith.constant 0 : index
    %get3A_1 = vector.load %arg1[%get3A, %get3A_0] : memref<1000x1xi32, #tpu.memory_space<vmem>>, vector<1000x1xi32>
    %iota3A = tpu.iota {dimensions = array<i32: 1>} : vector<1000x129xi32>
    %eq3A = vector.broadcast %get3A_1 : vector<1000x1xi32> to vector<1000x129xi32>
    %eq3A_2 = arith.cmpi eq, %eq3A, %iota3A : vector<1000x129xi32>
    %convert_element_type3A = arith.extui %eq3A_2 : vector<1000x129xi1> to vector<1000x129xi32>
    %convert_element_type3A_3 = arith.sitofp %convert_element_type3A : vector<1000x129xi32> to vector<1000x129xf32>
    %get3A_4 = arith.constant 0 : index
    %get3A_5 = arith.constant 0 : index
    %get3A_6 = vector.load %arg4[%get3A_4, %get3A_5] : memref<129x256xf32, #tpu.memory_space<vmem>>, vector<129x256xf32>
    %dot_general3A = arith.constant dense<0.000000e+00> : vector<1000x256xf32>
    %dot_general3A_7 = tpu.matmul %convert_element_type3A_3, %get3A_6, %dot_general3A {dimension_numbers = #tpu.dot_dimension_numbers<[1], [0], [0], [1], [0, 0, 1, 1], [], []>, transpose_lhs_hint = false} : vector<1000x129xf32>, vector<129x256xf32>, vector<1000x256xf32> -> vector<1000x256xf32>
    %get3A_8 = arith.constant 0 : index
    %get3A_9 = arith.constant 0 : index
    %get3A_10 = vector.load %arg2[%get3A_8, %get3A_9] : memref<1000x1xf32, #tpu.memory_space<vmem>>, vector<1000x1xf32>
    %max3A = arith.constant 1.000000e+00 : f32
    %max3A_11 = vector.broadcast %max3A : f32 to vector<1000x1xf32>
    %max3A_12 = arith.maximumf %get3A_10, %max3A_11 : vector<1000x1xf32>
    %rsqrt3A = math.rsqrt %max3A_12 : vector<1000x1xf32>
    %get3A_13 = arith.constant 0 : index
    %get3A_14 = arith.constant 0 : index
    %get3A_15 = vector.load %arg3[%get3A_13, %get3A_14] : memref<1000x1xf32, #tpu.memory_space<vmem>>, vector<1000x1xf32>
    %max3A_16 = arith.constant 1.000000e+00 : f32
    %max3A_17 = vector.broadcast %max3A_16 : f32 to vector<1000x1xf32>
    %max3A_18 = arith.maximumf %get3A_15, %max3A_17 : vector<1000x1xf32>
    %rsqrt3A_19 = math.rsqrt %max3A_18 : vector<1000x1xf32>
    %swap3A = arith.constant 0 : index
    %swap3A_20 = arith.constant 0 : index
    %swap3A_21 = vector.load %arg6[%swap3A, %swap3A_20] : memref<1000x256xf32, #tpu.memory_space<vmem>>, vector<1000x256xf32>
    tpu.vector_store %arg6[%swap3A, %swap3A_20], %dot_general3A_7 {strides = array<i32>} : memref<1000x256xf32, #tpu.memory_space<vmem>>, vector<1000x256xf32>,
    %swap3A_22 = arith.constant 0 : index
    %swap3A_23 = arith.constant 0 : index
    %swap3A_24 = vector.load %arg9[%swap3A_22, %swap3A_23] : memref<1000x1xf32, #tpu.memory_space<vmem>>, vector<1000x1xf32>
    tpu.vector_store %arg9[%swap3A_22, %swap3A_23], %rsqrt3A {strides = array<i32>} : memref<1000x1xf32, #tpu.memory_space<vmem>>, vector<1000x1xf32>,
    %swap3A_25 = arith.constant 0 : index
    %swap3A_26 = arith.constant 0 : index
    %swap3A_27 = vector.load %arg10[%swap3A_25, %swap3A_26] : memref<1000x1xf32, #tpu.memory_space<vmem>>, vector<1000x1xf32>
    tpu.vector_store %arg10[%swap3A_25, %swap3A_26], %rsqrt3A_19 {strides = array<i32>} : memref<1000x1xf32, #tpu.memory_space<vmem>>, vector<1000x1xf32>,
    %mul3A = vector.broadcast %rsqrt3A : vector<1000x1xf32> to vector<1000x256xf32>
    %mul3A_28 = arith.mulf %dot_general3A_7, %mul3A : vector<1000x256xf32>
    %swap3A_29 = arith.constant 0 : index
    %swap3A_30 = arith.constant 0 : index
    %swap3A_31 = vector.load %arg8[%swap3A_29, %swap3A_30] : memref<1000x256xf32, #tpu.memory_space<vmem>>, vector<1000x256xf32>
    tpu.vector_store %arg8[%swap3A_29, %swap3A_30], %mul3A_28 {strides = array<i32>} : memref<1000x256xf32, #tpu.memory_space<vmem>>, vector<1000x256xf32>,
    %get3A_32 = arith.constant 0 : index
    %get3A_33 = arith.constant 0 : index
    %get3A_34 = vector.load %arg5[%get3A_32, %get3A_33] : memref<256x8xf32, #tpu.memory_space<vmem>>, vector<256x8xf32>
    %dot_general3A_35 = arith.constant dense<0.000000e+00> : vector<1000x8xf32>
    %dot_general3A_36 = tpu.matmul %dot_general3A_7, %get3A_34, %dot_general3A_35 {dimension_numbers = #tpu.dot_dimension_numbers<[1], [0], [0], [1], [0, 0, 1, 1], [], []>, transpose_lhs_hint = false} : vector<1000x256xf32>, vector<256x8xf32>, vector<1000x8xf32> -> vector<1000x8xf32>
    %reduce_max3A = arith.constant dense<0xFF800000> : vector<1000xf32>
    %reduce_max3A_37 = vector.multi_reduction <maximumf>, %dot_general3A_36, %reduce_max3A [1] : vector<1000x8xf32> to vector<1000xf32>
    %broadcast_in_dim3A = vector.shape_cast %reduce_max3A_37 : vector<1000xf32> to vector<1000x1xf32>
    %iota3A_38 = tpu.iota {dimensions = array<i32: 1>} : vector<1000x8xi32>
    %ge3A = vector.broadcast %broadcast_in_dim3A : vector<1000x1xf32> to vector<1000x8xf32>
    %ge3A_39 = arith.cmpf oge, %dot_general3A_36, %ge3A : vector<1000x8xf32>
    %jit3A = arith.constant 8 : i32
    %broadcast_in_dim3A_40 = vector.broadcast %jit3A : i32 to vector<1000x8xi32>
    %select_n3A = arith.select %ge3A_39, %iota3A_38, %broadcast_in_dim3A_40 : vector<1000x8xi1>, vector<1000x8xi32>
    %reduce_min3A = arith.constant dense<2147483647> : vector<1000xi32>
    %reduce_min3A_41 = vector.multi_reduction <minsi>, %select_n3A, %reduce_min3A [1] : vector<1000x8xi32> to vector<1000xi32>
    %broadcast_in_dim3A_42 = vector.shape_cast %reduce_min3A_41 : vector<1000xi32> to vector<1000x1xi32>
    %eq3A_43 = vector.broadcast %broadcast_in_dim3A_42 : vector<1000x1xi32> to vector<1000x8xi32>
    %eq3A_44 = arith.cmpi eq, %iota3A_38, %eq3A_43 : vector<1000x8xi32>
    %jit3A_45 = arith.constant -3.000000e+38 : f32
    %broadcast_in_dim3A_46 = vector.broadcast %jit3A_45 : f32 to vector<1000x8xf32>
    %select_n3A_47 = arith.select %eq3A_44, %broadcast_in_dim3A_46, %dot_general3A_36 : vector<1000x8xi1>, vector<1000x8xf32>
    %reduce_max3A_48 = arith.constant dense<0xFF800000> : vector<1000xf32>
    %reduce_max3A_49 = vector.multi_reduction <maximumf>, %select_n3A_47, %reduce_max3A_48 [1] : vector<1000x8xf32> to vector<1000xf32>
    %broadcast_in_dim3A_50 = vector.shape_cast %reduce_max3A_49 : vector<1000xf32> to vector<1000x1xf32>
    %ge3A_51 = vector.broadcast %broadcast_in_dim3A_50 : vector<1000x1xf32> to vector<1000x8xf32>
    %ge3A_52 = arith.cmpf oge, %dot_general3A_36, %ge3A_51 : vector<1000x8xf32>
    %sub3A = vector.broadcast %broadcast_in_dim3A : vector<1000x1xf32> to vector<1000x8xf32>
    %sub3A_53 = arith.subf %dot_general3A_36, %sub3A : vector<1000x8xf32>
    %exp3A = math.exp %sub3A_53 : vector<1000x8xf32>
    %sub3A_54 = arith.subf %broadcast_in_dim3A_50, %broadcast_in_dim3A : vector<1000x1xf32>
    %exp3A_55 = math.exp %sub3A_54 : vector<1000x1xf32>
    %add3A = arith.constant 1.000000e+00 : f32
    %add3A_56 = vector.broadcast %add3A : f32 to vector<1000x1xf32>
    %add3A_57 = arith.addf %add3A_56, %exp3A_55 : vector<1000x1xf32>
    %div3A = vector.broadcast %add3A_57 : vector<1000x1xf32> to vector<1000x8xf32>
    %div3A_58 = arith.divf %exp3A, %div3A : vector<1000x8xf32>
    %jit3A_59 = arith.constant 0.000000e+00 : f32
    %broadcast_in_dim3A_60 = vector.broadcast %jit3A_59 : f32 to vector<1000x8xf32>
    %select_n3A_61 = arith.select %ge3A_52, %div3A_58, %broadcast_in_dim3A_60 : vector<1000x8xi1>, vector<1000x8xf32>
    %swap3A_62 = arith.constant 0 : index
    %swap3A_63 = arith.constant 0 : index
    %swap3A_64 = vector.load %arg7[%swap3A_62, %swap3A_63] : memref<1000x8xf32, #tpu.memory_space<vmem>>, vector<1000x8xf32>
    tpu.vector_store %arg7[%swap3A_62, %swap3A_63], %select_n3A_61 {strides = array<i32>} : memref<1000x8xf32, #tpu.memory_space<vmem>>, vector<1000x8xf32>,
    return
  }
  func.func @transform_0(%arg0: i32) -> (i32, i32) {
    %c0_i32 = arith.constant 0 : i32
    %c0_i32_0 = arith.constant 0 : i32
    return %arg0, %c0_i32 : i32, i32
  }
  func.func @transform_1(%arg0: i32) -> (i32, i32) {
    %c0_i32 = arith.constant 0 : i32
    %c0_i32_0 = arith.constant 0 : i32
    return %arg0, %c0_i32 : i32, i32
  }
  func.func @transform_2(%arg0: i32) -> (i32, i32) {
    %c0_i32 = arith.constant 0 : i32
    %c0_i32_0 = arith.constant 0 : i32
    return %arg0, %c0_i32 : i32, i32
  }
  func.func @transform_3(%arg0: i32) -> (i32, i32) {
    %c0_i32 = arith.constant 0 : i32
    %c0_i32_0 = arith.constant 0 : i32
    %c0_i32_1 = arith.constant 0 : i32
    return %c0_i32, %c0_i32_0 : i32, i32
  }
  func.func @transform_4(%arg0: i32) -> (i32, i32) {
    %c0_i32 = arith.constant 0 : i32
    %c0_i32_0 = arith.constant 0 : i32
    %c0_i32_1 = arith.constant 0 : i32
    return %c0_i32, %c0_i32_0 : i32, i32
  }
  func.func @transform_5(%arg0: i32) -> (i32, i32) {
    %c0_i32 = arith.constant 0 : i32
    %c0_i32_0 = arith.constant 0 : i32
    return %arg0, %c0_i32 : i32, i32
  }
  func.func @transform_6(%arg0: i32) -> (i32, i32) {
    %c0_i32 = arith.constant 0 : i32
    %c0_i32_0 = arith.constant 0 : i32
    return %arg0, %c0_i32 : i32, i32
  }
  func.func @transform_7(%arg0: i32) -> (i32, i32) {
    %c0_i32 = arith.constant 0 : i32
    %c0_i32_0 = arith.constant 0 : i32
    return %arg0, %c0_i32 : i32, i32
  }
  func.func @transform_8(%arg0: i32) -> (i32, i32) {
    %c0_i32 = arith.constant 0 : i32
    %c0_i32_0 = arith.constant 0 : i32
    return %arg0, %c0_i32 : i32, i32
  }
  func.func @transform_9(%arg0: i32) -> (i32, i32) {
    %c0_i32 = arith.constant 0 : i32
    %c0_i32_0 = arith.constant 0 : i32
    return %arg0, %c0_i32 : i32, i32
  }
}

module attributes {stable_mosaic.version = 14 : i64} {
  func.func @_gram_prep_body(%arg0: i32, %arg1: memref<5000x128xf32, #tpu.memory_space<vmem>>, %arg2: memref<5000x128xf32, #tpu.memory_space<vmem>>, %arg3: memref<5000x1xf32, #tpu.memory_space<vmem>>, %arg4: memref<8x256x256xf32, #tpu.memory_space<vmem>>, %arg5: memref<8x1x256xf32, #tpu.memory_space<vmem>>, %arg6: memref<1x256xf32, #tpu.memory_space<vmem>>, %arg7: memref<256x2048xf32, #tpu.memory_space<vmem>>, %arg8: memref<256x256xf32, #tpu.memory_space<vmem>>) attributes {dimension_semantics = [#tpu.dimension_semantics<arbitrary>], iteration_bounds = array<i64: 2>, scalar_prefetch = 0 : i64, scratch_operands = 1 : i64, tpu.core_type = #tpu.core_type<tc>, window_params = [{transform_indices = @transform_0, window_bounds = array<i64: 5000, 128>}, {transform_indices = @transform_1, window_bounds = array<i64: 5000, 128>}, {transform_indices = @transform_2, window_bounds = array<i64: 5000, 1>}, {pipeline_mode = #tpu.pipeline_mode<synchronous>, transform_indices = @transform_3, window_bounds = array<i64: 8, 256, 256>}, {pipeline_mode = #tpu.pipeline_mode<synchronous>, transform_indices = @transform_4, window_bounds = array<i64: 8, 1, 256>}, {pipeline_mode = #tpu.pipeline_mode<synchronous>, transform_indices = @transform_5, window_bounds = array<i64: 1, 256>}, {pipeline_mode = #tpu.pipeline_mode<synchronous>, transform_indices = @transform_6, window_bounds = array<i64: 256, 2048>}]} {
    %get3A = arith.constant 0 : index
    %get3A_0 = arith.constant 0 : index
    %get3A_1 = vector.load %arg3[%get3A, %get3A_0] : memref<5000x1xf32, #tpu.memory_space<vmem>>, vector<5000x1xf32>
    %get3A_2 = arith.constant 0 : index
    %get3A_3 = arith.constant 0 : index
    %get3A_4 = vector.load %arg1[%get3A_2, %get3A_3] : memref<5000x128xf32, #tpu.memory_space<vmem>>, vector<5000x128xf32>
    %mul3A = vector.broadcast %get3A_1 : vector<5000x1xf32> to vector<5000x128xf32>
    %mul3A_5 = arith.mulf %get3A_4, %mul3A : vector<5000x128xf32>
    %get3A_6 = arith.constant 0 : index
    %get3A_7 = arith.constant 0 : index
    %get3A_8 = vector.load %arg2[%get3A_6, %get3A_7] : memref<5000x128xf32, #tpu.memory_space<vmem>>, vector<5000x128xf32>
    %mul3A_9 = vector.broadcast %get3A_1 : vector<5000x1xf32> to vector<5000x128xf32>
    %mul3A_10 = arith.mulf %get3A_8, %mul3A_9 : vector<5000x128xf32>
    %eq3A = arith.constant 0 : i32
    %eq3A_11 = arith.cmpi eq, %arg0, %eq3A : i32
    %convert_element_type3A = arith.extui %eq3A_11 : i1 to i32
    %cond3A = arith.constant 0 : i32
    %cond3A_12 = arith.cmpi ne, %convert_element_type3A, %cond3A : i32
    scf.if %cond3A_12 {
      %broadcast_in_dim3A_69 = arith.constant 0.000000e+00 : f32
      %broadcast_in_dim3A_70 = vector.broadcast %broadcast_in_dim3A_69 : f32 to vector<256x256xf32>
      %swap3A_71 = arith.constant 0 : index
      %swap3A_72 = arith.constant 0 : index
      %swap3A_73 = vector.load %arg8[%swap3A_71, %swap3A_72] : memref<256x256xf32, #tpu.memory_space<vmem>>, vector<256x256xf32>
      tpu.vector_store %arg8[%swap3A_71, %swap3A_72], %broadcast_in_dim3A_70 {strides = array<i32>} : memref<256x256xf32, #tpu.memory_space<vmem>>, vector<256x256xf32>,
      %broadcast_in_dim3A_74 = arith.constant 0.000000e+00 : f32
      %broadcast_in_dim3A_75 = vector.broadcast %broadcast_in_dim3A_74 : f32 to vector<1x256xf32>
      %swap3A_76 = arith.constant 0 : index
      %swap3A_77 = arith.constant 0 : index
      %swap3A_78 = vector.load %arg6[%swap3A_76, %swap3A_77] : memref<1x256xf32, #tpu.memory_space<vmem>>, vector<1x256xf32>
      tpu.vector_store %arg6[%swap3A_76, %swap3A_77], %broadcast_in_dim3A_75 {strides = array<i32>} : memref<1x256xf32, #tpu.memory_space<vmem>>, vector<1x256xf32>,
    } else {
    }
    %get3A_13 = arith.constant 0 : index
    %get3A_14 = arith.constant 0 : index
    %get3A_15 = vector.load %arg8[%get3A_13, %get3A_14] : memref<256x256xf32, #tpu.memory_space<vmem>>, vector<128x128xf32>
    %dot_general3A = arith.constant dense<0.000000e+00> : vector<128x128xf32>
    %dot_general3A_16 = tpu.matmul %mul3A_5, %mul3A_5, %dot_general3A {dimension_numbers = #tpu.dot_dimension_numbers<[0], [0], [1], [1], [0, 1, 1, 1], [], []>, transpose_lhs_hint = false} : vector<5000x128xf32>, vector<5000x128xf32>, vector<128x128xf32> -> vector<128x128xf32>
    %add3A = arith.addf %get3A_15, %dot_general3A_16 : vector<128x128xf32>
    %swap3A = arith.constant 0 : index
    %swap3A_17 = arith.constant 0 : index
    %swap3A_18 = vector.load %arg8[%swap3A, %swap3A_17] : memref<256x256xf32, #tpu.memory_space<vmem>>, vector<128x128xf32>
    tpu.vector_store %arg8[%swap3A, %swap3A_17], %add3A {strides = array<i32>} : memref<256x256xf32, #tpu.memory_space<vmem>>, vector<128x128xf32>,
    %get3A_19 = arith.constant 0 : index
    %get3A_20 = arith.constant 128 : index
    %get3A_21 = vector.load %arg8[%get3A_19, %get3A_20] : memref<256x256xf32, #tpu.memory_space<vmem>>, vector<128x128xf32>
    %dot_general3A_22 = arith.constant dense<0.000000e+00> : vector<128x128xf32>
    %dot_general3A_23 = tpu.matmul %mul3A_5, %mul3A_10, %dot_general3A_22 {dimension_numbers = #tpu.dot_dimension_numbers<[0], [0], [1], [1], [0, 1, 1, 1], [], []>, transpose_lhs_hint = false} : vector<5000x128xf32>, vector<5000x128xf32>, vector<128x128xf32> -> vector<128x128xf32>
    %add3A_24 = arith.addf %get3A_21, %dot_general3A_23 : vector<128x128xf32>
    %swap3A_25 = arith.constant 0 : index
    %swap3A_26 = arith.constant 128 : index
    %swap3A_27 = vector.load %arg8[%swap3A_25, %swap3A_26] : memref<256x256xf32, #tpu.memory_space<vmem>>, vector<128x128xf32>
    tpu.vector_store %arg8[%swap3A_25, %swap3A_26], %add3A_24 {strides = array<i32>} : memref<256x256xf32, #tpu.memory_space<vmem>>, vector<128x128xf32>,
    %get3A_28 = arith.constant 128 : index
    %get3A_29 = arith.constant 0 : index
    %get3A_30 = vector.load %arg8[%get3A_28, %get3A_29] : memref<256x256xf32, #tpu.memory_space<vmem>>, vector<128x128xf32>
    %dot_general3A_31 = arith.constant dense<0.000000e+00> : vector<128x128xf32>
    %dot_general3A_32 = tpu.matmul %mul3A_10, %mul3A_5, %dot_general3A_31 {dimension_numbers = #tpu.dot_dimension_numbers<[0], [0], [1], [1], [0, 1, 1, 1], [], []>, transpose_lhs_hint = false} : vector<5000x128xf32>, vector<5000x128xf32>, vector<128x128xf32> -> vector<128x128xf32>
    %add3A_33 = arith.addf %get3A_30, %dot_general3A_32 : vector<128x128xf32>
    %swap3A_34 = arith.constant 128 : index
    %swap3A_35 = arith.constant 0 : index
    %swap3A_36 = vector.load %arg8[%swap3A_34, %swap3A_35] : memref<256x256xf32, #tpu.memory_space<vmem>>, vector<128x128xf32>
    tpu.vector_store %arg8[%swap3A_34, %swap3A_35], %add3A_33 {strides = array<i32>} : memref<256x256xf32, #tpu.memory_space<vmem>>, vector<128x128xf32>,
    %get3A_37 = arith.constant 128 : index
    %get3A_38 = arith.constant 128 : index
    %get3A_39 = vector.load %arg8[%get3A_37, %get3A_38] : memref<256x256xf32, #tpu.memory_space<vmem>>, vector<128x128xf32>
    %dot_general3A_40 = arith.constant dense<0.000000e+00> : vector<128x128xf32>
    %dot_general3A_41 = tpu.matmul %mul3A_10, %mul3A_10, %dot_general3A_40 {dimension_numbers = #tpu.dot_dimension_numbers<[0], [0], [1], [1], [0, 1, 1, 1], [], []>, transpose_lhs_hint = false} : vector<5000x128xf32>, vector<5000x128xf32>, vector<128x128xf32> -> vector<128x128xf32>
    %add3A_42 = arith.addf %get3A_39, %dot_general3A_41 : vector<128x128xf32>
    %swap3A_43 = arith.constant 128 : index
    %swap3A_44 = arith.constant 128 : index
    %swap3A_45 = vector.load %arg8[%swap3A_43, %swap3A_44] : memref<256x256xf32, #tpu.memory_space<vmem>>, vector<128x128xf32>
    tpu.vector_store %arg8[%swap3A_43, %swap3A_44], %add3A_42 {strides = array<i32>} : memref<256x256xf32, #tpu.memory_space<vmem>>, vector<128x128xf32>,
    %get3A_46 = arith.constant 0 : index
    %get3A_47 = arith.constant 0 : index
    %get3A_48 = vector.load %arg6[%get3A_46, %get3A_47] : memref<1x256xf32, #tpu.memory_space<vmem>>, vector<1x128xf32>
    %reduce_sum3A = arith.constant dense<0.000000e+00> : vector<128xf32>
    %reduce_sum3A_49 = vector.multi_reduction <add>, %mul3A_5, %reduce_sum3A [0] : vector<5000x128xf32> to vector<128xf32>
    %broadcast_in_dim3A = vector.shape_cast %reduce_sum3A_49 : vector<128xf32> to vector<1x128xf32>
    %add3A_50 = arith.addf %get3A_48, %broadcast_in_dim3A : vector<1x128xf32>
    %swap3A_51 = arith.constant 0 : index
    %swap3A_52 = arith.constant 0 : index
    %swap3A_53 = vector.load %arg6[%swap3A_51, %swap3A_52] : memref<1x256xf32, #tpu.memory_space<vmem>>, vector<1x128xf32>
    tpu.vector_store %arg6[%swap3A_51, %swap3A_52], %add3A_50 {strides = array<i32>} : memref<1x256xf32, #tpu.memory_space<vmem>>, vector<1x128xf32>,
    %get3A_54 = arith.constant 0 : index
    %get3A_55 = arith.constant 128 : index
    %get3A_56 = vector.load %arg6[%get3A_54, %get3A_55] : memref<1x256xf32, #tpu.memory_space<vmem>>, vector<1x128xf32>
    %reduce_sum3A_57 = arith.constant dense<0.000000e+00> : vector<128xf32>
    %reduce_sum3A_58 = vector.multi_reduction <add>, %mul3A_10, %reduce_sum3A_57 [0] : vector<5000x128xf32> to vector<128xf32>
    %broadcast_in_dim3A_59 = vector.shape_cast %reduce_sum3A_58 : vector<128xf32> to vector<1x128xf32>
    %add3A_60 = arith.addf %get3A_56, %broadcast_in_dim3A_59 : vector<1x128xf32>
    %swap3A_61 = arith.constant 0 : index
    %swap3A_62 = arith.constant 128 : index
    %swap3A_63 = vector.load %arg6[%swap3A_61, %swap3A_62] : memref<1x256xf32, #tpu.memory_space<vmem>>, vector<1x128xf32>
    tpu.vector_store %arg6[%swap3A_61, %swap3A_62], %add3A_60 {strides = array<i32>} : memref<1x256xf32, #tpu.memory_space<vmem>>, vector<1x128xf32>,
    %eq3A_64 = arith.constant 1 : i32
    %eq3A_65 = arith.cmpi eq, %arg0, %eq3A_64 : i32
    %convert_element_type3A_66 = arith.extui %eq3A_65 : i1 to i32
    %cond3A_67 = arith.constant 0 : i32
    %cond3A_68 = arith.cmpi ne, %convert_element_type3A_66, %cond3A_67 : i32
    scf.if %cond3A_68 {
      %get3A_69 = arith.constant 0 : index
      %get3A_70 = arith.constant 0 : index
      %get3A_71 = vector.load %arg6[%get3A_69, %get3A_70] : memref<1x256xf32, #tpu.memory_space<vmem>>, vector<1x256xf32>
      %mul3A_72 = arith.constant 9.99999974E-5 : f32
      %mul3A_73 = vector.broadcast %mul3A_72 : f32 to vector<1x256xf32>
      %mul3A_74 = arith.mulf %get3A_71, %mul3A_73 : vector<1x256xf32>
      %dot_general3A_75 = arith.constant dense<0.000000e+00> : vector<256x256xf32>
      %dot_general3A_76 = tpu.matmul %mul3A_74, %mul3A_74, %dot_general3A_75 {dimension_numbers = #tpu.dot_dimension_numbers<[0], [0], [1], [1], [0, 1, 1, 1], [], []>, transpose_lhs_hint = false} : vector<1x256xf32>, vector<1x256xf32>, vector<256x256xf32> -> vector<256x256xf32>
      %get3A_77 = arith.constant 0 : index
      %get3A_78 = arith.constant 0 : index
      %get3A_79 = vector.load %arg8[%get3A_77, %get3A_78] : memref<256x256xf32, #tpu.memory_space<vmem>>, vector<256x256xf32>
      %mul3A_80 = arith.constant 9.99999974E-5 : f32
      %mul3A_81 = vector.broadcast %mul3A_80 : f32 to vector<256x256xf32>
      %mul3A_82 = arith.mulf %get3A_79, %mul3A_81 : vector<256x256xf32>
      %sub3A = arith.subf %mul3A_82, %dot_general3A_76 : vector<256x256xf32>
      %get3A_83 = arith.constant 0 : index
      %get3A_84 = arith.constant 0 : index
      %get3A_85 = arith.constant 0 : index
      %get3A_86 = vector.load %arg4[%get3A_83, %get3A_84, %get3A_85] : memref<8x256x256xf32, #tpu.memory_space<vmem>>, vector<1x256x256xf32>
      %get3A_87 = vector.shape_cast %get3A_86 : vector<1x256x256xf32> to vector<256x256xf32>
      %dot_general3A_88 = arith.constant dense<0.000000e+00> : vector<256x256xf32>
      %dot_general3A_89 = tpu.matmul %sub3A, %get3A_87, %dot_general3A_88 {dimension_numbers = #tpu.dot_dimension_numbers<[1], [0], [0], [1], [0, 0, 1, 1], [], []>, transpose_lhs_hint = false} : vector<256x256xf32>, vector<256x256xf32>, vector<256x256xf32> -> vector<256x256xf32>
      %mul3A_90 = arith.mulf %dot_general3A_89, %get3A_87 : vector<256x256xf32>
      %reduce_sum3A_91 = arith.constant dense<0.000000e+00> : vector<256xf32>
      %reduce_sum3A_92 = vector.multi_reduction <add>, %mul3A_90, %reduce_sum3A_91 [0] : vector<256x256xf32> to vector<256xf32>
      %broadcast_in_dim3A_93 = vector.shape_cast %reduce_sum3A_92 : vector<256xf32> to vector<1x256xf32>
      %get3A_94 = arith.constant 0 : index
      %get3A_95 = arith.constant 0 : index
      %get3A_96 = arith.constant 0 : index
      %get3A_97 = vector.load %arg5[%get3A_94, %get3A_95, %get3A_96] : memref<8x1x256xf32, #tpu.memory_space<vmem>>, vector<1x1x256xf32>
      %get3A_98 = vector.shape_cast %get3A_97 : vector<1x1x256xf32> to vector<1x256xf32>
      %add3A_99 = arith.constant 9.99999974E-6 : f32
      %add3A_100 = vector.broadcast %add3A_99 : f32 to vector<1x256xf32>
      %add3A_101 = arith.addf %broadcast_in_dim3A_93, %add3A_100 : vector<1x256xf32>
      %rsqrt3A = math.rsqrt %add3A_101 : vector<1x256xf32>
      %mul3A_102 = arith.mulf %get3A_98, %rsqrt3A : vector<1x256xf32>
      %mul3A_103 = vector.broadcast %mul3A_102 : vector<1x256xf32> to vector<256x256xf32>
      %mul3A_104 = arith.mulf %get3A_87, %mul3A_103 : vector<256x256xf32>
      %swap3A_105 = arith.constant 0 : index
      %swap3A_106 = arith.constant 0 : index
      %swap3A_107 = vector.load %arg7[%swap3A_105, %swap3A_106] : memref<256x2048xf32, #tpu.memory_space<vmem>>, vector<256x256xf32>
      tpu.vector_store %arg7[%swap3A_105, %swap3A_106], %mul3A_104 {strides = array<i32>} : memref<256x2048xf32, #tpu.memory_space<vmem>>, vector<256x256xf32>,
      %get3A_108 = arith.constant 1 : index
      %get3A_109 = arith.constant 0 : index
      %get3A_110 = arith.constant 0 : index
      %get3A_111 = vector.load %arg4[%get3A_108, %get3A_109, %get3A_110] : memref<8x256x256xf32, #tpu.memory_space<vmem>>, vector<1x256x256xf32>
      %get3A_112 = vector.shape_cast %get3A_111 : vector<1x256x256xf32> to vector<256x256xf32>
      %dot_general3A_113 = arith.constant dense<0.000000e+00> : vector<256x256xf32>
      %dot_general3A_114 = tpu.matmul %sub3A, %get3A_112, %dot_general3A_113 {dimension_numbers = #tpu.dot_dimension_numbers<[1], [0], [0], [1], [0, 0, 1, 1], [], []>, transpose_lhs_hint = false} : vector<256x256xf32>, vector<256x256xf32>, vector<256x256xf32> -> vector<256x256xf32>
      %mul3A_115 = arith.mulf %dot_general3A_114, %get3A_112 : vector<256x256xf32>
      %reduce_sum3A_116 = arith.constant dense<0.000000e+00> : vector<256xf32>
      %reduce_sum3A_117 = vector.multi_reduction <add>, %mul3A_115, %reduce_sum3A_116 [0] : vector<256x256xf32> to vector<256xf32>
      %broadcast_in_dim3A_118 = vector.shape_cast %reduce_sum3A_117 : vector<256xf32> to vector<1x256xf32>
      %get3A_119 = arith.constant 1 : index
      %get3A_120 = arith.constant 0 : index
      %get3A_121 = arith.constant 0 : index
      %get3A_122 = vector.load %arg5[%get3A_119, %get3A_120, %get3A_121] : memref<8x1x256xf32, #tpu.memory_space<vmem>>, vector<1x1x256xf32>
      %get3A_123 = vector.shape_cast %get3A_122 : vector<1x1x256xf32> to vector<1x256xf32>
      %add3A_124 = arith.constant 9.99999974E-6 : f32
      %add3A_125 = vector.broadcast %add3A_124 : f32 to vector<1x256xf32>
      %add3A_126 = arith.addf %broadcast_in_dim3A_118, %add3A_125 : vector<1x256xf32>
      %rsqrt3A_127 = math.rsqrt %add3A_126 : vector<1x256xf32>
      %mul3A_128 = arith.mulf %get3A_123, %rsqrt3A_127 : vector<1x256xf32>
      %mul3A_129 = vector.broadcast %mul3A_128 : vector<1x256xf32> to vector<256x256xf32>
      %mul3A_130 = arith.mulf %get3A_112, %mul3A_129 : vector<256x256xf32>
      %swap3A_131 = arith.constant 0 : index
      %swap3A_132 = arith.constant 256 : index
      %swap3A_133 = vector.load %arg7[%swap3A_131, %swap3A_132] : memref<256x2048xf32, #tpu.memory_space<vmem>>, vector<256x256xf32>
      tpu.vector_store %arg7[%swap3A_131, %swap3A_132], %mul3A_130 {strides = array<i32>} : memref<256x2048xf32, #tpu.memory_space<vmem>>, vector<256x256xf32>,
      %get3A_134 = arith.constant 2 : index
      %get3A_135 = arith.constant 0 : index
      %get3A_136 = arith.constant 0 : index
      %get3A_137 = vector.load %arg4[%get3A_134, %get3A_135, %get3A_136] : memref<8x256x256xf32, #tpu.memory_space<vmem>>, vector<1x256x256xf32>
      %get3A_138 = vector.shape_cast %get3A_137 : vector<1x256x256xf32> to vector<256x256xf32>
      %dot_general3A_139 = arith.constant dense<0.000000e+00> : vector<256x256xf32>
      %dot_general3A_140 = tpu.matmul %sub3A, %get3A_138, %dot_general3A_139 {dimension_numbers = #tpu.dot_dimension_numbers<[1], [0], [0], [1], [0, 0, 1, 1], [], []>, transpose_lhs_hint = false} : vector<256x256xf32>, vector<256x256xf32>, vector<256x256xf32> -> vector<256x256xf32>
      %mul3A_141 = arith.mulf %dot_general3A_140, %get3A_138 : vector<256x256xf32>
      %reduce_sum3A_142 = arith.constant dense<0.000000e+00> : vector<256xf32>
      %reduce_sum3A_143 = vector.multi_reduction <add>, %mul3A_141, %reduce_sum3A_142 [0] : vector<256x256xf32> to vector<256xf32>
      %broadcast_in_dim3A_144 = vector.shape_cast %reduce_sum3A_143 : vector<256xf32> to vector<1x256xf32>
      %get3A_145 = arith.constant 2 : index
      %get3A_146 = arith.constant 0 : index
      %get3A_147 = arith.constant 0 : index
      %get3A_148 = vector.load %arg5[%get3A_145, %get3A_146, %get3A_147] : memref<8x1x256xf32, #tpu.memory_space<vmem>>, vector<1x1x256xf32>
      %get3A_149 = vector.shape_cast %get3A_148 : vector<1x1x256xf32> to vector<1x256xf32>
      %add3A_150 = arith.constant 9.99999974E-6 : f32
      %add3A_151 = vector.broadcast %add3A_150 : f32 to vector<1x256xf32>
      %add3A_152 = arith.addf %broadcast_in_dim3A_144, %add3A_151 : vector<1x256xf32>
      %rsqrt3A_153 = math.rsqrt %add3A_152 : vector<1x256xf32>
      %mul3A_154 = arith.mulf %get3A_149, %rsqrt3A_153 : vector<1x256xf32>
      %mul3A_155 = vector.broadcast %mul3A_154 : vector<1x256xf32> to vector<256x256xf32>
      %mul3A_156 = arith.mulf %get3A_138, %mul3A_155 : vector<256x256xf32>
      %swap3A_157 = arith.constant 0 : index
      %swap3A_158 = arith.constant 512 : index
      %swap3A_159 = vector.load %arg7[%swap3A_157, %swap3A_158] : memref<256x2048xf32, #tpu.memory_space<vmem>>, vector<256x256xf32>
      tpu.vector_store %arg7[%swap3A_157, %swap3A_158], %mul3A_156 {strides = array<i32>} : memref<256x2048xf32, #tpu.memory_space<vmem>>, vector<256x256xf32>,
      %get3A_160 = arith.constant 3 : index
      %get3A_161 = arith.constant 0 : index
      %get3A_162 = arith.constant 0 : index
      %get3A_163 = vector.load %arg4[%get3A_160, %get3A_161, %get3A_162] : memref<8x256x256xf32, #tpu.memory_space<vmem>>, vector<1x256x256xf32>
      %get3A_164 = vector.shape_cast %get3A_163 : vector<1x256x256xf32> to vector<256x256xf32>
      %dot_general3A_165 = arith.constant dense<0.000000e+00> : vector<256x256xf32>
      %dot_general3A_166 = tpu.matmul %sub3A, %get3A_164, %dot_general3A_165 {dimension_numbers = #tpu.dot_dimension_numbers<[1], [0], [0], [1], [0, 0, 1, 1], [], []>, transpose_lhs_hint = false} : vector<256x256xf32>, vector<256x256xf32>, vector<256x256xf32> -> vector<256x256xf32>
      %mul3A_167 = arith.mulf %dot_general3A_166, %get3A_164 : vector<256x256xf32>
      %reduce_sum3A_168 = arith.constant dense<0.000000e+00> : vector<256xf32>
      %reduce_sum3A_169 = vector.multi_reduction <add>, %mul3A_167, %reduce_sum3A_168 [0] : vector<256x256xf32> to vector<256xf32>
      %broadcast_in_dim3A_170 = vector.shape_cast %reduce_sum3A_169 : vector<256xf32> to vector<1x256xf32>
      %get3A_171 = arith.constant 3 : index
      %get3A_172 = arith.constant 0 : index
      %get3A_173 = arith.constant 0 : index
      %get3A_174 = vector.load %arg5[%get3A_171, %get3A_172, %get3A_173] : memref<8x1x256xf32, #tpu.memory_space<vmem>>, vector<1x1x256xf32>
      %get3A_175 = vector.shape_cast %get3A_174 : vector<1x1x256xf32> to vector<1x256xf32>
      %add3A_176 = arith.constant 9.99999974E-6 : f32
      %add3A_177 = vector.broadcast %add3A_176 : f32 to vector<1x256xf32>
      %add3A_178 = arith.addf %broadcast_in_dim3A_170, %add3A_177 : vector<1x256xf32>
      %rsqrt3A_179 = math.rsqrt %add3A_178 : vector<1x256xf32>
      %mul3A_180 = arith.mulf %get3A_175, %rsqrt3A_179 : vector<1x256xf32>
      %mul3A_181 = vector.broadcast %mul3A_180 : vector<1x256xf32> to vector<256x256xf32>
      %mul3A_182 = arith.mulf %get3A_164, %mul3A_181 : vector<256x256xf32>
      %swap3A_183 = arith.constant 0 : index
      %swap3A_184 = arith.constant 768 : index
      %swap3A_185 = vector.load %arg7[%swap3A_183, %swap3A_184] : memref<256x2048xf32, #tpu.memory_space<vmem>>, vector<256x256xf32>
      tpu.vector_store %arg7[%swap3A_183, %swap3A_184], %mul3A_182 {strides = array<i32>} : memref<256x2048xf32, #tpu.memory_space<vmem>>, vector<256x256xf32>,
      %get3A_186 = arith.constant 4 : index
      %get3A_187 = arith.constant 0 : index
      %get3A_188 = arith.constant 0 : index
      %get3A_189 = vector.load %arg4[%get3A_186, %get3A_187, %get3A_188] : memref<8x256x256xf32, #tpu.memory_space<vmem>>, vector<1x256x256xf32>
      %get3A_190 = vector.shape_cast %get3A_189 : vector<1x256x256xf32> to vector<256x256xf32>
      %dot_general3A_191 = arith.constant dense<0.000000e+00> : vector<256x256xf32>
      %dot_general3A_192 = tpu.matmul %sub3A, %get3A_190, %dot_general3A_191 {dimension_numbers = #tpu.dot_dimension_numbers<[1], [0], [0], [1], [0, 0, 1, 1], [], []>, transpose_lhs_hint = false} : vector<256x256xf32>, vector<256x256xf32>, vector<256x256xf32> -> vector<256x256xf32>
      %mul3A_193 = arith.mulf %dot_general3A_192, %get3A_190 : vector<256x256xf32>
      %reduce_sum3A_194 = arith.constant dense<0.000000e+00> : vector<256xf32>
      %reduce_sum3A_195 = vector.multi_reduction <add>, %mul3A_193, %reduce_sum3A_194 [0] : vector<256x256xf32> to vector<256xf32>
      %broadcast_in_dim3A_196 = vector.shape_cast %reduce_sum3A_195 : vector<256xf32> to vector<1x256xf32>
      %get3A_197 = arith.constant 4 : index
      %get3A_198 = arith.constant 0 : index
      %get3A_199 = arith.constant 0 : index
      %get3A_200 = vector.load %arg5[%get3A_197, %get3A_198, %get3A_199] : memref<8x1x256xf32, #tpu.memory_space<vmem>>, vector<1x1x256xf32>
      %get3A_201 = vector.shape_cast %get3A_200 : vector<1x1x256xf32> to vector<1x256xf32>
      %add3A_202 = arith.constant 9.99999974E-6 : f32
      %add3A_203 = vector.broadcast %add3A_202 : f32 to vector<1x256xf32>
      %add3A_204 = arith.addf %broadcast_in_dim3A_196, %add3A_203 : vector<1x256xf32>
      %rsqrt3A_205 = math.rsqrt %add3A_204 : vector<1x256xf32>
      %mul3A_206 = arith.mulf %get3A_201, %rsqrt3A_205 : vector<1x256xf32>
      %mul3A_207 = vector.broadcast %mul3A_206 : vector<1x256xf32> to vector<256x256xf32>
      %mul3A_208 = arith.mulf %get3A_190, %mul3A_207 : vector<256x256xf32>
      %swap3A_209 = arith.constant 0 : index
      %swap3A_210 = arith.constant 1024 : index
      %swap3A_211 = vector.load %arg7[%swap3A_209, %swap3A_210] : memref<256x2048xf32, #tpu.memory_space<vmem>>, vector<256x256xf32>
      tpu.vector_store %arg7[%swap3A_209, %swap3A_210], %mul3A_208 {strides = array<i32>} : memref<256x2048xf32, #tpu.memory_space<vmem>>, vector<256x256xf32>,
      %get3A_212 = arith.constant 5 : index
      %get3A_213 = arith.constant 0 : index
      %get3A_214 = arith.constant 0 : index
      %get3A_215 = vector.load %arg4[%get3A_212, %get3A_213, %get3A_214] : memref<8x256x256xf32, #tpu.memory_space<vmem>>, vector<1x256x256xf32>
      %get3A_216 = vector.shape_cast %get3A_215 : vector<1x256x256xf32> to vector<256x256xf32>
      %dot_general3A_217 = arith.constant dense<0.000000e+00> : vector<256x256xf32>
      %dot_general3A_218 = tpu.matmul %sub3A, %get3A_216, %dot_general3A_217 {dimension_numbers = #tpu.dot_dimension_numbers<[1], [0], [0], [1], [0, 0, 1, 1], [], []>, transpose_lhs_hint = false} : vector<256x256xf32>, vector<256x256xf32>, vector<256x256xf32> -> vector<256x256xf32>
      %mul3A_219 = arith.mulf %dot_general3A_218, %get3A_216 : vector<256x256xf32>
      %reduce_sum3A_220 = arith.constant dense<0.000000e+00> : vector<256xf32>
      %reduce_sum3A_221 = vector.multi_reduction <add>, %mul3A_219, %reduce_sum3A_220 [0] : vector<256x256xf32> to vector<256xf32>
      %broadcast_in_dim3A_222 = vector.shape_cast %reduce_sum3A_221 : vector<256xf32> to vector<1x256xf32>
      %get3A_223 = arith.constant 5 : index
      %get3A_224 = arith.constant 0 : index
      %get3A_225 = arith.constant 0 : index
      %get3A_226 = vector.load %arg5[%get3A_223, %get3A_224, %get3A_225] : memref<8x1x256xf32, #tpu.memory_space<vmem>>, vector<1x1x256xf32>
      %get3A_227 = vector.shape_cast %get3A_226 : vector<1x1x256xf32> to vector<1x256xf32>
      %add3A_228 = arith.constant 9.99999974E-6 : f32
      %add3A_229 = vector.broadcast %add3A_228 : f32 to vector<1x256xf32>
      %add3A_230 = arith.addf %broadcast_in_dim3A_222, %add3A_229 : vector<1x256xf32>
      %rsqrt3A_231 = math.rsqrt %add3A_230 : vector<1x256xf32>
      %mul3A_232 = arith.mulf %get3A_227, %rsqrt3A_231 : vector<1x256xf32>
      %mul3A_233 = vector.broadcast %mul3A_232 : vector<1x256xf32> to vector<256x256xf32>
      %mul3A_234 = arith.mulf %get3A_216, %mul3A_233 : vector<256x256xf32>
      %swap3A_235 = arith.constant 0 : index
      %swap3A_236 = arith.constant 1280 : index
      %swap3A_237 = vector.load %arg7[%swap3A_235, %swap3A_236] : memref<256x2048xf32, #tpu.memory_space<vmem>>, vector<256x256xf32>
      tpu.vector_store %arg7[%swap3A_235, %swap3A_236], %mul3A_234 {strides = array<i32>} : memref<256x2048xf32, #tpu.memory_space<vmem>>, vector<256x256xf32>,
      %get3A_238 = arith.constant 6 : index
      %get3A_239 = arith.constant 0 : index
      %get3A_240 = arith.constant 0 : index
      %get3A_241 = vector.load %arg4[%get3A_238, %get3A_239, %get3A_240] : memref<8x256x256xf32, #tpu.memory_space<vmem>>, vector<1x256x256xf32>
      %get3A_242 = vector.shape_cast %get3A_241 : vector<1x256x256xf32> to vector<256x256xf32>
      %dot_general3A_243 = arith.constant dense<0.000000e+00> : vector<256x256xf32>
      %dot_general3A_244 = tpu.matmul %sub3A, %get3A_242, %dot_general3A_243 {dimension_numbers = #tpu.dot_dimension_numbers<[1], [0], [0], [1], [0, 0, 1, 1], [], []>, transpose_lhs_hint = false} : vector<256x256xf32>, vector<256x256xf32>, vector<256x256xf32> -> vector<256x256xf32>
      %mul3A_245 = arith.mulf %dot_general3A_244, %get3A_242 : vector<256x256xf32>
      %reduce_sum3A_246 = arith.constant dense<0.000000e+00> : vector<256xf32>
      %reduce_sum3A_247 = vector.multi_reduction <add>, %mul3A_245, %reduce_sum3A_246 [0] : vector<256x256xf32> to vector<256xf32>
      %broadcast_in_dim3A_248 = vector.shape_cast %reduce_sum3A_247 : vector<256xf32> to vector<1x256xf32>
      %get3A_249 = arith.constant 6 : index
      %get3A_250 = arith.constant 0 : index
      %get3A_251 = arith.constant 0 : index
      %get3A_252 = vector.load %arg5[%get3A_249, %get3A_250, %get3A_251] : memref<8x1x256xf32, #tpu.memory_space<vmem>>, vector<1x1x256xf32>
      %get3A_253 = vector.shape_cast %get3A_252 : vector<1x1x256xf32> to vector<1x256xf32>
      %add3A_254 = arith.constant 9.99999974E-6 : f32
      %add3A_255 = vector.broadcast %add3A_254 : f32 to vector<1x256xf32>
      %add3A_256 = arith.addf %broadcast_in_dim3A_248, %add3A_255 : vector<1x256xf32>
      %rsqrt3A_257 = math.rsqrt %add3A_256 : vector<1x256xf32>
      %mul3A_258 = arith.mulf %get3A_253, %rsqrt3A_257 : vector<1x256xf32>
      %mul3A_259 = vector.broadcast %mul3A_258 : vector<1x256xf32> to vector<256x256xf32>
      %mul3A_260 = arith.mulf %get3A_242, %mul3A_259 : vector<256x256xf32>
      %swap3A_261 = arith.constant 0 : index
      %swap3A_262 = arith.constant 1536 : index
      %swap3A_263 = vector.load %arg7[%swap3A_261, %swap3A_262] : memref<256x2048xf32, #tpu.memory_space<vmem>>, vector<256x256xf32>
      tpu.vector_store %arg7[%swap3A_261, %swap3A_262], %mul3A_260 {strides = array<i32>} : memref<256x2048xf32, #tpu.memory_space<vmem>>, vector<256x256xf32>,
      %get3A_264 = arith.constant 7 : index
      %get3A_265 = arith.constant 0 : index
      %get3A_266 = arith.constant 0 : index
      %get3A_267 = vector.load %arg4[%get3A_264, %get3A_265, %get3A_266] : memref<8x256x256xf32, #tpu.memory_space<vmem>>, vector<1x256x256xf32>
      %get3A_268 = vector.shape_cast %get3A_267 : vector<1x256x256xf32> to vector<256x256xf32>
      %dot_general3A_269 = arith.constant dense<0.000000e+00> : vector<256x256xf32>
      %dot_general3A_270 = tpu.matmul %sub3A, %get3A_268, %dot_general3A_269 {dimension_numbers = #tpu.dot_dimension_numbers<[1], [0], [0], [1], [0, 0, 1, 1], [], []>, transpose_lhs_hint = false} : vector<256x256xf32>, vector<256x256xf32>, vector<256x256xf32> -> vector<256x256xf32>
      %mul3A_271 = arith.mulf %dot_general3A_270, %get3A_268 : vector<256x256xf32>
      %reduce_sum3A_272 = arith.constant dense<0.000000e+00> : vector<256xf32>
      %reduce_sum3A_273 = vector.multi_reduction <add>, %mul3A_271, %reduce_sum3A_272 [0] : vector<256x256xf32> to vector<256xf32>
      %broadcast_in_dim3A_274 = vector.shape_cast %reduce_sum3A_273 : vector<256xf32> to vector<1x256xf32>
      %get3A_275 = arith.constant 7 : index
      %get3A_276 = arith.constant 0 : index
      %get3A_277 = arith.constant 0 : index
      %get3A_278 = vector.load %arg5[%get3A_275, %get3A_276, %get3A_277] : memref<8x1x256xf32, #tpu.memory_space<vmem>>, vector<1x1x256xf32>
      %get3A_279 = vector.shape_cast %get3A_278 : vector<1x1x256xf32> to vector<1x256xf32>
      %add3A_280 = arith.constant 9.99999974E-6 : f32
      %add3A_281 = vector.broadcast %add3A_280 : f32 to vector<1x256xf32>
      %add3A_282 = arith.addf %broadcast_in_dim3A_274, %add3A_281 : vector<1x256xf32>
      %rsqrt3A_283 = math.rsqrt %add3A_282 : vector<1x256xf32>
      %mul3A_284 = arith.mulf %get3A_279, %rsqrt3A_283 : vector<1x256xf32>
      %mul3A_285 = vector.broadcast %mul3A_284 : vector<1x256xf32> to vector<256x256xf32>
      %mul3A_286 = arith.mulf %get3A_268, %mul3A_285 : vector<256x256xf32>
      %swap3A_287 = arith.constant 0 : index
      %swap3A_288 = arith.constant 1792 : index
      %swap3A_289 = vector.load %arg7[%swap3A_287, %swap3A_288] : memref<256x2048xf32, #tpu.memory_space<vmem>>, vector<256x256xf32>
      tpu.vector_store %arg7[%swap3A_287, %swap3A_288], %mul3A_286 {strides = array<i32>} : memref<256x2048xf32, #tpu.memory_space<vmem>>, vector<256x256xf32>,
    } else {
    }
    return
  }
  func.func @transform_0(%arg0: i32) -> (i32, i32) {
    %c0_i32 = arith.constant 0 : i32
    %c0_i32_0 = arith.constant 0 : i32
    return %arg0, %c0_i32 : i32, i32
  }
  func.func @transform_1(%arg0: i32) -> (i32, i32) {
    %c0_i32 = arith.constant 0 : i32
    %c0_i32_0 = arith.constant 0 : i32
    return %arg0, %c0_i32 : i32, i32
  }
  func.func @transform_2(%arg0: i32) -> (i32, i32) {
    %c0_i32 = arith.constant 0 : i32
    %c0_i32_0 = arith.constant 0 : i32
    return %arg0, %c0_i32 : i32, i32
  }
  func.func @transform_3(%arg0: i32) -> (i32, i32, i32) {
    %c0_i32 = arith.constant 0 : i32
    %c0_i32_0 = arith.constant 0 : i32
    %c0_i32_1 = arith.constant 0 : i32
    %c0_i32_2 = arith.constant 0 : i32
    return %c0_i32, %c0_i32_0, %c0_i32_1 : i32, i32, i32
  }
  func.func @transform_4(%arg0: i32) -> (i32, i32, i32) {
    %c0_i32 = arith.constant 0 : i32
    %c0_i32_0 = arith.constant 0 : i32
    %c0_i32_1 = arith.constant 0 : i32
    %c0_i32_2 = arith.constant 0 : i32
    return %c0_i32, %c0_i32_0, %c0_i32_1 : i32, i32, i32
  }
  func.func @transform_5(%arg0: i32) -> (i32, i32) {
    %c0_i32 = arith.constant 0 : i32
    %c0_i32_0 = arith.constant 0 : i32
    %c0_i32_1 = arith.constant 0 : i32
    return %c0_i32, %c0_i32_0 : i32, i32
  }
  func.func @transform_6(%arg0: i32) -> (i32, i32) {
    %c0_i32 = arith.constant 0 : i32
    %c0_i32_0 = arith.constant 0 : i32
    %c0_i32_1 = arith.constant 0 : i32
    return %c0_i32, %c0_i32_0 : i32, i32
  }
}

module attributes {stable_mosaic.version = 14 : i64} {
  func.func @_combine_body(%arg0: i32, %arg1: memref<1000x128xf32, #tpu.memory_space<vmem>>, %arg2: memref<1000x128xf32, #tpu.memory_space<vmem>>, %arg3: memref<1000x1xf32, #tpu.memory_space<vmem>>, %arg4: memref<1x256xf32, #tpu.memory_space<vmem>>, %arg5: memref<256x2048xf32, #tpu.memory_space<vmem>>, %arg6: memref<1000x8xf32, #tpu.memory_space<vmem>>, %arg7: memref<8x256xf32, #tpu.memory_space<vmem>>, %arg8: memref<256x8xf32, #tpu.memory_space<vmem>>, %arg9: memref<1000x1xf32, #tpu.memory_space<vmem>>, %arg10: memref<1000x256xf32, #tpu.memory_space<vmem>>, %arg11: memref<1000x8xf32, #tpu.memory_space<vmem>>, %arg12: memref<1000x256xf32, #tpu.memory_space<vmem>>) attributes {dimension_semantics = [#tpu.dimension_semantics<arbitrary>], iteration_bounds = array<i64: 10>, scalar_prefetch = 0 : i64, scratch_operands = 0 : i64, tpu.core_type = #tpu.core_type<tc>, window_params = [{transform_indices = @transform_0, window_bounds = array<i64: 1000, 128>}, {transform_indices = @transform_1, window_bounds = array<i64: 1000, 128>}, {transform_indices = @transform_2, window_bounds = array<i64: 1000, 1>}, {pipeline_mode = #tpu.pipeline_mode<synchronous>, transform_indices = @transform_3, window_bounds = array<i64: 1, 256>}, {pipeline_mode = #tpu.pipeline_mode<synchronous>, transform_indices = @transform_4, window_bounds = array<i64: 256, 2048>}, {transform_indices = @transform_5, window_bounds = array<i64: 1000, 8>}, {pipeline_mode = #tpu.pipeline_mode<synchronous>, transform_indices = @transform_6, window_bounds = array<i64: 8, 256>}, {pipeline_mode = #tpu.pipeline_mode<synchronous>, transform_indices = @transform_7, window_bounds = array<i64: 256, 8>}, {transform_indices = @transform_8, window_bounds = array<i64: 1000, 1>}, {transform_indices = @transform_9, window_bounds = array<i64: 1000, 256>}, {transform_indices = @transform_10, window_bounds = array<i64: 1000, 8>}, {transform_indices = @transform_11, window_bounds = array<i64: 1000, 256>}]} {
    %get3A = arith.constant 0 : index
    %get3A_0 = arith.constant 0 : index
    %get3A_1 = vector.load %arg4[%get3A, %get3A_0] : memref<1x256xf32, #tpu.memory_space<vmem>>, vector<1x256xf32>
    %mul3A = arith.constant 9.99999974E-5 : f32
    %mul3A_2 = vector.broadcast %mul3A : f32 to vector<1x256xf32>
    %mul3A_3 = arith.mulf %get3A_1, %mul3A_2 : vector<1x256xf32>
    %get3A_4 = arith.constant 0 : index
    %get3A_5 = arith.constant 0 : index
    %get3A_6 = vector.load %arg3[%get3A_4, %get3A_5] : memref<1000x1xf32, #tpu.memory_space<vmem>>, vector<1000x1xf32>
    %get3A_7 = arith.constant 0 : index
    %get3A_8 = arith.constant 0 : index
    %get3A_9 = vector.load %arg1[%get3A_7, %get3A_8] : memref<1000x128xf32, #tpu.memory_space<vmem>>, vector<1000x128xf32>
    %mul3A_10 = vector.broadcast %get3A_6 : vector<1000x1xf32> to vector<1000x128xf32>
    %mul3A_11 = arith.mulf %get3A_9, %mul3A_10 : vector<1000x128xf32>
    %slice3A = vector.extract_strided_slice %mul3A_3 {offsets = [0, 0], sizes = [1, 128], strides = [1, 1]} : vector<1x256xf32> to vector<1x128xf32>
    %sub3A = vector.broadcast %slice3A : vector<1x128xf32> to vector<1000x128xf32>
    %sub3A_12 = arith.subf %mul3A_11, %sub3A : vector<1000x128xf32>
    %get3A_13 = arith.constant 0 : index
    %get3A_14 = arith.constant 0 : index
    %get3A_15 = vector.load %arg2[%get3A_13, %get3A_14] : memref<1000x128xf32, #tpu.memory_space<vmem>>, vector<1000x128xf32>
    %mul3A_16 = vector.broadcast %get3A_6 : vector<1000x1xf32> to vector<1000x128xf32>
    %mul3A_17 = arith.mulf %get3A_15, %mul3A_16 : vector<1000x128xf32>
    %slice3A_18 = vector.extract_strided_slice %mul3A_3 {offsets = [0, 128], sizes = [1, 128], strides = [1, 1]} : vector<1x256xf32> to vector<1x128xf32>
    %sub3A_19 = vector.broadcast %slice3A_18 : vector<1x128xf32> to vector<1000x128xf32>
    %sub3A_20 = arith.subf %mul3A_17, %sub3A_19 : vector<1000x128xf32>
    %get3A_21 = arith.constant 0 : index
    %get3A_22 = arith.constant 0 : index
    %get3A_23 = vector.load %arg5[%get3A_21, %get3A_22] : memref<256x2048xf32, #tpu.memory_space<vmem>>, vector<128x2048xf32>
    %dot_general3A = arith.constant dense<0.000000e+00> : vector<1000x2048xf32>
    %dot_general3A_24 = tpu.matmul %sub3A_12, %get3A_23, %dot_general3A {dimension_numbers = #tpu.dot_dimension_numbers<[1], [0], [0], [1], [0, 0, 1, 1], [], []>, transpose_lhs_hint = false} : vector<1000x128xf32>, vector<128x2048xf32>, vector<1000x2048xf32> -> vector<1000x2048xf32>
    %get3A_25 = arith.constant 128 : index
    %get3A_26 = arith.constant 0 : index
    %get3A_27 = vector.load %arg5[%get3A_25, %get3A_26] : memref<256x2048xf32, #tpu.memory_space<vmem>>, vector<128x2048xf32>
    %dot_general3A_28 = arith.constant dense<0.000000e+00> : vector<1000x2048xf32>
    %dot_general3A_29 = tpu.matmul %sub3A_20, %get3A_27, %dot_general3A_28 {dimension_numbers = #tpu.dot_dimension_numbers<[1], [0], [0], [1], [0, 0, 1, 1], [], []>, transpose_lhs_hint = false} : vector<1000x128xf32>, vector<128x2048xf32>, vector<1000x2048xf32> -> vector<1000x2048xf32>
    %add3A = arith.addf %dot_general3A_24, %dot_general3A_29 : vector<1000x2048xf32>
    %get3A_30 = arith.constant 0 : index
    %get3A_31 = arith.constant 0 : index
    %get3A_32 = vector.load %arg6[%get3A_30, %get3A_31] : memref<1000x8xf32, #tpu.memory_space<vmem>>, vector<1000x8xf32>
    %get3A_33 = arith.constant 0 : index
    %get3A_34 = arith.constant 0 : index
    %get3A_35 = vector.load %arg7[%get3A_33, %get3A_34] : memref<8x256xf32, #tpu.memory_space<vmem>>, vector<8x256xf32>
    %dot_general3A_36 = arith.constant dense<0.000000e+00> : vector<1000x256xf32>
    %dot_general3A_37 = tpu.matmul %get3A_32, %get3A_35, %dot_general3A_36 {dimension_numbers = #tpu.dot_dimension_numbers<[1], [0], [0], [1], [0, 0, 1, 1], [], []>, transpose_lhs_hint = false} : vector<1000x8xf32>, vector<8x256xf32>, vector<1000x256xf32> -> vector<1000x256xf32>
    %slice3A_38 = vector.extract_strided_slice %get3A_32 {offsets = [0, 0], sizes = [1000, 1], strides = [1, 1]} : vector<1000x8xf32> to vector<1000x1xf32>
    %slice3A_39 = vector.extract_strided_slice %add3A {offsets = [0, 0], sizes = [1000, 256], strides = [1, 1]} : vector<1000x2048xf32> to vector<1000x256xf32>
    %mul3A_40 = vector.broadcast %slice3A_38 : vector<1000x1xf32> to vector<1000x256xf32>
    %mul3A_41 = arith.mulf %mul3A_40, %slice3A_39 : vector<1000x256xf32>
    %add3A_42 = arith.addf %dot_general3A_37, %mul3A_41 : vector<1000x256xf32>
    %slice3A_43 = vector.extract_strided_slice %get3A_32 {offsets = [0, 1], sizes = [1000, 1], strides = [1, 1]} : vector<1000x8xf32> to vector<1000x1xf32>
    %slice3A_44 = vector.extract_strided_slice %add3A {offsets = [0, 256], sizes = [1000, 256], strides = [1, 1]} : vector<1000x2048xf32> to vector<1000x256xf32>
    %mul3A_45 = vector.broadcast %slice3A_43 : vector<1000x1xf32> to vector<1000x256xf32>
    %mul3A_46 = arith.mulf %mul3A_45, %slice3A_44 : vector<1000x256xf32>
    %add3A_47 = arith.addf %add3A_42, %mul3A_46 : vector<1000x256xf32>
    %slice3A_48 = vector.extract_strided_slice %get3A_32 {offsets = [0, 2], sizes = [1000, 1], strides = [1, 1]} : vector<1000x8xf32> to vector<1000x1xf32>
    %slice3A_49 = vector.extract_strided_slice %add3A {offsets = [0, 512], sizes = [1000, 256], strides = [1, 1]} : vector<1000x2048xf32> to vector<1000x256xf32>
    %mul3A_50 = vector.broadcast %slice3A_48 : vector<1000x1xf32> to vector<1000x256xf32>
    %mul3A_51 = arith.mulf %mul3A_50, %slice3A_49 : vector<1000x256xf32>
    %add3A_52 = arith.addf %add3A_47, %mul3A_51 : vector<1000x256xf32>
    %slice3A_53 = vector.extract_strided_slice %get3A_32 {offsets = [0, 3], sizes = [1000, 1], strides = [1, 1]} : vector<1000x8xf32> to vector<1000x1xf32>
    %slice3A_54 = vector.extract_strided_slice %add3A {offsets = [0, 768], sizes = [1000, 256], strides = [1, 1]} : vector<1000x2048xf32> to vector<1000x256xf32>
    %mul3A_55 = vector.broadcast %slice3A_53 : vector<1000x1xf32> to vector<1000x256xf32>
    %mul3A_56 = arith.mulf %mul3A_55, %slice3A_54 : vector<1000x256xf32>
    %add3A_57 = arith.addf %add3A_52, %mul3A_56 : vector<1000x256xf32>
    %slice3A_58 = vector.extract_strided_slice %get3A_32 {offsets = [0, 4], sizes = [1000, 1], strides = [1, 1]} : vector<1000x8xf32> to vector<1000x1xf32>
    %slice3A_59 = vector.extract_strided_slice %add3A {offsets = [0, 1024], sizes = [1000, 256], strides = [1, 1]} : vector<1000x2048xf32> to vector<1000x256xf32>
    %mul3A_60 = vector.broadcast %slice3A_58 : vector<1000x1xf32> to vector<1000x256xf32>
    %mul3A_61 = arith.mulf %mul3A_60, %slice3A_59 : vector<1000x256xf32>
    %add3A_62 = arith.addf %add3A_57, %mul3A_61 : vector<1000x256xf32>
    %slice3A_63 = vector.extract_strided_slice %get3A_32 {offsets = [0, 5], sizes = [1000, 1], strides = [1, 1]} : vector<1000x8xf32> to vector<1000x1xf32>
    %slice3A_64 = vector.extract_strided_slice %add3A {offsets = [0, 1280], sizes = [1000, 256], strides = [1, 1]} : vector<1000x2048xf32> to vector<1000x256xf32>
    %mul3A_65 = vector.broadcast %slice3A_63 : vector<1000x1xf32> to vector<1000x256xf32>
    %mul3A_66 = arith.mulf %mul3A_65, %slice3A_64 : vector<1000x256xf32>
    %add3A_67 = arith.addf %add3A_62, %mul3A_66 : vector<1000x256xf32>
    %slice3A_68 = vector.extract_strided_slice %get3A_32 {offsets = [0, 6], sizes = [1000, 1], strides = [1, 1]} : vector<1000x8xf32> to vector<1000x1xf32>
    %slice3A_69 = vector.extract_strided_slice %add3A {offsets = [0, 1536], sizes = [1000, 256], strides = [1, 1]} : vector<1000x2048xf32> to vector<1000x256xf32>
    %mul3A_70 = vector.broadcast %slice3A_68 : vector<1000x1xf32> to vector<1000x256xf32>
    %mul3A_71 = arith.mulf %mul3A_70, %slice3A_69 : vector<1000x256xf32>
    %add3A_72 = arith.addf %add3A_67, %mul3A_71 : vector<1000x256xf32>
    %slice3A_73 = vector.extract_strided_slice %get3A_32 {offsets = [0, 7], sizes = [1000, 1], strides = [1, 1]} : vector<1000x8xf32> to vector<1000x1xf32>
    %slice3A_74 = vector.extract_strided_slice %add3A {offsets = [0, 1792], sizes = [1000, 256], strides = [1, 1]} : vector<1000x2048xf32> to vector<1000x256xf32>
    %mul3A_75 = vector.broadcast %slice3A_73 : vector<1000x1xf32> to vector<1000x256xf32>
    %mul3A_76 = arith.mulf %mul3A_75, %slice3A_74 : vector<1000x256xf32>
    %add3A_77 = arith.addf %add3A_72, %mul3A_76 : vector<1000x256xf32>
    %max3A = arith.constant 0.000000e+00 : f32
    %max3A_78 = vector.broadcast %max3A : f32 to vector<1000x256xf32>
    %max3A_79 = arith.maximumf %add3A_77, %max3A_78 : vector<1000x256xf32>
    %add3A_80 = arith.addf %add3A_77, %max3A_79 : vector<1000x256xf32>
    %swap3A = arith.constant 0 : index
    %swap3A_81 = arith.constant 0 : index
    %swap3A_82 = vector.load %arg10[%swap3A, %swap3A_81] : memref<1000x256xf32, #tpu.memory_space<vmem>>, vector<1000x256xf32>
    tpu.vector_store %arg10[%swap3A, %swap3A_81], %add3A_80 {strides = array<i32>} : memref<1000x256xf32, #tpu.memory_space<vmem>>, vector<1000x256xf32>,
    %get3A_83 = arith.constant 0 : index
    %get3A_84 = arith.constant 0 : index
    %get3A_85 = vector.load %arg8[%get3A_83, %get3A_84] : memref<256x8xf32, #tpu.memory_space<vmem>>, vector<256x8xf32>
    %dot_general3A_86 = arith.constant dense<0.000000e+00> : vector<1000x8xf32>
    %dot_general3A_87 = tpu.matmul %add3A_80, %get3A_85, %dot_general3A_86 {dimension_numbers = #tpu.dot_dimension_numbers<[1], [0], [0], [1], [0, 0, 1, 1], [], []>, transpose_lhs_hint = false} : vector<1000x256xf32>, vector<256x8xf32>, vector<1000x8xf32> -> vector<1000x8xf32>
    %reduce_max3A = arith.constant dense<0xFF800000> : vector<1000xf32>
    %reduce_max3A_88 = vector.multi_reduction <maximumf>, %dot_general3A_87, %reduce_max3A [1] : vector<1000x8xf32> to vector<1000xf32>
    %broadcast_in_dim3A = vector.shape_cast %reduce_max3A_88 : vector<1000xf32> to vector<1000x1xf32>
    %iota3A = tpu.iota {dimensions = array<i32: 1>} : vector<1000x8xi32>
    %ge3A = vector.broadcast %broadcast_in_dim3A : vector<1000x1xf32> to vector<1000x8xf32>
    %ge3A_89 = arith.cmpf oge, %dot_general3A_87, %ge3A : vector<1000x8xf32>
    %jit3A = arith.constant 8 : i32
    %broadcast_in_dim3A_90 = vector.broadcast %jit3A : i32 to vector<1000x8xi32>
    %select_n3A = arith.select %ge3A_89, %iota3A, %broadcast_in_dim3A_90 : vector<1000x8xi1>, vector<1000x8xi32>
    %reduce_min3A = arith.constant dense<2147483647> : vector<1000xi32>
    %reduce_min3A_91 = vector.multi_reduction <minsi>, %select_n3A, %reduce_min3A [1] : vector<1000x8xi32> to vector<1000xi32>
    %broadcast_in_dim3A_92 = vector.shape_cast %reduce_min3A_91 : vector<1000xi32> to vector<1000x1xi32>
    %eq3A = vector.broadcast %broadcast_in_dim3A_92 : vector<1000x1xi32> to vector<1000x8xi32>
    %eq3A_93 = arith.cmpi eq, %iota3A, %eq3A : vector<1000x8xi32>
    %jit3A_94 = arith.constant -3.000000e+38 : f32
    %broadcast_in_dim3A_95 = vector.broadcast %jit3A_94 : f32 to vector<1000x8xf32>
    %select_n3A_96 = arith.select %eq3A_93, %broadcast_in_dim3A_95, %dot_general3A_87 : vector<1000x8xi1>, vector<1000x8xf32>
    %reduce_max3A_97 = arith.constant dense<0xFF800000> : vector<1000xf32>
    %reduce_max3A_98 = vector.multi_reduction <maximumf>, %select_n3A_96, %reduce_max3A_97 [1] : vector<1000x8xf32> to vector<1000xf32>
    %broadcast_in_dim3A_99 = vector.shape_cast %reduce_max3A_98 : vector<1000xf32> to vector<1000x1xf32>
    %ge3A_100 = vector.broadcast %broadcast_in_dim3A_99 : vector<1000x1xf32> to vector<1000x8xf32>
    %ge3A_101 = arith.cmpf oge, %dot_general3A_87, %ge3A_100 : vector<1000x8xf32>
    %sub3A_102 = vector.broadcast %broadcast_in_dim3A : vector<1000x1xf32> to vector<1000x8xf32>
    %sub3A_103 = arith.subf %dot_general3A_87, %sub3A_102 : vector<1000x8xf32>
    %exp3A = math.exp %sub3A_103 : vector<1000x8xf32>
    %sub3A_104 = arith.subf %broadcast_in_dim3A_99, %broadcast_in_dim3A : vector<1000x1xf32>
    %exp3A_105 = math.exp %sub3A_104 : vector<1000x1xf32>
    %add3A_106 = arith.constant 1.000000e+00 : f32
    %add3A_107 = vector.broadcast %add3A_106 : f32 to vector<1000x1xf32>
    %add3A_108 = arith.addf %add3A_107, %exp3A_105 : vector<1000x1xf32>
    %div3A = vector.broadcast %add3A_108 : vector<1000x1xf32> to vector<1000x8xf32>
    %div3A_109 = arith.divf %exp3A, %div3A : vector<1000x8xf32>
    %jit3A_110 = arith.constant 0.000000e+00 : f32
    %broadcast_in_dim3A_111 = vector.broadcast %jit3A_110 : f32 to vector<1000x8xf32>
    %select_n3A_112 = arith.select %ge3A_101, %div3A_109, %broadcast_in_dim3A_111 : vector<1000x8xi1>, vector<1000x8xf32>
    %swap3A_113 = arith.constant 0 : index
    %swap3A_114 = arith.constant 0 : index
    %swap3A_115 = vector.load %arg11[%swap3A_113, %swap3A_114] : memref<1000x8xf32, #tpu.memory_space<vmem>>, vector<1000x8xf32>
    tpu.vector_store %arg11[%swap3A_113, %swap3A_114], %select_n3A_112 {strides = array<i32>} : memref<1000x8xf32, #tpu.memory_space<vmem>>, vector<1000x8xf32>,
    %get3A_116 = arith.constant 0 : index
    %get3A_117 = arith.constant 0 : index
    %get3A_118 = vector.load %arg9[%get3A_116, %get3A_117] : memref<1000x1xf32, #tpu.memory_space<vmem>>, vector<1000x1xf32>
    %mul3A_119 = vector.broadcast %get3A_118 : vector<1000x1xf32> to vector<1000x256xf32>
    %mul3A_120 = arith.mulf %add3A_80, %mul3A_119 : vector<1000x256xf32>
    %swap3A_121 = arith.constant 0 : index
    %swap3A_122 = arith.constant 0 : index
    %swap3A_123 = vector.load %arg12[%swap3A_121, %swap3A_122] : memref<1000x256xf32, #tpu.memory_space<vmem>>, vector<1000x256xf32>
    tpu.vector_store %arg12[%swap3A_121, %swap3A_122], %mul3A_120 {strides = array<i32>} : memref<1000x256xf32, #tpu.memory_space<vmem>>, vector<1000x256xf32>,
    return
  }
  func.func @transform_0(%arg0: i32) -> (i32, i32) {
    %c0_i32 = arith.constant 0 : i32
    %c0_i32_0 = arith.constant 0 : i32
    return %arg0, %c0_i32 : i32, i32
  }
  func.func @transform_1(%arg0: i32) -> (i32, i32) {
    %c0_i32 = arith.constant 0 : i32
    %c0_i32_0 = arith.constant 0 : i32
    return %arg0, %c0_i32 : i32, i32
  }
  func.func @transform_2(%arg0: i32) -> (i32, i32) {
    %c0_i32 = arith.constant 0 : i32
    %c0_i32_0 = arith.constant 0 : i32
    return %arg0, %c0_i32 : i32, i32
  }
  func.func @transform_3(%arg0: i32) -> (i32, i32) {
    %c0_i32 = arith.constant 0 : i32
    %c0_i32_0 = arith.constant 0 : i32
    %c0_i32_1 = arith.constant 0 : i32
    return %c0_i32, %c0_i32_0 : i32, i32
  }
  func.func @transform_4(%arg0: i32) -> (i32, i32) {
    %c0_i32 = arith.constant 0 : i32
    %c0_i32_0 = arith.constant 0 : i32
    %c0_i32_1 = arith.constant 0 : i32
    return %c0_i32, %c0_i32_0 : i32, i32
  }
  func.func @transform_5(%arg0: i32) -> (i32, i32) {
    %c0_i32 = arith.constant 0 : i32
    %c0_i32_0 = arith.constant 0 : i32
    return %arg0, %c0_i32 : i32, i32
  }
  func.func @transform_6(%arg0: i32) -> (i32, i32) {
    %c0_i32 = arith.constant 0 : i32
    %c0_i32_0 = arith.constant 0 : i32
    %c0_i32_1 = arith.constant 0 : i32
    return %c0_i32, %c0_i32_0 : i32, i32
  }
  func.func @transform_7(%arg0: i32) -> (i32, i32) {
    %c0_i32 = arith.constant 0 : i32
    %c0_i32_0 = arith.constant 0 : i32
    %c0_i32_1 = arith.constant 0 : i32
    return %c0_i32, %c0_i32_0 : i32, i32
  }
  func.func @transform_8(%arg0: i32) -> (i32, i32) {
    %c0_i32 = arith.constant 0 : i32
    %c0_i32_0 = arith.constant 0 : i32
    return %arg0, %c0_i32 : i32, i32
  }
  func.func @transform_9(%arg0: i32) -> (i32, i32) {
    %c0_i32 = arith.constant 0 : i32
    %c0_i32_0 = arith.constant 0 : i32
    return %arg0, %c0_i32 : i32, i32
  }
  func.func @transform_10(%arg0: i32) -> (i32, i32) {
    %c0_i32 = arith.constant 0 : i32
    %c0_i32_0 = arith.constant 0 : i32
    return %arg0, %c0_i32 : i32, i32
  }
  func.func @transform_11(%arg0: i32) -> (i32, i32) {
    %c0_i32 = arith.constant 0 : i32
    %c0_i32_0 = arith.constant 0 : i32
    return %arg0, %c0_i32 : i32, i32
  }
}

module attributes {stable_mosaic.version = 14 : i64} {
  func.func @_combine_last_body(%arg0: i32, %arg1: memref<1000x128xf32, #tpu.memory_space<vmem>>, %arg2: memref<1000x128xf32, #tpu.memory_space<vmem>>, %arg3: memref<1000x1xf32, #tpu.memory_space<vmem>>, %arg4: memref<1x256xf32, #tpu.memory_space<vmem>>, %arg5: memref<256x2048xf32, #tpu.memory_space<vmem>>, %arg6: memref<1000x8xf32, #tpu.memory_space<vmem>>, %arg7: memref<8x256xf32, #tpu.memory_space<vmem>>, %arg8: memref<1000x256xf32, #tpu.memory_space<vmem>>) attributes {dimension_semantics = [#tpu.dimension_semantics<arbitrary>], iteration_bounds = array<i64: 10>, scalar_prefetch = 0 : i64, scratch_operands = 0 : i64, tpu.core_type = #tpu.core_type<tc>, window_params = [{transform_indices = @transform_0, window_bounds = array<i64: 1000, 128>}, {transform_indices = @transform_1, window_bounds = array<i64: 1000, 128>}, {transform_indices = @transform_2, window_bounds = array<i64: 1000, 1>}, {pipeline_mode = #tpu.pipeline_mode<synchronous>, transform_indices = @transform_3, window_bounds = array<i64: 1, 256>}, {pipeline_mode = #tpu.pipeline_mode<synchronous>, transform_indices = @transform_4, window_bounds = array<i64: 256, 2048>}, {transform_indices = @transform_5, window_bounds = array<i64: 1000, 8>}, {pipeline_mode = #tpu.pipeline_mode<synchronous>, transform_indices = @transform_6, window_bounds = array<i64: 8, 256>}, {transform_indices = @transform_7, window_bounds = array<i64: 1000, 256>}]} {
    %get3A = arith.constant 0 : index
    %get3A_0 = arith.constant 0 : index
    %get3A_1 = vector.load %arg4[%get3A, %get3A_0] : memref<1x256xf32, #tpu.memory_space<vmem>>, vector<1x256xf32>
    %mul3A = arith.constant 9.99999974E-5 : f32
    %mul3A_2 = vector.broadcast %mul3A : f32 to vector<1x256xf32>
    %mul3A_3 = arith.mulf %get3A_1, %mul3A_2 : vector<1x256xf32>
    %get3A_4 = arith.constant 0 : index
    %get3A_5 = arith.constant 0 : index
    %get3A_6 = vector.load %arg3[%get3A_4, %get3A_5] : memref<1000x1xf32, #tpu.memory_space<vmem>>, vector<1000x1xf32>
    %get3A_7 = arith.constant 0 : index
    %get3A_8 = arith.constant 0 : index
    %get3A_9 = vector.load %arg1[%get3A_7, %get3A_8] : memref<1000x128xf32, #tpu.memory_space<vmem>>, vector<1000x128xf32>
    %mul3A_10 = vector.broadcast %get3A_6 : vector<1000x1xf32> to vector<1000x128xf32>
    %mul3A_11 = arith.mulf %get3A_9, %mul3A_10 : vector<1000x128xf32>
    %slice3A = vector.extract_strided_slice %mul3A_3 {offsets = [0, 0], sizes = [1, 128], strides = [1, 1]} : vector<1x256xf32> to vector<1x128xf32>
    %sub3A = vector.broadcast %slice3A : vector<1x128xf32> to vector<1000x128xf32>
    %sub3A_12 = arith.subf %mul3A_11, %sub3A : vector<1000x128xf32>
    %get3A_13 = arith.constant 0 : index
    %get3A_14 = arith.constant 0 : index
    %get3A_15 = vector.load %arg2[%get3A_13, %get3A_14] : memref<1000x128xf32, #tpu.memory_space<vmem>>, vector<1000x128xf32>
    %mul3A_16 = vector.broadcast %get3A_6 : vector<1000x1xf32> to vector<1000x128xf32>
    %mul3A_17 = arith.mulf %get3A_15, %mul3A_16 : vector<1000x128xf32>
    %slice3A_18 = vector.extract_strided_slice %mul3A_3 {offsets = [0, 128], sizes = [1, 128], strides = [1, 1]} : vector<1x256xf32> to vector<1x128xf32>
    %sub3A_19 = vector.broadcast %slice3A_18 : vector<1x128xf32> to vector<1000x128xf32>
    %sub3A_20 = arith.subf %mul3A_17, %sub3A_19 : vector<1000x128xf32>
    %get3A_21 = arith.constant 0 : index
    %get3A_22 = arith.constant 0 : index
    %get3A_23 = vector.load %arg5[%get3A_21, %get3A_22] : memref<256x2048xf32, #tpu.memory_space<vmem>>, vector<128x2048xf32>
    %dot_general3A = arith.constant dense<0.000000e+00> : vector<1000x2048xf32>
    %dot_general3A_24 = tpu.matmul %sub3A_12, %get3A_23, %dot_general3A {dimension_numbers = #tpu.dot_dimension_numbers<[1], [0], [0], [1], [0, 0, 1, 1], [], []>, transpose_lhs_hint = false} : vector<1000x128xf32>, vector<128x2048xf32>, vector<1000x2048xf32> -> vector<1000x2048xf32>
    %get3A_25 = arith.constant 128 : index
    %get3A_26 = arith.constant 0 : index
    %get3A_27 = vector.load %arg5[%get3A_25, %get3A_26] : memref<256x2048xf32, #tpu.memory_space<vmem>>, vector<128x2048xf32>
    %dot_general3A_28 = arith.constant dense<0.000000e+00> : vector<1000x2048xf32>
    %dot_general3A_29 = tpu.matmul %sub3A_20, %get3A_27, %dot_general3A_28 {dimension_numbers = #tpu.dot_dimension_numbers<[1], [0], [0], [1], [0, 0, 1, 1], [], []>, transpose_lhs_hint = false} : vector<1000x128xf32>, vector<128x2048xf32>, vector<1000x2048xf32> -> vector<1000x2048xf32>
    %add3A = arith.addf %dot_general3A_24, %dot_general3A_29 : vector<1000x2048xf32>
    %get3A_30 = arith.constant 0 : index
    %get3A_31 = arith.constant 0 : index
    %get3A_32 = vector.load %arg6[%get3A_30, %get3A_31] : memref<1000x8xf32, #tpu.memory_space<vmem>>, vector<1000x8xf32>
    %get3A_33 = arith.constant 0 : index
    %get3A_34 = arith.constant 0 : index
    %get3A_35 = vector.load %arg7[%get3A_33, %get3A_34] : memref<8x256xf32, #tpu.memory_space<vmem>>, vector<8x256xf32>
    %dot_general3A_36 = arith.constant dense<0.000000e+00> : vector<1000x256xf32>
    %dot_general3A_37 = tpu.matmul %get3A_32, %get3A_35, %dot_general3A_36 {dimension_numbers = #tpu.dot_dimension_numbers<[1], [0], [0], [1], [0, 0, 1, 1], [], []>, transpose_lhs_hint = false} : vector<1000x8xf32>, vector<8x256xf32>, vector<1000x256xf32> -> vector<1000x256xf32>
    %slice3A_38 = vector.extract_strided_slice %get3A_32 {offsets = [0, 0], sizes = [1000, 1], strides = [1, 1]} : vector<1000x8xf32> to vector<1000x1xf32>
    %slice3A_39 = vector.extract_strided_slice %add3A {offsets = [0, 0], sizes = [1000, 256], strides = [1, 1]} : vector<1000x2048xf32> to vector<1000x256xf32>
    %mul3A_40 = vector.broadcast %slice3A_38 : vector<1000x1xf32> to vector<1000x256xf32>
    %mul3A_41 = arith.mulf %mul3A_40, %slice3A_39 : vector<1000x256xf32>
    %add3A_42 = arith.addf %dot_general3A_37, %mul3A_41 : vector<1000x256xf32>
    %slice3A_43 = vector.extract_strided_slice %get3A_32 {offsets = [0, 1], sizes = [1000, 1], strides = [1, 1]} : vector<1000x8xf32> to vector<1000x1xf32>
    %slice3A_44 = vector.extract_strided_slice %add3A {offsets = [0, 256], sizes = [1000, 256], strides = [1, 1]} : vector<1000x2048xf32> to vector<1000x256xf32>
    %mul3A_45 = vector.broadcast %slice3A_43 : vector<1000x1xf32> to vector<1000x256xf32>
    %mul3A_46 = arith.mulf %mul3A_45, %slice3A_44 : vector<1000x256xf32>
    %add3A_47 = arith.addf %add3A_42, %mul3A_46 : vector<1000x256xf32>
    %slice3A_48 = vector.extract_strided_slice %get3A_32 {offsets = [0, 2], sizes = [1000, 1], strides = [1, 1]} : vector<1000x8xf32> to vector<1000x1xf32>
    %slice3A_49 = vector.extract_strided_slice %add3A {offsets = [0, 512], sizes = [1000, 256], strides = [1, 1]} : vector<1000x2048xf32> to vector<1000x256xf32>
    %mul3A_50 = vector.broadcast %slice3A_48 : vector<1000x1xf32> to vector<1000x256xf32>
    %mul3A_51 = arith.mulf %mul3A_50, %slice3A_49 : vector<1000x256xf32>
    %add3A_52 = arith.addf %add3A_47, %mul3A_51 : vector<1000x256xf32>
    %slice3A_53 = vector.extract_strided_slice %get3A_32 {offsets = [0, 3], sizes = [1000, 1], strides = [1, 1]} : vector<1000x8xf32> to vector<1000x1xf32>
    %slice3A_54 = vector.extract_strided_slice %add3A {offsets = [0, 768], sizes = [1000, 256], strides = [1, 1]} : vector<1000x2048xf32> to vector<1000x256xf32>
    %mul3A_55 = vector.broadcast %slice3A_53 : vector<1000x1xf32> to vector<1000x256xf32>
    %mul3A_56 = arith.mulf %mul3A_55, %slice3A_54 : vector<1000x256xf32>
    %add3A_57 = arith.addf %add3A_52, %mul3A_56 : vector<1000x256xf32>
    %slice3A_58 = vector.extract_strided_slice %get3A_32 {offsets = [0, 4], sizes = [1000, 1], strides = [1, 1]} : vector<1000x8xf32> to vector<1000x1xf32>
    %slice3A_59 = vector.extract_strided_slice %add3A {offsets = [0, 1024], sizes = [1000, 256], strides = [1, 1]} : vector<1000x2048xf32> to vector<1000x256xf32>
    %mul3A_60 = vector.broadcast %slice3A_58 : vector<1000x1xf32> to vector<1000x256xf32>
    %mul3A_61 = arith.mulf %mul3A_60, %slice3A_59 : vector<1000x256xf32>
    %add3A_62 = arith.addf %add3A_57, %mul3A_61 : vector<1000x256xf32>
    %slice3A_63 = vector.extract_strided_slice %get3A_32 {offsets = [0, 5], sizes = [1000, 1], strides = [1, 1]} : vector<1000x8xf32> to vector<1000x1xf32>
    %slice3A_64 = vector.extract_strided_slice %add3A {offsets = [0, 1280], sizes = [1000, 256], strides = [1, 1]} : vector<1000x2048xf32> to vector<1000x256xf32>
    %mul3A_65 = vector.broadcast %slice3A_63 : vector<1000x1xf32> to vector<1000x256xf32>
    %mul3A_66 = arith.mulf %mul3A_65, %slice3A_64 : vector<1000x256xf32>
    %add3A_67 = arith.addf %add3A_62, %mul3A_66 : vector<1000x256xf32>
    %slice3A_68 = vector.extract_strided_slice %get3A_32 {offsets = [0, 6], sizes = [1000, 1], strides = [1, 1]} : vector<1000x8xf32> to vector<1000x1xf32>
    %slice3A_69 = vector.extract_strided_slice %add3A {offsets = [0, 1536], sizes = [1000, 256], strides = [1, 1]} : vector<1000x2048xf32> to vector<1000x256xf32>
    %mul3A_70 = vector.broadcast %slice3A_68 : vector<1000x1xf32> to vector<1000x256xf32>
    %mul3A_71 = arith.mulf %mul3A_70, %slice3A_69 : vector<1000x256xf32>
    %add3A_72 = arith.addf %add3A_67, %mul3A_71 : vector<1000x256xf32>
    %slice3A_73 = vector.extract_strided_slice %get3A_32 {offsets = [0, 7], sizes = [1000, 1], strides = [1, 1]} : vector<1000x8xf32> to vector<1000x1xf32>
    %slice3A_74 = vector.extract_strided_slice %add3A {offsets = [0, 1792], sizes = [1000, 256], strides = [1, 1]} : vector<1000x2048xf32> to vector<1000x256xf32>
    %mul3A_75 = vector.broadcast %slice3A_73 : vector<1000x1xf32> to vector<1000x256xf32>
    %mul3A_76 = arith.mulf %mul3A_75, %slice3A_74 : vector<1000x256xf32>
    %add3A_77 = arith.addf %add3A_72, %mul3A_76 : vector<1000x256xf32>
    %max3A = arith.constant 0.000000e+00 : f32
    %max3A_78 = vector.broadcast %max3A : f32 to vector<1000x256xf32>
    %max3A_79 = arith.maximumf %add3A_77, %max3A_78 : vector<1000x256xf32>
    %add3A_80 = arith.addf %add3A_77, %max3A_79 : vector<1000x256xf32>
    %swap3A = arith.constant 0 : index
    %swap3A_81 = arith.constant 0 : index
    %swap3A_82 = vector.load %arg8[%swap3A, %swap3A_81] : memref<1000x256xf32, #tpu.memory_space<vmem>>, vector<1000x256xf32>
    tpu.vector_store %arg8[%swap3A, %swap3A_81], %add3A_80 {strides = array<i32>} : memref<1000x256xf32, #tpu.memory_space<vmem>>, vector<1000x256xf32>,
    return
  }
  func.func @transform_0(%arg0: i32) -> (i32, i32) {
    %c0_i32 = arith.constant 0 : i32
    %c0_i32_0 = arith.constant 0 : i32
    return %arg0, %c0_i32 : i32, i32
  }
  func.func @transform_1(%arg0: i32) -> (i32, i32) {
    %c0_i32 = arith.constant 0 : i32
    %c0_i32_0 = arith.constant 0 : i32
    return %arg0, %c0_i32 : i32, i32
  }
  func.func @transform_2(%arg0: i32) -> (i32, i32) {
    %c0_i32 = arith.constant 0 : i32
    %c0_i32_0 = arith.constant 0 : i32
    return %arg0, %c0_i32 : i32, i32
  }
  func.func @transform_3(%arg0: i32) -> (i32, i32) {
    %c0_i32 = arith.constant 0 : i32
    %c0_i32_0 = arith.constant 0 : i32
    %c0_i32_1 = arith.constant 0 : i32
    return %c0_i32, %c0_i32_0 : i32, i32
  }
  func.func @transform_4(%arg0: i32) -> (i32, i32) {
    %c0_i32 = arith.constant 0 : i32
    %c0_i32_0 = arith.constant 0 : i32
    %c0_i32_1 = arith.constant 0 : i32
    return %c0_i32, %c0_i32_0 : i32, i32
  }
  func.func @transform_5(%arg0: i32) -> (i32, i32) {
    %c0_i32 = arith.constant 0 : i32
    %c0_i32_0 = arith.constant 0 : i32
    return %arg0, %c0_i32 : i32, i32
  }
  func.func @transform_6(%arg0: i32) -> (i32, i32) {
    %c0_i32 = arith.constant 0 : i32
    %c0_i32_0 = arith.constant 0 : i32
    %c0_i32_1 = arith.constant 0 : i32
    return %c0_i32, %c0_i32_0 : i32, i32
  }
  func.func @transform_7(%arg0: i32) -> (i32, i32) {
    %c0_i32 = arith.constant 0 : i32
    %c0_i32_0 = arith.constant 0 : i32
    return %arg0, %c0_i32 : i32, i32
  }
}

</mosaic_0001>

<sc_bundles>
// kernel: kernel.16.cloned.1.call-start
scs
__scs_entry_jumppad:
0x0: {  	(pc) =	sbr.rel $0x88, $3  }
0x1: {  	(tag) =	ssettag $0x0;
	lr =	simm.s32 $0x1  }
0x2: {  	[smem:$0x3F9A] =	sst lr;
	_ =	strace $0xD0000000  }
0x3: {  	_ = 	snop  }
0x4: {  	_ = 	snop  }
0x5: {  	_ = 	snop  }
0x6: {  	_ = 	snop  }
0x7: {  	_ = 	snop  }
__scs_overlays_trampoline_lowered:
0x8: {  	[smem:$0x3FA9] =	sst s0  }
0x9: {  	[smem:$0x3FAA] =	sst s1  }
0xa: {  	[smem:$0x3FAB] =	sst s2  }
0xb: {  	[smem:$0x3FAC] =	sst s3  }
0xc: {  	[smem:$0x3FAD] =	sst s4  }
0xd: {  	[smem:$0x3FAE] =	sst s5  }
0xe: {  	[smem:$0x3FAF] =	sst s6  }
0xf: {  	[smem:$0x3FB0] =	sst s7  }
0x10: {  	[smem:$0x3FB1] =	sst s8  }
0x11: {  	[smem:$0x3FB2] =	sst s9;
	s0 =	simm.s32 @!p0 $0x0  }
0x12: {  	s1 =	sld [smem:$0x3F98];
	s0 =	simm.s32 @p0 $0x1  }
0x13: {  	[smem:$0x3FB3] =	sst s0;
	s0 =	simm.s32 @!p1 $0x0  }
0x14: {  	s2 =	sld [smem:$0x3F97];
	s0 =	simm.s32 @p1 $0x1  }
0x15: {  	[smem:$0x3FB4] =	sst s0;
	s0 =	simm.s32 @!p2 $0x0  }
0x16: {  	s3 =	sld [smem:$0x3FDB];
	s0 =	simm.s32 @p2 $0x1  }
0x17: {  	s4 =	simm.s32 $0x1BF5;
	[smem:$0x3FB6] =	sst s0  }
0x18: {  	s0 =	sld [smem:$0x3F99];
	_ =	swait.ge [sflag:s4], $0x0  }
0x19: {  	s7 =	sld [smem:$0x3F9A]  }
0x1a: {  	s8 =	sadd.s32 $0xFFFFE003, lr  }
0x1b: {  	s9 =	sadd.s32 $0xFFFFFEF7, lr;
	s5 =	simm.s32 $0xFFFFFFFF;
	p2 =	slt.u32 s8, $0xFFFFF086  }
0x1c: {  	p1 =	slt.u32 s9, $0xF7A;
	s5 =	simm.s32 @!p2 $0x0  }
0x1d: {  	s5 =	simm.s32 @p1 $0x1;
	p0 =	seq.s32 s7, s2  }
0x1e: {  	s7 =	smul.u32 @!p0 $0xF7A, s2;
	p2 =	seq.s32 @!p0 s5, $0x0  }
0x1f: {  	s9 =	smul.u32 $0xF7A, s1;
	s8 =	simm.s32 @!p0 $0x1BF5;
	p2 =	por !p2, p0  }
0x20: {  	[sflag:s8] =	ssyncset.s32 @!p0 $0xFFFFF086;
	s6 =	sadd.s32 @!p0 s3, s7;
	s7 =	simm.s32 @!p0 $0x108  }
0x21: {  	s3 =	sadd.s32 s3, s9;
	s6 =	sadd.s32 @!p0 $0x88, s6;
	s7 =	simm.s32 @p2 $0x1082  }
0x22: {  	[simem:s7], [sflag:s8] =	dma.local @!p0 [hbm:s6], $0xF7A  }
0x23: {  	s9 =	sor.u32 $0xD0000000, s2;
	s6 =	simm.s32 $0x108;
	_ =	swait.ge @!p0 [sflag:s8], $0x0  }
0x24: {  	s3 =	sadd.s32 $0x88, s3;
	s6 =	simm.s32 @!p1 $0x1082;
	[sflag:s4] =	ssyncset.s32 $0xFFFFF086  }
0x25: {  	[simem:s6], [sflag:s4] =	dma.local [hbm:s3], $0xF7A  }
0x26: {  	[smem:$0x3F9A] =	sst s1;
	(tag) =	ssettag s2;
	_ =	strace s9  }
0x27: {  	s1 =	sld [smem:$0x3FAA]  }
0x28: {  	s2 =	sld [smem:$0x3FAB]  }
0x29: {  	s4 =	sld [smem:$0x3FAD]  }
0x2a: {  	p0 =	seq.s32 s5, $0x0;
	s5 =	sld [smem:$0x3FAE]  }
0x2b: {  	s6 =	sld [smem:$0x3FAF]  }
0x2c: {  	s7 =	sld [smem:$0x3FB0]  }
0x2d: {  	s3 =	simm.s32 $0x108;
	s8 =	sld [smem:$0x3FB1]  }
0x2e: {  	s3 =	simm.s32 @!p0 $0x1082;
	s9 =	sld [smem:$0x3FB2]  }
0x2f: {  	lr =	sadd.s32 s0, s3;
	s0 =	sld [smem:$0x3FA9]  }
0x30: {  	s3 =	sld [smem:$0x3FAC]  }
0x31: {  	[smem:$0x3FB5] =	sst s10  }
0x32: {  	s10 =	sld [smem:$0x3FB3];
	_ =	sdelay $0x3  }
0x33: {  	p0 =	seq.s32 s10, $0x1;
	s10 =	sld [smem:$0x3FB5];
	_ =	sdelay $0x3  }
0x34: {  	[smem:$0x3FB5] =	sst s10  }
0x35: {  	s10 =	sld [smem:$0x3FB4];
	_ =	sdelay $0x3  }
0x36: {  	p1 =	seq.s32 s10, $0x1;
	s10 =	sld [smem:$0x3FB5];
	_ =	sdelay $0x3  }
0x37: {  	[smem:$0x3FB5] =	sst s10  }
0x38: {  	s10 =	sld [smem:$0x3FB6]  }
0x39: {  	_ = 	snop;
	(pc) =	sbr.ind lr, $3  }
0x3a: {  	_ = 	snop  }
0x3b: {  	_ = 	snop  }
0x3c: {  	p2 =	seq.s32 s10, $0x1;
	s10 =	sld [smem:$0x3FB5]  }
0x3d: {  	_ =	shalt  }
0x3e: {  	_ =	shalt  }
0x3f: {  	_ =	shalt  }
0x40: {  	_ =	shalt  }
0x41: {  	_ =	shalt  }
0x42: {  	_ =	shalt  }
0x43: {  	_ =	shalt  }
0x44: {  	_ =	shalt  }
0x45: {  	_ =	shalt  }
0x46: {  	_ =	shalt  }
0x47: {  	_ =	shalt  }
0x48: {  	_ =	shalt  }
0x49: {  	_ =	shalt  }
0x4a: {  	_ =	shalt  }
0x4b: {  	_ =	shalt  }
0x4c: {  	_ =	shalt  }
0x4d: {  	_ =	shalt  }
0x4e: {  	_ =	shalt  }
0x4f: {  	_ =	shalt  }
0x50: {  	_ =	shalt  }
0x51: {  	_ =	shalt  }
0x52: {  	_ =	shalt  }
0x53: {  	_ =	shalt  }
0x54: {  	_ =	shalt  }
0x55: {  	_ =	shalt  }
0x56: {  	_ =	shalt  }
0x57: {  	_ =	shalt  }
0x58: {  	_ =	shalt  }
0x59: {  	_ =	shalt  }
0x5a: {  	_ =	shalt  }
0x5b: {  	_ =	shalt  }
0x5c: {  	_ =	shalt  }
0x5d: {  	_ =	shalt  }
0x5e: {  	_ =	shalt  }
0x5f: {  	_ =	shalt  }
0x60: {  	_ =	shalt  }
0x61: {  	_ =	shalt  }
0x62: {  	_ =	shalt  }
0x63: {  	_ =	shalt  }
0x64: {  	_ =	shalt  }
0x65: {  	_ =	shalt  }
0x66: {  	_ =	shalt  }
0x67: {  	_ =	shalt  }
0x68: {  	_ =	shalt  }
0x69: {  	_ =	shalt  }
0x6a: {  	_ =	shalt  }
0x6b: {  	_ =	shalt  }
0x6c: {  	_ =	shalt  }
0x6d: {  	_ =	shalt  }
0x6e: {  	_ =	shalt  }
0x6f: {  	_ =	shalt  }
0x70: {  	_ =	shalt  }
0x71: {  	_ =	shalt  }
0x72: {  	_ =	shalt  }
0x73: {  	_ =	shalt  }
0x74: {  	_ =	shalt  }
0x75: {  	_ =	shalt  }
0x76: {  	_ =	shalt  }
0x77: {  	_ =	shalt  }
0x78: {  	_ =	shalt  }
0x79: {  	_ =	shalt  }
0x7a: {  	_ =	shalt  }
0x7b: {  	_ =	shalt  }
0x7c: {  	_ =	shalt  }
0x7d: {  	_ =	shalt  }
0x7e: {  	_ =	shalt  }
0x7f: {  	_ =	shalt  }
0x80: {  	_ =	shalt  }
0x81: {  	_ =	shalt  }
0x82: {  	_ =	shalt  }
0x83: {  	_ =	shalt  }
0x84: {  	_ =	shalt  }
0x85: {  	_ =	shalt  }
0x86: {  	_ =	shalt  }
0x87: {  	_ =	shalt  }
.Lfunc_end0:
.L_simem_size_0:
called_computation_lowered:
.L_overlay_start_0:
0x88: {  	s2 =	sld [smem:$0x3FD9]  }
0x89: {  	s3 =	sld [smem:$0x3FFE];
	_ =	sdelay $0x1  }
0x8a: {  	s1 =	srdreg.scid  }
0x8b: {  	s0 =	sand.u32 $0x1, s1  }
0x8c: {  	s17 =	sshll.u32 s0, $0xA;
	s2 =	sadd.s32 s3, s2  }
0x8d: {  	s2 =	sadd.s32 s2, s17  }
0x8e: {  	[smem:$0x3FC1] =	sst s2  }
0x8f: {  	_ = 	snop  }
0x90: {  	s2 =	sld [smem:$0x3FD0];
	(tm) =	ssettm $0x1  }
0x91: {  	s18 =	sld [smem:$0x3FFB];
	_ =	sdelay $0x3  }
0x92: {  	_ =	strace s18  }
0x93: {  	s3 =	sld [smem:$0x3FFC];
	_ =	sdelay $0x3  }
0x94: {  	_ =	strace s3  }
0x95: {  	s3 =	sld [smem:$0x3FFD];
	_ =	sdelay $0x3  }
0x96: {  	_ =	strace s3  }
0x97: {  	_ =	strace $0x8FFFFFFF  }
0x98: {  	s19 =	sld [smem:$0x3FDB];
	_ =	sdelay $0x1  }
0x99: {  	s4 =	simm.s32 $_scs_section_size  }
0x9a: {  	s5 =	simm.s32 $_size__tile_overlayer_lowered;
	s6 =	simm.s32 $_tile_overlayer_lowered  }
0x9b: {  	s22 =	simm.s32 $0x1BFF;
	s21 =	sshll.u32 s6, $0x1;
	s3 =	sadd.s32 s4, s19  }
0x9c: {  	s7 =	simm.s32 $0x0;
	s20 =	sshll.u32 s5, $0x1;
	s5 =	sadd.s32 s21, s3  }
0x9d: {  	[timem:s7], [sflag:s22] =	dma.local [hbm:s5], s20  }
0x9e: {  	_ =	swait.ge [sflag:s22], s20  }
0x9f: {  	s4 =	ssub.s32 $0x0, s20;
	[sflag:s22] =	ssyncset.done $0x0  }
0xa0: {  	[sflag:s22] =	ssyncadd.s32 s4;
	_ =	sdelay $0x1  }
0xa1: {  	s23 =	simm.s32 $0x1B8B  }
0xa2: {  	_ =	swait.ge [sflag:s23], $0x1  }
0xa3: {  	[sflag:s23] =	ssyncset.done $0x0  }
0xa4: {  	s25 =	simm.s32 $0x1B8E;
	s24 =	sld [smem:$0x3FFE];
	[sflag:s23] =	ssyncadd.s32 $0xFFFFFFFF  }
0xa5: {  	s26 =	simm.s32 $execute0_lowered;
	[smem:$0x3FD2] =	sst s25  }
0xa6: {  	s5 =	sshll.u32 s26, $0x1;
	_ =	strace $0x80000046;
	[dreg:$0x1] =	wrdreg $0xFFFFFFFF  }
0xa7: {  	s28 =	simm.s32 $_size_execute0_lowered;
	s3 =	sadd.s32 s3, s5;
	[dreg:$0x0] =	wrdreg $0x0  }
0xa8: {  	s5 =	sshll.u32 s28, $0x1;
	[dreg:$0x2] =	wrdreg s3  }
0xa9: {  	[dreg:$0x3] =	wrdreg s5  }
0xaa: {  	[dreg:$0x4] =	wrdreg $0xC0  }
0xab: {  	_ =	task [dreg:s7], $0x5FFFF  }
0xac: {  	[dreg:$0x1] =	wrdreg $0xFFFFFFFF  }
0xad: {  	[dreg:$0x0] =	wrdreg $0x60  }
0xae: {  	[dreg:$0x2] =	wrdreg s24  }
0xaf: {  	[dreg:$0x3] =	wrdreg s2  }
0xb0: {  	[dreg:$0x4] =	wrdreg $0x7C000  }
0xb1: {  	[dreg:$0x5] =	wrdreg $0x9  }
0xb2: {  	_ =	task.clear_ibuf [dreg:s7], $0x6FFFF;
	_ =	strace $0x90000046  }
0xb3: {  	s29 =	simm.s32 $0x9;
	_ =	strace $0x80000048  }
0xb4: {  	_ =	swait.ge [sflag:s29], $0x1  }
0xb5: {  	[sflag:s29] =	ssyncadd.s32 $0xFFFFFFFF  }
0xb6: {  	_ =	strace $0x90000048  }
0xb7: {  	_ =	sfence  }
0xb8: {  	s30 =	sld [smem:$0x0];
	_ =	sdelay $0x2  }
0xb9: {  	s31 =	sshll.u32 s1, $0xD;
	s1 =	sshrl.u32 s1, $0x2  }
0xba: {  	s3 =	sand.u32 $0x4000, s31;
	s1 =	sadd.s32 s1, s30  }
0xbb: {  	s0 =	sor.u32 s3, s0;
	s1 =	sshll.u32 s1, $0x11  }
0xbc: {  	s0 =	sor.u32 s1, s0  }
0xbd: {  	s0 =	sadd.s32 $0x8F2B, s0  }
0xbe: {  	[sflag:s0] =	ssyncadd.remote.s32 $0x1  }
0xbf: {  	_ =	sfence.sel $0xFFFF  }
0xc0: {  	[dreg:$0x0] =	wrdreg $0xFFFFFFFF;
	(pc) =	sbr.abs _section_cstart, $3  }
0xc1: {  	[dreg:$0x1] =	wrdreg $0xFFFFFFFF  }
0xc2: {  	_ =	task.clear_ibuf [dreg:s7], $0x2FFFF;
	_ =	strace $0x9FFFFFFF  }
0xc3: {  	(tm) =	ssettm $0x7FFFFFFF  }
tec
execute0_lowered:
.L_overlay_start_1:
0x0: {  	(tag) =	ssettag $0x1  }
0x1: {  	s4 =	rddreg [dreg:$0x0]  }
0x2: {  	s22 =	rddreg [dreg:$0x1]  }
0x3: {  	s1 =	rddreg [dreg:$0x2]  }
0x4: {  	s0 =	rddreg [dreg:$0x3];
	s2 =	simm.s32 $0x0  }
0x5: {  	s3 =	srdreg.scid;
	s26 =	simm.s32 $0x50;
	s28 =	simm.s32 $0x0  }
0x6: {  	[smem:$0x7FF] =	sst s2;
	s5 =	sand.u32 $0x1, s3;
	s3 =	stileid.u32  }
0x7: {  	s20 =	sadd.s32 $0x7400, s4;
	s21 =	sadd.s32 $0xF400, s4;
	s23 =	sadd.s32 $0x17400, s4  }
0x8: {  	_ =	strace $0x80000047;
	s6 =	ssub.s32 $0x2, s5;
	s8 =	smul.u32 $0x50000, s3  }
0x9: {  	p0 =	seq.s32 s5, $0x0;
	s24 =	sshll.u32 s3, $0xB;
	s25 =	smul.u32 $0x2800, s3  }
0xa: {  	s7 =	sshrl.u32 s6, $0x1;
	s21 =	smov.u32 @p0 s20;
	s23 =	smov.u32 @p0 s22  }
0xb: {  	s6 =	ssub.s32 s6, s7;
	s31 =	sshrl.u32 s8, $0x2;
	s21 =	sadd.s32 s21, s24  }
0xc: {  	s22 =	sadd.s32 s23, s25;
	s23 =	simm.s32 $0x6800;
	s24 =	simm.s32 $0x1  }
0xd: {  	s25 =	simm.s32 $0x2800;
	s4 =	sadd.s32 s31, s1;
	s5 =	smax.u32 s6, $0x1  }
0xe: {  	s6 =	sadd.s32 $0x1400, s4;
	s7 =	sadd.s32 $0x2800, s4;
	s8 =	sadd.s32 $0x3C00, s4  }
0xf: {  	s9 =	sadd.s32 $0x5000, s4;
	s10 =	sadd.s32 $0x6400, s4;
	s11 =	sadd.s32 $0x7800, s4  }
0x10: {  	s12 =	sadd.s32 $0x8C00, s4;
	s13 =	sadd.s32 $0xA000, s4;
	s14 =	sadd.s32 $0xB400, s4  }
0x11: {  	v0 =	vimm.f32 $0.0e+00;
	vm0 =	vcmask $0x300;
	s15 =	sadd.s32 $0xC800, s4;
	s16 =	sadd.s32 $0xDC00, s4;
	s17 =	sadd.s32 $0xF000, s4  }
0x12: {  	v1 =	vsel vm0, $0x3F800000, v0;
	s18 =	sadd.s32 $0x10400, s4;
	s19 =	sadd.s32 $0x11800, s4;
	s20 =	sadd.s32 $0x12C00, s4  }
.LBB2_1:
0x13: {  	s29 =	simm.s32 $0x200;
	s30 =	simm.s32 $0x0  }
.LBB2_2:
0x14: {  	p0 =	sne.s32 s29, $0x9E00;
	[tilespmem:s30+$0x0] =	vst v1;
	s30 =	smov.u32 s29;
	s29 =	sadd.s32 $0x200, s29  }
.Ltmp0:
0x15: {  	(pc) =	sbr.rel @p0 .LBB2_2-.Ltmp0, $2  }
0x16: {  	_ =	sdelay $0x2  }
0x17: {  	s30 =	sshra.s32 s30, $0x2  }
0x18: {  	[tilespmem:s30+$0x0] =	vst v1  }
0x19: {  	[tilespmem:$0x6800] =	vst v0  }
0x1a: {  	[tilespmem:$0x6880] =	vst v0  }
0x1b: {  	[tilespmem:$0x6900] =	vst v0  }
0x1c: {  	[tilespmem:$0x6980] =	vst v0  }
0x1d: {  	[tilespmem:$0x6A00] =	vst v0  }
0x1e: {  	[tilespmem:$0x6A80] =	vst v0  }
0x1f: {  	[tilespmem:$0x6B00] =	vst v0  }
0x20: {  	[tilespmem:$0x6B80] =	vst v0  }
0x21: {  	[tilespmem:$0x6C00] =	vst v0  }
0x22: {  	[tilespmem:$0x6C80] =	vst v0  }
0x23: {  	[tilespmem:$0x6D00] =	vst v0  }
0x24: {  	[tilespmem:$0x6D80] =	vst v0  }
0x25: {  	[tilespmem:$0x6E00] =	vst v0  }
0x26: {  	[tilespmem:$0x6E80] =	vst v0  }
0x27: {  	[tilespmem:$0x6F00] =	vst v0  }
0x28: {  	[tilespmem:$0x6F80] =	vst v0  }
0x29: {  	[tilespmem:$0x7000] =	vst v0  }
0x2a: {  	[tilespmem:$0x7080] =	vst v0  }
0x2b: {  	[tilespmem:$0x7100] =	vst v0  }
0x2c: {  	[tilespmem:$0x7180] =	vst v0  }
0x2d: {  	[tilespmem:$0x7200] =	vst v0  }
0x2e: {  	[tilespmem:$0x7280] =	vst v0  }
0x2f: {  	[tilespmem:$0x7300] =	vst v0  }
0x30: {  	[tilespmem:$0x7380] =	vst v0  }
0x31: {  	[tilespmem:$0x7400] =	vst v0  }
0x32: {  	[tilespmem:$0x7480] =	vst v0  }
0x33: {  	[tilespmem:$0x7500] =	vst v0  }
0x34: {  	[tilespmem:$0x7580] =	vst v0  }
0x35: {  	[tilespmem:$0x7600] =	vst v0  }
0x36: {  	[tilespmem:$0x7680] =	vst v0  }
0x37: {  	[tilespmem:$0x7700] =	vst v0  }
0x38: {  	[tilespmem:$0x7780] =	vst v0  }
0x39: {  	[tilespmem:$0x7800] =	vst v0  }
0x3a: {  	[tilespmem:$0x7880] =	vst v0  }
0x3b: {  	[tilespmem:$0x7900] =	vst v0  }
0x3c: {  	[tilespmem:$0x7980] =	vst v0  }
0x3d: {  	[tilespmem:$0x7A00] =	vst v0  }
0x3e: {  	[tilespmem:$0x7A80] =	vst v0  }
0x3f: {  	[tilespmem:$0x7B00] =	vst v0  }
0x40: {  	[tilespmem:$0x7B80] =	vst v0  }
0x41: {  	[spmem:s4] =	stream.linear.scatter [tilespmem:s23], [sflag:$0x1], $0x1400, $0x38;
	[tilespmem:$0xA400] =	vst v63  }
0x42: {  	_ =	swait.ge [sflag:s24], $0x1400  }
0x43: {  	[sflag:s24] =	ssyncset.done $0x0  }
0x44: {  	[sflag:s24] =	ssyncadd.s32 $0xFFFFEC00  }
0x45: {  	[spmem:s6] =	stream.linear.scatter [tilespmem:s23], [sflag:$0x1], $0x1400, $0x38;
	[tilespmem:$0xA400] =	vst v63  }
0x46: {  	_ =	swait.ge [sflag:s24], $0x1400  }
0x47: {  	[sflag:s24] =	ssyncset.done $0x0  }
0x48: {  	[sflag:s24] =	ssyncadd.s32 $0xFFFFEC00  }
0x49: {  	[spmem:s7] =	stream.linear.scatter [tilespmem:s23], [sflag:$0x1], $0x1400, $0x38;
	[tilespmem:$0xA400] =	vst v63  }
0x4a: {  	_ =	swait.ge [sflag:s24], $0x1400  }
0x4b: {  	[sflag:s24] =	ssyncset.done $0x0  }
0x4c: {  	[sflag:s24] =	ssyncadd.s32 $0xFFFFEC00  }
0x4d: {  	[spmem:s8] =	stream.linear.scatter [tilespmem:s23], [sflag:$0x1], $0x1400, $0x38;
	[tilespmem:$0xA400] =	vst v63  }
0x4e: {  	_ =	swait.ge [sflag:s24], $0x1400  }
0x4f: {  	[sflag:s24] =	ssyncset.done $0x0  }
0x50: {  	[sflag:s24] =	ssyncadd.s32 $0xFFFFEC00  }
0x51: {  	[spmem:s9] =	stream.linear.scatter [tilespmem:s23], [sflag:$0x1], $0x1400, $0x38;
	[tilespmem:$0xA400] =	vst v63  }
0x52: {  	_ =	swait.ge [sflag:s24], $0x1400  }
0x53: {  	[sflag:s24] =	ssyncset.done $0x0  }
0x54: {  	[sflag:s24] =	ssyncadd.s32 $0xFFFFEC00  }
0x55: {  	[spmem:s10] =	stream.linear.scatter [tilespmem:s23], [sflag:$0x1], $0x1400, $0x38;
	[tilespmem:$0xA400] =	vst v63  }
0x56: {  	_ =	swait.ge [sflag:s24], $0x1400  }
0x57: {  	[sflag:s24] =	ssyncset.done $0x0  }
0x58: {  	[sflag:s24] =	ssyncadd.s32 $0xFFFFEC00  }
0x59: {  	[spmem:s11] =	stream.linear.scatter [tilespmem:s23], [sflag:$0x1], $0x1400, $0x38;
	[tilespmem:$0xA400] =	vst v63  }
0x5a: {  	_ =	swait.ge [sflag:s24], $0x1400  }
0x5b: {  	[sflag:s24] =	ssyncset.done $0x0  }
0x5c: {  	[sflag:s24] =	ssyncadd.s32 $0xFFFFEC00  }
0x5d: {  	[spmem:s12] =	stream.linear.scatter [tilespmem:s23], [sflag:$0x1], $0x1400, $0x38;
	[tilespmem:$0xA400] =	vst v63  }
0x5e: {  	_ =	swait.ge [sflag:s24], $0x1400  }
0x5f: {  	[sflag:s24] =	ssyncset.done $0x0  }
0x60: {  	[sflag:s24] =	ssyncadd.s32 $0xFFFFEC00  }
0x61: {  	[spmem:s13] =	stream.linear.scatter [tilespmem:s23], [sflag:$0x1], $0x1400, $0x38;
	[tilespmem:$0xA400] =	vst v63  }
0x62: {  	_ =	swait.ge [sflag:s24], $0x1400  }
0x63: {  	[sflag:s24] =	ssyncset.done $0x0  }
0x64: {  	[sflag:s24] =	ssyncadd.s32 $0xFFFFEC00  }
0x65: {  	[spmem:s14] =	stream.linear.scatter [tilespmem:s23], [sflag:$0x1], $0x1400, $0x38;
	[tilespmem:$0xA400] =	vst v63  }
0x66: {  	_ =	swait.ge [sflag:s24], $0x1400  }
0x67: {  	[sflag:s24] =	ssyncset.done $0x0  }
0x68: {  	[sflag:s24] =	ssyncadd.s32 $0xFFFFEC00  }
0x69: {  	[spmem:s15] =	stream.linear.scatter [tilespmem:s23], [sflag:$0x1], $0x1400, $0x38;
	[tilespmem:$0xA400] =	vst v63  }
0x6a: {  	_ =	swait.ge [sflag:s24], $0x1400  }
0x6b: {  	[sflag:s24] =	ssyncset.done $0x0  }
0x6c: {  	[sflag:s24] =	ssyncadd.s32 $0xFFFFEC00  }
0x6d: {  	[spmem:s16] =	stream.linear.scatter [tilespmem:s23], [sflag:$0x1], $0x1400, $0x38;
	[tilespmem:$0xA400] =	vst v63  }
0x6e: {  	_ =	swait.ge [sflag:s24], $0x1400  }
0x6f: {  	[sflag:s24] =	ssyncset.done $0x0  }
0x70: {  	[sflag:s24] =	ssyncadd.s32 $0xFFFFEC00  }
0x71: {  	[spmem:s17] =	stream.linear.scatter [tilespmem:s23], [sflag:$0x1], $0x1400, $0x38;
	[tilespmem:$0xA400] =	vst v63  }
0x72: {  	_ =	swait.ge [sflag:s24], $0x1400  }
0x73: {  	[sflag:s24] =	ssyncset.done $0x0  }
0x74: {  	[sflag:s24] =	ssyncadd.s32 $0xFFFFEC00  }
0x75: {  	[spmem:s18] =	stream.linear.scatter [tilespmem:s23], [sflag:$0x1], $0x1400, $0x38;
	[tilespmem:$0xA400] =	vst v63  }
0x76: {  	_ =	swait.ge [sflag:s24], $0x1400  }
0x77: {  	[sflag:s24] =	ssyncset.done $0x0  }
0x78: {  	[sflag:s24] =	ssyncadd.s32 $0xFFFFEC00  }
0x79: {  	[spmem:s19] =	stream.linear.scatter [tilespmem:s23], [sflag:$0x1], $0x1400, $0x38;
	[tilespmem:$0xA400] =	vst v63  }
0x7a: {  	_ =	swait.ge [sflag:s24], $0x1400  }
0x7b: {  	[sflag:s24] =	ssyncset.done $0x0  }
0x7c: {  	[sflag:s24] =	ssyncadd.s32 $0xFFFFEC00  }
0x7d: {  	[spmem:s20] =	stream.linear.scatter [tilespmem:s23], [sflag:$0x1], $0x1400, $0x38;
	[tilespmem:$0xA400] =	vst v63  }
0x7e: {  	_ =	swait.ge [sflag:s24], $0x1400  }
0x7f: {  	[sflag:s24] =	ssyncset.done $0x0  }
0x80: {  	s29 =	simm.s32 $0x0;
	[sflag:s24] =	ssyncadd.s32 $0xFFFFEC00  }
0x81: {  	[tilespmem:s25], [sflag:$0x1] =	stream.linear.gather [hbm4b:s21+s29], $0x3E80, $0x38;
	[tilespmem:$0xA400] =	vst v63  }
0x82: {  	_ =	swait.ge [sflag:s24], $0x3E80  }
0x83: {  	[sflag:s24] =	ssyncset.done $0x0  }
0x84: {  	[sflag:s24] =	ssyncadd.s32 $0xFFFFC180  }
0x85: {  	s29 =	simm.s32 $0x2800;
	[bflag:$0x0] =	sbarrier.arrive $0xFFFF  }
0x86: {  	[spmem:s1] =	stream.indirect.scatter.add.f32 [tilespmem:s2], [sflag:$0x1], $0x10, s29, s26, $0xb8;
	[tilespmem:$0xA400] =	vst v63  }
0x87: {  	s29 =	simm.s32 $0x200;
	_ =	swait.ge [sflag:s24], $0x500  }
.LBB2_4:
0x88: {  	s30 =	sshra.s32 s29, $0x2;
	[sflag:s24] =	ssyncset.done $0x0;
	p0 =	sne.s32 s29, $0xF800  }
.Ltmp1:
0x89: {  	s30 =	sadd.s32 $0x2800, s30;
	[sflag:s24] =	ssyncadd.s32 $0xFFFFFB00;
	(pc) =	sbr.rel @p0 .LBB2_4-.Ltmp1, $3  }
0x8a: {  	[spmem:s1] =	stream.indirect.scatter.add.f32 [tilespmem:s2], [sflag:$0x1], $0x10, s30, s26, $0xb8;
	[tilespmem:$0xA400] =	vst v63  }
0x8b: {  	s29 =	sadd.s32 $0x200, s29;
	_ =	sdelay $0x1  }
0x8c: {  	_ =	swait.ge [sflag:s24], $0x500  }
0x8d: {  	[sflag:s24] =	ssyncset.done $0x0;
	s29 =	sshll.u32 s3, $0x6;
	s28 =	sadd.s32 $0x1, s28  }
0x8e: {  	s30 =	sshrl.u32 s4, $0x3;
	[sflag:s24] =	ssyncadd.s32 $0xFFFFFB00;
	p0 =	sne.s32 s28, s5  }
.Ltmp2:
0x8f: {  	s29 =	sor.u32 $0x1C01, s29;
	[bflag:$0x0] =	sbarrier.arrive $0xFFFF;
	(pc) =	sbr.rel @p0 .LBB2_1-.Ltmp2, $4  }
0x90: {  	[hbm:s22], [sflag:s29] =	dma.local [spmem:s30], $0x2800  }
0x91: {  	_ =	swait.ge [sflag:s24], $0x2800  }
0x92: {  	[sflag:s24] =	ssyncset.done $0x0  }
0x93: {  	[sflag:s24] =	ssyncadd.s32 $0xFFFFD800  }
0x94: {  	_ =	sfence.sel $0x180000  }
0x95: {  	[bflag:$0x0] =	sbarrier.arrive $0xFFFF  }
0x96: {  	p0 =	sne.s32 s3, $0x0;
	_ =	strace $0x90000047  }
0x97: {  	s0 =	sadd.s32 @!p0 $0x100000, s0;
	[bflag:$0x2] =	sbarrier.arrive $0xFFFF  }
0x98: {  	[sflag:s0] =	ssyncadd.tile.s32 @!p0 $0x1;
	_ =	shalt  }
.Lfunc_end2:
_tile_overlayer_lowered:
.L_overlay_start_2:
0x99: {  	(tag) =	ssettag $0x2  }
0x9a: {  	s0 =	rddreg [dreg:$0x0];
	s2 =	stileid.u32  }
0x9b: {  	s1 =	rddreg [dreg:$0x1];
	p0 =	sne.s32 s2, $0x0  }
0x9c: {  	s3 =	rddreg [dreg:$0x2];
	[bflag:$0x3] =	sbarrier.arrive $0xFFFF;
	s2 =	simm.s32 @!p0 $0x1C01  }
0x9d: {  	[timem:s3], [sflag:s2] =	dma.local @!p0 [hbm:s0], s1  }
0x9e: {  	s0 =	simm.s32 @!p0 $0x1  }
0x9f: {  	_ =	swait.ge @!p0 [sflag:s0], s1  }
0xa0: {  	s1 =	ssub.s32 @!p0 $0x0, s1;
	[sflag:s0] =	ssyncset.done @!p0 $0x0  }
0xa1: {  	[sflag:s0] =	ssyncadd.s32 @!p0 s1  }
0xa2: {  	[bflag:$0x3] =	sbarrier.arrive $0xFFFF  }
0xa3: {  	_ =	shalt  }

// kernel: kernel.19.cloned.1.call-start
scs
__scs_entry_jumppad:
0x0: {  	(pc) =	sbr.rel $0x88, $3  }
0x1: {  	(tag) =	ssettag $0x0;
	lr =	simm.s32 $0x1  }
0x2: {  	[smem:$0x3F9A] =	sst lr;
	_ =	strace $0xD0000000  }
0x3: {  	_ = 	snop  }
0x4: {  	_ = 	snop  }
0x5: {  	_ = 	snop  }
0x6: {  	_ = 	snop  }
0x7: {  	_ = 	snop  }
__scs_overlays_trampoline_lowered:
0x8: {  	[smem:$0x3FA9] =	sst s0  }
0x9: {  	[smem:$0x3FAA] =	sst s1  }
0xa: {  	[smem:$0x3FAB] =	sst s2  }
0xb: {  	[smem:$0x3FAC] =	sst s3  }
0xc: {  	[smem:$0x3FAD] =	sst s4  }
0xd: {  	[smem:$0x3FAE] =	sst s5  }
0xe: {  	[smem:$0x3FAF] =	sst s6  }
0xf: {  	[smem:$0x3FB0] =	sst s7  }
0x10: {  	[smem:$0x3FB1] =	sst s8  }
0x11: {  	[smem:$0x3FB2] =	sst s9;
	s0 =	simm.s32 @!p0 $0x0  }
0x12: {  	s1 =	sld [smem:$0x3F98];
	s0 =	simm.s32 @p0 $0x1  }
0x13: {  	[smem:$0x3FB3] =	sst s0;
	s0 =	simm.s32 @!p1 $0x0  }
0x14: {  	s2 =	sld [smem:$0x3F97];
	s0 =	simm.s32 @p1 $0x1  }
0x15: {  	[smem:$0x3FB4] =	sst s0;
	s0 =	simm.s32 @!p2 $0x0  }
0x16: {  	s3 =	sld [smem:$0x3FDB];
	s0 =	simm.s32 @p2 $0x1  }
0x17: {  	s4 =	simm.s32 $0x1BF5;
	[smem:$0x3FB6] =	sst s0  }
0x18: {  	s0 =	sld [smem:$0x3F99];
	_ =	swait.ge [sflag:s4], $0x0  }
0x19: {  	s7 =	sld [smem:$0x3F9A]  }
0x1a: {  	s8 =	sadd.s32 $0xFFFFE003, lr  }
0x1b: {  	s9 =	sadd.s32 $0xFFFFFEF7, lr;
	s5 =	simm.s32 $0xFFFFFFFF;
	p2 =	slt.u32 s8, $0xFFFFF086  }
0x1c: {  	p1 =	slt.u32 s9, $0xF7A;
	s5 =	simm.s32 @!p2 $0x0  }
0x1d: {  	s5 =	simm.s32 @p1 $0x1;
	p0 =	seq.s32 s7, s2  }
0x1e: {  	s7 =	smul.u32 @!p0 $0xF7A, s2;
	p2 =	seq.s32 @!p0 s5, $0x0  }
0x1f: {  	s9 =	smul.u32 $0xF7A, s1;
	s8 =	simm.s32 @!p0 $0x1BF5;
	p2 =	por !p2, p0  }
0x20: {  	[sflag:s8] =	ssyncset.s32 @!p0 $0xFFFFF086;
	s6 =	sadd.s32 @!p0 s3, s7;
	s7 =	simm.s32 @!p0 $0x108  }
0x21: {  	s3 =	sadd.s32 s3, s9;
	s6 =	sadd.s32 @!p0 $0x88, s6;
	s7 =	simm.s32 @p2 $0x1082  }
0x22: {  	[simem:s7], [sflag:s8] =	dma.local @!p0 [hbm:s6], $0xF7A  }
0x23: {  	s9 =	sor.u32 $0xD0000000, s2;
	s6 =	simm.s32 $0x108;
	_ =	swait.ge @!p0 [sflag:s8], $0x0  }
0x24: {  	s3 =	sadd.s32 $0x88, s3;
	s6 =	simm.s32 @!p1 $0x1082;
	[sflag:s4] =	ssyncset.s32 $0xFFFFF086  }
0x25: {  	[simem:s6], [sflag:s4] =	dma.local [hbm:s3], $0xF7A  }
0x26: {  	[smem:$0x3F9A] =	sst s1;
	(tag) =	ssettag s2;
	_ =	strace s9  }
0x27: {  	s1 =	sld [smem:$0x3FAA]  }
0x28: {  	s2 =	sld [smem:$0x3FAB]  }
0x29: {  	s4 =	sld [smem:$0x3FAD]  }
0x2a: {  	p0 =	seq.s32 s5, $0x0;
	s5 =	sld [smem:$0x3FAE]  }
0x2b: {  	s6 =	sld [smem:$0x3FAF]  }
0x2c: {  	s7 =	sld [smem:$0x3FB0]  }
0x2d: {  	s3 =	simm.s32 $0x108;
	s8 =	sld [smem:$0x3FB1]  }
0x2e: {  	s3 =	simm.s32 @!p0 $0x1082;
	s9 =	sld [smem:$0x3FB2]  }
0x2f: {  	lr =	sadd.s32 s0, s3;
	s0 =	sld [smem:$0x3FA9]  }
0x30: {  	s3 =	sld [smem:$0x3FAC]  }
0x31: {  	[smem:$0x3FB5] =	sst s10  }
0x32: {  	s10 =	sld [smem:$0x3FB3];
	_ =	sdelay $0x3  }
0x33: {  	p0 =	seq.s32 s10, $0x1;
	s10 =	sld [smem:$0x3FB5];
	_ =	sdelay $0x3  }
0x34: {  	[smem:$0x3FB5] =	sst s10  }
0x35: {  	s10 =	sld [smem:$0x3FB4];
	_ =	sdelay $0x3  }
0x36: {  	p1 =	seq.s32 s10, $0x1;
	s10 =	sld [smem:$0x3FB5];
	_ =	sdelay $0x3  }
0x37: {  	[smem:$0x3FB5] =	sst s10  }
0x38: {  	s10 =	sld [smem:$0x3FB6]  }
0x39: {  	_ = 	snop;
	(pc) =	sbr.ind lr, $3  }
0x3a: {  	_ = 	snop  }
0x3b: {  	_ = 	snop  }
0x3c: {  	p2 =	seq.s32 s10, $0x1;
	s10 =	sld [smem:$0x3FB5]  }
0x3d: {  	_ =	shalt  }
0x3e: {  	_ =	shalt  }
0x3f: {  	_ =	shalt  }
0x40: {  	_ =	shalt  }
0x41: {  	_ =	shalt  }
0x42: {  	_ =	shalt  }
0x43: {  	_ =	shalt  }
0x44: {  	_ =	shalt  }
0x45: {  	_ =	shalt  }
0x46: {  	_ =	shalt  }
0x47: {  	_ =	shalt  }
0x48: {  	_ =	shalt  }
0x49: {  	_ =	shalt  }
0x4a: {  	_ =	shalt  }
0x4b: {  	_ =	shalt  }
0x4c: {  	_ =	shalt  }
0x4d: {  	_ =	shalt  }
0x4e: {  	_ =	shalt  }
0x4f: {  	_ =	shalt  }
0x50: {  	_ =	shalt  }
0x51: {  	_ =	shalt  }
0x52: {  	_ =	shalt  }
0x53: {  	_ =	shalt  }
0x54: {  	_ =	shalt  }
0x55: {  	_ =	shalt  }
0x56: {  	_ =	shalt  }
0x57: {  	_ =	shalt  }
0x58: {  	_ =	shalt  }
0x59: {  	_ =	shalt  }
0x5a: {  	_ =	shalt  }
0x5b: {  	_ =	shalt  }
0x5c: {  	_ =	shalt  }
0x5d: {  	_ =	shalt  }
0x5e: {  	_ =	shalt  }
0x5f: {  	_ =	shalt  }
0x60: {  	_ =	shalt  }
0x61: {  	_ =	shalt  }
0x62: {  	_ =	shalt  }
0x63: {  	_ =	shalt  }
0x64: {  	_ =	shalt  }
0x65: {  	_ =	shalt  }
0x66: {  	_ =	shalt  }
0x67: {  	_ =	shalt  }
0x68: {  	_ =	shalt  }
0x69: {  	_ =	shalt  }
0x6a: {  	_ =	shalt  }
0x6b: {  	_ =	shalt  }
0x6c: {  	_ =	shalt  }
0x6d: {  	_ =	shalt  }
0x6e: {  	_ =	shalt  }
0x6f: {  	_ =	shalt  }
0x70: {  	_ =	shalt  }
0x71: {  	_ =	shalt  }
0x72: {  	_ =	shalt  }
0x73: {  	_ =	shalt  }
0x74: {  	_ =	shalt  }
0x75: {  	_ =	shalt  }
0x76: {  	_ =	shalt  }
0x77: {  	_ =	shalt  }
0x78: {  	_ =	shalt  }
0x79: {  	_ =	shalt  }
0x7a: {  	_ =	shalt  }
0x7b: {  	_ =	shalt  }
0x7c: {  	_ =	shalt  }
0x7d: {  	_ =	shalt  }
0x7e: {  	_ =	shalt  }
0x7f: {  	_ =	shalt  }
0x80: {  	_ =	shalt  }
0x81: {  	_ =	shalt  }
0x82: {  	_ =	shalt  }
0x83: {  	_ =	shalt  }
0x84: {  	_ =	shalt  }
0x85: {  	_ =	shalt  }
0x86: {  	_ =	shalt  }
0x87: {  	_ =	shalt  }
.Lfunc_end0:
.L_simem_size_0:
called_computation.1_lowered:
.L_overlay_start_0:
0x88: {  	s2 =	sld [smem:$0x3FD9]  }
0x89: {  	s3 =	sld [smem:$0x3FFE];
	_ =	sdelay $0x1  }
0x8a: {  	s1 =	srdreg.scid  }
0x8b: {  	s0 =	sand.u32 $0x1, s1  }
0x8c: {  	s17 =	sshll.u32 s0, $0xA;
	s2 =	sadd.s32 s3, s2  }
0x8d: {  	s2 =	sadd.s32 s2, s17  }
0x8e: {  	[smem:$0x3FC1] =	sst s2  }
0x8f: {  	_ = 	snop  }
0x90: {  	s2 =	sld [smem:$0x3FD0];
	(tm) =	ssettm $0x1  }
0x91: {  	s18 =	sld [smem:$0x3FFB];
	_ =	sdelay $0x3  }
0x92: {  	_ =	strace s18  }
0x93: {  	s3 =	sld [smem:$0x3FFC];
	_ =	sdelay $0x3  }
0x94: {  	_ =	strace s3  }
0x95: {  	s3 =	sld [smem:$0x3FFD];
	_ =	sdelay $0x3  }
0x96: {  	_ =	strace s3  }
0x97: {  	_ =	strace $0x8FFFFFFF  }
0x98: {  	s19 =	sld [smem:$0x3FDB];
	_ =	sdelay $0x1  }
0x99: {  	s4 =	simm.s32 $_scs_section_size  }
0x9a: {  	s5 =	simm.s32 $_size__tile_overlayer_lowered;
	s6 =	simm.s32 $_tile_overlayer_lowered  }
0x9b: {  	s22 =	simm.s32 $0x1BFF;
	s21 =	sshll.u32 s6, $0x1;
	s3 =	sadd.s32 s4, s19  }
0x9c: {  	s7 =	simm.s32 $0x0;
	s20 =	sshll.u32 s5, $0x1;
	s5 =	sadd.s32 s21, s3  }
0x9d: {  	[timem:s7], [sflag:s22] =	dma.local [hbm:s5], s20  }
0x9e: {  	_ =	swait.ge [sflag:s22], s20  }
0x9f: {  	s4 =	ssub.s32 $0x0, s20;
	[sflag:s22] =	ssyncset.done $0x0  }
0xa0: {  	[sflag:s22] =	ssyncadd.s32 s4;
	_ =	sdelay $0x1  }
0xa1: {  	s23 =	simm.s32 $0x1B8B  }
0xa2: {  	_ =	swait.ge [sflag:s23], $0x1  }
0xa3: {  	[sflag:s23] =	ssyncset.done $0x0  }
0xa4: {  	s25 =	simm.s32 $0x1B8E;
	s24 =	sld [smem:$0x3FFE];
	[sflag:s23] =	ssyncadd.s32 $0xFFFFFFFF  }
0xa5: {  	s26 =	simm.s32 $execute0_lowered;
	[smem:$0x3FD2] =	sst s25  }
0xa6: {  	s5 =	sshll.u32 s26, $0x1;
	_ =	strace $0x80000049;
	[dreg:$0x1] =	wrdreg $0xFFFFFFFF  }
0xa7: {  	s28 =	simm.s32 $_size_execute0_lowered;
	s3 =	sadd.s32 s3, s5;
	[dreg:$0x0] =	wrdreg $0x0  }
0xa8: {  	s5 =	sshll.u32 s28, $0x1;
	[dreg:$0x2] =	wrdreg s3  }
0xa9: {  	[dreg:$0x3] =	wrdreg s5  }
0xaa: {  	[dreg:$0x4] =	wrdreg $0xC0  }
0xab: {  	_ =	task [dreg:s7], $0x5FFFF  }
0xac: {  	[dreg:$0x1] =	wrdreg $0xFFFFFFFF  }
0xad: {  	[dreg:$0x0] =	wrdreg $0x60  }
0xae: {  	[dreg:$0x2] =	wrdreg s24  }
0xaf: {  	[dreg:$0x3] =	wrdreg s2  }
0xb0: {  	[dreg:$0x4] =	wrdreg $0x91000  }
0xb1: {  	[dreg:$0x5] =	wrdreg $0x9  }
0xb2: {  	_ =	task.clear_ibuf [dreg:s7], $0x6FFFF;
	_ =	strace $0x90000049  }
0xb3: {  	s29 =	simm.s32 $0x9;
	_ =	strace $0x8000004B  }
0xb4: {  	_ =	swait.ge [sflag:s29], $0x1  }
0xb5: {  	[sflag:s29] =	ssyncadd.s32 $0xFFFFFFFF  }
0xb6: {  	_ =	strace $0x9000004B  }
0xb7: {  	_ =	sfence  }
0xb8: {  	s30 =	sld [smem:$0x0];
	_ =	sdelay $0x2  }
0xb9: {  	s31 =	sshll.u32 s1, $0xD;
	s1 =	sshrl.u32 s1, $0x2  }
0xba: {  	s3 =	sand.u32 $0x4000, s31;
	s1 =	sadd.s32 s1, s30  }
0xbb: {  	s0 =	sor.u32 s3, s0;
	s1 =	sshll.u32 s1, $0x11  }
0xbc: {  	s0 =	sor.u32 s1, s0  }
0xbd: {  	s0 =	sadd.s32 $0x8F2B, s0  }
0xbe: {  	[sflag:s0] =	ssyncadd.remote.s32 $0x1  }
0xbf: {  	_ =	sfence.sel $0xFFFF  }
0xc0: {  	[dreg:$0x0] =	wrdreg $0xFFFFFFFF;
	(pc) =	sbr.abs _section_cstart, $3  }
0xc1: {  	[dreg:$0x1] =	wrdreg $0xFFFFFFFF  }
0xc2: {  	_ =	task.clear_ibuf [dreg:s7], $0x2FFFF;
	_ =	strace $0x9FFFFFFF  }
0xc3: {  	(tm) =	ssettm $0x7FFFFFFF  }
tec
execute0_lowered:
.L_overlay_start_1:
0x0: {  	(tag) =	ssettag $0x1  }
0x1: {  	s0 =	rddreg [dreg:$0x0]  }
0x2: {  	s1 =	rddreg [dreg:$0x1]  }
0x3: {  	s2 =	rddreg [dreg:$0x2]  }
0x4: {  	s4 =	simm.s32 $0x0;
	s3 =	stileid.u32;
	s6 =	srdreg.scid  }
0x5: {  	s23 =	simm.s32 $0x2;
	s24 =	simm.s32 $0x50;
	s25 =	simm.s32 $0x4000  }
0x6: {  	s28 =	simm.s32 $0x4080;
	s30 =	simm.s32 $0x0;
	[smem:$0x7FF] =	sst s4  }
0x7: {  	s5 =	sadd.s32 $0xBC800, s0;
	s22 =	sand.u32 $0x1, s6;
	s26 =	smul.u32 $0x4E200, s3  }
0x8: {  	s7 =	sshll.u32 s3, $0xB;
	s8 =	smul.u32 $0x2700, s3;
	p4 =	sne.s32 s3, $0xF  }
0x9: {  	p1 =	seq.s32 s3, $0xF;
	s11 =	smul.u32 $0x4E000, s3;
	s31 =	sadd.s32 $0x92F00, s0  }
0xa: {  	s14 =	sadd.s32 $0x108300, s0;
	_ =	strace $0x8000004A;
	s9 =	ssub.s32 $0x2, s22  }
0xb: {  	s10 =	sadd.s32 s7, s0;
	p2 =	seq.s32 s22, $0x0;
	p0 =	seq.s32 s22, $0x1  }
0xc: {  	[dreg:$0x4] =	wrdreg s31;
	s29 =	sshrl.u32 s9, $0x1;
	s6 =	sshrl.u32 s26, $0x2  }
0xd: {  	s13 =	sadd.s32 s8, s0;
	s8 =	sadd.s32 $0x3F400, s10;
	p3 =	por !p2, !p4  }
0xe: {  	p5 =	por !p2, !p1;
	s11 =	sshrl.u32 s11, $0x2;
	p4 =	por !p4, !p0  }
0xf: {  	s26 =	simm.s32 $0x1;
	s15 =	ssub.s32 s9, s29;
	s6 =	sadd.s32 s6, s2  }
0x10: {  	p2 =	por !p3, !p3;
	p3 =	por !p5, !p5;
	s11 =	sadd.s32 s11, s2  }
0x11: {  	s12 =	sadd.s32 $0x6E600, s13;
	p4 =	por !p4, !p4;
	s13 =	sadd.s32 $0xE3A00, s13  }
.Ltmp0:
0x12: {  	p5 =	sne.s32 s22, $0x0;
	s22 =	simm.s32 $0x4100;
	(pc) =	sbr.rel .LBB2_1-.Ltmp0, $4  }
0x13: {  	s7 =	sadd.s32 $0x11800, s6;
	s9 =	simm.s32 @!p3 $0x0;
	s15 =	smax.u32 s15, $0x1  }
0x14: {  	s16 =	sadd.s32 $0x2800, s6;
	s17 =	sadd.s32 $0x5000, s6;
	s18 =	sadd.s32 $0x7800, s6  }
0x15: {  	s19 =	sadd.s32 $0xA000, s6;
	s20 =	sadd.s32 $0xC800, s6;
	s9 =	simm.s32 @p3 $0x1  }
0x16: {  	v0 =	vimm.f32 $0.0e+00;
	s21 =	sadd.s32 $0xF000, s6;
	[smem:$0x7FD] =	sst s9;
	s9 =	sadd.s32 $0x124800, s2  }
.LBB2_15:
0x17: {  	s0 =	sshrl.u32 s9, $0x3;
	s10 =	rddreg [dreg:$0x4];
	s29 =	simm.s32 $0x1FC2  }
0x18: {  	[hbm:s10], [sflag:s29] =	dma.local [spmem:s0], $0x2800  }
0x19: {  	_ =	swait.ge [sflag:s23], $0x2800  }
0x1a: {  	[sflag:s23] =	ssyncset.done $0x0  }
0x1b: {  	p6 =	por $0x1, $0x1;
	[sflag:s23] =	ssyncadd.s32 $0xFFFFD800  }
.LBB2_16:
0x1c: {  	p6 =	por !p6, !p0  }
0x1d: {  	p6 =	por !p6, !p6  }
0x1e: {  	s30 =	sadd.s32 $0x1, s30;
	s0 =	sshll.u32 @p6 s3, $0x6  }
0x1f: {  	p3 =	sne.s32 s30, s15;
	s10 =	sshrl.u32 @p6 s9, $0x3;
	s0 =	sor.u32 @p6 $0x1C02, s0  }
0x20: {  	[hbm:s14], [sflag:s0] =	dma.local @p6 [spmem:s10], $0x2800  }
.Ltmp1:
0x21: {  	_ = 	snop;
	(pc) =	sbr.rel @!p3 .LBB2_17-.Ltmp1, $4  }
0x22: {  	s0 =	simm.s32 @p6 $0x2  }
0x23: {  	_ =	swait.ge @p6 [sflag:s0], $0x2800  }
0x24: {  	[sflag:s0] =	ssyncset.done @p6 $0x0  }
0x25: {  	[sflag:s0] =	ssyncadd.s32 @p6 $0xFFFFD800  }
.LBB2_1:
0x26: {  	s0 =	sand.u32 $0xFE00, s4  }
0x27: {  	s29 =	sand.u32 $0x70, s4;
	s0 =	sshrl.u32 s0, $0x2  }
0x28: {  	s31 =	simm.s32 $0x40;
	s29 =	sor.u32 s29, s0;
	s0 =	simm.s32 $0x0  }
.LBB2_2:
0x29: {  	p6 =	sne.s32 s31, $0x9FC0  }
0x2a: {  	[tilespmem:s29+$0x4100] =	vst v0;
	s0 =	sadd.s32 $0x10, s0;
	s29 =	smov.u32 s31;
	s31 =	sadd.s32 $0x40, s31  }
.Ltmp2:
0x2b: {  	(pc) =	sbr.rel @p6 .LBB2_2-.Ltmp2, $4  }
0x2c: {  	_ = 	snop  }
0x2d: {  	s29 =	sand.u32 $0xFE00, s29  }
0x2e: {  	s10 =	sand.u32 $0x70, s0;
	s29 =	sshrl.u32 s29, $0x2  }
0x2f: {  	s29 =	sor.u32 s10, s29  }
0x30: {  	[tilespmem:s29+$0x4100] =	vst v0  }
0x31: {  	[spmem:s6] =	stream.linear.scatter [tilespmem:s22], [sflag:$0x2], $0x2800, $0x38;
	[tilespmem:$0x1C980] =	vst v63  }
0x32: {  	_ =	swait.ge [sflag:s23], $0x2800  }
0x33: {  	[sflag:s23] =	ssyncset.done $0x0  }
0x34: {  	[sflag:s23] =	ssyncadd.s32 $0xFFFFD800  }
0x35: {  	[spmem:s16] =	stream.linear.scatter [tilespmem:s22], [sflag:$0x2], $0x2800, $0x38;
	[tilespmem:$0x1C980] =	vst v63  }
0x36: {  	_ =	swait.ge [sflag:s23], $0x2800  }
0x37: {  	[sflag:s23] =	ssyncset.done $0x0  }
0x38: {  	[sflag:s23] =	ssyncadd.s32 $0xFFFFD800  }
0x39: {  	[spmem:s17] =	stream.linear.scatter [tilespmem:s22], [sflag:$0x2], $0x2800, $0x38;
	[tilespmem:$0x1C980] =	vst v63  }
0x3a: {  	_ =	swait.ge [sflag:s23], $0x2800  }
0x3b: {  	[sflag:s23] =	ssyncset.done $0x0  }
0x3c: {  	[sflag:s23] =	ssyncadd.s32 $0xFFFFD800  }
0x3d: {  	[spmem:s18] =	stream.linear.scatter [tilespmem:s22], [sflag:$0x2], $0x2800, $0x38;
	[tilespmem:$0x1C980] =	vst v63  }
0x3e: {  	_ =	swait.ge [sflag:s23], $0x2800  }
0x3f: {  	[sflag:s23] =	ssyncset.done $0x0  }
0x40: {  	[sflag:s23] =	ssyncadd.s32 $0xFFFFD800  }
0x41: {  	[spmem:s19] =	stream.linear.scatter [tilespmem:s22], [sflag:$0x2], $0x2800, $0x38;
	[tilespmem:$0x1C980] =	vst v63  }
0x42: {  	_ =	swait.ge [sflag:s23], $0x2800  }
0x43: {  	[sflag:s23] =	ssyncset.done $0x0  }
0x44: {  	[sflag:s23] =	ssyncadd.s32 $0xFFFFD800  }
0x45: {  	[spmem:s20] =	stream.linear.scatter [tilespmem:s22], [sflag:$0x2], $0x2800, $0x38;
	[tilespmem:$0x1C980] =	vst v63  }
0x46: {  	_ =	swait.ge [sflag:s23], $0x2800  }
0x47: {  	[sflag:s23] =	ssyncset.done $0x0  }
0x48: {  	[sflag:s23] =	ssyncadd.s32 $0xFFFFD800  }
0x49: {  	[spmem:s21] =	stream.linear.scatter [tilespmem:s22], [sflag:$0x2], $0x2800, $0x38;
	[tilespmem:$0x1C980] =	vst v63  }
0x4a: {  	_ =	swait.ge [sflag:s23], $0x2800  }
0x4b: {  	[sflag:s23] =	ssyncset.done $0x0  }
0x4c: {  	[sflag:s23] =	ssyncadd.s32 $0xFFFFD800  }
0x4d: {  	[spmem:s7] =	stream.linear.scatter [tilespmem:s22], [sflag:$0x2], $0x2080, $0x38;
	[tilespmem:$0x1C980] =	vst v63  }
0x4e: {  	_ =	swait.ge [sflag:s23], $0x2080  }
0x4f: {  	[sflag:s23] =	ssyncset.done $0x0  }
0x50: {  	s0 =	simm.s32 $0x0;
	[sflag:s23] =	ssyncadd.s32 $0xFFFFDF80  }
0x51: {  	[tilespmem:s0], [sflag:$0x2] =	stream.linear.gather [hbm4b:s8+s0], $0x3E80, $0x38;
	[tilespmem:$0x1C980] =	vst v63  }
.Ltmp3:
0x52: {  	_ =	swait.ge [sflag:s23], $0x3E80;
	(pc) =	sbr.rel @p5 .LBB2_7-.Ltmp3, $3  }
0x53: {  	[sflag:s23] =	ssyncset.done $0x0  }
0x54: {  	[sflag:s23] =	ssyncadd.s32 $0xFFFFC180  }
0x55: {  	[bflag:$0x0] =	sbarrier.arrive $0xFFFF;
	_ =	sdelay $0x1  }
0x56: {  	s0 =	simm.s32 $0x0  }
0x57: {  	v1 =	vld [tilespmem:s0+$0x0];
	_ =	sdelay $0x4  }
0x58: {  	v2 =	vshrl.u32 v1, $0xE  }
0x59: {  	v1 =	vand.u32 $0x3FFF, v1;
	[tilespmem:$0x4000] =	vst v2  }
0x5a: {  	[tilespmem:$0x4080] =	vst v1  }
0x5b: {  	v1 =	vld [tilespmem:s0+$0x10];
	_ =	sdelay $0x4  }
0x5c: {  	v2 =	vshrl.u32 v1, $0xE  }
0x5d: {  	v1 =	vand.u32 $0x3FFF, v1;
	[tilespmem:$0x4010] =	vst v2  }
0x5e: {  	[tilespmem:$0x4090] =	vst v1  }
0x5f: {  	v1 =	vld [tilespmem:s0+$0x20];
	_ =	sdelay $0x4  }
0x60: {  	v2 =	vshrl.u32 v1, $0xE  }
0x61: {  	v1 =	vand.u32 $0x3FFF, v1;
	[tilespmem:$0x4020] =	vst v2  }
0x62: {  	[tilespmem:$0x40A0] =	vst v1  }
0x63: {  	v1 =	vld [tilespmem:s0+$0x30];
	_ =	sdelay $0x4  }
0x64: {  	v2 =	vshrl.u32 v1, $0xE  }
0x65: {  	v1 =	vand.u32 $0x3FFF, v1;
	[tilespmem:$0x4030] =	vst v2  }
0x66: {  	[tilespmem:$0x40B0] =	vst v1  }
0x67: {  	v1 =	vld [tilespmem:s0+$0x40];
	_ =	sdelay $0x4  }
0x68: {  	v2 =	vshrl.u32 v1, $0xE  }
0x69: {  	v1 =	vand.u32 $0x3FFF, v1;
	[tilespmem:$0x4040] =	vst v2  }
0x6a: {  	[tilespmem:$0x40C0] =	vst v1  }
0x6b: {  	[tilespmem:s22], [sflag:$0x1] =	stream.indirect.gather [hbm4b:s5+s24], $0x80, s25, s24, $0xb8;
	[tilespmem:$0x1C980] =	vst v63  }
0x6c: {  	s31 =	simm.s32 $0x200;
	_ =	swait.ge [sflag:s26], $0x2800  }
.LBB2_5:
0x6d: {  	p6 =	sne.s32 s31, $0xF800  }
0x6e: {  	[sflag:s26] =	ssyncset.done $0x0;
	s0 =	smov.u32 s31;
	s31 =	sadd.s32 $0x200, s31  }
0x6f: {  	[sflag:s26] =	ssyncadd.s32 $0xFFFFD800  }
0x70: {  	[spmem:s2] =	stream.indirect.scatter.add.f32 [tilespmem:s22], [sflag:$0x2], $0x80, s28, s24, $0xb8;
	[tilespmem:$0x1C980] =	vst v63  }
0x71: {  	_ =	swait.ge [sflag:s23], $0x2800  }
0x72: {  	[sflag:s23] =	ssyncset.done $0x0  }
0x73: {  	s0 =	sshra.s32 s0, $0x2;
	[sflag:s23] =	ssyncadd.s32 $0xFFFFD800  }
0x74: {  	v1 =	vld [tilespmem:s0+$0x0];
	_ =	sdelay $0x4  }
0x75: {  	v2 =	vshrl.u32 v1, $0xE;
	v1 =	vand.u32 $0x3FFF, v1  }
0x76: {  	[tilespmem:$0x4000] =	vst v2  }
0x77: {  	[tilespmem:$0x4080] =	vst v1  }
0x78: {  	v1 =	vld [tilespmem:s0+$0x10];
	_ =	sdelay $0x4  }
0x79: {  	v2 =	vshrl.u32 v1, $0xE;
	v1 =	vand.u32 $0x3FFF, v1  }
0x7a: {  	[tilespmem:$0x4010] =	vst v2  }
0x7b: {  	[tilespmem:$0x4090] =	vst v1  }
0x7c: {  	v1 =	vld [tilespmem:s0+$0x20];
	_ =	sdelay $0x4  }
0x7d: {  	v2 =	vshrl.u32 v1, $0xE;
	v1 =	vand.u32 $0x3FFF, v1  }
0x7e: {  	[tilespmem:$0x4020] =	vst v2  }
0x7f: {  	[tilespmem:$0x40A0] =	vst v1  }
0x80: {  	v1 =	vld [tilespmem:s0+$0x30];
	_ =	sdelay $0x4  }
0x81: {  	v2 =	vshrl.u32 v1, $0xE;
	v1 =	vand.u32 $0x3FFF, v1  }
0x82: {  	[tilespmem:$0x4030] =	vst v2  }
0x83: {  	[tilespmem:$0x40B0] =	vst v1  }
0x84: {  	v1 =	vld [tilespmem:s0+$0x40];
	_ =	sdelay $0x4  }
.Ltmp4:
0x85: {  	v2 =	vshrl.u32 v1, $0xE;
	v1 =	vand.u32 $0x3FFF, v1;
	(pc) =	sbr.rel @p6 .LBB2_5-.Ltmp4, $4  }
0x86: {  	[tilespmem:$0x4040] =	vst v2  }
0x87: {  	[tilespmem:$0x40C0] =	vst v1  }
0x88: {  	[tilespmem:s22], [sflag:$0x1] =	stream.indirect.gather [hbm4b:s5+s24], $0x80, s25, s24, $0xb8;
	[tilespmem:$0x1C980] =	vst v63  }
0x89: {  	_ =	swait.ge [sflag:s26], $0x2800  }
0x8a: {  	[sflag:s26] =	ssyncset.done $0x0  }
0x8b: {  	[sflag:s26] =	ssyncadd.s32 $0xFFFFD800  }
0x8c: {  	[spmem:s2] =	stream.indirect.scatter.add.f32 [tilespmem:s22], [sflag:$0x2], $0x80, s28, s24, $0xb8;
	[tilespmem:$0x1C980] =	vst v63  }
0x8d: {  	_ =	swait.ge [sflag:s23], $0x2800  }
0x8e: {  	[sflag:s23] =	ssyncset.done $0x0  }
0x8f: {  	[sflag:s23] =	ssyncadd.s32 $0xFFFFD800  }
.LBB2_7:
.Ltmp5:
0x90: {  	(pc) =	sbr.rel @!p0 .LBB2_11-.Ltmp5, $1  }
0x91: {  	_ =	sdelay $0x3  }
0x92: {  	s0 =	simm.s32 $0x0  }
0x93: {  	v1 =	vld [tilespmem:s0+$0x0];
	_ =	sdelay $0x4  }
0x94: {  	v2 =	vshrl.u32 v1, $0xE  }
0x95: {  	v1 =	vand.u32 $0x3FFF, v1;
	[tilespmem:$0x4000] =	vst v2  }
0x96: {  	[tilespmem:$0x4080] =	vst v1  }
0x97: {  	v1 =	vld [tilespmem:s0+$0x10];
	_ =	sdelay $0x4  }
0x98: {  	v2 =	vshrl.u32 v1, $0xE  }
0x99: {  	v1 =	vand.u32 $0x3FFF, v1;
	[tilespmem:$0x4010] =	vst v2  }
0x9a: {  	[tilespmem:$0x4090] =	vst v1  }
0x9b: {  	v1 =	vld [tilespmem:s0+$0x20];
	_ =	sdelay $0x4  }
0x9c: {  	v2 =	vshrl.u32 v1, $0xE  }
0x9d: {  	v1 =	vand.u32 $0x3FFF, v1;
	[tilespmem:$0x4020] =	vst v2  }
0x9e: {  	[tilespmem:$0x40A0] =	vst v1  }
0x9f: {  	v1 =	vld [tilespmem:s0+$0x30];
	_ =	sdelay $0x4  }
0xa0: {  	v2 =	vshrl.u32 v1, $0xE  }
0xa1: {  	v1 =	vand.u32 $0x3FFF, v1;
	[tilespmem:$0x4030] =	vst v2  }
0xa2: {  	[tilespmem:$0x40B0] =	vst v1  }
0xa3: {  	v1 =	vld [tilespmem:s0+$0x40];
	_ =	sdelay $0x4  }
0xa4: {  	v2 =	vshrl.u32 v1, $0xE  }
0xa5: {  	v1 =	vand.u32 $0x3FFF, v1;
	[tilespmem:$0x4040] =	vst v2  }
0xa6: {  	[tilespmem:$0x40C0] =	vst v1  }
0xa7: {  	[tilespmem:s22], [sflag:$0x1] =	stream.indirect.gather [hbm4b:s1+s24], $0x80, s25, s24, $0xb8;
	[tilespmem:$0x1C980] =	vst v63  }
0xa8: {  	s31 =	simm.s32 $0x200;
	_ =	swait.ge [sflag:s26], $0x2800  }
.LBB2_9:
0xa9: {  	p6 =	sne.s32 s31, $0xF800  }
0xaa: {  	[sflag:s26] =	ssyncset.done $0x0;
	s0 =	smov.u32 s31;
	s31 =	sadd.s32 $0x200, s31  }
0xab: {  	[sflag:s26] =	ssyncadd.s32 $0xFFFFD800  }
0xac: {  	[spmem:s2] =	stream.indirect.scatter.add.f32 [tilespmem:s22], [sflag:$0x2], $0x80, s28, s24, $0xb8;
	[tilespmem:$0x1C980] =	vst v63  }
0xad: {  	_ =	swait.ge [sflag:s23], $0x2800  }
0xae: {  	[sflag:s23] =	ssyncset.done $0x0  }
0xaf: {  	s0 =	sshra.s32 s0, $0x2;
	[sflag:s23] =	ssyncadd.s32 $0xFFFFD800  }
0xb0: {  	v1 =	vld [tilespmem:s0+$0x0];
	_ =	sdelay $0x4  }
0xb1: {  	v2 =	vshrl.u32 v1, $0xE;
	v1 =	vand.u32 $0x3FFF, v1  }
0xb2: {  	[tilespmem:$0x4000] =	vst v2  }
0xb3: {  	[tilespmem:$0x4080] =	vst v1  }
0xb4: {  	v1 =	vld [tilespmem:s0+$0x10];
	_ =	sdelay $0x4  }
0xb5: {  	v2 =	vshrl.u32 v1, $0xE;
	v1 =	vand.u32 $0x3FFF, v1  }
0xb6: {  	[tilespmem:$0x4010] =	vst v2  }
0xb7: {  	[tilespmem:$0x4090] =	vst v1  }
0xb8: {  	v1 =	vld [tilespmem:s0+$0x20];
	_ =	sdelay $0x4  }
0xb9: {  	v2 =	vshrl.u32 v1, $0xE;
	v1 =	vand.u32 $0x3FFF, v1  }
0xba: {  	[tilespmem:$0x4020] =	vst v2  }
0xbb: {  	[tilespmem:$0x40A0] =	vst v1  }
0xbc: {  	v1 =	vld [tilespmem:s0+$0x30];
	_ =	sdelay $0x4  }
0xbd: {  	v2 =	vshrl.u32 v1, $0xE;
	v1 =	vand.u32 $0x3FFF, v1  }
0xbe: {  	[tilespmem:$0x4030] =	vst v2  }
0xbf: {  	[tilespmem:$0x40B0] =	vst v1  }
0xc0: {  	v1 =	vld [tilespmem:s0+$0x40];
	_ =	sdelay $0x4  }
.Ltmp6:
0xc1: {  	v2 =	vshrl.u32 v1, $0xE;
	v1 =	vand.u32 $0x3FFF, v1;
	(pc) =	sbr.rel @p6 .LBB2_9-.Ltmp6, $4  }
0xc2: {  	[tilespmem:$0x4040] =	vst v2  }
0xc3: {  	[tilespmem:$0x40C0] =	vst v1  }
0xc4: {  	[tilespmem:s22], [sflag:$0x1] =	stream.indirect.gather [hbm4b:s1+s24], $0x80, s25, s24, $0xb8;
	[tilespmem:$0x1C980] =	vst v63  }
0xc5: {  	_ =	swait.ge [sflag:s26], $0x2800  }
0xc6: {  	[sflag:s26] =	ssyncset.done $0x0  }
0xc7: {  	[sflag:s26] =	ssyncadd.s32 $0xFFFFD800  }
0xc8: {  	[spmem:s2] =	stream.indirect.scatter.add.f32 [tilespmem:s22], [sflag:$0x2], $0x80, s28, s24, $0xb8;
	[tilespmem:$0x1C980] =	vst v63  }
0xc9: {  	_ =	swait.ge [sflag:s23], $0x2800  }
0xca: {  	[sflag:s23] =	ssyncset.done $0x0  }
0xcb: {  	[sflag:s23] =	ssyncadd.s32 $0xFFFFD800  }
.LBB2_11:
.Ltmp7:
0xcc: {  	(pc) =	sbr.rel @!p2 .LBB2_14-.Ltmp7, $2  }
0xcd: {  	_ =	sdelay $0x1  }
0xce: {  	[bflag:$0x0] =	sbarrier.arrive $0xFFFF;
	_ =	sdelay $0x1  }
0xcf: {  	s0 =	sshll.u32 s3, $0x6  }
.Ltmp8:
0xd0: {  	s10 =	sshrl.u32 s11, $0x3;
	s0 =	sor.u32 $0x1C02, s0;
	(pc) =	sbr.rel .LBB2_13-.Ltmp8, $4  }
0xd1: {  	[hbm:s12], [sflag:s0] =	dma.local [spmem:s10], $0x2700  }
0xd2: {  	_ =	swait.ge [sflag:s23], $0x2700  }
0xd3: {  	[sflag:s23] =	ssyncset.done $0x0  }
0xd4: {  	p6 =	por $0x0, $0x0;
	[sflag:s23] =	ssyncadd.s32 $0xFFFFD900  }
.LBB2_14:
0xd5: {  	s0 =	sld [smem:$0x7FD];
	_ =	sdelay $0x2  }
0xd6: {  	p3 =	seq.s32 s0, $0x1  }
.Ltmp9:
0xd7: {  	_ = 	snop;
	(pc) =	sbr.rel @p3 .LBB2_15-.Ltmp9, $2  }
0xd8: {  	_ =	sdelay $0x2  }
0xd9: {  	p6 =	por p1, p1  }
.LBB2_13:
0xda: {  	s0 =	sshll.u32 @p4 s3, $0x6  }
0xdb: {  	s10 =	sshrl.u32 @p4 s11, $0x3;
	s0 =	sor.u32 @p4 $0x1C02, s0  }
0xdc: {  	[hbm:s13], [sflag:s0] =	dma.local @p4 [spmem:s10], $0x2700  }
.Ltmp10:
0xdd: {  	_ = 	snop;
	(pc) =	sbr.rel .LBB2_16-.Ltmp10, $4  }
0xde: {  	s0 =	simm.s32 @p4 $0x2  }
0xdf: {  	_ =	swait.ge @p4 [sflag:s0], $0x2700  }
0xe0: {  	[sflag:s0] =	ssyncset.done @p4 $0x0  }
0xe1: {  	[sflag:s0] =	ssyncadd.s32 @p4 $0xFFFFD900  }
.LBB2_17:
0xe2: {  	_ =	sfence.sel $0x180000  }
0xe3: {  	[bflag:$0x0] =	sbarrier.arrive $0xFFFF  }
0xe4: {  	_ =	strace $0x9000004A  }
0xe5: {  	[bflag:$0x2] =	sbarrier.arrive $0xFFFF  }
0xe6: {  	p0 =	sne.s32 s3, $0x0;
	s0 =	rddreg [dreg:$0x3]  }
0xe7: {  	s0 =	sadd.s32 @!p0 $0x100000, s0  }
0xe8: {  	[sflag:s0] =	ssyncadd.tile.s32 @!p0 $0x1;
	_ =	shalt  }
.Lfunc_end2:
_tile_overlayer_lowered:
.L_overlay_start_2:
0xe9: {  	(tag) =	ssettag $0x2  }
0xea: {  	s0 =	rddreg [dreg:$0x0];
	s2 =	stileid.u32  }
0xeb: {  	s1 =	rddreg [dreg:$0x1];
	p0 =	sne.s32 s2, $0x0  }
0xec: {  	s3 =	rddreg [dreg:$0x2];
	[bflag:$0x3] =	sbarrier.arrive $0xFFFF;
	s2 =	simm.s32 @!p0 $0x1C02  }
0xed: {  	[timem:s3], [sflag:s2] =	dma.local @!p0 [hbm:s0], s1  }
0xee: {  	s0 =	simm.s32 @!p0 $0x2  }
0xef: {  	_ =	swait.ge @!p0 [sflag:s0], s1  }
0xf0: {  	s1 =	ssub.s32 @!p0 $0x0, s1;
	[sflag:s0] =	ssyncset.done @!p0 $0x0  }
0xf1: {  	[sflag:s0] =	ssyncadd.s32 @!p0 s1  }
0xf2: {  	[bflag:$0x3] =	sbarrier.arrive $0xFFFF  }
0xf3: {  	_ =	shalt  }

// kernel: kernel.22.cloned.1.call-start
scs
__scs_entry_jumppad:
0x0: {  	(pc) =	sbr.rel $0x88, $3  }
0x1: {  	(tag) =	ssettag $0x0;
	lr =	simm.s32 $0x1  }
0x2: {  	[smem:$0x3F9A] =	sst lr;
	_ =	strace $0xD0000000  }
0x3: {  	_ = 	snop  }
0x4: {  	_ = 	snop  }
0x5: {  	_ = 	snop  }
0x6: {  	_ = 	snop  }
0x7: {  	_ = 	snop  }
__scs_overlays_trampoline_lowered:
0x8: {  	[smem:$0x3FA9] =	sst s0  }
0x9: {  	[smem:$0x3FAA] =	sst s1  }
0xa: {  	[smem:$0x3FAB] =	sst s2  }
0xb: {  	[smem:$0x3FAC] =	sst s3  }
0xc: {  	[smem:$0x3FAD] =	sst s4  }
0xd: {  	[smem:$0x3FAE] =	sst s5  }
0xe: {  	[smem:$0x3FAF] =	sst s6  }
0xf: {  	[smem:$0x3FB0] =	sst s7  }
0x10: {  	[smem:$0x3FB1] =	sst s8  }
0x11: {  	[smem:$0x3FB2] =	sst s9;
	s0 =	simm.s32 @!p0 $0x0  }
0x12: {  	s1 =	sld [smem:$0x3F98];
	s0 =	simm.s32 @p0 $0x1  }
0x13: {  	[smem:$0x3FB3] =	sst s0;
	s0 =	simm.s32 @!p1 $0x0  }
0x14: {  	s2 =	sld [smem:$0x3F97];
	s0 =	simm.s32 @p1 $0x1  }
0x15: {  	[smem:$0x3FB4] =	sst s0;
	s0 =	simm.s32 @!p2 $0x0  }
0x16: {  	s3 =	sld [smem:$0x3FDB];
	s0 =	simm.s32 @p2 $0x1  }
0x17: {  	s4 =	simm.s32 $0x1BF5;
	[smem:$0x3FB6] =	sst s0  }
0x18: {  	s0 =	sld [smem:$0x3F99];
	_ =	swait.ge [sflag:s4], $0x0  }
0x19: {  	s7 =	sld [smem:$0x3F9A]  }
0x1a: {  	s8 =	sadd.s32 $0xFFFFE003, lr  }
0x1b: {  	s9 =	sadd.s32 $0xFFFFFEF7, lr;
	s5 =	simm.s32 $0xFFFFFFFF;
	p2 =	slt.u32 s8, $0xFFFFF086  }
0x1c: {  	p1 =	slt.u32 s9, $0xF7A;
	s5 =	simm.s32 @!p2 $0x0  }
0x1d: {  	s5 =	simm.s32 @p1 $0x1;
	p0 =	seq.s32 s7, s2  }
0x1e: {  	s7 =	smul.u32 @!p0 $0xF7A, s2;
	p2 =	seq.s32 @!p0 s5, $0x0  }
0x1f: {  	s9 =	smul.u32 $0xF7A, s1;
	s8 =	simm.s32 @!p0 $0x1BF5;
	p2 =	por !p2, p0  }
0x20: {  	[sflag:s8] =	ssyncset.s32 @!p0 $0xFFFFF086;
	s6 =	sadd.s32 @!p0 s3, s7;
	s7 =	simm.s32 @!p0 $0x108  }
0x21: {  	s3 =	sadd.s32 s3, s9;
	s6 =	sadd.s32 @!p0 $0x88, s6;
	s7 =	simm.s32 @p2 $0x1082  }
0x22: {  	[simem:s7], [sflag:s8] =	dma.local @!p0 [hbm:s6], $0xF7A  }
0x23: {  	s9 =	sor.u32 $0xD0000000, s2;
	s6 =	simm.s32 $0x108;
	_ =	swait.ge @!p0 [sflag:s8], $0x0  }
0x24: {  	s3 =	sadd.s32 $0x88, s3;
	s6 =	simm.s32 @!p1 $0x1082;
	[sflag:s4] =	ssyncset.s32 $0xFFFFF086  }
0x25: {  	[simem:s6], [sflag:s4] =	dma.local [hbm:s3], $0xF7A  }
0x26: {  	[smem:$0x3F9A] =	sst s1;
	(tag) =	ssettag s2;
	_ =	strace s9  }
0x27: {  	s1 =	sld [smem:$0x3FAA]  }
0x28: {  	s2 =	sld [smem:$0x3FAB]  }
0x29: {  	s4 =	sld [smem:$0x3FAD]  }
0x2a: {  	p0 =	seq.s32 s5, $0x0;
	s5 =	sld [smem:$0x3FAE]  }
0x2b: {  	s6 =	sld [smem:$0x3FAF]  }
0x2c: {  	s7 =	sld [smem:$0x3FB0]  }
0x2d: {  	s3 =	simm.s32 $0x108;
	s8 =	sld [smem:$0x3FB1]  }
0x2e: {  	s3 =	simm.s32 @!p0 $0x1082;
	s9 =	sld [smem:$0x3FB2]  }
0x2f: {  	lr =	sadd.s32 s0, s3;
	s0 =	sld [smem:$0x3FA9]  }
0x30: {  	s3 =	sld [smem:$0x3FAC]  }
0x31: {  	[smem:$0x3FB5] =	sst s10  }
0x32: {  	s10 =	sld [smem:$0x3FB3];
	_ =	sdelay $0x3  }
0x33: {  	p0 =	seq.s32 s10, $0x1;
	s10 =	sld [smem:$0x3FB5];
	_ =	sdelay $0x3  }
0x34: {  	[smem:$0x3FB5] =	sst s10  }
0x35: {  	s10 =	sld [smem:$0x3FB4];
	_ =	sdelay $0x3  }
0x36: {  	p1 =	seq.s32 s10, $0x1;
	s10 =	sld [smem:$0x3FB5];
	_ =	sdelay $0x3  }
0x37: {  	[smem:$0x3FB5] =	sst s10  }
0x38: {  	s10 =	sld [smem:$0x3FB6]  }
0x39: {  	_ = 	snop;
	(pc) =	sbr.ind lr, $3  }
0x3a: {  	_ = 	snop  }
0x3b: {  	_ = 	snop  }
0x3c: {  	p2 =	seq.s32 s10, $0x1;
	s10 =	sld [smem:$0x3FB5]  }
0x3d: {  	_ =	shalt  }
0x3e: {  	_ =	shalt  }
0x3f: {  	_ =	shalt  }
0x40: {  	_ =	shalt  }
0x41: {  	_ =	shalt  }
0x42: {  	_ =	shalt  }
0x43: {  	_ =	shalt  }
0x44: {  	_ =	shalt  }
0x45: {  	_ =	shalt  }
0x46: {  	_ =	shalt  }
0x47: {  	_ =	shalt  }
0x48: {  	_ =	shalt  }
0x49: {  	_ =	shalt  }
0x4a: {  	_ =	shalt  }
0x4b: {  	_ =	shalt  }
0x4c: {  	_ =	shalt  }
0x4d: {  	_ =	shalt  }
0x4e: {  	_ =	shalt  }
0x4f: {  	_ =	shalt  }
0x50: {  	_ =	shalt  }
0x51: {  	_ =	shalt  }
0x52: {  	_ =	shalt  }
0x53: {  	_ =	shalt  }
0x54: {  	_ =	shalt  }
0x55: {  	_ =	shalt  }
0x56: {  	_ =	shalt  }
0x57: {  	_ =	shalt  }
0x58: {  	_ =	shalt  }
0x59: {  	_ =	shalt  }
0x5a: {  	_ =	shalt  }
0x5b: {  	_ =	shalt  }
0x5c: {  	_ =	shalt  }
0x5d: {  	_ =	shalt  }
0x5e: {  	_ =	shalt  }
0x5f: {  	_ =	shalt  }
0x60: {  	_ =	shalt  }
0x61: {  	_ =	shalt  }
0x62: {  	_ =	shalt  }
0x63: {  	_ =	shalt  }
0x64: {  	_ =	shalt  }
0x65: {  	_ =	shalt  }
0x66: {  	_ =	shalt  }
0x67: {  	_ =	shalt  }
0x68: {  	_ =	shalt  }
0x69: {  	_ =	shalt  }
0x6a: {  	_ =	shalt  }
0x6b: {  	_ =	shalt  }
0x6c: {  	_ =	shalt  }
0x6d: {  	_ =	shalt  }
0x6e: {  	_ =	shalt  }
0x6f: {  	_ =	shalt  }
0x70: {  	_ =	shalt  }
0x71: {  	_ =	shalt  }
0x72: {  	_ =	shalt  }
0x73: {  	_ =	shalt  }
0x74: {  	_ =	shalt  }
0x75: {  	_ =	shalt  }
0x76: {  	_ =	shalt  }
0x77: {  	_ =	shalt  }
0x78: {  	_ =	shalt  }
0x79: {  	_ =	shalt  }
0x7a: {  	_ =	shalt  }
0x7b: {  	_ =	shalt  }
0x7c: {  	_ =	shalt  }
0x7d: {  	_ =	shalt  }
0x7e: {  	_ =	shalt  }
0x7f: {  	_ =	shalt  }
0x80: {  	_ =	shalt  }
0x81: {  	_ =	shalt  }
0x82: {  	_ =	shalt  }
0x83: {  	_ =	shalt  }
0x84: {  	_ =	shalt  }
0x85: {  	_ =	shalt  }
0x86: {  	_ =	shalt  }
0x87: {  	_ =	shalt  }
.Lfunc_end0:
.L_simem_size_0:
called_computation.2_lowered:
.L_overlay_start_0:
0x88: {  	s2 =	sld [smem:$0x3FD9]  }
0x89: {  	s3 =	sld [smem:$0x3FFE];
	_ =	sdelay $0x1  }
0x8a: {  	s1 =	srdreg.scid  }
0x8b: {  	s0 =	sand.u32 $0x1, s1  }
0x8c: {  	s17 =	sshll.u32 s0, $0xA;
	s2 =	sadd.s32 s3, s2  }
0x8d: {  	s2 =	sadd.s32 s2, s17  }
0x8e: {  	[smem:$0x3FC1] =	sst s2  }
0x8f: {  	_ = 	snop  }
0x90: {  	s2 =	sld [smem:$0x3FD0];
	(tm) =	ssettm $0x1  }
0x91: {  	s18 =	sld [smem:$0x3FFB];
	_ =	sdelay $0x3  }
0x92: {  	_ =	strace s18  }
0x93: {  	s3 =	sld [smem:$0x3FFC];
	_ =	sdelay $0x3  }
0x94: {  	_ =	strace s3  }
0x95: {  	s3 =	sld [smem:$0x3FFD];
	_ =	sdelay $0x3  }
0x96: {  	_ =	strace s3  }
0x97: {  	_ =	strace $0x8FFFFFFF  }
0x98: {  	s19 =	sld [smem:$0x3FDB];
	_ =	sdelay $0x1  }
0x99: {  	s4 =	simm.s32 $_scs_section_size  }
0x9a: {  	s5 =	simm.s32 $_size__tile_overlayer_lowered;
	s6 =	simm.s32 $_tile_overlayer_lowered  }
0x9b: {  	s22 =	simm.s32 $0x1BFF;
	s21 =	sshll.u32 s6, $0x1;
	s3 =	sadd.s32 s4, s19  }
0x9c: {  	s7 =	simm.s32 $0x0;
	s20 =	sshll.u32 s5, $0x1;
	s5 =	sadd.s32 s21, s3  }
0x9d: {  	[timem:s7], [sflag:s22] =	dma.local [hbm:s5], s20  }
0x9e: {  	_ =	swait.ge [sflag:s22], s20  }
0x9f: {  	s4 =	ssub.s32 $0x0, s20;
	[sflag:s22] =	ssyncset.done $0x0  }
0xa0: {  	[sflag:s22] =	ssyncadd.s32 s4;
	_ =	sdelay $0x1  }
0xa1: {  	s23 =	simm.s32 $0x1B8B  }
0xa2: {  	_ =	swait.ge [sflag:s23], $0x1  }
0xa3: {  	[sflag:s23] =	ssyncset.done $0x0  }
0xa4: {  	s25 =	simm.s32 $0x1B8E;
	s24 =	sld [smem:$0x3FFE];
	[sflag:s23] =	ssyncadd.s32 $0xFFFFFFFF  }
0xa5: {  	s26 =	simm.s32 $execute0_lowered;
	[smem:$0x3FD2] =	sst s25  }
0xa6: {  	s5 =	sshll.u32 s26, $0x1;
	_ =	strace $0x8000004C;
	[dreg:$0x1] =	wrdreg $0xFFFFFFFF  }
0xa7: {  	s28 =	simm.s32 $_size_execute0_lowered;
	s3 =	sadd.s32 s3, s5;
	[dreg:$0x0] =	wrdreg $0x0  }
0xa8: {  	s5 =	sshll.u32 s28, $0x1;
	[dreg:$0x2] =	wrdreg s3  }
0xa9: {  	[dreg:$0x3] =	wrdreg s5  }
0xaa: {  	[dreg:$0x4] =	wrdreg $0xC0  }
0xab: {  	_ =	task [dreg:s7], $0x5FFFF  }
0xac: {  	[dreg:$0x1] =	wrdreg $0xFFFFFFFF  }
0xad: {  	[dreg:$0x0] =	wrdreg $0x60  }
0xae: {  	[dreg:$0x2] =	wrdreg s24  }
0xaf: {  	[dreg:$0x3] =	wrdreg s2  }
0xb0: {  	[dreg:$0x4] =	wrdreg $0x91000  }
0xb1: {  	[dreg:$0x5] =	wrdreg $0x9  }
0xb2: {  	_ =	task.clear_ibuf [dreg:s7], $0x6FFFF;
	_ =	strace $0x9000004C  }
0xb3: {  	s29 =	simm.s32 $0x9;
	_ =	strace $0x8000004E  }
0xb4: {  	_ =	swait.ge [sflag:s29], $0x1  }
0xb5: {  	[sflag:s29] =	ssyncadd.s32 $0xFFFFFFFF  }
0xb6: {  	_ =	strace $0x9000004E  }
0xb7: {  	_ =	sfence  }
0xb8: {  	s30 =	sld [smem:$0x0];
	_ =	sdelay $0x2  }
0xb9: {  	s31 =	sshll.u32 s1, $0xD;
	s1 =	sshrl.u32 s1, $0x2  }
0xba: {  	s3 =	sand.u32 $0x4000, s31;
	s1 =	sadd.s32 s1, s30  }
0xbb: {  	s0 =	sor.u32 s3, s0;
	s1 =	sshll.u32 s1, $0x11  }
0xbc: {  	s0 =	sor.u32 s1, s0  }
0xbd: {  	s0 =	sadd.s32 $0x8F2B, s0  }
0xbe: {  	[sflag:s0] =	ssyncadd.remote.s32 $0x1  }
0xbf: {  	_ =	sfence.sel $0xFFFF  }
0xc0: {  	[dreg:$0x0] =	wrdreg $0xFFFFFFFF;
	(pc) =	sbr.abs _section_cstart, $3  }
0xc1: {  	[dreg:$0x1] =	wrdreg $0xFFFFFFFF  }
0xc2: {  	_ =	task.clear_ibuf [dreg:s7], $0x2FFFF;
	_ =	strace $0x9FFFFFFF  }
0xc3: {  	(tm) =	ssettm $0x7FFFFFFF  }
tec
execute0_lowered:
.L_overlay_start_1:
0x0: {  	(tag) =	ssettag $0x1  }
0x1: {  	s0 =	rddreg [dreg:$0x0]  }
0x2: {  	s1 =	rddreg [dreg:$0x1]  }
0x3: {  	s2 =	rddreg [dreg:$0x2]  }
0x4: {  	s4 =	simm.s32 $0x0;
	s3 =	stileid.u32;
	s6 =	srdreg.scid  }
0x5: {  	s23 =	simm.s32 $0x2;
	s24 =	simm.s32 $0x50;
	s25 =	simm.s32 $0x4000  }
0x6: {  	s28 =	simm.s32 $0x4080;
	s30 =	simm.s32 $0x0;
	[smem:$0x7FF] =	sst s4  }
0x7: {  	s5 =	sadd.s32 $0xBC800, s0;
	s22 =	sand.u32 $0x1, s6;
	s26 =	smul.u32 $0x4E200, s3  }
0x8: {  	s7 =	sshll.u32 s3, $0xB;
	s8 =	smul.u32 $0x2700, s3;
	p4 =	sne.s32 s3, $0xF  }
0x9: {  	p1 =	seq.s32 s3, $0xF;
	s11 =	smul.u32 $0x4E000, s3;
	s31 =	sadd.s32 $0x92F00, s0  }
0xa: {  	s14 =	sadd.s32 $0x108300, s0;
	_ =	strace $0x8000004D;
	s9 =	ssub.s32 $0x2, s22  }
0xb: {  	s10 =	sadd.s32 s7, s0;
	p2 =	seq.s32 s22, $0x0;
	p0 =	seq.s32 s22, $0x1  }
0xc: {  	[dreg:$0x4] =	wrdreg s31;
	s29 =	sshrl.u32 s9, $0x1;
	s6 =	sshrl.u32 s26, $0x2  }
0xd: {  	s13 =	sadd.s32 s8, s0;
	s8 =	sadd.s32 $0x3F400, s10;
	p3 =	por !p2, !p4  }
0xe: {  	p5 =	por !p2, !p1;
	s11 =	sshrl.u32 s11, $0x2;
	p4 =	por !p4, !p0  }
0xf: {  	s26 =	simm.s32 $0x1;
	s15 =	ssub.s32 s9, s29;
	s6 =	sadd.s32 s6, s2  }
0x10: {  	p2 =	por !p3, !p3;
	p3 =	por !p5, !p5;
	s11 =	sadd.s32 s11, s2  }
0x11: {  	s12 =	sadd.s32 $0x6E600, s13;
	p4 =	por !p4, !p4;
	s13 =	sadd.s32 $0xE3A00, s13  }
.Ltmp0:
0x12: {  	p5 =	sne.s32 s22, $0x0;
	s22 =	simm.s32 $0x4100;
	(pc) =	sbr.rel .LBB2_1-.Ltmp0, $4  }
0x13: {  	s7 =	sadd.s32 $0x11800, s6;
	s9 =	simm.s32 @!p3 $0x0;
	s15 =	smax.u32 s15, $0x1  }
0x14: {  	s16 =	sadd.s32 $0x2800, s6;
	s17 =	sadd.s32 $0x5000, s6;
	s18 =	sadd.s32 $0x7800, s6  }
0x15: {  	s19 =	sadd.s32 $0xA000, s6;
	s20 =	sadd.s32 $0xC800, s6;
	s9 =	simm.s32 @p3 $0x1  }
0x16: {  	v0 =	vimm.f32 $0.0e+00;
	s21 =	sadd.s32 $0xF000, s6;
	[smem:$0x7FD] =	sst s9;
	s9 =	sadd.s32 $0x124800, s2  }
.LBB2_15:
0x17: {  	s0 =	sshrl.u32 s9, $0x3;
	s10 =	rddreg [dreg:$0x4];
	s29 =	simm.s32 $0x1FC2  }
0x18: {  	[hbm:s10], [sflag:s29] =	dma.local [spmem:s0], $0x2800  }
0x19: {  	_ =	swait.ge [sflag:s23], $0x2800  }
0x1a: {  	[sflag:s23] =	ssyncset.done $0x0  }
0x1b: {  	p6 =	por $0x1, $0x1;
	[sflag:s23] =	ssyncadd.s32 $0xFFFFD800  }
.LBB2_16:
0x1c: {  	p6 =	por !p6, !p0  }
0x1d: {  	p6 =	por !p6, !p6  }
0x1e: {  	s30 =	sadd.s32 $0x1, s30;
	s0 =	sshll.u32 @p6 s3, $0x6  }
0x1f: {  	p3 =	sne.s32 s30, s15;
	s10 =	sshrl.u32 @p6 s9, $0x3;
	s0 =	sor.u32 @p6 $0x1C02, s0  }
0x20: {  	[hbm:s14], [sflag:s0] =	dma.local @p6 [spmem:s10], $0x2800  }
.Ltmp1:
0x21: {  	_ = 	snop;
	(pc) =	sbr.rel @!p3 .LBB2_17-.Ltmp1, $4  }
0x22: {  	s0 =	simm.s32 @p6 $0x2  }
0x23: {  	_ =	swait.ge @p6 [sflag:s0], $0x2800  }
0x24: {  	[sflag:s0] =	ssyncset.done @p6 $0x0  }
0x25: {  	[sflag:s0] =	ssyncadd.s32 @p6 $0xFFFFD800  }
.LBB2_1:
0x26: {  	s0 =	sand.u32 $0xFE00, s4  }
0x27: {  	s29 =	sand.u32 $0x70, s4;
	s0 =	sshrl.u32 s0, $0x2  }
0x28: {  	s31 =	simm.s32 $0x40;
	s29 =	sor.u32 s29, s0;
	s0 =	simm.s32 $0x0  }
.LBB2_2:
0x29: {  	p6 =	sne.s32 s31, $0x9FC0  }
0x2a: {  	[tilespmem:s29+$0x4100] =	vst v0;
	s0 =	sadd.s32 $0x10, s0;
	s29 =	smov.u32 s31;
	s31 =	sadd.s32 $0x40, s31  }
.Ltmp2:
0x2b: {  	(pc) =	sbr.rel @p6 .LBB2_2-.Ltmp2, $4  }
0x2c: {  	_ = 	snop  }
0x2d: {  	s29 =	sand.u32 $0xFE00, s29  }
0x2e: {  	s10 =	sand.u32 $0x70, s0;
	s29 =	sshrl.u32 s29, $0x2  }
0x2f: {  	s29 =	sor.u32 s10, s29  }
0x30: {  	[tilespmem:s29+$0x4100] =	vst v0  }
0x31: {  	[spmem:s6] =	stream.linear.scatter [tilespmem:s22], [sflag:$0x2], $0x2800, $0x38;
	[tilespmem:$0x1C980] =	vst v63  }
0x32: {  	_ =	swait.ge [sflag:s23], $0x2800  }
0x33: {  	[sflag:s23] =	ssyncset.done $0x0  }
0x34: {  	[sflag:s23] =	ssyncadd.s32 $0xFFFFD800  }
0x35: {  	[spmem:s16] =	stream.linear.scatter [tilespmem:s22], [sflag:$0x2], $0x2800, $0x38;
	[tilespmem:$0x1C980] =	vst v63  }
0x36: {  	_ =	swait.ge [sflag:s23], $0x2800  }
0x37: {  	[sflag:s23] =	ssyncset.done $0x0  }
0x38: {  	[sflag:s23] =	ssyncadd.s32 $0xFFFFD800  }
0x39: {  	[spmem:s17] =	stream.linear.scatter [tilespmem:s22], [sflag:$0x2], $0x2800, $0x38;
	[tilespmem:$0x1C980] =	vst v63  }
0x3a: {  	_ =	swait.ge [sflag:s23], $0x2800  }
0x3b: {  	[sflag:s23] =	ssyncset.done $0x0  }
0x3c: {  	[sflag:s23] =	ssyncadd.s32 $0xFFFFD800  }
0x3d: {  	[spmem:s18] =	stream.linear.scatter [tilespmem:s22], [sflag:$0x2], $0x2800, $0x38;
	[tilespmem:$0x1C980] =	vst v63  }
0x3e: {  	_ =	swait.ge [sflag:s23], $0x2800  }
0x3f: {  	[sflag:s23] =	ssyncset.done $0x0  }
0x40: {  	[sflag:s23] =	ssyncadd.s32 $0xFFFFD800  }
0x41: {  	[spmem:s19] =	stream.linear.scatter [tilespmem:s22], [sflag:$0x2], $0x2800, $0x38;
	[tilespmem:$0x1C980] =	vst v63  }
0x42: {  	_ =	swait.ge [sflag:s23], $0x2800  }
0x43: {  	[sflag:s23] =	ssyncset.done $0x0  }
0x44: {  	[sflag:s23] =	ssyncadd.s32 $0xFFFFD800  }
0x45: {  	[spmem:s20] =	stream.linear.scatter [tilespmem:s22], [sflag:$0x2], $0x2800, $0x38;
	[tilespmem:$0x1C980] =	vst v63  }
0x46: {  	_ =	swait.ge [sflag:s23], $0x2800  }
0x47: {  	[sflag:s23] =	ssyncset.done $0x0  }
0x48: {  	[sflag:s23] =	ssyncadd.s32 $0xFFFFD800  }
0x49: {  	[spmem:s21] =	stream.linear.scatter [tilespmem:s22], [sflag:$0x2], $0x2800, $0x38;
	[tilespmem:$0x1C980] =	vst v63  }
0x4a: {  	_ =	swait.ge [sflag:s23], $0x2800  }
0x4b: {  	[sflag:s23] =	ssyncset.done $0x0  }
0x4c: {  	[sflag:s23] =	ssyncadd.s32 $0xFFFFD800  }
0x4d: {  	[spmem:s7] =	stream.linear.scatter [tilespmem:s22], [sflag:$0x2], $0x2080, $0x38;
	[tilespmem:$0x1C980] =	vst v63  }
0x4e: {  	_ =	swait.ge [sflag:s23], $0x2080  }
0x4f: {  	[sflag:s23] =	ssyncset.done $0x0  }
0x50: {  	s0 =	simm.s32 $0x0;
	[sflag:s23] =	ssyncadd.s32 $0xFFFFDF80  }
0x51: {  	[tilespmem:s0], [sflag:$0x2] =	stream.linear.gather [hbm4b:s8+s0], $0x3E80, $0x38;
	[tilespmem:$0x1C980] =	vst v63  }
.Ltmp3:
0x52: {  	_ =	swait.ge [sflag:s23], $0x3E80;
	(pc) =	sbr.rel @p5 .LBB2_7-.Ltmp3, $3  }
0x53: {  	[sflag:s23] =	ssyncset.done $0x0  }
0x54: {  	[sflag:s23] =	ssyncadd.s32 $0xFFFFC180  }
0x55: {  	[bflag:$0x0] =	sbarrier.arrive $0xFFFF;
	_ =	sdelay $0x1  }
0x56: {  	s0 =	simm.s32 $0x0  }
0x57: {  	v1 =	vld [tilespmem:s0+$0x0];
	_ =	sdelay $0x4  }
0x58: {  	v2 =	vshrl.u32 v1, $0xE  }
0x59: {  	v1 =	vand.u32 $0x3FFF, v1;
	[tilespmem:$0x4000] =	vst v2  }
0x5a: {  	[tilespmem:$0x4080] =	vst v1  }
0x5b: {  	v1 =	vld [tilespmem:s0+$0x10];
	_ =	sdelay $0x4  }
0x5c: {  	v2 =	vshrl.u32 v1, $0xE  }
0x5d: {  	v1 =	vand.u32 $0x3FFF, v1;
	[tilespmem:$0x4010] =	vst v2  }
0x5e: {  	[tilespmem:$0x4090] =	vst v1  }
0x5f: {  	v1 =	vld [tilespmem:s0+$0x20];
	_ =	sdelay $0x4  }
0x60: {  	v2 =	vshrl.u32 v1, $0xE  }
0x61: {  	v1 =	vand.u32 $0x3FFF, v1;
	[tilespmem:$0x4020] =	vst v2  }
0x62: {  	[tilespmem:$0x40A0] =	vst v1  }
0x63: {  	v1 =	vld [tilespmem:s0+$0x30];
	_ =	sdelay $0x4  }
0x64: {  	v2 =	vshrl.u32 v1, $0xE  }
0x65: {  	v1 =	vand.u32 $0x3FFF, v1;
	[tilespmem:$0x4030] =	vst v2  }
0x66: {  	[tilespmem:$0x40B0] =	vst v1  }
0x67: {  	v1 =	vld [tilespmem:s0+$0x40];
	_ =	sdelay $0x4  }
0x68: {  	v2 =	vshrl.u32 v1, $0xE  }
0x69: {  	v1 =	vand.u32 $0x3FFF, v1;
	[tilespmem:$0x4040] =	vst v2  }
0x6a: {  	[tilespmem:$0x40C0] =	vst v1  }
0x6b: {  	[tilespmem:s22], [sflag:$0x1] =	stream.indirect.gather [hbm4b:s5+s24], $0x80, s25, s24, $0xb8;
	[tilespmem:$0x1C980] =	vst v63  }
0x6c: {  	s31 =	simm.s32 $0x200;
	_ =	swait.ge [sflag:s26], $0x2800  }
.LBB2_5:
0x6d: {  	p6 =	sne.s32 s31, $0xF800  }
0x6e: {  	[sflag:s26] =	ssyncset.done $0x0;
	s0 =	smov.u32 s31;
	s31 =	sadd.s32 $0x200, s31  }
0x6f: {  	[sflag:s26] =	ssyncadd.s32 $0xFFFFD800  }
0x70: {  	[spmem:s2] =	stream.indirect.scatter.add.f32 [tilespmem:s22], [sflag:$0x2], $0x80, s28, s24, $0xb8;
	[tilespmem:$0x1C980] =	vst v63  }
0x71: {  	_ =	swait.ge [sflag:s23], $0x2800  }
0x72: {  	[sflag:s23] =	ssyncset.done $0x0  }
0x73: {  	s0 =	sshra.s32 s0, $0x2;
	[sflag:s23] =	ssyncadd.s32 $0xFFFFD800  }
0x74: {  	v1 =	vld [tilespmem:s0+$0x0];
	_ =	sdelay $0x4  }
0x75: {  	v2 =	vshrl.u32 v1, $0xE;
	v1 =	vand.u32 $0x3FFF, v1  }
0x76: {  	[tilespmem:$0x4000] =	vst v2  }
0x77: {  	[tilespmem:$0x4080] =	vst v1  }
0x78: {  	v1 =	vld [tilespmem:s0+$0x10];
	_ =	sdelay $0x4  }
0x79: {  	v2 =	vshrl.u32 v1, $0xE;
	v1 =	vand.u32 $0x3FFF, v1  }
0x7a: {  	[tilespmem:$0x4010] =	vst v2  }
0x7b: {  	[tilespmem:$0x4090] =	vst v1  }
0x7c: {  	v1 =	vld [tilespmem:s0+$0x20];
	_ =	sdelay $0x4  }
0x7d: {  	v2 =	vshrl.u32 v1, $0xE;
	v1 =	vand.u32 $0x3FFF, v1  }
0x7e: {  	[tilespmem:$0x4020] =	vst v2  }
0x7f: {  	[tilespmem:$0x40A0] =	vst v1  }
0x80: {  	v1 =	vld [tilespmem:s0+$0x30];
	_ =	sdelay $0x4  }
0x81: {  	v2 =	vshrl.u32 v1, $0xE;
	v1 =	vand.u32 $0x3FFF, v1  }
0x82: {  	[tilespmem:$0x4030] =	vst v2  }
0x83: {  	[tilespmem:$0x40B0] =	vst v1  }
0x84: {  	v1 =	vld [tilespmem:s0+$0x40];
	_ =	sdelay $0x4  }
.Ltmp4:
0x85: {  	v2 =	vshrl.u32 v1, $0xE;
	v1 =	vand.u32 $0x3FFF, v1;
	(pc) =	sbr.rel @p6 .LBB2_5-.Ltmp4, $4  }
0x86: {  	[tilespmem:$0x4040] =	vst v2  }
0x87: {  	[tilespmem:$0x40C0] =	vst v1  }
0x88: {  	[tilespmem:s22], [sflag:$0x1] =	stream.indirect.gather [hbm4b:s5+s24], $0x80, s25, s24, $0xb8;
	[tilespmem:$0x1C980] =	vst v63  }
0x89: {  	_ =	swait.ge [sflag:s26], $0x2800  }
0x8a: {  	[sflag:s26] =	ssyncset.done $0x0  }
0x8b: {  	[sflag:s26] =	ssyncadd.s32 $0xFFFFD800  }
0x8c: {  	[spmem:s2] =	stream.indirect.scatter.add.f32 [tilespmem:s22], [sflag:$0x2], $0x80, s28, s24, $0xb8;
	[tilespmem:$0x1C980] =	vst v63  }
0x8d: {  	_ =	swait.ge [sflag:s23], $0x2800  }
0x8e: {  	[sflag:s23] =	ssyncset.done $0x0  }
0x8f: {  	[sflag:s23] =	ssyncadd.s32 $0xFFFFD800  }
.LBB2_7:
.Ltmp5:
0x90: {  	(pc) =	sbr.rel @!p0 .LBB2_11-.Ltmp5, $1  }
0x91: {  	_ =	sdelay $0x3  }
0x92: {  	s0 =	simm.s32 $0x0  }
0x93: {  	v1 =	vld [tilespmem:s0+$0x0];
	_ =	sdelay $0x4  }
0x94: {  	v2 =	vshrl.u32 v1, $0xE  }
0x95: {  	v1 =	vand.u32 $0x3FFF, v1;
	[tilespmem:$0x4000] =	vst v2  }
0x96: {  	[tilespmem:$0x4080] =	vst v1  }
0x97: {  	v1 =	vld [tilespmem:s0+$0x10];
	_ =	sdelay $0x4  }
0x98: {  	v2 =	vshrl.u32 v1, $0xE  }
0x99: {  	v1 =	vand.u32 $0x3FFF, v1;
	[tilespmem:$0x4010] =	vst v2  }
0x9a: {  	[tilespmem:$0x4090] =	vst v1  }
0x9b: {  	v1 =	vld [tilespmem:s0+$0x20];
	_ =	sdelay $0x4  }
0x9c: {  	v2 =	vshrl.u32 v1, $0xE  }
0x9d: {  	v1 =	vand.u32 $0x3FFF, v1;
	[tilespmem:$0x4020] =	vst v2  }
0x9e: {  	[tilespmem:$0x40A0] =	vst v1  }
0x9f: {  	v1 =	vld [tilespmem:s0+$0x30];
	_ =	sdelay $0x4  }
0xa0: {  	v2 =	vshrl.u32 v1, $0xE  }
0xa1: {  	v1 =	vand.u32 $0x3FFF, v1;
	[tilespmem:$0x4030] =	vst v2  }
0xa2: {  	[tilespmem:$0x40B0] =	vst v1  }
0xa3: {  	v1 =	vld [tilespmem:s0+$0x40];
	_ =	sdelay $0x4  }
0xa4: {  	v2 =	vshrl.u32 v1, $0xE  }
0xa5: {  	v1 =	vand.u32 $0x3FFF, v1;
	[tilespmem:$0x4040] =	vst v2  }
0xa6: {  	[tilespmem:$0x40C0] =	vst v1  }
0xa7: {  	[tilespmem:s22], [sflag:$0x1] =	stream.indirect.gather [hbm4b:s1+s24], $0x80, s25, s24, $0xb8;
	[tilespmem:$0x1C980] =	vst v63  }
0xa8: {  	s31 =	simm.s32 $0x200;
	_ =	swait.ge [sflag:s26], $0x2800  }
.LBB2_9:
0xa9: {  	p6 =	sne.s32 s31, $0xF800  }
0xaa: {  	[sflag:s26] =	ssyncset.done $0x0;
	s0 =	smov.u32 s31;
	s31 =	sadd.s32 $0x200, s31  }
0xab: {  	[sflag:s26] =	ssyncadd.s32 $0xFFFFD800  }
0xac: {  	[spmem:s2] =	stream.indirect.scatter.add.f32 [tilespmem:s22], [sflag:$0x2], $0x80, s28, s24, $0xb8;
	[tilespmem:$0x1C980] =	vst v63  }
0xad: {  	_ =	swait.ge [sflag:s23], $0x2800  }
0xae: {  	[sflag:s23] =	ssyncset.done $0x0  }
0xaf: {  	s0 =	sshra.s32 s0, $0x2;
	[sflag:s23] =	ssyncadd.s32 $0xFFFFD800  }
0xb0: {  	v1 =	vld [tilespmem:s0+$0x0];
	_ =	sdelay $0x4  }
0xb1: {  	v2 =	vshrl.u32 v1, $0xE;
	v1 =	vand.u32 $0x3FFF, v1  }
0xb2: {  	[tilespmem:$0x4000] =	vst v2  }
0xb3: {  	[tilespmem:$0x4080] =	vst v1  }
0xb4: {  	v1 =	vld [tilespmem:s0+$0x10];
	_ =	sdelay $0x4  }
0xb5: {  	v2 =	vshrl.u32 v1, $0xE;
	v1 =	vand.u32 $0x3FFF, v1  }
0xb6: {  	[tilespmem:$0x4010] =	vst v2  }
0xb7: {  	[tilespmem:$0x4090] =	vst v1  }
0xb8: {  	v1 =	vld [tilespmem:s0+$0x20];
	_ =	sdelay $0x4  }
0xb9: {  	v2 =	vshrl.u32 v1, $0xE;
	v1 =	vand.u32 $0x3FFF, v1  }
0xba: {  	[tilespmem:$0x4020] =	vst v2  }
0xbb: {  	[tilespmem:$0x40A0] =	vst v1  }
0xbc: {  	v1 =	vld [tilespmem:s0+$0x30];
	_ =	sdelay $0x4  }
0xbd: {  	v2 =	vshrl.u32 v1, $0xE;
	v1 =	vand.u32 $0x3FFF, v1  }
0xbe: {  	[tilespmem:$0x4030] =	vst v2  }
0xbf: {  	[tilespmem:$0x40B0] =	vst v1  }
0xc0: {  	v1 =	vld [tilespmem:s0+$0x40];
	_ =	sdelay $0x4  }
.Ltmp6:
0xc1: {  	v2 =	vshrl.u32 v1, $0xE;
	v1 =	vand.u32 $0x3FFF, v1;
	(pc) =	sbr.rel @p6 .LBB2_9-.Ltmp6, $4  }
0xc2: {  	[tilespmem:$0x4040] =	vst v2  }
0xc3: {  	[tilespmem:$0x40C0] =	vst v1  }
0xc4: {  	[tilespmem:s22], [sflag:$0x1] =	stream.indirect.gather [hbm4b:s1+s24], $0x80, s25, s24, $0xb8;
	[tilespmem:$0x1C980] =	vst v63  }
0xc5: {  	_ =	swait.ge [sflag:s26], $0x2800  }
0xc6: {  	[sflag:s26] =	ssyncset.done $0x0  }
0xc7: {  	[sflag:s26] =	ssyncadd.s32 $0xFFFFD800  }
0xc8: {  	[spmem:s2] =	stream.indirect.scatter.add.f32 [tilespmem:s22], [sflag:$0x2], $0x80, s28, s24, $0xb8;
	[tilespmem:$0x1C980] =	vst v63  }
0xc9: {  	_ =	swait.ge [sflag:s23], $0x2800  }
0xca: {  	[sflag:s23] =	ssyncset.done $0x0  }
0xcb: {  	[sflag:s23] =	ssyncadd.s32 $0xFFFFD800  }
.LBB2_11:
.Ltmp7:
0xcc: {  	(pc) =	sbr.rel @!p2 .LBB2_14-.Ltmp7, $2  }
0xcd: {  	_ =	sdelay $0x1  }
0xce: {  	[bflag:$0x0] =	sbarrier.arrive $0xFFFF;
	_ =	sdelay $0x1  }
0xcf: {  	s0 =	sshll.u32 s3, $0x6  }
.Ltmp8:
0xd0: {  	s10 =	sshrl.u32 s11, $0x3;
	s0 =	sor.u32 $0x1C02, s0;
	(pc) =	sbr.rel .LBB2_13-.Ltmp8, $4  }
0xd1: {  	[hbm:s12], [sflag:s0] =	dma.local [spmem:s10], $0x2700  }
0xd2: {  	_ =	swait.ge [sflag:s23], $0x2700  }
0xd3: {  	[sflag:s23] =	ssyncset.done $0x0  }
0xd4: {  	p6 =	por $0x0, $0x0;
	[sflag:s23] =	ssyncadd.s32 $0xFFFFD900  }
.LBB2_14:
0xd5: {  	s0 =	sld [smem:$0x7FD];
	_ =	sdelay $0x2  }
0xd6: {  	p3 =	seq.s32 s0, $0x1  }
.Ltmp9:
0xd7: {  	_ = 	snop;
	(pc) =	sbr.rel @p3 .LBB2_15-.Ltmp9, $2  }
0xd8: {  	_ =	sdelay $0x2  }
0xd9: {  	p6 =	por p1, p1  }
.LBB2_13:
0xda: {  	s0 =	sshll.u32 @p4 s3, $0x6  }
0xdb: {  	s10 =	sshrl.u32 @p4 s11, $0x3;
	s0 =	sor.u32 @p4 $0x1C02, s0  }
0xdc: {  	[hbm:s13], [sflag:s0] =	dma.local @p4 [spmem:s10], $0x2700  }
.Ltmp10:
0xdd: {  	_ = 	snop;
	(pc) =	sbr.rel .LBB2_16-.Ltmp10, $4  }
0xde: {  	s0 =	simm.s32 @p4 $0x2  }
0xdf: {  	_ =	swait.ge @p4 [sflag:s0], $0x2700  }
0xe0: {  	[sflag:s0] =	ssyncset.done @p4 $0x0  }
0xe1: {  	[sflag:s0] =	ssyncadd.s32 @p4 $0xFFFFD900  }
.LBB2_17:
0xe2: {  	_ =	sfence.sel $0x180000  }
0xe3: {  	[bflag:$0x0] =	sbarrier.arrive $0xFFFF  }
0xe4: {  	_ =	strace $0x9000004D  }
0xe5: {  	[bflag:$0x2] =	sbarrier.arrive $0xFFFF  }
0xe6: {  	p0 =	sne.s32 s3, $0x0;
	s0 =	rddreg [dreg:$0x3]  }
0xe7: {  	s0 =	sadd.s32 @!p0 $0x100000, s0  }
0xe8: {  	[sflag:s0] =	ssyncadd.tile.s32 @!p0 $0x1;
	_ =	shalt  }
.Lfunc_end2:
_tile_overlayer_lowered:
.L_overlay_start_2:
0xe9: {  	(tag) =	ssettag $0x2  }
0xea: {  	s0 =	rddreg [dreg:$0x0];
	s2 =	stileid.u32  }
0xeb: {  	s1 =	rddreg [dreg:$0x1];
	p0 =	sne.s32 s2, $0x0  }
0xec: {  	s3 =	rddreg [dreg:$0x2];
	[bflag:$0x3] =	sbarrier.arrive $0xFFFF;
	s2 =	simm.s32 @!p0 $0x1C02  }
0xed: {  	[timem:s3], [sflag:s2] =	dma.local @!p0 [hbm:s0], s1  }
0xee: {  	s0 =	simm.s32 @!p0 $0x2  }
0xef: {  	_ =	swait.ge @!p0 [sflag:s0], s1  }
0xf0: {  	s1 =	ssub.s32 @!p0 $0x0, s1;
	[sflag:s0] =	ssyncset.done @!p0 $0x0  }
0xf1: {  	[sflag:s0] =	ssyncadd.s32 @!p0 s1  }
0xf2: {  	[bflag:$0x3] =	sbarrier.arrive $0xFFFF  }
0xf3: {  	_ =	shalt  }

// kernel: kernel.25.cloned.1.call-start
scs
__scs_entry_jumppad:
0x0: {  	(pc) =	sbr.rel $0x88, $3  }
0x1: {  	(tag) =	ssettag $0x0;
	lr =	simm.s32 $0x1  }
0x2: {  	[smem:$0x3F9A] =	sst lr;
	_ =	strace $0xD0000000  }
0x3: {  	_ = 	snop  }
0x4: {  	_ = 	snop  }
0x5: {  	_ = 	snop  }
0x6: {  	_ = 	snop  }
0x7: {  	_ = 	snop  }
__scs_overlays_trampoline_lowered:
0x8: {  	[smem:$0x3FA9] =	sst s0  }
0x9: {  	[smem:$0x3FAA] =	sst s1  }
0xa: {  	[smem:$0x3FAB] =	sst s2  }
0xb: {  	[smem:$0x3FAC] =	sst s3  }
0xc: {  	[smem:$0x3FAD] =	sst s4  }
0xd: {  	[smem:$0x3FAE] =	sst s5  }
0xe: {  	[smem:$0x3FAF] =	sst s6  }
0xf: {  	[smem:$0x3FB0] =	sst s7  }
0x10: {  	[smem:$0x3FB1] =	sst s8  }
0x11: {  	[smem:$0x3FB2] =	sst s9;
	s0 =	simm.s32 @!p0 $0x0  }
0x12: {  	s1 =	sld [smem:$0x3F98];
	s0 =	simm.s32 @p0 $0x1  }
0x13: {  	[smem:$0x3FB3] =	sst s0;
	s0 =	simm.s32 @!p1 $0x0  }
0x14: {  	s2 =	sld [smem:$0x3F97];
	s0 =	simm.s32 @p1 $0x1  }
0x15: {  	[smem:$0x3FB4] =	sst s0;
	s0 =	simm.s32 @!p2 $0x0  }
0x16: {  	s3 =	sld [smem:$0x3FDB];
	s0 =	simm.s32 @p2 $0x1  }
0x17: {  	s4 =	simm.s32 $0x1BF5;
	[smem:$0x3FB6] =	sst s0  }
0x18: {  	s0 =	sld [smem:$0x3F99];
	_ =	swait.ge [sflag:s4], $0x0  }
0x19: {  	s7 =	sld [smem:$0x3F9A]  }
0x1a: {  	s8 =	sadd.s32 $0xFFFFE003, lr  }
0x1b: {  	s9 =	sadd.s32 $0xFFFFFEF7, lr;
	s5 =	simm.s32 $0xFFFFFFFF;
	p2 =	slt.u32 s8, $0xFFFFF086  }
0x1c: {  	p1 =	slt.u32 s9, $0xF7A;
	s5 =	simm.s32 @!p2 $0x0  }
0x1d: {  	s5 =	simm.s32 @p1 $0x1;
	p0 =	seq.s32 s7, s2  }
0x1e: {  	s7 =	smul.u32 @!p0 $0xF7A, s2;
	p2 =	seq.s32 @!p0 s5, $0x0  }
0x1f: {  	s9 =	smul.u32 $0xF7A, s1;
	s8 =	simm.s32 @!p0 $0x1BF5;
	p2 =	por !p2, p0  }
0x20: {  	[sflag:s8] =	ssyncset.s32 @!p0 $0xFFFFF086;
	s6 =	sadd.s32 @!p0 s3, s7;
	s7 =	simm.s32 @!p0 $0x108  }
0x21: {  	s3 =	sadd.s32 s3, s9;
	s6 =	sadd.s32 @!p0 $0x88, s6;
	s7 =	simm.s32 @p2 $0x1082  }
0x22: {  	[simem:s7], [sflag:s8] =	dma.local @!p0 [hbm:s6], $0xF7A  }
0x23: {  	s9 =	sor.u32 $0xD0000000, s2;
	s6 =	simm.s32 $0x108;
	_ =	swait.ge @!p0 [sflag:s8], $0x0  }
0x24: {  	s3 =	sadd.s32 $0x88, s3;
	s6 =	simm.s32 @!p1 $0x1082;
	[sflag:s4] =	ssyncset.s32 $0xFFFFF086  }
0x25: {  	[simem:s6], [sflag:s4] =	dma.local [hbm:s3], $0xF7A  }
0x26: {  	[smem:$0x3F9A] =	sst s1;
	(tag) =	ssettag s2;
	_ =	strace s9  }
0x27: {  	s1 =	sld [smem:$0x3FAA]  }
0x28: {  	s2 =	sld [smem:$0x3FAB]  }
0x29: {  	s4 =	sld [smem:$0x3FAD]  }
0x2a: {  	p0 =	seq.s32 s5, $0x0;
	s5 =	sld [smem:$0x3FAE]  }
0x2b: {  	s6 =	sld [smem:$0x3FAF]  }
0x2c: {  	s7 =	sld [smem:$0x3FB0]  }
0x2d: {  	s3 =	simm.s32 $0x108;
	s8 =	sld [smem:$0x3FB1]  }
0x2e: {  	s3 =	simm.s32 @!p0 $0x1082;
	s9 =	sld [smem:$0x3FB2]  }
0x2f: {  	lr =	sadd.s32 s0, s3;
	s0 =	sld [smem:$0x3FA9]  }
0x30: {  	s3 =	sld [smem:$0x3FAC]  }
0x31: {  	[smem:$0x3FB5] =	sst s10  }
0x32: {  	s10 =	sld [smem:$0x3FB3];
	_ =	sdelay $0x3  }
0x33: {  	p0 =	seq.s32 s10, $0x1;
	s10 =	sld [smem:$0x3FB5];
	_ =	sdelay $0x3  }
0x34: {  	[smem:$0x3FB5] =	sst s10  }
0x35: {  	s10 =	sld [smem:$0x3FB4];
	_ =	sdelay $0x3  }
0x36: {  	p1 =	seq.s32 s10, $0x1;
	s10 =	sld [smem:$0x3FB5];
	_ =	sdelay $0x3  }
0x37: {  	[smem:$0x3FB5] =	sst s10  }
0x38: {  	s10 =	sld [smem:$0x3FB6]  }
0x39: {  	_ = 	snop;
	(pc) =	sbr.ind lr, $3  }
0x3a: {  	_ = 	snop  }
0x3b: {  	_ = 	snop  }
0x3c: {  	p2 =	seq.s32 s10, $0x1;
	s10 =	sld [smem:$0x3FB5]  }
0x3d: {  	_ =	shalt  }
0x3e: {  	_ =	shalt  }
0x3f: {  	_ =	shalt  }
0x40: {  	_ =	shalt  }
0x41: {  	_ =	shalt  }
0x42: {  	_ =	shalt  }
0x43: {  	_ =	shalt  }
0x44: {  	_ =	shalt  }
0x45: {  	_ =	shalt  }
0x46: {  	_ =	shalt  }
0x47: {  	_ =	shalt  }
0x48: {  	_ =	shalt  }
0x49: {  	_ =	shalt  }
0x4a: {  	_ =	shalt  }
0x4b: {  	_ =	shalt  }
0x4c: {  	_ =	shalt  }
0x4d: {  	_ =	shalt  }
0x4e: {  	_ =	shalt  }
0x4f: {  	_ =	shalt  }
0x50: {  	_ =	shalt  }
0x51: {  	_ =	shalt  }
0x52: {  	_ =	shalt  }
0x53: {  	_ =	shalt  }
0x54: {  	_ =	shalt  }
0x55: {  	_ =	shalt  }
0x56: {  	_ =	shalt  }
0x57: {  	_ =	shalt  }
0x58: {  	_ =	shalt  }
0x59: {  	_ =	shalt  }
0x5a: {  	_ =	shalt  }
0x5b: {  	_ =	shalt  }
0x5c: {  	_ =	shalt  }
0x5d: {  	_ =	shalt  }
0x5e: {  	_ =	shalt  }
0x5f: {  	_ =	shalt  }
0x60: {  	_ =	shalt  }
0x61: {  	_ =	shalt  }
0x62: {  	_ =	shalt  }
0x63: {  	_ =	shalt  }
0x64: {  	_ =	shalt  }
0x65: {  	_ =	shalt  }
0x66: {  	_ =	shalt  }
0x67: {  	_ =	shalt  }
0x68: {  	_ =	shalt  }
0x69: {  	_ =	shalt  }
0x6a: {  	_ =	shalt  }
0x6b: {  	_ =	shalt  }
0x6c: {  	_ =	shalt  }
0x6d: {  	_ =	shalt  }
0x6e: {  	_ =	shalt  }
0x6f: {  	_ =	shalt  }
0x70: {  	_ =	shalt  }
0x71: {  	_ =	shalt  }
0x72: {  	_ =	shalt  }
0x73: {  	_ =	shalt  }
0x74: {  	_ =	shalt  }
0x75: {  	_ =	shalt  }
0x76: {  	_ =	shalt  }
0x77: {  	_ =	shalt  }
0x78: {  	_ =	shalt  }
0x79: {  	_ =	shalt  }
0x7a: {  	_ =	shalt  }
0x7b: {  	_ =	shalt  }
0x7c: {  	_ =	shalt  }
0x7d: {  	_ =	shalt  }
0x7e: {  	_ =	shalt  }
0x7f: {  	_ =	shalt  }
0x80: {  	_ =	shalt  }
0x81: {  	_ =	shalt  }
0x82: {  	_ =	shalt  }
0x83: {  	_ =	shalt  }
0x84: {  	_ =	shalt  }
0x85: {  	_ =	shalt  }
0x86: {  	_ =	shalt  }
0x87: {  	_ =	shalt  }
.Lfunc_end0:
.L_simem_size_0:
called_computation.3_lowered:
.L_overlay_start_0:
0x88: {  	s2 =	sld [smem:$0x3FD9]  }
0x89: {  	s3 =	sld [smem:$0x3FFE];
	_ =	sdelay $0x1  }
0x8a: {  	s1 =	srdreg.scid  }
0x8b: {  	s0 =	sand.u32 $0x1, s1  }
0x8c: {  	s17 =	sshll.u32 s0, $0xA;
	s2 =	sadd.s32 s3, s2  }
0x8d: {  	s2 =	sadd.s32 s2, s17  }
0x8e: {  	[smem:$0x3FC1] =	sst s2  }
0x8f: {  	_ = 	snop  }
0x90: {  	s2 =	sld [smem:$0x3FD0];
	(tm) =	ssettm $0x1  }
0x91: {  	s18 =	sld [smem:$0x3FFB];
	_ =	sdelay $0x3  }
0x92: {  	_ =	strace s18  }
0x93: {  	s3 =	sld [smem:$0x3FFC];
	_ =	sdelay $0x3  }
0x94: {  	_ =	strace s3  }
0x95: {  	s3 =	sld [smem:$0x3FFD];
	_ =	sdelay $0x3  }
0x96: {  	_ =	strace s3  }
0x97: {  	_ =	strace $0x8FFFFFFF  }
0x98: {  	s19 =	sld [smem:$0x3FDB];
	_ =	sdelay $0x1  }
0x99: {  	s4 =	simm.s32 $_scs_section_size  }
0x9a: {  	s5 =	simm.s32 $_size__tile_overlayer_lowered;
	s6 =	simm.s32 $_tile_overlayer_lowered  }
0x9b: {  	s22 =	simm.s32 $0x1BFF;
	s21 =	sshll.u32 s6, $0x1;
	s3 =	sadd.s32 s4, s19  }
0x9c: {  	s7 =	simm.s32 $0x0;
	s20 =	sshll.u32 s5, $0x1;
	s5 =	sadd.s32 s21, s3  }
0x9d: {  	[timem:s7], [sflag:s22] =	dma.local [hbm:s5], s20  }
0x9e: {  	_ =	swait.ge [sflag:s22], s20  }
0x9f: {  	s4 =	ssub.s32 $0x0, s20;
	[sflag:s22] =	ssyncset.done $0x0  }
0xa0: {  	[sflag:s22] =	ssyncadd.s32 s4;
	_ =	sdelay $0x1  }
0xa1: {  	s23 =	simm.s32 $0x1B8B  }
0xa2: {  	_ =	swait.ge [sflag:s23], $0x1  }
0xa3: {  	[sflag:s23] =	ssyncset.done $0x0  }
0xa4: {  	s25 =	simm.s32 $0x1B8E;
	s24 =	sld [smem:$0x3FFE];
	[sflag:s23] =	ssyncadd.s32 $0xFFFFFFFF  }
0xa5: {  	s26 =	simm.s32 $execute0_lowered;
	[smem:$0x3FD2] =	sst s25  }
0xa6: {  	s5 =	sshll.u32 s26, $0x1;
	_ =	strace $0x8000004F;
	[dreg:$0x1] =	wrdreg $0xFFFFFFFF  }
0xa7: {  	s28 =	simm.s32 $_size_execute0_lowered;
	s3 =	sadd.s32 s3, s5;
	[dreg:$0x0] =	wrdreg $0x0  }
0xa8: {  	s5 =	sshll.u32 s28, $0x1;
	[dreg:$0x2] =	wrdreg s3  }
0xa9: {  	[dreg:$0x3] =	wrdreg s5  }
0xaa: {  	[dreg:$0x4] =	wrdreg $0xC0  }
0xab: {  	_ =	task [dreg:s7], $0x5FFFF  }
0xac: {  	[dreg:$0x1] =	wrdreg $0xFFFFFFFF  }
0xad: {  	[dreg:$0x0] =	wrdreg $0x60  }
0xae: {  	[dreg:$0x2] =	wrdreg s24  }
0xaf: {  	[dreg:$0x3] =	wrdreg s2  }
0xb0: {  	[dreg:$0x4] =	wrdreg $0x91000  }
0xb1: {  	[dreg:$0x5] =	wrdreg $0x9  }
0xb2: {  	_ =	task.clear_ibuf [dreg:s7], $0x6FFFF;
	_ =	strace $0x9000004F  }
0xb3: {  	s29 =	simm.s32 $0x9;
	_ =	strace $0x80000051  }
0xb4: {  	_ =	swait.ge [sflag:s29], $0x1  }
0xb5: {  	[sflag:s29] =	ssyncadd.s32 $0xFFFFFFFF  }
0xb6: {  	_ =	strace $0x90000051  }
0xb7: {  	_ =	sfence  }
0xb8: {  	s30 =	sld [smem:$0x0];
	_ =	sdelay $0x2  }
0xb9: {  	s31 =	sshll.u32 s1, $0xD;
	s1 =	sshrl.u32 s1, $0x2  }
0xba: {  	s3 =	sand.u32 $0x4000, s31;
	s1 =	sadd.s32 s1, s30  }
0xbb: {  	s0 =	sor.u32 s3, s0;
	s1 =	sshll.u32 s1, $0x11  }
0xbc: {  	s0 =	sor.u32 s1, s0  }
0xbd: {  	s0 =	sadd.s32 $0x8F2B, s0  }
0xbe: {  	[sflag:s0] =	ssyncadd.remote.s32 $0x1  }
0xbf: {  	_ =	sfence.sel $0xFFFF  }
0xc0: {  	[dreg:$0x0] =	wrdreg $0xFFFFFFFF;
	(pc) =	sbr.abs _section_cstart, $3  }
0xc1: {  	[dreg:$0x1] =	wrdreg $0xFFFFFFFF  }
0xc2: {  	_ =	task.clear_ibuf [dreg:s7], $0x2FFFF;
	_ =	strace $0x9FFFFFFF  }
0xc3: {  	(tm) =	ssettm $0x7FFFFFFF  }
tec
execute0_lowered:
.L_overlay_start_1:
0x0: {  	(tag) =	ssettag $0x1  }
0x1: {  	s0 =	rddreg [dreg:$0x0]  }
0x2: {  	s1 =	rddreg [dreg:$0x1]  }
0x3: {  	s2 =	rddreg [dreg:$0x2]  }
0x4: {  	s4 =	simm.s32 $0x0;
	s3 =	stileid.u32;
	s6 =	srdreg.scid  }
0x5: {  	s23 =	simm.s32 $0x2;
	s24 =	simm.s32 $0x50;
	s25 =	simm.s32 $0x4000  }
0x6: {  	s28 =	simm.s32 $0x4080;
	s30 =	simm.s32 $0x0;
	[smem:$0x7FF] =	sst s4  }
0x7: {  	s5 =	sadd.s32 $0xBC800, s0;
	s22 =	sand.u32 $0x1, s6;
	s26 =	smul.u32 $0x4E200, s3  }
0x8: {  	s7 =	sshll.u32 s3, $0xB;
	s8 =	smul.u32 $0x2700, s3;
	p4 =	sne.s32 s3, $0xF  }
0x9: {  	p1 =	seq.s32 s3, $0xF;
	s11 =	smul.u32 $0x4E000, s3;
	s31 =	sadd.s32 $0x92F00, s0  }
0xa: {  	s14 =	sadd.s32 $0x108300, s0;
	_ =	strace $0x80000050;
	s9 =	ssub.s32 $0x2, s22  }
0xb: {  	s10 =	sadd.s32 s7, s0;
	p2 =	seq.s32 s22, $0x0;
	p0 =	seq.s32 s22, $0x1  }
0xc: {  	[dreg:$0x4] =	wrdreg s31;
	s29 =	sshrl.u32 s9, $0x1;
	s6 =	sshrl.u32 s26, $0x2  }
0xd: {  	s13 =	sadd.s32 s8, s0;
	s8 =	sadd.s32 $0x3F400, s10;
	p3 =	por !p2, !p4  }
0xe: {  	p5 =	por !p2, !p1;
	s11 =	sshrl.u32 s11, $0x2;
	p4 =	por !p4, !p0  }
0xf: {  	s26 =	simm.s32 $0x1;
	s15 =	ssub.s32 s9, s29;
	s6 =	sadd.s32 s6, s2  }
0x10: {  	p2 =	por !p3, !p3;
	p3 =	por !p5, !p5;
	s11 =	sadd.s32 s11, s2  }
0x11: {  	s12 =	sadd.s32 $0x6E600, s13;
	p4 =	por !p4, !p4;
	s13 =	sadd.s32 $0xE3A00, s13  }
.Ltmp0:
0x12: {  	p5 =	sne.s32 s22, $0x0;
	s22 =	simm.s32 $0x4100;
	(pc) =	sbr.rel .LBB2_1-.Ltmp0, $4  }
0x13: {  	s7 =	sadd.s32 $0x11800, s6;
	s9 =	simm.s32 @!p3 $0x0;
	s15 =	smax.u32 s15, $0x1  }
0x14: {  	s16 =	sadd.s32 $0x2800, s6;
	s17 =	sadd.s32 $0x5000, s6;
	s18 =	sadd.s32 $0x7800, s6  }
0x15: {  	s19 =	sadd.s32 $0xA000, s6;
	s20 =	sadd.s32 $0xC800, s6;
	s9 =	simm.s32 @p3 $0x1  }
0x16: {  	v0 =	vimm.f32 $0.0e+00;
	s21 =	sadd.s32 $0xF000, s6;
	[smem:$0x7FD] =	sst s9;
	s9 =	sadd.s32 $0x124800, s2  }
.LBB2_15:
0x17: {  	s0 =	sshrl.u32 s9, $0x3;
	s10 =	rddreg [dreg:$0x4];
	s29 =	simm.s32 $0x1FC2  }
0x18: {  	[hbm:s10], [sflag:s29] =	dma.local [spmem:s0], $0x2800  }
0x19: {  	_ =	swait.ge [sflag:s23], $0x2800  }
0x1a: {  	[sflag:s23] =	ssyncset.done $0x0  }
0x1b: {  	p6 =	por $0x1, $0x1;
	[sflag:s23] =	ssyncadd.s32 $0xFFFFD800  }
.LBB2_16:
0x1c: {  	p6 =	por !p6, !p0  }
0x1d: {  	p6 =	por !p6, !p6  }
0x1e: {  	s30 =	sadd.s32 $0x1, s30;
	s0 =	sshll.u32 @p6 s3, $0x6  }
0x1f: {  	p3 =	sne.s32 s30, s15;
	s10 =	sshrl.u32 @p6 s9, $0x3;
	s0 =	sor.u32 @p6 $0x1C02, s0  }
0x20: {  	[hbm:s14], [sflag:s0] =	dma.local @p6 [spmem:s10], $0x2800  }
.Ltmp1:
0x21: {  	_ = 	snop;
	(pc) =	sbr.rel @!p3 .LBB2_17-.Ltmp1, $4  }
0x22: {  	s0 =	simm.s32 @p6 $0x2  }
0x23: {  	_ =	swait.ge @p6 [sflag:s0], $0x2800  }
0x24: {  	[sflag:s0] =	ssyncset.done @p6 $0x0  }
0x25: {  	[sflag:s0] =	ssyncadd.s32 @p6 $0xFFFFD800  }
.LBB2_1:
0x26: {  	s0 =	sand.u32 $0xFE00, s4  }
0x27: {  	s29 =	sand.u32 $0x70, s4;
	s0 =	sshrl.u32 s0, $0x2  }
0x28: {  	s31 =	simm.s32 $0x40;
	s29 =	sor.u32 s29, s0;
	s0 =	simm.s32 $0x0  }
.LBB2_2:
0x29: {  	p6 =	sne.s32 s31, $0x9FC0  }
0x2a: {  	[tilespmem:s29+$0x4100] =	vst v0;
	s0 =	sadd.s32 $0x10, s0;
	s29 =	smov.u32 s31;
	s31 =	sadd.s32 $0x40, s31  }
.Ltmp2:
0x2b: {  	(pc) =	sbr.rel @p6 .LBB2_2-.Ltmp2, $4  }
0x2c: {  	_ = 	snop  }
0x2d: {  	s29 =	sand.u32 $0xFE00, s29  }
0x2e: {  	s10 =	sand.u32 $0x70, s0;
	s29 =	sshrl.u32 s29, $0x2  }
0x2f: {  	s29 =	sor.u32 s10, s29  }
0x30: {  	[tilespmem:s29+$0x4100] =	vst v0  }
0x31: {  	[spmem:s6] =	stream.linear.scatter [tilespmem:s22], [sflag:$0x2], $0x2800, $0x38;
	[tilespmem:$0x1C980] =	vst v63  }
0x32: {  	_ =	swait.ge [sflag:s23], $0x2800  }
0x33: {  	[sflag:s23] =	ssyncset.done $0x0  }
0x34: {  	[sflag:s23] =	ssyncadd.s32 $0xFFFFD800  }
0x35: {  	[spmem:s16] =	stream.linear.scatter [tilespmem:s22], [sflag:$0x2], $0x2800, $0x38;
	[tilespmem:$0x1C980] =	vst v63  }
0x36: {  	_ =	swait.ge [sflag:s23], $0x2800  }
0x37: {  	[sflag:s23] =	ssyncset.done $0x0  }
0x38: {  	[sflag:s23] =	ssyncadd.s32 $0xFFFFD800  }
0x39: {  	[spmem:s17] =	stream.linear.scatter [tilespmem:s22], [sflag:$0x2], $0x2800, $0x38;
	[tilespmem:$0x1C980] =	vst v63  }
0x3a: {  	_ =	swait.ge [sflag:s23], $0x2800  }
0x3b: {  	[sflag:s23] =	ssyncset.done $0x0  }
0x3c: {  	[sflag:s23] =	ssyncadd.s32 $0xFFFFD800  }
0x3d: {  	[spmem:s18] =	stream.linear.scatter [tilespmem:s22], [sflag:$0x2], $0x2800, $0x38;
	[tilespmem:$0x1C980] =	vst v63  }
0x3e: {  	_ =	swait.ge [sflag:s23], $0x2800  }
0x3f: {  	[sflag:s23] =	ssyncset.done $0x0  }
0x40: {  	[sflag:s23] =	ssyncadd.s32 $0xFFFFD800  }
0x41: {  	[spmem:s19] =	stream.linear.scatter [tilespmem:s22], [sflag:$0x2], $0x2800, $0x38;
	[tilespmem:$0x1C980] =	vst v63  }
0x42: {  	_ =	swait.ge [sflag:s23], $0x2800  }
0x43: {  	[sflag:s23] =	ssyncset.done $0x0  }
0x44: {  	[sflag:s23] =	ssyncadd.s32 $0xFFFFD800  }
0x45: {  	[spmem:s20] =	stream.linear.scatter [tilespmem:s22], [sflag:$0x2], $0x2800, $0x38;
	[tilespmem:$0x1C980] =	vst v63  }
0x46: {  	_ =	swait.ge [sflag:s23], $0x2800  }
0x47: {  	[sflag:s23] =	ssyncset.done $0x0  }
0x48: {  	[sflag:s23] =	ssyncadd.s32 $0xFFFFD800  }
0x49: {  	[spmem:s21] =	stream.linear.scatter [tilespmem:s22], [sflag:$0x2], $0x2800, $0x38;
	[tilespmem:$0x1C980] =	vst v63  }
0x4a: {  	_ =	swait.ge [sflag:s23], $0x2800  }
0x4b: {  	[sflag:s23] =	ssyncset.done $0x0  }
0x4c: {  	[sflag:s23] =	ssyncadd.s32 $0xFFFFD800  }
0x4d: {  	[spmem:s7] =	stream.linear.scatter [tilespmem:s22], [sflag:$0x2], $0x2080, $0x38;
	[tilespmem:$0x1C980] =	vst v63  }
0x4e: {  	_ =	swait.ge [sflag:s23], $0x2080  }
0x4f: {  	[sflag:s23] =	ssyncset.done $0x0  }
0x50: {  	s0 =	simm.s32 $0x0;
	[sflag:s23] =	ssyncadd.s32 $0xFFFFDF80  }
0x51: {  	[tilespmem:s0], [sflag:$0x2] =	stream.linear.gather [hbm4b:s8+s0], $0x3E80, $0x38;
	[tilespmem:$0x1C980] =	vst v63  }
.Ltmp3:
0x52: {  	_ =	swait.ge [sflag:s23], $0x3E80;
	(pc) =	sbr.rel @p5 .LBB2_7-.Ltmp3, $3  }
0x53: {  	[sflag:s23] =	ssyncset.done $0x0  }
0x54: {  	[sflag:s23] =	ssyncadd.s32 $0xFFFFC180  }
0x55: {  	[bflag:$0x0] =	sbarrier.arrive $0xFFFF;
	_ =	sdelay $0x1  }
0x56: {  	s0 =	simm.s32 $0x0  }
0x57: {  	v1 =	vld [tilespmem:s0+$0x0];
	_ =	sdelay $0x4  }
0x58: {  	v2 =	vshrl.u32 v1, $0xE  }
0x59: {  	v1 =	vand.u32 $0x3FFF, v1;
	[tilespmem:$0x4000] =	vst v2  }
0x5a: {  	[tilespmem:$0x4080] =	vst v1  }
0x5b: {  	v1 =	vld [tilespmem:s0+$0x10];
	_ =	sdelay $0x4  }
0x5c: {  	v2 =	vshrl.u32 v1, $0xE  }
0x5d: {  	v1 =	vand.u32 $0x3FFF, v1;
	[tilespmem:$0x4010] =	vst v2  }
0x5e: {  	[tilespmem:$0x4090] =	vst v1  }
0x5f: {  	v1 =	vld [tilespmem:s0+$0x20];
	_ =	sdelay $0x4  }
0x60: {  	v2 =	vshrl.u32 v1, $0xE  }
0x61: {  	v1 =	vand.u32 $0x3FFF, v1;
	[tilespmem:$0x4020] =	vst v2  }
0x62: {  	[tilespmem:$0x40A0] =	vst v1  }
0x63: {  	v1 =	vld [tilespmem:s0+$0x30];
	_ =	sdelay $0x4  }
0x64: {  	v2 =	vshrl.u32 v1, $0xE  }
0x65: {  	v1 =	vand.u32 $0x3FFF, v1;
	[tilespmem:$0x4030] =	vst v2  }
0x66: {  	[tilespmem:$0x40B0] =	vst v1  }
0x67: {  	v1 =	vld [tilespmem:s0+$0x40];
	_ =	sdelay $0x4  }
0x68: {  	v2 =	vshrl.u32 v1, $0xE  }
0x69: {  	v1 =	vand.u32 $0x3FFF, v1;
	[tilespmem:$0x4040] =	vst v2  }
0x6a: {  	[tilespmem:$0x40C0] =	vst v1  }
0x6b: {  	[tilespmem:s22], [sflag:$0x1] =	stream.indirect.gather [hbm4b:s5+s24], $0x80, s25, s24, $0xb8;
	[tilespmem:$0x1C980] =	vst v63  }
0x6c: {  	s31 =	simm.s32 $0x200;
	_ =	swait.ge [sflag:s26], $0x2800  }
.LBB2_5:
0x6d: {  	p6 =	sne.s32 s31, $0xF800  }
0x6e: {  	[sflag:s26] =	ssyncset.done $0x0;
	s0 =	smov.u32 s31;
	s31 =	sadd.s32 $0x200, s31  }
0x6f: {  	[sflag:s26] =	ssyncadd.s32 $0xFFFFD800  }
0x70: {  	[spmem:s2] =	stream.indirect.scatter.add.f32 [tilespmem:s22], [sflag:$0x2], $0x80, s28, s24, $0xb8;
	[tilespmem:$0x1C980] =	vst v63  }
0x71: {  	_ =	swait.ge [sflag:s23], $0x2800  }
0x72: {  	[sflag:s23] =	ssyncset.done $0x0  }
0x73: {  	s0 =	sshra.s32 s0, $0x2;
	[sflag:s23] =	ssyncadd.s32 $0xFFFFD800  }
0x74: {  	v1 =	vld [tilespmem:s0+$0x0];
	_ =	sdelay $0x4  }
0x75: {  	v2 =	vshrl.u32 v1, $0xE;
	v1 =	vand.u32 $0x3FFF, v1  }
0x76: {  	[tilespmem:$0x4000] =	vst v2  }
0x77: {  	[tilespmem:$0x4080] =	vst v1  }
0x78: {  	v1 =	vld [tilespmem:s0+$0x10];
	_ =	sdelay $0x4  }
0x79: {  	v2 =	vshrl.u32 v1, $0xE;
	v1 =	vand.u32 $0x3FFF, v1  }
0x7a: {  	[tilespmem:$0x4010] =	vst v2  }
0x7b: {  	[tilespmem:$0x4090] =	vst v1  }
0x7c: {  	v1 =	vld [tilespmem:s0+$0x20];
	_ =	sdelay $0x4  }
0x7d: {  	v2 =	vshrl.u32 v1, $0xE;
	v1 =	vand.u32 $0x3FFF, v1  }
0x7e: {  	[tilespmem:$0x4020] =	vst v2  }
0x7f: {  	[tilespmem:$0x40A0] =	vst v1  }
0x80: {  	v1 =	vld [tilespmem:s0+$0x30];
	_ =	sdelay $0x4  }
0x81: {  	v2 =	vshrl.u32 v1, $0xE;
	v1 =	vand.u32 $0x3FFF, v1  }
0x82: {  	[tilespmem:$0x4030] =	vst v2  }
0x83: {  	[tilespmem:$0x40B0] =	vst v1  }
0x84: {  	v1 =	vld [tilespmem:s0+$0x40];
	_ =	sdelay $0x4  }
.Ltmp4:
0x85: {  	v2 =	vshrl.u32 v1, $0xE;
	v1 =	vand.u32 $0x3FFF, v1;
	(pc) =	sbr.rel @p6 .LBB2_5-.Ltmp4, $4  }
0x86: {  	[tilespmem:$0x4040] =	vst v2  }
0x87: {  	[tilespmem:$0x40C0] =	vst v1  }
0x88: {  	[tilespmem:s22], [sflag:$0x1] =	stream.indirect.gather [hbm4b:s5+s24], $0x80, s25, s24, $0xb8;
	[tilespmem:$0x1C980] =	vst v63  }
0x89: {  	_ =	swait.ge [sflag:s26], $0x2800  }
0x8a: {  	[sflag:s26] =	ssyncset.done $0x0  }
0x8b: {  	[sflag:s26] =	ssyncadd.s32 $0xFFFFD800  }
0x8c: {  	[spmem:s2] =	stream.indirect.scatter.add.f32 [tilespmem:s22], [sflag:$0x2], $0x80, s28, s24, $0xb8;
	[tilespmem:$0x1C980] =	vst v63  }
0x8d: {  	_ =	swait.ge [sflag:s23], $0x2800  }
0x8e: {  	[sflag:s23] =	ssyncset.done $0x0  }
0x8f: {  	[sflag:s23] =	ssyncadd.s32 $0xFFFFD800  }
.LBB2_7:
.Ltmp5:
0x90: {  	(pc) =	sbr.rel @!p0 .LBB2_11-.Ltmp5, $1  }
0x91: {  	_ =	sdelay $0x3  }
0x92: {  	s0 =	simm.s32 $0x0  }
0x93: {  	v1 =	vld [tilespmem:s0+$0x0];
	_ =	sdelay $0x4  }
0x94: {  	v2 =	vshrl.u32 v1, $0xE  }
0x95: {  	v1 =	vand.u32 $0x3FFF, v1;
	[tilespmem:$0x4000] =	vst v2  }
0x96: {  	[tilespmem:$0x4080] =	vst v1  }
0x97: {  	v1 =	vld [tilespmem:s0+$0x10];
	_ =	sdelay $0x4  }
0x98: {  	v2 =	vshrl.u32 v1, $0xE  }
0x99: {  	v1 =	vand.u32 $0x3FFF, v1;
	[tilespmem:$0x4010] =	vst v2  }
0x9a: {  	[tilespmem:$0x4090] =	vst v1  }
0x9b: {  	v1 =	vld [tilespmem:s0+$0x20];
	_ =	sdelay $0x4  }
0x9c: {  	v2 =	vshrl.u32 v1, $0xE  }
0x9d: {  	v1 =	vand.u32 $0x3FFF, v1;
	[tilespmem:$0x4020] =	vst v2  }
0x9e: {  	[tilespmem:$0x40A0] =	vst v1  }
0x9f: {  	v1 =	vld [tilespmem:s0+$0x30];
	_ =	sdelay $0x4  }
0xa0: {  	v2 =	vshrl.u32 v1, $0xE  }
0xa1: {  	v1 =	vand.u32 $0x3FFF, v1;
	[tilespmem:$0x4030] =	vst v2  }
0xa2: {  	[tilespmem:$0x40B0] =	vst v1  }
0xa3: {  	v1 =	vld [tilespmem:s0+$0x40];
	_ =	sdelay $0x4  }
0xa4: {  	v2 =	vshrl.u32 v1, $0xE  }
0xa5: {  	v1 =	vand.u32 $0x3FFF, v1;
	[tilespmem:$0x4040] =	vst v2  }
0xa6: {  	[tilespmem:$0x40C0] =	vst v1  }
0xa7: {  	[tilespmem:s22], [sflag:$0x1] =	stream.indirect.gather [hbm4b:s1+s24], $0x80, s25, s24, $0xb8;
	[tilespmem:$0x1C980] =	vst v63  }
0xa8: {  	s31 =	simm.s32 $0x200;
	_ =	swait.ge [sflag:s26], $0x2800  }
.LBB2_9:
0xa9: {  	p6 =	sne.s32 s31, $0xF800  }
0xaa: {  	[sflag:s26] =	ssyncset.done $0x0;
	s0 =	smov.u32 s31;
	s31 =	sadd.s32 $0x200, s31  }
0xab: {  	[sflag:s26] =	ssyncadd.s32 $0xFFFFD800  }
0xac: {  	[spmem:s2] =	stream.indirect.scatter.add.f32 [tilespmem:s22], [sflag:$0x2], $0x80, s28, s24, $0xb8;
	[tilespmem:$0x1C980] =	vst v63  }
0xad: {  	_ =	swait.ge [sflag:s23], $0x2800  }
0xae: {  	[sflag:s23] =	ssyncset.done $0x0  }
0xaf: {  	s0 =	sshra.s32 s0, $0x2;
	[sflag:s23] =	ssyncadd.s32 $0xFFFFD800  }
0xb0: {  	v1 =	vld [tilespmem:s0+$0x0];
	_ =	sdelay $0x4  }
0xb1: {  	v2 =	vshrl.u32 v1, $0xE;
	v1 =	vand.u32 $0x3FFF, v1  }
0xb2: {  	[tilespmem:$0x4000] =	vst v2  }
0xb3: {  	[tilespmem:$0x4080] =	vst v1  }
0xb4: {  	v1 =	vld [tilespmem:s0+$0x10];
	_ =	sdelay $0x4  }
0xb5: {  	v2 =	vshrl.u32 v1, $0xE;
	v1 =	vand.u32 $0x3FFF, v1  }
0xb6: {  	[tilespmem:$0x4010] =	vst v2  }
0xb7: {  	[tilespmem:$0x4090] =	vst v1  }
0xb8: {  	v1 =	vld [tilespmem:s0+$0x20];
	_ =	sdelay $0x4  }
0xb9: {  	v2 =	vshrl.u32 v1, $0xE;
	v1 =	vand.u32 $0x3FFF, v1  }
0xba: {  	[tilespmem:$0x4020] =	vst v2  }
0xbb: {  	[tilespmem:$0x40A0] =	vst v1  }
0xbc: {  	v1 =	vld [tilespmem:s0+$0x30];
	_ =	sdelay $0x4  }
0xbd: {  	v2 =	vshrl.u32 v1, $0xE;
	v1 =	vand.u32 $0x3FFF, v1  }
0xbe: {  	[tilespmem:$0x4030] =	vst v2  }
0xbf: {  	[tilespmem:$0x40B0] =	vst v1  }
0xc0: {  	v1 =	vld [tilespmem:s0+$0x40];
	_ =	sdelay $0x4  }
.Ltmp6:
0xc1: {  	v2 =	vshrl.u32 v1, $0xE;
	v1 =	vand.u32 $0x3FFF, v1;
	(pc) =	sbr.rel @p6 .LBB2_9-.Ltmp6, $4  }
0xc2: {  	[tilespmem:$0x4040] =	vst v2  }
0xc3: {  	[tilespmem:$0x40C0] =	vst v1  }
0xc4: {  	[tilespmem:s22], [sflag:$0x1] =	stream.indirect.gather [hbm4b:s1+s24], $0x80, s25, s24, $0xb8;
	[tilespmem:$0x1C980] =	vst v63  }
0xc5: {  	_ =	swait.ge [sflag:s26], $0x2800  }
0xc6: {  	[sflag:s26] =	ssyncset.done $0x0  }
0xc7: {  	[sflag:s26] =	ssyncadd.s32 $0xFFFFD800  }
0xc8: {  	[spmem:s2] =	stream.indirect.scatter.add.f32 [tilespmem:s22], [sflag:$0x2], $0x80, s28, s24, $0xb8;
	[tilespmem:$0x1C980] =	vst v63  }
0xc9: {  	_ =	swait.ge [sflag:s23], $0x2800  }
0xca: {  	[sflag:s23] =	ssyncset.done $0x0  }
0xcb: {  	[sflag:s23] =	ssyncadd.s32 $0xFFFFD800  }
.LBB2_11:
.Ltmp7:
0xcc: {  	(pc) =	sbr.rel @!p2 .LBB2_14-.Ltmp7, $2  }
0xcd: {  	_ =	sdelay $0x1  }
0xce: {  	[bflag:$0x0] =	sbarrier.arrive $0xFFFF;
	_ =	sdelay $0x1  }
0xcf: {  	s0 =	sshll.u32 s3, $0x6  }
.Ltmp8:
0xd0: {  	s10 =	sshrl.u32 s11, $0x3;
	s0 =	sor.u32 $0x1C02, s0;
	(pc) =	sbr.rel .LBB2_13-.Ltmp8, $4  }
0xd1: {  	[hbm:s12], [sflag:s0] =	dma.local [spmem:s10], $0x2700  }
0xd2: {  	_ =	swait.ge [sflag:s23], $0x2700  }
0xd3: {  	[sflag:s23] =	ssyncset.done $0x0  }
0xd4: {  	p6 =	por $0x0, $0x0;
	[sflag:s23] =	ssyncadd.s32 $0xFFFFD900  }
.LBB2_14:
0xd5: {  	s0 =	sld [smem:$0x7FD];
	_ =	sdelay $0x2  }
0xd6: {  	p3 =	seq.s32 s0, $0x1  }
.Ltmp9:
0xd7: {  	_ = 	snop;
	(pc) =	sbr.rel @p3 .LBB2_15-.Ltmp9, $2  }
0xd8: {  	_ =	sdelay $0x2  }
0xd9: {  	p6 =	por p1, p1  }
.LBB2_13:
0xda: {  	s0 =	sshll.u32 @p4 s3, $0x6  }
0xdb: {  	s10 =	sshrl.u32 @p4 s11, $0x3;
	s0 =	sor.u32 @p4 $0x1C02, s0  }
0xdc: {  	[hbm:s13], [sflag:s0] =	dma.local @p4 [spmem:s10], $0x2700  }
.Ltmp10:
0xdd: {  	_ = 	snop;
	(pc) =	sbr.rel .LBB2_16-.Ltmp10, $4  }
0xde: {  	s0 =	simm.s32 @p4 $0x2  }
0xdf: {  	_ =	swait.ge @p4 [sflag:s0], $0x2700  }
0xe0: {  	[sflag:s0] =	ssyncset.done @p4 $0x0  }
0xe1: {  	[sflag:s0] =	ssyncadd.s32 @p4 $0xFFFFD900  }
.LBB2_17:
0xe2: {  	_ =	sfence.sel $0x180000  }
0xe3: {  	[bflag:$0x0] =	sbarrier.arrive $0xFFFF  }
0xe4: {  	_ =	strace $0x90000050  }
0xe5: {  	[bflag:$0x2] =	sbarrier.arrive $0xFFFF  }
0xe6: {  	p0 =	sne.s32 s3, $0x0;
	s0 =	rddreg [dreg:$0x3]  }
0xe7: {  	s0 =	sadd.s32 @!p0 $0x100000, s0  }
0xe8: {  	[sflag:s0] =	ssyncadd.tile.s32 @!p0 $0x1;
	_ =	shalt  }
.Lfunc_end2:
_tile_overlayer_lowered:
.L_overlay_start_2:
0xe9: {  	(tag) =	ssettag $0x2  }
0xea: {  	s0 =	rddreg [dreg:$0x0];
	s2 =	stileid.u32  }
0xeb: {  	s1 =	rddreg [dreg:$0x1];
	p0 =	sne.s32 s2, $0x0  }
0xec: {  	s3 =	rddreg [dreg:$0x2];
	[bflag:$0x3] =	sbarrier.arrive $0xFFFF;
	s2 =	simm.s32 @!p0 $0x1C02  }
0xed: {  	[timem:s3], [sflag:s2] =	dma.local @!p0 [hbm:s0], s1  }
0xee: {  	s0 =	simm.s32 @!p0 $0x2  }
0xef: {  	_ =	swait.ge @!p0 [sflag:s0], s1  }
0xf0: {  	s1 =	ssub.s32 @!p0 $0x0, s1;
	[sflag:s0] =	ssyncset.done @!p0 $0x0  }
0xf1: {  	[sflag:s0] =	ssyncadd.s32 @!p0 s1  }
0xf2: {  	[bflag:$0x3] =	sbarrier.arrive $0xFFFF  }
0xf3: {  	_ =	shalt  }

// kernel: kernel.28.cloned.1.call-start
scs
__scs_entry_jumppad:
0x0: {  	(pc) =	sbr.rel $0x88, $3  }
0x1: {  	(tag) =	ssettag $0x0;
	lr =	simm.s32 $0x1  }
0x2: {  	[smem:$0x3F9A] =	sst lr;
	_ =	strace $0xD0000000  }
0x3: {  	_ = 	snop  }
0x4: {  	_ = 	snop  }
0x5: {  	_ = 	snop  }
0x6: {  	_ = 	snop  }
0x7: {  	_ = 	snop  }
__scs_overlays_trampoline_lowered:
0x8: {  	[smem:$0x3FA9] =	sst s0  }
0x9: {  	[smem:$0x3FAA] =	sst s1  }
0xa: {  	[smem:$0x3FAB] =	sst s2  }
0xb: {  	[smem:$0x3FAC] =	sst s3  }
0xc: {  	[smem:$0x3FAD] =	sst s4  }
0xd: {  	[smem:$0x3FAE] =	sst s5  }
0xe: {  	[smem:$0x3FAF] =	sst s6  }
0xf: {  	[smem:$0x3FB0] =	sst s7  }
0x10: {  	[smem:$0x3FB1] =	sst s8  }
0x11: {  	[smem:$0x3FB2] =	sst s9;
	s0 =	simm.s32 @!p0 $0x0  }
0x12: {  	s1 =	sld [smem:$0x3F98];
	s0 =	simm.s32 @p0 $0x1  }
0x13: {  	[smem:$0x3FB3] =	sst s0;
	s0 =	simm.s32 @!p1 $0x0  }
0x14: {  	s2 =	sld [smem:$0x3F97];
	s0 =	simm.s32 @p1 $0x1  }
0x15: {  	[smem:$0x3FB4] =	sst s0;
	s0 =	simm.s32 @!p2 $0x0  }
0x16: {  	s3 =	sld [smem:$0x3FDB];
	s0 =	simm.s32 @p2 $0x1  }
0x17: {  	s4 =	simm.s32 $0x1BF5;
	[smem:$0x3FB6] =	sst s0  }
0x18: {  	s0 =	sld [smem:$0x3F99];
	_ =	swait.ge [sflag:s4], $0x0  }
0x19: {  	s7 =	sld [smem:$0x3F9A]  }
0x1a: {  	s8 =	sadd.s32 $0xFFFFE003, lr  }
0x1b: {  	s9 =	sadd.s32 $0xFFFFFEF7, lr;
	s5 =	simm.s32 $0xFFFFFFFF;
	p2 =	slt.u32 s8, $0xFFFFF086  }
0x1c: {  	p1 =	slt.u32 s9, $0xF7A;
	s5 =	simm.s32 @!p2 $0x0  }
0x1d: {  	s5 =	simm.s32 @p1 $0x1;
	p0 =	seq.s32 s7, s2  }
0x1e: {  	s7 =	smul.u32 @!p0 $0xF7A, s2;
	p2 =	seq.s32 @!p0 s5, $0x0  }
0x1f: {  	s9 =	smul.u32 $0xF7A, s1;
	s8 =	simm.s32 @!p0 $0x1BF5;
	p2 =	por !p2, p0  }
0x20: {  	[sflag:s8] =	ssyncset.s32 @!p0 $0xFFFFF086;
	s6 =	sadd.s32 @!p0 s3, s7;
	s7 =	simm.s32 @!p0 $0x108  }
0x21: {  	s3 =	sadd.s32 s3, s9;
	s6 =	sadd.s32 @!p0 $0x88, s6;
	s7 =	simm.s32 @p2 $0x1082  }
0x22: {  	[simem:s7], [sflag:s8] =	dma.local @!p0 [hbm:s6], $0xF7A  }
0x23: {  	s9 =	sor.u32 $0xD0000000, s2;
	s6 =	simm.s32 $0x108;
	_ =	swait.ge @!p0 [sflag:s8], $0x0  }
0x24: {  	s3 =	sadd.s32 $0x88, s3;
	s6 =	simm.s32 @!p1 $0x1082;
	[sflag:s4] =	ssyncset.s32 $0xFFFFF086  }
0x25: {  	[simem:s6], [sflag:s4] =	dma.local [hbm:s3], $0xF7A  }
0x26: {  	[smem:$0x3F9A] =	sst s1;
	(tag) =	ssettag s2;
	_ =	strace s9  }
0x27: {  	s1 =	sld [smem:$0x3FAA]  }
0x28: {  	s2 =	sld [smem:$0x3FAB]  }
0x29: {  	s4 =	sld [smem:$0x3FAD]  }
0x2a: {  	p0 =	seq.s32 s5, $0x0;
	s5 =	sld [smem:$0x3FAE]  }
0x2b: {  	s6 =	sld [smem:$0x3FAF]  }
0x2c: {  	s7 =	sld [smem:$0x3FB0]  }
0x2d: {  	s3 =	simm.s32 $0x108;
	s8 =	sld [smem:$0x3FB1]  }
0x2e: {  	s3 =	simm.s32 @!p0 $0x1082;
	s9 =	sld [smem:$0x3FB2]  }
0x2f: {  	lr =	sadd.s32 s0, s3;
	s0 =	sld [smem:$0x3FA9]  }
0x30: {  	s3 =	sld [smem:$0x3FAC]  }
0x31: {  	[smem:$0x3FB5] =	sst s10  }
0x32: {  	s10 =	sld [smem:$0x3FB3];
	_ =	sdelay $0x3  }
0x33: {  	p0 =	seq.s32 s10, $0x1;
	s10 =	sld [smem:$0x3FB5];
	_ =	sdelay $0x3  }
0x34: {  	[smem:$0x3FB5] =	sst s10  }
0x35: {  	s10 =	sld [smem:$0x3FB4];
	_ =	sdelay $0x3  }
0x36: {  	p1 =	seq.s32 s10, $0x1;
	s10 =	sld [smem:$0x3FB5];
	_ =	sdelay $0x3  }
0x37: {  	[smem:$0x3FB5] =	sst s10  }
0x38: {  	s10 =	sld [smem:$0x3FB6]  }
0x39: {  	_ = 	snop;
	(pc) =	sbr.ind lr, $3  }
0x3a: {  	_ = 	snop  }
0x3b: {  	_ = 	snop  }
0x3c: {  	p2 =	seq.s32 s10, $0x1;
	s10 =	sld [smem:$0x3FB5]  }
0x3d: {  	_ =	shalt  }
0x3e: {  	_ =	shalt  }
0x3f: {  	_ =	shalt  }
0x40: {  	_ =	shalt  }
0x41: {  	_ =	shalt  }
0x42: {  	_ =	shalt  }
0x43: {  	_ =	shalt  }
0x44: {  	_ =	shalt  }
0x45: {  	_ =	shalt  }
0x46: {  	_ =	shalt  }
0x47: {  	_ =	shalt  }
0x48: {  	_ =	shalt  }
0x49: {  	_ =	shalt  }
0x4a: {  	_ =	shalt  }
0x4b: {  	_ =	shalt  }
0x4c: {  	_ =	shalt  }
0x4d: {  	_ =	shalt  }
0x4e: {  	_ =	shalt  }
0x4f: {  	_ =	shalt  }
0x50: {  	_ =	shalt  }
0x51: {  	_ =	shalt  }
0x52: {  	_ =	shalt  }
0x53: {  	_ =	shalt  }
0x54: {  	_ =	shalt  }
0x55: {  	_ =	shalt  }
0x56: {  	_ =	shalt  }
0x57: {  	_ =	shalt  }
0x58: {  	_ =	shalt  }
0x59: {  	_ =	shalt  }
0x5a: {  	_ =	shalt  }
0x5b: {  	_ =	shalt  }
0x5c: {  	_ =	shalt  }
0x5d: {  	_ =	shalt  }
0x5e: {  	_ =	shalt  }
0x5f: {  	_ =	shalt  }
0x60: {  	_ =	shalt  }
0x61: {  	_ =	shalt  }
0x62: {  	_ =	shalt  }
0x63: {  	_ =	shalt  }
0x64: {  	_ =	shalt  }
0x65: {  	_ =	shalt  }
0x66: {  	_ =	shalt  }
0x67: {  	_ =	shalt  }
0x68: {  	_ =	shalt  }
0x69: {  	_ =	shalt  }
0x6a: {  	_ =	shalt  }
0x6b: {  	_ =	shalt  }
0x6c: {  	_ =	shalt  }
0x6d: {  	_ =	shalt  }
0x6e: {  	_ =	shalt  }
0x6f: {  	_ =	shalt  }
0x70: {  	_ =	shalt  }
0x71: {  	_ =	shalt  }
0x72: {  	_ =	shalt  }
0x73: {  	_ =	shalt  }
0x74: {  	_ =	shalt  }
0x75: {  	_ =	shalt  }
0x76: {  	_ =	shalt  }
0x77: {  	_ =	shalt  }
0x78: {  	_ =	shalt  }
0x79: {  	_ =	shalt  }
0x7a: {  	_ =	shalt  }
0x7b: {  	_ =	shalt  }
0x7c: {  	_ =	shalt  }
0x7d: {  	_ =	shalt  }
0x7e: {  	_ =	shalt  }
0x7f: {  	_ =	shalt  }
0x80: {  	_ =	shalt  }
0x81: {  	_ =	shalt  }
0x82: {  	_ =	shalt  }
0x83: {  	_ =	shalt  }
0x84: {  	_ =	shalt  }
0x85: {  	_ =	shalt  }
0x86: {  	_ =	shalt  }
0x87: {  	_ =	shalt  }
.Lfunc_end0:
.L_simem_size_0:
called_computation.4_lowered:
.L_overlay_start_0:
0x88: {  	s2 =	sld [smem:$0x3FD9]  }
0x89: {  	s3 =	sld [smem:$0x3FFE];
	_ =	sdelay $0x1  }
0x8a: {  	s1 =	srdreg.scid  }
0x8b: {  	s0 =	sand.u32 $0x1, s1  }
0x8c: {  	s17 =	sshll.u32 s0, $0xA;
	s2 =	sadd.s32 s3, s2  }
0x8d: {  	s2 =	sadd.s32 s2, s17  }
0x8e: {  	[smem:$0x3FC1] =	sst s2  }
0x8f: {  	_ = 	snop  }
0x90: {  	s2 =	sld [smem:$0x3FD0];
	(tm) =	ssettm $0x1  }
0x91: {  	s18 =	sld [smem:$0x3FFB];
	_ =	sdelay $0x3  }
0x92: {  	_ =	strace s18  }
0x93: {  	s3 =	sld [smem:$0x3FFC];
	_ =	sdelay $0x3  }
0x94: {  	_ =	strace s3  }
0x95: {  	s3 =	sld [smem:$0x3FFD];
	_ =	sdelay $0x3  }
0x96: {  	_ =	strace s3  }
0x97: {  	_ =	strace $0x8FFFFFFF  }
0x98: {  	s19 =	sld [smem:$0x3FDB];
	_ =	sdelay $0x1  }
0x99: {  	s4 =	simm.s32 $_scs_section_size  }
0x9a: {  	s5 =	simm.s32 $_size__tile_overlayer_lowered;
	s6 =	simm.s32 $_tile_overlayer_lowered  }
0x9b: {  	s22 =	simm.s32 $0x1BFF;
	s21 =	sshll.u32 s6, $0x1;
	s3 =	sadd.s32 s4, s19  }
0x9c: {  	s7 =	simm.s32 $0x0;
	s20 =	sshll.u32 s5, $0x1;
	s5 =	sadd.s32 s21, s3  }
0x9d: {  	[timem:s7], [sflag:s22] =	dma.local [hbm:s5], s20  }
0x9e: {  	_ =	swait.ge [sflag:s22], s20  }
0x9f: {  	s4 =	ssub.s32 $0x0, s20;
	[sflag:s22] =	ssyncset.done $0x0  }
0xa0: {  	[sflag:s22] =	ssyncadd.s32 s4;
	_ =	sdelay $0x1  }
0xa1: {  	s23 =	simm.s32 $0x1B8B  }
0xa2: {  	_ =	swait.ge [sflag:s23], $0x1  }
0xa3: {  	[sflag:s23] =	ssyncset.done $0x0  }
0xa4: {  	s25 =	simm.s32 $0x1B8E;
	s24 =	sld [smem:$0x3FFE];
	[sflag:s23] =	ssyncadd.s32 $0xFFFFFFFF  }
0xa5: {  	s26 =	simm.s32 $execute0_lowered;
	[smem:$0x3FD2] =	sst s25  }
0xa6: {  	s5 =	sshll.u32 s26, $0x1;
	_ =	strace $0x80000052;
	[dreg:$0x1] =	wrdreg $0xFFFFFFFF  }
0xa7: {  	s28 =	simm.s32 $_size_execute0_lowered;
	s3 =	sadd.s32 s3, s5;
	[dreg:$0x0] =	wrdreg $0x0  }
0xa8: {  	s5 =	sshll.u32 s28, $0x1;
	[dreg:$0x2] =	wrdreg s3  }
0xa9: {  	[dreg:$0x3] =	wrdreg s5  }
0xaa: {  	[dreg:$0x4] =	wrdreg $0xC0  }
0xab: {  	_ =	task [dreg:s7], $0x5FFFF  }
0xac: {  	[dreg:$0x1] =	wrdreg $0xFFFFFFFF  }
0xad: {  	[dreg:$0x0] =	wrdreg $0x60  }
0xae: {  	[dreg:$0x2] =	wrdreg s24  }
0xaf: {  	[dreg:$0x3] =	wrdreg s2  }
0xb0: {  	[dreg:$0x4] =	wrdreg $0x91000  }
0xb1: {  	[dreg:$0x5] =	wrdreg $0x9  }
0xb2: {  	_ =	task.clear_ibuf [dreg:s7], $0x6FFFF;
	_ =	strace $0x90000052  }
0xb3: {  	s29 =	simm.s32 $0x9;
	_ =	strace $0x80000054  }
0xb4: {  	_ =	swait.ge [sflag:s29], $0x1  }
0xb5: {  	[sflag:s29] =	ssyncadd.s32 $0xFFFFFFFF  }
0xb6: {  	_ =	strace $0x90000054  }
0xb7: {  	_ =	sfence  }
0xb8: {  	s30 =	sld [smem:$0x0];
	_ =	sdelay $0x2  }
0xb9: {  	s31 =	sshll.u32 s1, $0xD;
	s1 =	sshrl.u32 s1, $0x2  }
0xba: {  	s3 =	sand.u32 $0x4000, s31;
	s1 =	sadd.s32 s1, s30  }
0xbb: {  	s0 =	sor.u32 s3, s0;
	s1 =	sshll.u32 s1, $0x11  }
0xbc: {  	s0 =	sor.u32 s1, s0  }
0xbd: {  	s0 =	sadd.s32 $0x8F2B, s0  }
0xbe: {  	[sflag:s0] =	ssyncadd.remote.s32 $0x1  }
0xbf: {  	_ =	sfence.sel $0xFFFF  }
0xc0: {  	[dreg:$0x0] =	wrdreg $0xFFFFFFFF;
	(pc) =	sbr.abs _section_cstart, $3  }
0xc1: {  	[dreg:$0x1] =	wrdreg $0xFFFFFFFF  }
0xc2: {  	_ =	task.clear_ibuf [dreg:s7], $0x2FFFF;
	_ =	strace $0x9FFFFFFF  }
0xc3: {  	(tm) =	ssettm $0x7FFFFFFF  }
tec
execute0_lowered:
.L_overlay_start_1:
0x0: {  	(tag) =	ssettag $0x1  }
0x1: {  	s0 =	rddreg [dreg:$0x0]  }
0x2: {  	s1 =	rddreg [dreg:$0x1]  }
0x3: {  	s2 =	rddreg [dreg:$0x2]  }
0x4: {  	s4 =	simm.s32 $0x0;
	s3 =	stileid.u32;
	s6 =	srdreg.scid  }
0x5: {  	s23 =	simm.s32 $0x2;
	s24 =	simm.s32 $0x50;
	s25 =	simm.s32 $0x4000  }
0x6: {  	s28 =	simm.s32 $0x4080;
	s30 =	simm.s32 $0x0;
	[smem:$0x7FF] =	sst s4  }
0x7: {  	s5 =	sadd.s32 $0x47400, s0;
	s22 =	sand.u32 $0x1, s6;
	s26 =	smul.u32 $0x4E200, s3  }
0x8: {  	s7 =	sshll.u32 s3, $0xB;
	s8 =	smul.u32 $0x2700, s3;
	p4 =	sne.s32 s3, $0xF  }
0x9: {  	p1 =	seq.s32 s3, $0xF;
	s11 =	smul.u32 $0x4E000, s3;
	s31 =	sadd.s32 $0x2BD00, s0  }
0xa: {  	s14 =	sadd.s32 $0x92F00, s0;
	_ =	strace $0x80000053;
	s9 =	ssub.s32 $0x2, s22  }
0xb: {  	s10 =	sadd.s32 s7, s0;
	p2 =	seq.s32 s22, $0x0;
	p0 =	seq.s32 s22, $0x1  }
0xc: {  	[dreg:$0x4] =	wrdreg s31;
	s29 =	sshrl.u32 s9, $0x1;
	s6 =	sshrl.u32 s26, $0x2  }
0xd: {  	s13 =	sadd.s32 s8, s0;
	s8 =	sadd.s32 $0x3F400, s10;
	p3 =	por !p2, !p4  }
0xe: {  	p5 =	por !p2, !p1;
	s11 =	sshrl.u32 s11, $0x2;
	p4 =	por !p4, !p0  }
0xf: {  	s26 =	simm.s32 $0x1;
	s15 =	ssub.s32 s9, s29;
	s6 =	sadd.s32 s6, s2  }
0x10: {  	p2 =	por !p3, !p3;
	p3 =	por !p5, !p5;
	s11 =	sadd.s32 s11, s2  }
0x11: {  	s12 =	sadd.s32 $0x7400, s13;
	p4 =	por !p4, !p4;
	s13 =	sadd.s32 $0x6E600, s13  }
.Ltmp0:
0x12: {  	p5 =	sne.s32 s22, $0x0;
	s22 =	simm.s32 $0x4100;
	(pc) =	sbr.rel .LBB2_1-.Ltmp0, $4  }
0x13: {  	s7 =	sadd.s32 $0x11800, s6;
	s9 =	simm.s32 @!p3 $0x0;
	s15 =	smax.u32 s15, $0x1  }
0x14: {  	s16 =	sadd.s32 $0x2800, s6;
	s17 =	sadd.s32 $0x5000, s6;
	s18 =	sadd.s32 $0x7800, s6  }
0x15: {  	s19 =	sadd.s32 $0xA000, s6;
	s20 =	sadd.s32 $0xC800, s6;
	s9 =	simm.s32 @p3 $0x1  }
0x16: {  	v0 =	vimm.f32 $0.0e+00;
	s21 =	sadd.s32 $0xF000, s6;
	[smem:$0x7FD] =	sst s9;
	s9 =	sadd.s32 $0x124800, s2  }
.LBB2_15:
0x17: {  	s0 =	sshrl.u32 s9, $0x3;
	s10 =	rddreg [dreg:$0x4];
	s29 =	simm.s32 $0x1FC2  }
0x18: {  	[hbm:s10], [sflag:s29] =	dma.local [spmem:s0], $0x2800  }
0x19: {  	_ =	swait.ge [sflag:s23], $0x2800  }
0x1a: {  	[sflag:s23] =	ssyncset.done $0x0  }
0x1b: {  	p6 =	por $0x1, $0x1;
	[sflag:s23] =	ssyncadd.s32 $0xFFFFD800  }
.LBB2_16:
0x1c: {  	p6 =	por !p6, !p0  }
0x1d: {  	p6 =	por !p6, !p6  }
0x1e: {  	s30 =	sadd.s32 $0x1, s30;
	s0 =	sshll.u32 @p6 s3, $0x6  }
0x1f: {  	p3 =	sne.s32 s30, s15;
	s10 =	sshrl.u32 @p6 s9, $0x3;
	s0 =	sor.u32 @p6 $0x1C02, s0  }
0x20: {  	[hbm:s14], [sflag:s0] =	dma.local @p6 [spmem:s10], $0x2800  }
.Ltmp1:
0x21: {  	_ = 	snop;
	(pc) =	sbr.rel @!p3 .LBB2_17-.Ltmp1, $4  }
0x22: {  	s0 =	simm.s32 @p6 $0x2  }
0x23: {  	_ =	swait.ge @p6 [sflag:s0], $0x2800  }
0x24: {  	[sflag:s0] =	ssyncset.done @p6 $0x0  }
0x25: {  	[sflag:s0] =	ssyncadd.s32 @p6 $0xFFFFD800  }
.LBB2_1:
0x26: {  	s0 =	sand.u32 $0xFE00, s4  }
0x27: {  	s29 =	sand.u32 $0x70, s4;
	s0 =	sshrl.u32 s0, $0x2  }
0x28: {  	s31 =	simm.s32 $0x40;
	s29 =	sor.u32 s29, s0;
	s0 =	simm.s32 $0x0  }
.LBB2_2:
0x29: {  	p6 =	sne.s32 s31, $0x9FC0  }
0x2a: {  	[tilespmem:s29+$0x4100] =	vst v0;
	s0 =	sadd.s32 $0x10, s0;
	s29 =	smov.u32 s31;
	s31 =	sadd.s32 $0x40, s31  }
.Ltmp2:
0x2b: {  	(pc) =	sbr.rel @p6 .LBB2_2-.Ltmp2, $4  }
0x2c: {  	_ = 	snop  }
0x2d: {  	s29 =	sand.u32 $0xFE00, s29  }
0x2e: {  	s10 =	sand.u32 $0x70, s0;
	s29 =	sshrl.u32 s29, $0x2  }
0x2f: {  	s29 =	sor.u32 s10, s29  }
0x30: {  	[tilespmem:s29+$0x4100] =	vst v0  }
0x31: {  	[spmem:s6] =	stream.linear.scatter [tilespmem:s22], [sflag:$0x2], $0x2800, $0x38;
	[tilespmem:$0x1C980] =	vst v63  }
0x32: {  	_ =	swait.ge [sflag:s23], $0x2800  }
0x33: {  	[sflag:s23] =	ssyncset.done $0x0  }
0x34: {  	[sflag:s23] =	ssyncadd.s32 $0xFFFFD800  }
0x35: {  	[spmem:s16] =	stream.linear.scatter [tilespmem:s22], [sflag:$0x2], $0x2800, $0x38;
	[tilespmem:$0x1C980] =	vst v63  }
0x36: {  	_ =	swait.ge [sflag:s23], $0x2800  }
0x37: {  	[sflag:s23] =	ssyncset.done $0x0  }
0x38: {  	[sflag:s23] =	ssyncadd.s32 $0xFFFFD800  }
0x39: {  	[spmem:s17] =	stream.linear.scatter [tilespmem:s22], [sflag:$0x2], $0x2800, $0x38;
	[tilespmem:$0x1C980] =	vst v63  }
0x3a: {  	_ =	swait.ge [sflag:s23], $0x2800  }
0x3b: {  	[sflag:s23] =	ssyncset.done $0x0  }
0x3c: {  	[sflag:s23] =	ssyncadd.s32 $0xFFFFD800  }
0x3d: {  	[spmem:s18] =	stream.linear.scatter [tilespmem:s22], [sflag:$0x2], $0x2800, $0x38;
	[tilespmem:$0x1C980] =	vst v63  }
0x3e: {  	_ =	swait.ge [sflag:s23], $0x2800  }
0x3f: {  	[sflag:s23] =	ssyncset.done $0x0  }
0x40: {  	[sflag:s23] =	ssyncadd.s32 $0xFFFFD800  }
0x41: {  	[spmem:s19] =	stream.linear.scatter [tilespmem:s22], [sflag:$0x2], $0x2800, $0x38;
	[tilespmem:$0x1C980] =	vst v63  }
0x42: {  	_ =	swait.ge [sflag:s23], $0x2800  }
0x43: {  	[sflag:s23] =	ssyncset.done $0x0  }
0x44: {  	[sflag:s23] =	ssyncadd.s32 $0xFFFFD800  }
0x45: {  	[spmem:s20] =	stream.linear.scatter [tilespmem:s22], [sflag:$0x2], $0x2800, $0x38;
	[tilespmem:$0x1C980] =	vst v63  }
0x46: {  	_ =	swait.ge [sflag:s23], $0x2800  }
0x47: {  	[sflag:s23] =	ssyncset.done $0x0  }
0x48: {  	[sflag:s23] =	ssyncadd.s32 $0xFFFFD800  }
0x49: {  	[spmem:s21] =	stream.linear.scatter [tilespmem:s22], [sflag:$0x2], $0x2800, $0x38;
	[tilespmem:$0x1C980] =	vst v63  }
0x4a: {  	_ =	swait.ge [sflag:s23], $0x2800  }
0x4b: {  	[sflag:s23] =	ssyncset.done $0x0  }
0x4c: {  	[sflag:s23] =	ssyncadd.s32 $0xFFFFD800  }
0x4d: {  	[spmem:s7] =	stream.linear.scatter [tilespmem:s22], [sflag:$0x2], $0x2080, $0x38;
	[tilespmem:$0x1C980] =	vst v63  }
0x4e: {  	_ =	swait.ge [sflag:s23], $0x2080  }
0x4f: {  	[sflag:s23] =	ssyncset.done $0x0  }
0x50: {  	s0 =	simm.s32 $0x0;
	[sflag:s23] =	ssyncadd.s32 $0xFFFFDF80  }
0x51: {  	[tilespmem:s0], [sflag:$0x2] =	stream.linear.gather [hbm4b:s8+s0], $0x3E80, $0x38;
	[tilespmem:$0x1C980] =	vst v63  }
.Ltmp3:
0x52: {  	_ =	swait.ge [sflag:s23], $0x3E80;
	(pc) =	sbr.rel @p5 .LBB2_7-.Ltmp3, $3  }
0x53: {  	[sflag:s23] =	ssyncset.done $0x0  }
0x54: {  	[sflag:s23] =	ssyncadd.s32 $0xFFFFC180  }
0x55: {  	[bflag:$0x0] =	sbarrier.arrive $0xFFFF;
	_ =	sdelay $0x1  }
0x56: {  	s0 =	simm.s32 $0x0  }
0x57: {  	v1 =	vld [tilespmem:s0+$0x0];
	_ =	sdelay $0x4  }
0x58: {  	v2 =	vshrl.u32 v1, $0xE  }
0x59: {  	v1 =	vand.u32 $0x3FFF, v1;
	[tilespmem:$0x4000] =	vst v2  }
0x5a: {  	[tilespmem:$0x4080] =	vst v1  }
0x5b: {  	v1 =	vld [tilespmem:s0+$0x10];
	_ =	sdelay $0x4  }
0x5c: {  	v2 =	vshrl.u32 v1, $0xE  }
0x5d: {  	v1 =	vand.u32 $0x3FFF, v1;
	[tilespmem:$0x4010] =	vst v2  }
0x5e: {  	[tilespmem:$0x4090] =	vst v1  }
0x5f: {  	v1 =	vld [tilespmem:s0+$0x20];
	_ =	sdelay $0x4  }
0x60: {  	v2 =	vshrl.u32 v1, $0xE  }
0x61: {  	v1 =	vand.u32 $0x3FFF, v1;
	[tilespmem:$0x4020] =	vst v2  }
0x62: {  	[tilespmem:$0x40A0] =	vst v1  }
0x63: {  	v1 =	vld [tilespmem:s0+$0x30];
	_ =	sdelay $0x4  }
0x64: {  	v2 =	vshrl.u32 v1, $0xE  }
0x65: {  	v1 =	vand.u32 $0x3FFF, v1;
	[tilespmem:$0x4030] =	vst v2  }
0x66: {  	[tilespmem:$0x40B0] =	vst v1  }
0x67: {  	v1 =	vld [tilespmem:s0+$0x40];
	_ =	sdelay $0x4  }
0x68: {  	v2 =	vshrl.u32 v1, $0xE  }
0x69: {  	v1 =	vand.u32 $0x3FFF, v1;
	[tilespmem:$0x4040] =	vst v2  }
0x6a: {  	[tilespmem:$0x40C0] =	vst v1  }
0x6b: {  	[tilespmem:s22], [sflag:$0x1] =	stream.indirect.gather [hbm4b:s5+s24], $0x80, s25, s24, $0xb8;
	[tilespmem:$0x1C980] =	vst v63  }
0x6c: {  	s31 =	simm.s32 $0x200;
	_ =	swait.ge [sflag:s26], $0x2800  }
.LBB2_5:
0x6d: {  	p6 =	sne.s32 s31, $0xF800  }
0x6e: {  	[sflag:s26] =	ssyncset.done $0x0;
	s0 =	smov.u32 s31;
	s31 =	sadd.s32 $0x200, s31  }
0x6f: {  	[sflag:s26] =	ssyncadd.s32 $0xFFFFD800  }
0x70: {  	[spmem:s2] =	stream.indirect.scatter.add.f32 [tilespmem:s22], [sflag:$0x2], $0x80, s28, s24, $0xb8;
	[tilespmem:$0x1C980] =	vst v63  }
0x71: {  	_ =	swait.ge [sflag:s23], $0x2800  }
0x72: {  	[sflag:s23] =	ssyncset.done $0x0  }
0x73: {  	s0 =	sshra.s32 s0, $0x2;
	[sflag:s23] =	ssyncadd.s32 $0xFFFFD800  }
0x74: {  	v1 =	vld [tilespmem:s0+$0x0];
	_ =	sdelay $0x4  }
0x75: {  	v2 =	vshrl.u32 v1, $0xE;
	v1 =	vand.u32 $0x3FFF, v1  }
0x76: {  	[tilespmem:$0x4000] =	vst v2  }
0x77: {  	[tilespmem:$0x4080] =	vst v1  }
0x78: {  	v1 =	vld [tilespmem:s0+$0x10];
	_ =	sdelay $0x4  }
0x79: {  	v2 =	vshrl.u32 v1, $0xE;
	v1 =	vand.u32 $0x3FFF, v1  }
0x7a: {  	[tilespmem:$0x4010] =	vst v2  }
0x7b: {  	[tilespmem:$0x4090] =	vst v1  }
0x7c: {  	v1 =	vld [tilespmem:s0+$0x20];
	_ =	sdelay $0x4  }
0x7d: {  	v2 =	vshrl.u32 v1, $0xE;
	v1 =	vand.u32 $0x3FFF, v1  }
0x7e: {  	[tilespmem:$0x4020] =	vst v2  }
0x7f: {  	[tilespmem:$0x40A0] =	vst v1  }
0x80: {  	v1 =	vld [tilespmem:s0+$0x30];
	_ =	sdelay $0x4  }
0x81: {  	v2 =	vshrl.u32 v1, $0xE;
	v1 =	vand.u32 $0x3FFF, v1  }
0x82: {  	[tilespmem:$0x4030] =	vst v2  }
0x83: {  	[tilespmem:$0x40B0] =	vst v1  }
0x84: {  	v1 =	vld [tilespmem:s0+$0x40];
	_ =	sdelay $0x4  }
.Ltmp4:
0x85: {  	v2 =	vshrl.u32 v1, $0xE;
	v1 =	vand.u32 $0x3FFF, v1;
	(pc) =	sbr.rel @p6 .LBB2_5-.Ltmp4, $4  }
0x86: {  	[tilespmem:$0x4040] =	vst v2  }
0x87: {  	[tilespmem:$0x40C0] =	vst v1  }
0x88: {  	[tilespmem:s22], [sflag:$0x1] =	stream.indirect.gather [hbm4b:s5+s24], $0x80, s25, s24, $0xb8;
	[tilespmem:$0x1C980] =	vst v63  }
0x89: {  	_ =	swait.ge [sflag:s26], $0x2800  }
0x8a: {  	[sflag:s26] =	ssyncset.done $0x0  }
0x8b: {  	[sflag:s26] =	ssyncadd.s32 $0xFFFFD800  }
0x8c: {  	[spmem:s2] =	stream.indirect.scatter.add.f32 [tilespmem:s22], [sflag:$0x2], $0x80, s28, s24, $0xb8;
	[tilespmem:$0x1C980] =	vst v63  }
0x8d: {  	_ =	swait.ge [sflag:s23], $0x2800  }
0x8e: {  	[sflag:s23] =	ssyncset.done $0x0  }
0x8f: {  	[sflag:s23] =	ssyncadd.s32 $0xFFFFD800  }
.LBB2_7:
.Ltmp5:
0x90: {  	(pc) =	sbr.rel @!p0 .LBB2_11-.Ltmp5, $1  }
0x91: {  	_ =	sdelay $0x3  }
0x92: {  	s0 =	simm.s32 $0x0  }
0x93: {  	v1 =	vld [tilespmem:s0+$0x0];
	_ =	sdelay $0x4  }
0x94: {  	v2 =	vshrl.u32 v1, $0xE  }
0x95: {  	v1 =	vand.u32 $0x3FFF, v1;
	[tilespmem:$0x4000] =	vst v2  }
0x96: {  	[tilespmem:$0x4080] =	vst v1  }
0x97: {  	v1 =	vld [tilespmem:s0+$0x10];
	_ =	sdelay $0x4  }
0x98: {  	v2 =	vshrl.u32 v1, $0xE  }
0x99: {  	v1 =	vand.u32 $0x3FFF, v1;
	[tilespmem:$0x4010] =	vst v2  }
0x9a: {  	[tilespmem:$0x4090] =	vst v1  }
0x9b: {  	v1 =	vld [tilespmem:s0+$0x20];
	_ =	sdelay $0x4  }
0x9c: {  	v2 =	vshrl.u32 v1, $0xE  }
0x9d: {  	v1 =	vand.u32 $0x3FFF, v1;
	[tilespmem:$0x4020] =	vst v2  }
0x9e: {  	[tilespmem:$0x40A0] =	vst v1  }
0x9f: {  	v1 =	vld [tilespmem:s0+$0x30];
	_ =	sdelay $0x4  }
0xa0: {  	v2 =	vshrl.u32 v1, $0xE  }
0xa1: {  	v1 =	vand.u32 $0x3FFF, v1;
	[tilespmem:$0x4030] =	vst v2  }
0xa2: {  	[tilespmem:$0x40B0] =	vst v1  }
0xa3: {  	v1 =	vld [tilespmem:s0+$0x40];
	_ =	sdelay $0x4  }
0xa4: {  	v2 =	vshrl.u32 v1, $0xE  }
0xa5: {  	v1 =	vand.u32 $0x3FFF, v1;
	[tilespmem:$0x4040] =	vst v2  }
0xa6: {  	[tilespmem:$0x40C0] =	vst v1  }
0xa7: {  	[tilespmem:s22], [sflag:$0x1] =	stream.indirect.gather [hbm4b:s1+s24], $0x80, s25, s24, $0xb8;
	[tilespmem:$0x1C980] =	vst v63  }
0xa8: {  	s31 =	simm.s32 $0x200;
	_ =	swait.ge [sflag:s26], $0x2800  }
.LBB2_9:
0xa9: {  	p6 =	sne.s32 s31, $0xF800  }
0xaa: {  	[sflag:s26] =	ssyncset.done $0x0;
	s0 =	smov.u32 s31;
	s31 =	sadd.s32 $0x200, s31  }
0xab: {  	[sflag:s26] =	ssyncadd.s32 $0xFFFFD800  }
0xac: {  	[spmem:s2] =	stream.indirect.scatter.add.f32 [tilespmem:s22], [sflag:$0x2], $0x80, s28, s24, $0xb8;
	[tilespmem:$0x1C980] =	vst v63  }
0xad: {  	_ =	swait.ge [sflag:s23], $0x2800  }
0xae: {  	[sflag:s23] =	ssyncset.done $0x0  }
0xaf: {  	s0 =	sshra.s32 s0, $0x2;
	[sflag:s23] =	ssyncadd.s32 $0xFFFFD800  }
0xb0: {  	v1 =	vld [tilespmem:s0+$0x0];
	_ =	sdelay $0x4  }
0xb1: {  	v2 =	vshrl.u32 v1, $0xE;
	v1 =	vand.u32 $0x3FFF, v1  }
0xb2: {  	[tilespmem:$0x4000] =	vst v2  }
0xb3: {  	[tilespmem:$0x4080] =	vst v1  }
0xb4: {  	v1 =	vld [tilespmem:s0+$0x10];
	_ =	sdelay $0x4  }
0xb5: {  	v2 =	vshrl.u32 v1, $0xE;
	v1 =	vand.u32 $0x3FFF, v1  }
0xb6: {  	[tilespmem:$0x4010] =	vst v2  }
0xb7: {  	[tilespmem:$0x4090] =	vst v1  }
0xb8: {  	v1 =	vld [tilespmem:s0+$0x20];
	_ =	sdelay $0x4  }
0xb9: {  	v2 =	vshrl.u32 v1, $0xE;
	v1 =	vand.u32 $0x3FFF, v1  }
0xba: {  	[tilespmem:$0x4020] =	vst v2  }
0xbb: {  	[tilespmem:$0x40A0] =	vst v1  }
0xbc: {  	v1 =	vld [tilespmem:s0+$0x30];
	_ =	sdelay $0x4  }
0xbd: {  	v2 =	vshrl.u32 v1, $0xE;
	v1 =	vand.u32 $0x3FFF, v1  }
0xbe: {  	[tilespmem:$0x4030] =	vst v2  }
0xbf: {  	[tilespmem:$0x40B0] =	vst v1  }
0xc0: {  	v1 =	vld [tilespmem:s0+$0x40];
	_ =	sdelay $0x4  }
.Ltmp6:
0xc1: {  	v2 =	vshrl.u32 v1, $0xE;
	v1 =	vand.u32 $0x3FFF, v1;
	(pc) =	sbr.rel @p6 .LBB2_9-.Ltmp6, $4  }
0xc2: {  	[tilespmem:$0x4040] =	vst v2  }
0xc3: {  	[tilespmem:$0x40C0] =	vst v1  }
0xc4: {  	[tilespmem:s22], [sflag:$0x1] =	stream.indirect.gather [hbm4b:s1+s24], $0x80, s25, s24, $0xb8;
	[tilespmem:$0x1C980] =	vst v63  }
0xc5: {  	_ =	swait.ge [sflag:s26], $0x2800  }
0xc6: {  	[sflag:s26] =	ssyncset.done $0x0  }
0xc7: {  	[sflag:s26] =	ssyncadd.s32 $0xFFFFD800  }
0xc8: {  	[spmem:s2] =	stream.indirect.scatter.add.f32 [tilespmem:s22], [sflag:$0x2], $0x80, s28, s24, $0xb8;
	[tilespmem:$0x1C980] =	vst v63  }
0xc9: {  	_ =	swait.ge [sflag:s23], $0x2800  }
0xca: {  	[sflag:s23] =	ssyncset.done $0x0  }
0xcb: {  	[sflag:s23] =	ssyncadd.s32 $0xFFFFD800  }
.LBB2_11:
.Ltmp7:
0xcc: {  	(pc) =	sbr.rel @!p2 .LBB2_14-.Ltmp7, $2  }
0xcd: {  	_ =	sdelay $0x1  }
0xce: {  	[bflag:$0x0] =	sbarrier.arrive $0xFFFF;
	_ =	sdelay $0x1  }
0xcf: {  	s0 =	sshll.u32 s3, $0x6  }
.Ltmp8:
0xd0: {  	s10 =	sshrl.u32 s11, $0x3;
	s0 =	sor.u32 $0x1C02, s0;
	(pc) =	sbr.rel .LBB2_13-.Ltmp8, $4  }
0xd1: {  	[hbm:s12], [sflag:s0] =	dma.local [spmem:s10], $0x2700  }
0xd2: {  	_ =	swait.ge [sflag:s23], $0x2700  }
0xd3: {  	[sflag:s23] =	ssyncset.done $0x0  }
0xd4: {  	p6 =	por $0x0, $0x0;
	[sflag:s23] =	ssyncadd.s32 $0xFFFFD900  }
.LBB2_14:
0xd5: {  	s0 =	sld [smem:$0x7FD];
	_ =	sdelay $0x2  }
0xd6: {  	p3 =	seq.s32 s0, $0x1  }
.Ltmp9:
0xd7: {  	_ = 	snop;
	(pc) =	sbr.rel @p3 .LBB2_15-.Ltmp9, $2  }
0xd8: {  	_ =	sdelay $0x2  }
0xd9: {  	p6 =	por p1, p1  }
.LBB2_13:
0xda: {  	s0 =	sshll.u32 @p4 s3, $0x6  }
0xdb: {  	s10 =	sshrl.u32 @p4 s11, $0x3;
	s0 =	sor.u32 @p4 $0x1C02, s0  }
0xdc: {  	[hbm:s13], [sflag:s0] =	dma.local @p4 [spmem:s10], $0x2700  }
.Ltmp10:
0xdd: {  	_ = 	snop;
	(pc) =	sbr.rel .LBB2_16-.Ltmp10, $4  }
0xde: {  	s0 =	simm.s32 @p4 $0x2  }
0xdf: {  	_ =	swait.ge @p4 [sflag:s0], $0x2700  }
0xe0: {  	[sflag:s0] =	ssyncset.done @p4 $0x0  }
0xe1: {  	[sflag:s0] =	ssyncadd.s32 @p4 $0xFFFFD900  }
.LBB2_17:
0xe2: {  	_ =	sfence.sel $0x180000  }
0xe3: {  	[bflag:$0x0] =	sbarrier.arrive $0xFFFF  }
0xe4: {  	_ =	strace $0x90000053  }
0xe5: {  	[bflag:$0x2] =	sbarrier.arrive $0xFFFF  }
0xe6: {  	p0 =	sne.s32 s3, $0x0;
	s0 =	rddreg [dreg:$0x3]  }
0xe7: {  	s0 =	sadd.s32 @!p0 $0x100000, s0  }
0xe8: {  	[sflag:s0] =	ssyncadd.tile.s32 @!p0 $0x1;
	_ =	shalt  }
.Lfunc_end2:
_tile_overlayer_lowered:
.L_overlay_start_2:
0xe9: {  	(tag) =	ssettag $0x2  }
0xea: {  	s0 =	rddreg [dreg:$0x0];
	s2 =	stileid.u32  }
0xeb: {  	s1 =	rddreg [dreg:$0x1];
	p0 =	sne.s32 s2, $0x0  }
0xec: {  	s3 =	rddreg [dreg:$0x2];
	[bflag:$0x3] =	sbarrier.arrive $0xFFFF;
	s2 =	simm.s32 @!p0 $0x1C02  }
0xed: {  	[timem:s3], [sflag:s2] =	dma.local @!p0 [hbm:s0], s1  }
0xee: {  	s0 =	simm.s32 @!p0 $0x2  }
0xef: {  	_ =	swait.ge @!p0 [sflag:s0], s1  }
0xf0: {  	s1 =	ssub.s32 @!p0 $0x0, s1;
	[sflag:s0] =	ssyncset.done @!p0 $0x0  }
0xf1: {  	[sflag:s0] =	ssyncadd.s32 @!p0 s1  }
0xf2: {  	[bflag:$0x3] =	sbarrier.arrive $0xFFFF  }
0xf3: {  	_ =	shalt  }

</sc_bundles>
